<compile_context>
chip_gen: v7x
topology: tpu7x:2x2x1
jax: 0.10.2.dev20260603
libtpu: 0.0.44.dev20260713+nightly
codegen_flags: <defaults>
</compile_context>

<pallas_src>
import functools
import numpy as np
import jax
import jax.numpy as jnp
from jax import lax
from jax.experimental import pallas as pl
from jax.experimental.pallas import tpu as pltpu
from jax.experimental.pallas import tpu_sc as plsc

N = 10000
E = 320000
D = 128
H = 8
DK = 16
L = 2
R = 50
FF = 4 * D
W = D + 16

NC = 2
NS = 16
NW = NC * NS
EPW = E // NW
C = 40
NCHUNK = EPW // C
RPT = 624
REM = N - NS * RPT



_BLK = 1000


def _qkv_body(x_ref, w_ref, bq_ref, q_ref, k_ref, v_ref):
    x = x_ref[...]
    q_ref[...] = jnp.dot(x, w_ref[0], preferred_element_type=jnp.float32) + bq_ref[...]
    k_ref[...] = jnp.dot(x, w_ref[1], preferred_element_type=jnp.float32)
    v_ref[...] = jnp.dot(x, w_ref[2], preferred_element_type=jnp.float32)


def _tc_qkv(x, wstack, bq):
    return pl.pallas_call(
        _qkv_body,
        grid=(N // _BLK,),
        in_specs=[
            pl.BlockSpec((_BLK, D), lambda i: (i, 0)),
            pl.BlockSpec((3, D, D), lambda i: (0, 0, 0)),
            pl.BlockSpec((1, D), lambda i: (0, 0)),
        ],
        out_specs=[
            pl.BlockSpec((_BLK, D), lambda i: (i, 0)),
            pl.BlockSpec((_BLK, D), lambda i: (i, 0)),
            pl.BlockSpec((_BLK, D), lambda i: (i, 0)),
        ],
        out_shape=[
            jax.ShapeDtypeStruct((N, D), jnp.float32),
            jax.ShapeDtypeStruct((N, D), jnp.float32),
            jax.ShapeDtypeStruct((N, D), jnp.float32),
        ],
    )(x, wstack, bq)



def _sc_edge_body(q_hbm, k_hbm, v_hbm, rel_hbm, pidx_hbm, zacc_hbm,
                  out_hbm,
                  acc,
                  pidx0, pidx1,
                  kr0, kr1, qr0, qr1, vr0, vr1, re0, re1,
                  msg, sem0, sem1):
    c = lax.axis_index("c")
    s = lax.axis_index("s")
    wid = c * NS + s

    bufs = ((pidx0, kr0, qr0, vr0, re0, sem0),
            (pidx1, kr1, qr1, vr1, re1, sem1))

    zero16 = jnp.zeros((16,), jnp.float32)

    row0 = s * RPT
    pltpu.sync_copy(zacc_hbm.at[pl.ds(row0, RPT)], acc.at[pl.ds(row0, RPT)])

    @pl.when(s == NS - 1)
    def _zero_tail():
        pltpu.sync_copy(zacc_hbm.at[pl.ds(NS * RPT, REM)],
                        acc.at[pl.ds(NS * RPT, REM)])

    plsc.subcore_barrier()

    iota = lax.iota(jnp.int32, 16)
    inv_scale = 1.0 / float(np.sqrt(DK))
    shuf = [(iota + sh) & 15 for sh in (8, 4, 2, 1)]

    dnums = lax.GatherDimensionNumbers(
        offset_dims=(), collapsed_slice_dims=(0,), start_index_map=(0,))

    def _allsum(t):
        for sx in shuf:
            t = t + lax.gather(t, sx[:, None], dnums, slice_sizes=(1,),
                               mode=lax.GatherScatterMode.PROMISE_IN_BOUNDS)
        return t

    def _load_idx(g, buf):
        pltpu.sync_copy(pidx_hbm.at[wid * NCHUNK + g], buf[0])

    def _gather_copies(buf):
        pidx, kr, qr, vr, re, sem = buf
        return (
            pltpu.make_async_copy(k_hbm.at[pidx.at[0]], kr, sem),
            pltpu.make_async_copy(q_hbm.at[pidx.at[1]], qr, sem),
            pltpu.make_async_copy(v_hbm.at[pidx.at[0]], vr, sem),
            pltpu.make_async_copy(rel_hbm.at[pidx.at[2]], re, sem),
        )

    def _start_gathers(buf):
        for cp in _gather_copies(buf):
            cp.start()

    def _wait_gathers(buf):
        for cp in _gather_copies(buf):
            cp.wait()

    def _compute_chunk(buf):
        pidx, kr, qr, vr, re, sem = buf

        def _edge(i, ecarry):
            rel = re[i, :]
            zv = zero16
            for h in range(H):
                sl = pl.ds(h * 16, 16)
                kh = kr[i, sl]
                qh = qr[i, sl]
                vh = vr[i, sl]
                sb = _allsum((kh + rel) * qh) * inv_scale
                se = jnp.exp(jnp.clip(sb, -10.0, 10.0))
                msg[i, sl] = (vh + rel) * se
                zv = jnp.where(iota == h, se, zv)
            msg[i, pl.ds(D, 16)] = zv
            return ecarry

        lax.fori_loop(0, C, _edge, 0)
        pltpu.sync_copy(msg, acc.at[pidx.at[1]], add=True)

    _load_idx(0, bufs[0])
    _start_gathers(bufs[0])

    def _step(t2, carry):
        for b in (0, 1):
            g = t2 * 2 + b
            cur = bufs[b]
            nxt = bufs[1 - b]

            @pl.when(g < NCHUNK - 1)
            def _prefetch():
                _load_idx(g + 1, nxt)
                _start_gathers(nxt)

            _wait_gathers(cur)
            _compute_chunk(cur)
        return carry

    lax.fori_loop(0, NCHUNK // 2, _step, 0)
    plsc.subcore_barrier()

    pltpu.sync_copy(acc.at[pl.ds(row0, RPT)], out_hbm.at[c, pl.ds(row0, RPT)])

    @pl.when(s == NS - 1)
    def _copy_tail():
        pltpu.sync_copy(acc.at[pl.ds(NS * RPT, REM)],
                        out_hbm.at[c, pl.ds(NS * RPT, REM)])


_sc_edge = functools.partial(
    pl.kernel,
    _sc_edge_body,
    out_type=jax.ShapeDtypeStruct((NC, N, W), jnp.float32),
    mesh=plsc.VectorSubcoreMesh(core_axis_name="c", subcore_axis_name="s"),
    compiler_params=pltpu.CompilerParams(use_tc_tiling_on_sc=False),
    scratch_types=(
        [
            pltpu.VMEM_SHARED((N, W), jnp.float32),
            pltpu.VMEM((3, C), jnp.int32),
            pltpu.VMEM((3, C), jnp.int32),
        ]
        + [pltpu.VMEM((C, D), jnp.float32)] * 6
        + [pltpu.VMEM((C, 16), jnp.float32)] * 2
        + [
            pltpu.VMEM((C, W), jnp.float32),
            pltpu.SemaphoreType.DMA,
            pltpu.SemaphoreType.DMA,
        ]
    ),
)()



def _ln(a, g, b, eps=1e-5):
    m = jnp.mean(a, axis=-1, keepdims=True)
    v = jnp.mean((a - m) ** 2, axis=-1, keepdims=True)
    return g * (a - m) / jnp.sqrt(v + eps) + b


def _post_body(acc_ref, x_ref, e2_ref, wo_ref, bo_ref, g1_ref, b1n_ref,
               w1_ref, b1_ref, w2_ref, b2_ref, g2_ref, b2n_ref, out_ref):
    a0 = acc_ref[0]
    a1 = acc_ref[1]
    wv = a0[:, :D] + a1[:, :D]
    zh = a0[:, D:] + a1[:, D:]
    z128 = jnp.dot(zh, e2_ref[...], preferred_element_type=jnp.float32)
    o = wv / (z128 + 1e-12)
    a = x_ref[...] + jnp.dot(o, wo_ref[...], preferred_element_type=jnp.float32) + bo_ref[...]
    x1 = _ln(a, g1_ref[...], b1n_ref[...])
    hmid = jnp.maximum(jnp.dot(x1, w1_ref[...], preferred_element_type=jnp.float32) + b1_ref[...], 0.0)
    hout = jnp.dot(hmid, w2_ref[...], preferred_element_type=jnp.float32) + b2_ref[...]
    out_ref[...] = _ln(x1 + hout, g2_ref[...], b2n_ref[...])


def _tc_post(acc, x, e2, wo, bo, g1, b1n, w1, b1, w2, b2, g2, b2n):
    return pl.pallas_call(
        _post_body,
        grid=(N // _BLK,),
        in_specs=[
            pl.BlockSpec((NC, _BLK, W), lambda i: (0, i, 0)),
            pl.BlockSpec((_BLK, D), lambda i: (i, 0)),
            pl.BlockSpec((16, D), lambda i: (0, 0)),
            pl.BlockSpec((D, D), lambda i: (0, 0)),
            pl.BlockSpec((1, D), lambda i: (0, 0)),
            pl.BlockSpec((1, D), lambda i: (0, 0)),
            pl.BlockSpec((1, D), lambda i: (0, 0)),
            pl.BlockSpec((D, FF), lambda i: (0, 0)),
            pl.BlockSpec((1, FF), lambda i: (0, 0)),
            pl.BlockSpec((FF, D), lambda i: (0, 0)),
            pl.BlockSpec((1, D), lambda i: (0, 0)),
            pl.BlockSpec((1, D), lambda i: (0, 0)),
            pl.BlockSpec((1, D), lambda i: (0, 0)),
        ],
        out_specs=pl.BlockSpec((_BLK, D), lambda i: (i, 0)),
        out_shape=jax.ShapeDtypeStruct((N, D), jnp.float32),
    )(acc, x, e2, wo, bo, g1, b1n, w1, b1, w2, b2, g2, b2n)



_E2 = np.zeros((16, D), np.float32)
for _h in range(H):
    _E2[_h, _h * DK:(_h + 1) * DK] = 1.0


def kernel(x, edge_index, edges, rel_embed, Wq, bq, Wk, Wv, Wo, bo,
           ln1_g, ln1_b, W1, b1, W2, b2, ln2_g, ln2_b):
    src = edge_index[0]
    dst = edge_index[1]
    e2 = jnp.asarray(_E2)
    zacc = jnp.zeros((N, W), jnp.float32)
    pidx = jnp.stack(
        [src.reshape(E // C, C), dst.reshape(E // C, C),
         edges.reshape(E // C, C)], axis=1)
    for i in range(L):
        wstack = jnp.stack([Wq[i], Wk[i], Wv[i]])
        q, k, v = _tc_qkv(x, wstack, bq[i].reshape(1, D))
        acc = _sc_edge(q, k, v, rel_embed, pidx, zacc)
        x = _tc_post(acc, x, e2,
                     Wo[i], bo[i].reshape(1, D),
                     ln1_g[i].reshape(1, D), ln1_b[i].reshape(1, D),
                     W1[i], b1[i].reshape(1, FF),
                     W2[i], b2[i].reshape(1, D),
                     ln2_g[i].reshape(1, D), ln2_b[i].reshape(1, D))
    return x

# --- scband reference (transcript-rebuilt; emitter-appended) ---
"""Pipeline reference for scband-rgatsql-21457656611019 (READ-ONLY COPY).

The authoritative reference and input builder live on the scoring server;
editing this copy changes nothing except your own understanding.
"""

import jax, jax.numpy as jnp
import numpy as np

N = 10000      # n_nodes
E = 320000     # n_edges
D = 128        # gnn_hidden_size (ndim)
H = 8          # num_heads
DK = D // H    # 16, also edim since relation_share_heads=True
L = 2          # gnn_num_layers
R = 50         # relation_num
FF = 4 * D     # FFN hidden size


def setup_inputs(seed: int = 0) -> dict:
    key = jax.random.key(seed)
    ks = jax.random.split(key, 20)
    s = 0.05
    inp = {}
    inp["x"] = jax.random.normal(ks[0], (N, D), dtype=jnp.float32)
    inp["edge_index"] = jax.random.randint(ks[1], (2, E), 0, N, dtype=jnp.int32)
    inp["edges"] = jax.random.randint(ks[2], (E,), 0, R, dtype=jnp.int32)
    # learned params (relation_share_layers=True -> single shared embedding table)
    inp["rel_embed"] = jax.random.normal(ks[3], (R, DK), dtype=jnp.float32) * s
    inp["Wq"] = jax.random.normal(ks[4], (L, D, D), dtype=jnp.float32) * s
    inp["bq"] = jnp.zeros((L, D), dtype=jnp.float32)
    inp["Wk"] = jax.random.normal(ks[5], (L, D, D), dtype=jnp.float32) * s
    inp["Wv"] = jax.random.normal(ks[6], (L, D, D), dtype=jnp.float32) * s
    inp["Wo"] = jax.random.normal(ks[7], (L, D, D), dtype=jnp.float32) * s
    inp["bo"] = jnp.zeros((L, D), dtype=jnp.float32)
    inp["ln1_g"] = jnp.ones((L, D), dtype=jnp.float32)
    inp["ln1_b"] = jnp.zeros((L, D), dtype=jnp.float32)
    inp["W1"] = jax.random.normal(ks[8], (L, D, FF), dtype=jnp.float32) * s
    inp["b1"] = jnp.zeros((L, FF), dtype=jnp.float32)
    inp["W2"] = jax.random.normal(ks[9], (L, FF, D), dtype=jnp.float32) * s
    inp["b2"] = jnp.zeros((L, D), dtype=jnp.float32)
    inp["ln2_g"] = jnp.ones((L, D), dtype=jnp.float32)
    inp["ln2_b"] = jnp.zeros((L, D), dtype=jnp.float32)
    return inp


def _layer_norm(x, g, b, eps=1e-5):
    m = jnp.mean(x, axis=-1, keepdims=True)
    v = jnp.mean((x - m) ** 2, axis=-1, keepdims=True)
    return g * (x - m) / jnp.sqrt(v + eps) + b


def reference(x, edge_index, edges, rel_embed, Wq, bq, Wk, Wv, Wo, bo,
              ln1_g, ln1_b, W1, b1, W2, b2, ln2_g, ln2_b):
    src = edge_index[0]
    dst = edge_index[1]
    # relation_share_layers=True, graph_view='global': lgx computed once
    lgx = jnp.take(rel_embed, edges, axis=0)  # [E, DK]
    scale = jnp.sqrt(jnp.float32(DK))
    for i in range(L):
        # eval mode: feat_dropout is identity
        q = x @ Wq[i] + bq[i]
        k = x @ Wk[i]
        v = x @ Wv[i]
        qh = q.reshape(N, H, DK)
        kh = k.reshape(N, H, DK)
        vh = v.reshape(N, H, DK)
        # edim (16) != dim (128) -> e broadcast across heads
        e = lgx[:, None, :]  # [E, 1, DK]
        # src_sum_edge_mul_dst: score = sum_dk((k_src + e) * q_dst)
        score = jnp.sum((kh[src] + e) * qh[dst], axis=-1, keepdims=True)  # [E, H, 1]
        # scaled_exp with clamp(-10, 10)
        score = jnp.exp(jnp.clip(score / scale, -10.0, 10.0))
        # src_sum_edge_mul_edge: message = (v_src + e) * score, scatter-add to dst
        msg = (vh[src] + e) * score  # [E, H, DK]
        wv = jax.ops.segment_sum(msg, dst, num_segments=N)      # [N, H, DK]
        z = jax.ops.segment_sum(score, dst, num_segments=N)     # [N, H, 1]
        o = wv / (z + 1e-12)
        out_x = o.reshape(N, H * DK)
        x = _layer_norm(x + out_x @ Wo[i] + bo[i], ln1_g[i], ln1_b[i])
        # FFN: layernorm(x + W2(relu(W1 x)))
        h = jax.nn.relu(x @ W1[i] + b1[i]) @ W2[i] + b2[i]
        x = _layer_norm(x + h, ln2_g[i], ln2_b[i])
    return x


if False:  # reference __main__ guard neutralized (emitter)
    out = reference(**setup_inputs())
    print(out.shape, out.dtype)

if __name__ == "__main__":
    import jax
    _d = setup_inputs()
    print(jax.jit(kernel)(*tuple(_d.values())))

</pallas_src>

<mosaic_0001>
#map = affine_map<(d0, d1) -> (0, 0)>
#map1 = affine_map<(d0, d1) -> (0, 0, 0)>
module attributes {stable_mosaic.version = 14 : i64} {
  func.func @_sc_edge_body(%arg0: i32, %arg1: i32, %arg2: memref<10000x128xf32, #tpu.memory_space<hbm>>, %arg3: memref<10000x128xf32, #tpu.memory_space<hbm>>, %arg4: memref<10000x128xf32, #tpu.memory_space<hbm>>, %arg5: memref<50x16xf32, #tpu.memory_space<hbm>>, %arg6: memref<8000x3x40xi32, #tpu.memory_space<hbm>>, %arg7: memref<10000x144xf32, #tpu.memory_space<hbm>>, %arg8: memref<2x10000x144xf32, #tpu.memory_space<hbm>>, %arg9: memref<10000x144xf32, #tpu.memory_space<vmem_shared>>, %arg10: memref<3x40xi32, #tpu.memory_space<vmem>>, %arg11: memref<3x40xi32, #tpu.memory_space<vmem>>, %arg12: memref<40x128xf32, #tpu.memory_space<vmem>>, %arg13: memref<40x128xf32, #tpu.memory_space<vmem>>, %arg14: memref<40x128xf32, #tpu.memory_space<vmem>>, %arg15: memref<40x128xf32, #tpu.memory_space<vmem>>, %arg16: memref<40x128xf32, #tpu.memory_space<vmem>>, %arg17: memref<40x128xf32, #tpu.memory_space<vmem>>, %arg18: memref<40x16xf32, #tpu.memory_space<vmem>>, %arg19: memref<40x16xf32, #tpu.memory_space<vmem>>, %arg20: memref<40x144xf32, #tpu.memory_space<vmem>>, %arg21: memref<!tpu.dma_semaphore, #tpu.memory_space<semaphore_mem>>, %arg22: memref<!tpu.dma_semaphore, #tpu.memory_space<semaphore_mem>>) attributes {dimension_semantics = [#tpu.dimension_semantics<core_parallel>, #tpu.dimension_semantics<subcore_parallel>], iteration_bounds = array<i64: 2, 16>, scalar_prefetch = 0 : i64, scratch_operands = 14 : i64, tpu.core_type = #tpu.core_type<sc_vector_subcore>, window_params = [{transform_indices = #map}, {transform_indices = #map}, {transform_indices = #map}, {transform_indices = #map}, {transform_indices = #map1}, {transform_indices = #map}, {transform_indices = #map1}]} {
    %mul3A = arith.constant 16 : i32
    %mul3A_0 = arith.muli %arg0, %mul3A : i32
    %add3A = arith.addi %mul3A_0, %arg1 : i32
    %broadcast_in_dim3A = arith.constant 0.000000e+00 : f32
    %broadcast_in_dim3A_1 = vector.broadcast %broadcast_in_dim3A : f32 to vector<16xf32>
    %mul3A_2 = arith.constant 624 : i32
    %mul3A_3 = arith.muli %arg1, %mul3A_2 : i32
    "tpu.region"() ({
      %run_scoped3A = tpu.sem_alloc : memref<!tpu.dma_semaphore, #tpu.memory_space<semaphore_mem>>
      %dma_start3A_71 = arith.constant 0 : i32
      %dma_start3A_72 = tpu.memref_slice %arg9[%mul3A_3, %dma_start3A_71] : memref<10000x144xf32, #tpu.memory_space<vmem_shared>> -> memref<624x144xf32, #tpu.memory_space<vmem_shared>>
      %dma_start3A_73 = arith.constant 0 : i32
      %dma_start3A_74 = tpu.memref_slice %arg7[%mul3A_3, %dma_start3A_73] : memref<10000x144xf32, #tpu.memory_space<hbm>> -> memref<624x144xf32, #tpu.memory_space<hbm>>
      tpu.enqueue_dma source(%dma_start3A_74 : memref<624x144xf32, #tpu.memory_space<hbm>>) target(%dma_start3A_72 : memref<624x144xf32, #tpu.memory_space<vmem_shared>>) target_semaphore(%run_scoped3A : memref<!tpu.dma_semaphore, #tpu.memory_space<semaphore_mem>>)
      %dma_wait3A = arith.constant 0 : i32
      %dma_wait3A_75 = tpu.memref_slice %arg9[%mul3A_3, %dma_wait3A] : memref<10000x144xf32, #tpu.memory_space<vmem_shared>> -> memref<624x144xf32, #tpu.memory_space<vmem_shared>>
      %dma_wait3A_76 = arith.constant 0 : i32
      %dma_wait3A_77 = tpu.memref_slice %arg7[%mul3A_3, %dma_wait3A_76] : memref<10000x144xf32, #tpu.memory_space<hbm>> -> memref<624x144xf32, #tpu.memory_space<hbm>>
      tpu.wait_dma2 semaphore(%run_scoped3A : memref<!tpu.dma_semaphore, #tpu.memory_space<semaphore_mem>>) src(%dma_wait3A_77 : memref<624x144xf32, #tpu.memory_space<hbm>>) dst(%dma_wait3A_75 : memref<624x144xf32, #tpu.memory_space<vmem_shared>>)
      tpu.yield
    }) : () -> ()
    %eq3A = arith.constant 15 : i32
    %eq3A_4 = arith.cmpi eq, %arg1, %eq3A : i32
    %convert_element_type3A = arith.extui %eq3A_4 : i1 to i32
    %cond3A = arith.constant 0 : i32
    %cond3A_5 = arith.cmpi ne, %convert_element_type3A, %cond3A : i32
    scf.if %cond3A_5 {
      "tpu.region"() ({
        %run_scoped3A = tpu.sem_alloc : memref<!tpu.dma_semaphore, #tpu.memory_space<semaphore_mem>>
        %dma_start3A_71 = arith.constant 9984 : i32
        %dma_start3A_72 = arith.constant 0 : i32
        %dma_start3A_73 = tpu.memref_slice %arg9[%dma_start3A_71, %dma_start3A_72] : memref<10000x144xf32, #tpu.memory_space<vmem_shared>> -> memref<16x144xf32, #tpu.memory_space<vmem_shared>>
        %dma_start3A_74 = arith.constant 9984 : i32
        %dma_start3A_75 = arith.constant 0 : i32
        %dma_start3A_76 = tpu.memref_slice %arg7[%dma_start3A_74, %dma_start3A_75] : memref<10000x144xf32, #tpu.memory_space<hbm>> -> memref<16x144xf32, #tpu.memory_space<hbm>>
        tpu.enqueue_dma source(%dma_start3A_76 : memref<16x144xf32, #tpu.memory_space<hbm>>) target(%dma_start3A_73 : memref<16x144xf32, #tpu.memory_space<vmem_shared>>) target_semaphore(%run_scoped3A : memref<!tpu.dma_semaphore, #tpu.memory_space<semaphore_mem>>)
        %dma_wait3A = arith.constant 9984 : i32
        %dma_wait3A_77 = arith.constant 0 : i32
        %dma_wait3A_78 = tpu.memref_slice %arg9[%dma_wait3A, %dma_wait3A_77] : memref<10000x144xf32, #tpu.memory_space<vmem_shared>> -> memref<16x144xf32, #tpu.memory_space<vmem_shared>>
        %dma_wait3A_79 = arith.constant 9984 : i32
        %dma_wait3A_80 = arith.constant 0 : i32
        %dma_wait3A_81 = tpu.memref_slice %arg7[%dma_wait3A_79, %dma_wait3A_80] : memref<10000x144xf32, #tpu.memory_space<hbm>> -> memref<16x144xf32, #tpu.memory_space<hbm>>
        tpu.wait_dma2 semaphore(%run_scoped3A : memref<!tpu.dma_semaphore, #tpu.memory_space<semaphore_mem>>) src(%dma_wait3A_81 : memref<16x144xf32, #tpu.memory_space<hbm>>) dst(%dma_wait3A_78 : memref<16x144xf32, #tpu.memory_space<vmem_shared>>)
        tpu.yield
      }) : () -> ()
    } else {
    }
    %barrier3A = arith.constant 0 : index
    tpu.barrier barrier_id(%barrier3A)
    %iota3A = tpu.iota {dimensions = array<i32: 0>} : vector<16xi32>
    %add3A_6 = arith.constant 8 : i32
    %add3A_7 = vector.broadcast %add3A_6 : i32 to vector<16xi32>
    %add3A_8 = arith.addi %iota3A, %add3A_7 : vector<16xi32>
    %and3A = arith.constant 15 : i32
    %and3A_9 = vector.broadcast %and3A : i32 to vector<16xi32>
    %and3A_10 = arith.andi %add3A_8, %and3A_9 : vector<16xi32>
    %add3A_11 = arith.constant 4 : i32
    %add3A_12 = vector.broadcast %add3A_11 : i32 to vector<16xi32>
    %add3A_13 = arith.addi %iota3A, %add3A_12 : vector<16xi32>
    %and3A_14 = arith.constant 15 : i32
    %and3A_15 = vector.broadcast %and3A_14 : i32 to vector<16xi32>
    %and3A_16 = arith.andi %add3A_13, %and3A_15 : vector<16xi32>
    %add3A_17 = arith.constant 2 : i32
    %add3A_18 = vector.broadcast %add3A_17 : i32 to vector<16xi32>
    %add3A_19 = arith.addi %iota3A, %add3A_18 : vector<16xi32>
    %and3A_20 = arith.constant 15 : i32
    %and3A_21 = vector.broadcast %and3A_20 : i32 to vector<16xi32>
    %and3A_22 = arith.andi %add3A_19, %and3A_21 : vector<16xi32>
    %add3A_23 = arith.constant 1 : i32
    %add3A_24 = vector.broadcast %add3A_23 : i32 to vector<16xi32>
    %add3A_25 = arith.addi %iota3A, %add3A_24 : vector<16xi32>
    %and3A_26 = arith.constant 15 : i32
    %and3A_27 = vector.broadcast %and3A_26 : i32 to vector<16xi32>
    %and3A_28 = arith.andi %add3A_25, %and3A_27 : vector<16xi32>
    %mul3A_29 = arith.constant 250 : i32
    %mul3A_30 = arith.muli %add3A, %mul3A_29 : i32
    %add3A_31 = arith.constant 0 : i32
    %add3A_32 = arith.addi %mul3A_30, %add3A_31 : i32
    "tpu.region"() ({
      %run_scoped3A = tpu.sem_alloc : memref<!tpu.dma_semaphore, #tpu.memory_space<semaphore_mem>>
      %dma_start3A_71 = arith.constant 0 : i32
      %dma_start3A_72 = arith.constant 0 : i32
      %dma_start3A_73 = tpu.memref_slice %arg6[%add3A_32, %dma_start3A_71, %dma_start3A_72] : memref<8000x3x40xi32, #tpu.memory_space<hbm>> -> memref<1x3x40xi32, #tpu.memory_space<hbm>>
      %dma_start3A_74 = tpu.memref_squeeze %dma_start3A_73 : memref<1x3x40xi32, #tpu.memory_space<hbm>> -> memref<3x40xi32, #tpu.memory_space<hbm>>
      %dma_start3A_75 = arith.constant 0 : i32
      %dma_start3A_76 = arith.constant 0 : i32
      %dma_start3A_77 = tpu.memref_slice %arg6[%add3A_32, %dma_start3A_75, %dma_start3A_76] : memref<8000x3x40xi32, #tpu.memory_space<hbm>> -> memref<1x3x40xi32, #tpu.memory_space<hbm>>
      %dma_start3A_78 = tpu.memref_squeeze %dma_start3A_77 : memref<1x3x40xi32, #tpu.memory_space<hbm>> -> memref<3x40xi32, #tpu.memory_space<hbm>>
      tpu.enqueue_dma source(%dma_start3A_78 : memref<3x40xi32, #tpu.memory_space<hbm>>) target(%arg10 : memref<3x40xi32, #tpu.memory_space<vmem>>) target_semaphore(%run_scoped3A : memref<!tpu.dma_semaphore, #tpu.memory_space<semaphore_mem>>)
      %dma_wait3A = arith.constant 0 : i32
      %dma_wait3A_79 = arith.constant 0 : i32
      %dma_wait3A_80 = tpu.memref_slice %arg6[%add3A_32, %dma_wait3A, %dma_wait3A_79] : memref<8000x3x40xi32, #tpu.memory_space<hbm>> -> memref<1x3x40xi32, #tpu.memory_space<hbm>>
      %dma_wait3A_81 = tpu.memref_squeeze %dma_wait3A_80 : memref<1x3x40xi32, #tpu.memory_space<hbm>> -> memref<3x40xi32, #tpu.memory_space<hbm>>
      %dma_wait3A_82 = arith.constant 0 : i32
      %dma_wait3A_83 = arith.constant 0 : i32
      %dma_wait3A_84 = tpu.memref_slice %arg6[%add3A_32, %dma_wait3A_82, %dma_wait3A_83] : memref<8000x3x40xi32, #tpu.memory_space<hbm>> -> memref<1x3x40xi32, #tpu.memory_space<hbm>>
      %dma_wait3A_85 = tpu.memref_squeeze %dma_wait3A_84 : memref<1x3x40xi32, #tpu.memory_space<hbm>> -> memref<3x40xi32, #tpu.memory_space<hbm>>
      tpu.wait_dma2 semaphore(%run_scoped3A : memref<!tpu.dma_semaphore, #tpu.memory_space<semaphore_mem>>) src(%dma_wait3A_85 : memref<3x40xi32, #tpu.memory_space<hbm>>) dst(%arg10 : memref<3x40xi32, #tpu.memory_space<vmem>>)
      tpu.yield
    }) : () -> ()
    %dma_start3A = arith.constant 0 : i32
    %dma_start3A_33 = arith.constant 0 : i32
    %dma_start3A_34 = tpu.memref_slice %arg10[%dma_start3A, %dma_start3A_33] : memref<3x40xi32, #tpu.memory_space<vmem>> -> memref<1x40xi32, #tpu.memory_space<vmem>>
    %dma_start3A_35 = tpu.memref_squeeze %dma_start3A_34 : memref<1x40xi32, #tpu.memory_space<vmem>> -> memref<40xi32, #tpu.memory_space<vmem>>
    %dma_start3A_36 = arith.constant 0 : i32
    %dma_start3A_37 = arith.constant 0 : i32
    %dma_start3A_38 = tpu.memref_slice %arg3[%dma_start3A_36, %dma_start3A_37] : memref<10000x128xf32, #tpu.memory_space<hbm>> -> memref<10000x128xf32, #tpu.memory_space<hbm>>
    tpu.enqueue_indirect_dma source(%dma_start3A_38 : memref<10000x128xf32, #tpu.memory_space<hbm>>) target(%arg12 : memref<40x128xf32, #tpu.memory_space<vmem>>) offsets(%dma_start3A_35 : memref<40xi32, #tpu.memory_space<vmem>>) semaphore(%arg21 : memref<!tpu.dma_semaphore, #tpu.memory_space<semaphore_mem>>)
    %dma_start3A_39 = arith.constant 1 : i32
    %dma_start3A_40 = arith.constant 0 : i32
    %dma_start3A_41 = tpu.memref_slice %arg10[%dma_start3A_39, %dma_start3A_40] : memref<3x40xi32, #tpu.memory_space<vmem>> -> memref<1x40xi32, #tpu.memory_space<vmem>>
    %dma_start3A_42 = tpu.memref_squeeze %dma_start3A_41 : memref<1x40xi32, #tpu.memory_space<vmem>> -> memref<40xi32, #tpu.memory_space<vmem>>
    %dma_start3A_43 = arith.constant 0 : i32
    %dma_start3A_44 = arith.constant 0 : i32
    %dma_start3A_45 = tpu.memref_slice %arg2[%dma_start3A_43, %dma_start3A_44] : memref<10000x128xf32, #tpu.memory_space<hbm>> -> memref<10000x128xf32, #tpu.memory_space<hbm>>
    tpu.enqueue_indirect_dma source(%dma_start3A_45 : memref<10000x128xf32, #tpu.memory_space<hbm>>) target(%arg14 : memref<40x128xf32, #tpu.memory_space<vmem>>) offsets(%dma_start3A_42 : memref<40xi32, #tpu.memory_space<vmem>>) semaphore(%arg21 : memref<!tpu.dma_semaphore, #tpu.memory_space<semaphore_mem>>)
    %dma_start3A_46 = arith.constant 0 : i32
    %dma_start3A_47 = arith.constant 0 : i32
    %dma_start3A_48 = tpu.memref_slice %arg10[%dma_start3A_46, %dma_start3A_47] : memref<3x40xi32, #tpu.memory_space<vmem>> -> memref<1x40xi32, #tpu.memory_space<vmem>>
    %dma_start3A_49 = tpu.memref_squeeze %dma_start3A_48 : memref<1x40xi32, #tpu.memory_space<vmem>> -> memref<40xi32, #tpu.memory_space<vmem>>
    %dma_start3A_50 = arith.constant 0 : i32
    %dma_start3A_51 = arith.constant 0 : i32
    %dma_start3A_52 = tpu.memref_slice %arg4[%dma_start3A_50, %dma_start3A_51] : memref<10000x128xf32, #tpu.memory_space<hbm>> -> memref<10000x128xf32, #tpu.memory_space<hbm>>
    tpu.enqueue_indirect_dma source(%dma_start3A_52 : memref<10000x128xf32, #tpu.memory_space<hbm>>) target(%arg16 : memref<40x128xf32, #tpu.memory_space<vmem>>) offsets(%dma_start3A_49 : memref<40xi32, #tpu.memory_space<vmem>>) semaphore(%arg21 : memref<!tpu.dma_semaphore, #tpu.memory_space<semaphore_mem>>)
    %dma_start3A_53 = arith.constant 2 : i32
    %dma_start3A_54 = arith.constant 0 : i32
    %dma_start3A_55 = tpu.memref_slice %arg10[%dma_start3A_53, %dma_start3A_54] : memref<3x40xi32, #tpu.memory_space<vmem>> -> memref<1x40xi32, #tpu.memory_space<vmem>>
    %dma_start3A_56 = tpu.memref_squeeze %dma_start3A_55 : memref<1x40xi32, #tpu.memory_space<vmem>> -> memref<40xi32, #tpu.memory_space<vmem>>
    %dma_start3A_57 = arith.constant 0 : i32
    %dma_start3A_58 = arith.constant 0 : i32
    %dma_start3A_59 = tpu.memref_slice %arg5[%dma_start3A_57, %dma_start3A_58] : memref<50x16xf32, #tpu.memory_space<hbm>> -> memref<50x16xf32, #tpu.memory_space<hbm>>
    tpu.enqueue_indirect_dma source(%dma_start3A_59 : memref<50x16xf32, #tpu.memory_space<hbm>>) target(%arg18 : memref<40x16xf32, #tpu.memory_space<vmem>>) offsets(%dma_start3A_56 : memref<40xi32, #tpu.memory_space<vmem>>) semaphore(%arg21 : memref<!tpu.dma_semaphore, #tpu.memory_space<semaphore_mem>>)
    %scan3A = arith.constant 0 : i32
    %scan3A_60 = arith.constant 0 : i32
    %scan3A_61 = arith.constant 125 : i32
    %scan3A_62 = arith.addi %scan3A_60, %scan3A_61 : i32
    %scan3A_63 = arith.constant 1 : i32
    scf.for %scan3A_71 = %scan3A_60 to %scan3A_62 step %scan3A_63  : i32 {
      %mul3A_72 = arith.constant 2 : i32
      %mul3A_73 = arith.muli %scan3A_71, %mul3A_72 : i32
      %add3A_74 = arith.constant 0 : i32
      %add3A_75 = arith.addi %mul3A_73, %add3A_74 : i32
      %lt3A = arith.constant 249 : i32
      %lt3A_76 = arith.cmpi slt, %add3A_75, %lt3A : i32
      %convert_element_type3A_77 = arith.extui %lt3A_76 : i1 to i32
      %cond3A_78 = arith.constant 0 : i32
      %cond3A_79 = arith.cmpi ne, %convert_element_type3A_77, %cond3A_78 : i32
      scf.if %cond3A_79 {
        %add3A_157 = arith.constant 1 : i32
        %add3A_158 = arith.addi %add3A_75, %add3A_157 : i32
        %mul3A_159 = arith.constant 250 : i32
        %mul3A_160 = arith.muli %add3A, %mul3A_159 : i32
        %add3A_161 = arith.addi %mul3A_160, %add3A_158 : i32
        "tpu.region"() ({
          %run_scoped3A_190 = tpu.sem_alloc : memref<!tpu.dma_semaphore, #tpu.memory_space<semaphore_mem>>
          %dma_start3A_191 = arith.constant 0 : i32
          %dma_start3A_192 = arith.constant 0 : i32
          %dma_start3A_193 = tpu.memref_slice %arg6[%add3A_161, %dma_start3A_191, %dma_start3A_192] : memref<8000x3x40xi32, #tpu.memory_space<hbm>> -> memref<1x3x40xi32, #tpu.memory_space<hbm>>
          %dma_start3A_194 = tpu.memref_squeeze %dma_start3A_193 : memref<1x3x40xi32, #tpu.memory_space<hbm>> -> memref<3x40xi32, #tpu.memory_space<hbm>>
          %dma_start3A_195 = arith.constant 0 : i32
          %dma_start3A_196 = arith.constant 0 : i32
          %dma_start3A_197 = tpu.memref_slice %arg6[%add3A_161, %dma_start3A_195, %dma_start3A_196] : memref<8000x3x40xi32, #tpu.memory_space<hbm>> -> memref<1x3x40xi32, #tpu.memory_space<hbm>>
          %dma_start3A_198 = tpu.memref_squeeze %dma_start3A_197 : memref<1x3x40xi32, #tpu.memory_space<hbm>> -> memref<3x40xi32, #tpu.memory_space<hbm>>
          tpu.enqueue_dma source(%dma_start3A_198 : memref<3x40xi32, #tpu.memory_space<hbm>>) target(%arg11 : memref<3x40xi32, #tpu.memory_space<vmem>>) target_semaphore(%run_scoped3A_190 : memref<!tpu.dma_semaphore, #tpu.memory_space<semaphore_mem>>)
          %dma_wait3A_199 = arith.constant 0 : i32
          %dma_wait3A_200 = arith.constant 0 : i32
          %dma_wait3A_201 = tpu.memref_slice %arg6[%add3A_161, %dma_wait3A_199, %dma_wait3A_200] : memref<8000x3x40xi32, #tpu.memory_space<hbm>> -> memref<1x3x40xi32, #tpu.memory_space<hbm>>
          %dma_wait3A_202 = tpu.memref_squeeze %dma_wait3A_201 : memref<1x3x40xi32, #tpu.memory_space<hbm>> -> memref<3x40xi32, #tpu.memory_space<hbm>>
          %dma_wait3A_203 = arith.constant 0 : i32
          %dma_wait3A_204 = arith.constant 0 : i32
          %dma_wait3A_205 = tpu.memref_slice %arg6[%add3A_161, %dma_wait3A_203, %dma_wait3A_204] : memref<8000x3x40xi32, #tpu.memory_space<hbm>> -> memref<1x3x40xi32, #tpu.memory_space<hbm>>
          %dma_wait3A_206 = tpu.memref_squeeze %dma_wait3A_205 : memref<1x3x40xi32, #tpu.memory_space<hbm>> -> memref<3x40xi32, #tpu.memory_space<hbm>>
          tpu.wait_dma2 semaphore(%run_scoped3A_190 : memref<!tpu.dma_semaphore, #tpu.memory_space<semaphore_mem>>) src(%dma_wait3A_206 : memref<3x40xi32, #tpu.memory_space<hbm>>) dst(%arg11 : memref<3x40xi32, #tpu.memory_space<vmem>>)
          tpu.yield
        }) : () -> ()
        %dma_start3A_162 = arith.constant 0 : i32
        %dma_start3A_163 = arith.constant 0 : i32
        %dma_start3A_164 = tpu.memref_slice %arg11[%dma_start3A_162, %dma_start3A_163] : memref<3x40xi32, #tpu.memory_space<vmem>> -> memref<1x40xi32, #tpu.memory_space<vmem>>
        %dma_start3A_165 = tpu.memref_squeeze %dma_start3A_164 : memref<1x40xi32, #tpu.memory_space<vmem>> -> memref<40xi32, #tpu.memory_space<vmem>>
        %dma_start3A_166 = arith.constant 0 : i32
        %dma_start3A_167 = arith.constant 0 : i32
        %dma_start3A_168 = tpu.memref_slice %arg3[%dma_start3A_166, %dma_start3A_167] : memref<10000x128xf32, #tpu.memory_space<hbm>> -> memref<10000x128xf32, #tpu.memory_space<hbm>>
        tpu.enqueue_indirect_dma source(%dma_start3A_168 : memref<10000x128xf32, #tpu.memory_space<hbm>>) target(%arg13 : memref<40x128xf32, #tpu.memory_space<vmem>>) offsets(%dma_start3A_165 : memref<40xi32, #tpu.memory_space<vmem>>) semaphore(%arg22 : memref<!tpu.dma_semaphore, #tpu.memory_space<semaphore_mem>>)
        %dma_start3A_169 = arith.constant 1 : i32
        %dma_start3A_170 = arith.constant 0 : i32
        %dma_start3A_171 = tpu.memref_slice %arg11[%dma_start3A_169, %dma_start3A_170] : memref<3x40xi32, #tpu.memory_space<vmem>> -> memref<1x40xi32, #tpu.memory_space<vmem>>
        %dma_start3A_172 = tpu.memref_squeeze %dma_start3A_171 : memref<1x40xi32, #tpu.memory_space<vmem>> -> memref<40xi32, #tpu.memory_space<vmem>>
        %dma_start3A_173 = arith.constant 0 : i32
        %dma_start3A_174 = arith.constant 0 : i32
        %dma_start3A_175 = tpu.memref_slice %arg2[%dma_start3A_173, %dma_start3A_174] : memref<10000x128xf32, #tpu.memory_space<hbm>> -> memref<10000x128xf32, #tpu.memory_space<hbm>>
        tpu.enqueue_indirect_dma source(%dma_start3A_175 : memref<10000x128xf32, #tpu.memory_space<hbm>>) target(%arg15 : memref<40x128xf32, #tpu.memory_space<vmem>>) offsets(%dma_start3A_172 : memref<40xi32, #tpu.memory_space<vmem>>) semaphore(%arg22 : memref<!tpu.dma_semaphore, #tpu.memory_space<semaphore_mem>>)
        %dma_start3A_176 = arith.constant 0 : i32
        %dma_start3A_177 = arith.constant 0 : i32
        %dma_start3A_178 = tpu.memref_slice %arg11[%dma_start3A_176, %dma_start3A_177] : memref<3x40xi32, #tpu.memory_space<vmem>> -> memref<1x40xi32, #tpu.memory_space<vmem>>
        %dma_start3A_179 = tpu.memref_squeeze %dma_start3A_178 : memref<1x40xi32, #tpu.memory_space<vmem>> -> memref<40xi32, #tpu.memory_space<vmem>>
        %dma_start3A_180 = arith.constant 0 : i32
        %dma_start3A_181 = arith.constant 0 : i32
        %dma_start3A_182 = tpu.memref_slice %arg4[%dma_start3A_180, %dma_start3A_181] : memref<10000x128xf32, #tpu.memory_space<hbm>> -> memref<10000x128xf32, #tpu.memory_space<hbm>>
        tpu.enqueue_indirect_dma source(%dma_start3A_182 : memref<10000x128xf32, #tpu.memory_space<hbm>>) target(%arg17 : memref<40x128xf32, #tpu.memory_space<vmem>>) offsets(%dma_start3A_179 : memref<40xi32, #tpu.memory_space<vmem>>) semaphore(%arg22 : memref<!tpu.dma_semaphore, #tpu.memory_space<semaphore_mem>>)
        %dma_start3A_183 = arith.constant 2 : i32
        %dma_start3A_184 = arith.constant 0 : i32
        %dma_start3A_185 = tpu.memref_slice %arg11[%dma_start3A_183, %dma_start3A_184] : memref<3x40xi32, #tpu.memory_space<vmem>> -> memref<1x40xi32, #tpu.memory_space<vmem>>
        %dma_start3A_186 = tpu.memref_squeeze %dma_start3A_185 : memref<1x40xi32, #tpu.memory_space<vmem>> -> memref<40xi32, #tpu.memory_space<vmem>>
        %dma_start3A_187 = arith.constant 0 : i32
        %dma_start3A_188 = arith.constant 0 : i32
        %dma_start3A_189 = tpu.memref_slice %arg5[%dma_start3A_187, %dma_start3A_188] : memref<50x16xf32, #tpu.memory_space<hbm>> -> memref<50x16xf32, #tpu.memory_space<hbm>>
        tpu.enqueue_indirect_dma source(%dma_start3A_189 : memref<50x16xf32, #tpu.memory_space<hbm>>) target(%arg19 : memref<40x16xf32, #tpu.memory_space<vmem>>) offsets(%dma_start3A_186 : memref<40xi32, #tpu.memory_space<vmem>>) semaphore(%arg22 : memref<!tpu.dma_semaphore, #tpu.memory_space<semaphore_mem>>)
      } else {
      }
      %dma_wait3A = arith.constant 0 : i32
      %dma_wait3A_80 = arith.constant 0 : i32
      %dma_wait3A_81 = tpu.memref_slice %arg10[%dma_wait3A, %dma_wait3A_80] : memref<3x40xi32, #tpu.memory_space<vmem>> -> memref<1x40xi32, #tpu.memory_space<vmem>>
      %dma_wait3A_82 = tpu.memref_squeeze %dma_wait3A_81 : memref<1x40xi32, #tpu.memory_space<vmem>> -> memref<40xi32, #tpu.memory_space<vmem>>
      %dma_wait3A_83 = arith.constant 0 : i32
      %dma_wait3A_84 = arith.constant 0 : i32
      %dma_wait3A_85 = tpu.memref_slice %arg3[%dma_wait3A_83, %dma_wait3A_84] : memref<10000x128xf32, #tpu.memory_space<hbm>> -> memref<10000x128xf32, #tpu.memory_space<hbm>>
      tpu.wait_indirect_dma semaphore(%arg21 : memref<!tpu.dma_semaphore, #tpu.memory_space<semaphore_mem>>) src(%dma_wait3A_85 : memref<10000x128xf32, #tpu.memory_space<hbm>>) dst(%arg12 : memref<40x128xf32, #tpu.memory_space<vmem>>)
      %dma_wait3A_86 = arith.constant 1 : i32
      %dma_wait3A_87 = arith.constant 0 : i32
      %dma_wait3A_88 = tpu.memref_slice %arg10[%dma_wait3A_86, %dma_wait3A_87] : memref<3x40xi32, #tpu.memory_space<vmem>> -> memref<1x40xi32, #tpu.memory_space<vmem>>
      %dma_wait3A_89 = tpu.memref_squeeze %dma_wait3A_88 : memref<1x40xi32, #tpu.memory_space<vmem>> -> memref<40xi32, #tpu.memory_space<vmem>>
      %dma_wait3A_90 = arith.constant 0 : i32
      %dma_wait3A_91 = arith.constant 0 : i32
      %dma_wait3A_92 = tpu.memref_slice %arg2[%dma_wait3A_90, %dma_wait3A_91] : memref<10000x128xf32, #tpu.memory_space<hbm>> -> memref<10000x128xf32, #tpu.memory_space<hbm>>
      tpu.wait_indirect_dma semaphore(%arg21 : memref<!tpu.dma_semaphore, #tpu.memory_space<semaphore_mem>>) src(%dma_wait3A_92 : memref<10000x128xf32, #tpu.memory_space<hbm>>) dst(%arg14 : memref<40x128xf32, #tpu.memory_space<vmem>>)
      %dma_wait3A_93 = arith.constant 0 : i32
      %dma_wait3A_94 = arith.constant 0 : i32
      %dma_wait3A_95 = tpu.memref_slice %arg10[%dma_wait3A_93, %dma_wait3A_94] : memref<3x40xi32, #tpu.memory_space<vmem>> -> memref<1x40xi32, #tpu.memory_space<vmem>>
      %dma_wait3A_96 = tpu.memref_squeeze %dma_wait3A_95 : memref<1x40xi32, #tpu.memory_space<vmem>> -> memref<40xi32, #tpu.memory_space<vmem>>
      %dma_wait3A_97 = arith.constant 0 : i32
      %dma_wait3A_98 = arith.constant 0 : i32
      %dma_wait3A_99 = tpu.memref_slice %arg4[%dma_wait3A_97, %dma_wait3A_98] : memref<10000x128xf32, #tpu.memory_space<hbm>> -> memref<10000x128xf32, #tpu.memory_space<hbm>>
      tpu.wait_indirect_dma semaphore(%arg21 : memref<!tpu.dma_semaphore, #tpu.memory_space<semaphore_mem>>) src(%dma_wait3A_99 : memref<10000x128xf32, #tpu.memory_space<hbm>>) dst(%arg16 : memref<40x128xf32, #tpu.memory_space<vmem>>)
      %dma_wait3A_100 = arith.constant 2 : i32
      %dma_wait3A_101 = arith.constant 0 : i32
      %dma_wait3A_102 = tpu.memref_slice %arg10[%dma_wait3A_100, %dma_wait3A_101] : memref<3x40xi32, #tpu.memory_space<vmem>> -> memref<1x40xi32, #tpu.memory_space<vmem>>
      %dma_wait3A_103 = tpu.memref_squeeze %dma_wait3A_102 : memref<1x40xi32, #tpu.memory_space<vmem>> -> memref<40xi32, #tpu.memory_space<vmem>>
      %dma_wait3A_104 = arith.constant 0 : i32
      %dma_wait3A_105 = arith.constant 0 : i32
      %dma_wait3A_106 = tpu.memref_slice %arg5[%dma_wait3A_104, %dma_wait3A_105] : memref<50x16xf32, #tpu.memory_space<hbm>> -> memref<50x16xf32, #tpu.memory_space<hbm>>
      tpu.wait_indirect_dma semaphore(%arg21 : memref<!tpu.dma_semaphore, #tpu.memory_space<semaphore_mem>>) src(%dma_wait3A_106 : memref<50x16xf32, #tpu.memory_space<hbm>>) dst(%arg18 : memref<40x16xf32, #tpu.memory_space<vmem>>)
      %scan3A_107 = arith.constant 0 : i32
      %scan3A_108 = arith.constant 0 : i32
      %scan3A_109 = arith.constant 40 : i32
      %scan3A_110 = arith.addi %scan3A_108, %scan3A_109 : i32
      %scan3A_111 = arith.constant 1 : i32
      scf.for %scan3A_157 = %scan3A_108 to %scan3A_110 step %scan3A_111  : i32 {
        %get3A = arith.index_cast %scan3A_157 : i32 to index
        %get3A_158 = arith.constant 0 : index
        %get3A_159 = tpu.vector_load %arg18[%get3A, %get3A_158] {strides = array<i32>} : memref<40x16xf32, #tpu.memory_space<vmem>>, vector<1x16xf32>,
        %get3A_160 = vector.shape_cast %get3A_159 : vector<1x16xf32> to vector<16xf32>
        %get3A_161 = arith.index_cast %scan3A_157 : i32 to index
        %get3A_162 = arith.constant 0 : index
        %get3A_163 = tpu.vector_load %arg12[%get3A_161, %get3A_162] {strides = array<i32>} : memref<40x128xf32, #tpu.memory_space<vmem>>, vector<1x16xf32>,
        %get3A_164 = vector.shape_cast %get3A_163 : vector<1x16xf32> to vector<16xf32>
        %get3A_165 = arith.index_cast %scan3A_157 : i32 to index
        %get3A_166 = arith.constant 0 : index
        %get3A_167 = tpu.vector_load %arg14[%get3A_165, %get3A_166] {strides = array<i32>} : memref<40x128xf32, #tpu.memory_space<vmem>>, vector<1x16xf32>,
        %get3A_168 = vector.shape_cast %get3A_167 : vector<1x16xf32> to vector<16xf32>
        %get3A_169 = arith.index_cast %scan3A_157 : i32 to index
        %get3A_170 = arith.constant 0 : index
        %get3A_171 = tpu.vector_load %arg16[%get3A_169, %get3A_170] {strides = array<i32>} : memref<40x128xf32, #tpu.memory_space<vmem>>, vector<1x16xf32>,
        %get3A_172 = vector.shape_cast %get3A_171 : vector<1x16xf32> to vector<16xf32>
        %add3A_173 = arith.addf %get3A_164, %get3A_160 : vector<16xf32>
        %mul3A_174 = arith.mulf %add3A_173, %get3A_168 : vector<16xf32>
        %broadcast_in_dim3A_175 = vector.shape_cast %and3A_10 : vector<16xi32> to vector<16x1xi32>
        %gather3A = vector.shape_cast %broadcast_in_dim3A_175 : vector<16x1xi32> to vector<16xi32>
        %gather3A_176 = tpu.dynamic_gather %mul3A_174[%gather3A] in [0] : vector<16xf32>, vector<16xi32> -> vector<16xf32>
        %add3A_177 = arith.addf %mul3A_174, %gather3A_176 : vector<16xf32>
        %broadcast_in_dim3A_178 = vector.shape_cast %and3A_16 : vector<16xi32> to vector<16x1xi32>
        %gather3A_179 = vector.shape_cast %broadcast_in_dim3A_178 : vector<16x1xi32> to vector<16xi32>
        %gather3A_180 = tpu.dynamic_gather %add3A_177[%gather3A_179] in [0] : vector<16xf32>, vector<16xi32> -> vector<16xf32>
        %add3A_181 = arith.addf %add3A_177, %gather3A_180 : vector<16xf32>
        %broadcast_in_dim3A_182 = vector.shape_cast %and3A_22 : vector<16xi32> to vector<16x1xi32>
        %gather3A_183 = vector.shape_cast %broadcast_in_dim3A_182 : vector<16x1xi32> to vector<16xi32>
        %gather3A_184 = tpu.dynamic_gather %add3A_181[%gather3A_183] in [0] : vector<16xf32>, vector<16xi32> -> vector<16xf32>
        %add3A_185 = arith.addf %add3A_181, %gather3A_184 : vector<16xf32>
        %broadcast_in_dim3A_186 = vector.shape_cast %and3A_28 : vector<16xi32> to vector<16x1xi32>
        %gather3A_187 = vector.shape_cast %broadcast_in_dim3A_186 : vector<16x1xi32> to vector<16xi32>
        %gather3A_188 = tpu.dynamic_gather %add3A_185[%gather3A_187] in [0] : vector<16xf32>, vector<16xi32> -> vector<16xf32>
        %add3A_189 = arith.addf %add3A_185, %gather3A_188 : vector<16xf32>
        %mul3A_190 = arith.constant 2.500000e-01 : f32
        %mul3A_191 = vector.broadcast %mul3A_190 : f32 to vector<16xf32>
        %mul3A_192 = arith.mulf %add3A_189, %mul3A_191 : vector<16xf32>
        %jit3A = arith.constant -1.000000e+01 : f32
        %jit3A_193 = arith.constant 1.000000e+01 : f32
        %max3A = vector.broadcast %jit3A : f32 to vector<16xf32>
        %max3A_194 = arith.maximumf %max3A, %mul3A_192 : vector<16xf32>
        %min3A = vector.broadcast %jit3A_193 : f32 to vector<16xf32>
        %min3A_195 = arith.minimumf %min3A, %max3A_194 : vector<16xf32>
        %exp3A = math.exp %min3A_195 : vector<16xf32>
        %add3A_196 = arith.addf %get3A_172, %get3A_160 : vector<16xf32>
        %mul3A_197 = arith.mulf %add3A_196, %exp3A : vector<16xf32>
        %swap3A = arith.index_cast %scan3A_157 : i32 to index
        %swap3A_198 = arith.constant 0 : index
        %swap3A_199 = tpu.vector_load %arg20[%swap3A, %swap3A_198] {strides = array<i32>} : memref<40x144xf32, #tpu.memory_space<vmem>>, vector<1x16xf32>,
        %swap3A_200 = vector.shape_cast %swap3A_199 : vector<1x16xf32> to vector<16xf32>
        %swap3A_201 = vector.shape_cast %mul3A_197 : vector<16xf32> to vector<1x16xf32>
        tpu.vector_store %arg20[%swap3A, %swap3A_198], %swap3A_201 {strides = array<i32>} : memref<40x144xf32, #tpu.memory_space<vmem>>, vector<1x16xf32>,
        %eq3A_202 = arith.constant 0 : i32
        %eq3A_203 = vector.broadcast %eq3A_202 : i32 to vector<16xi32>
        %eq3A_204 = arith.cmpi eq, %iota3A, %eq3A_203 : vector<16xi32>
        %select_n3A = arith.select %eq3A_204, %exp3A, %broadcast_in_dim3A_1 : vector<16xi1>, vector<16xf32>
        %get3A_205 = arith.index_cast %scan3A_157 : i32 to index
        %get3A_206 = arith.constant 16 : index
        %get3A_207 = tpu.vector_load %arg12[%get3A_205, %get3A_206] {strides = array<i32>} : memref<40x128xf32, #tpu.memory_space<vmem>>, vector<1x16xf32>,
        %get3A_208 = vector.shape_cast %get3A_207 : vector<1x16xf32> to vector<16xf32>
        %get3A_209 = arith.index_cast %scan3A_157 : i32 to index
        %get3A_210 = arith.constant 16 : index
        %get3A_211 = tpu.vector_load %arg14[%get3A_209, %get3A_210] {strides = array<i32>} : memref<40x128xf32, #tpu.memory_space<vmem>>, vector<1x16xf32>,
        %get3A_212 = vector.shape_cast %get3A_211 : vector<1x16xf32> to vector<16xf32>
        %get3A_213 = arith.index_cast %scan3A_157 : i32 to index
        %get3A_214 = arith.constant 16 : index
        %get3A_215 = tpu.vector_load %arg16[%get3A_213, %get3A_214] {strides = array<i32>} : memref<40x128xf32, #tpu.memory_space<vmem>>, vector<1x16xf32>,
        %get3A_216 = vector.shape_cast %get3A_215 : vector<1x16xf32> to vector<16xf32>
        %add3A_217 = arith.addf %get3A_208, %get3A_160 : vector<16xf32>
        %mul3A_218 = arith.mulf %add3A_217, %get3A_212 : vector<16xf32>
        %broadcast_in_dim3A_219 = vector.shape_cast %and3A_10 : vector<16xi32> to vector<16x1xi32>
        %gather3A_220 = vector.shape_cast %broadcast_in_dim3A_219 : vector<16x1xi32> to vector<16xi32>
        %gather3A_221 = tpu.dynamic_gather %mul3A_218[%gather3A_220] in [0] : vector<16xf32>, vector<16xi32> -> vector<16xf32>
        %add3A_222 = arith.addf %mul3A_218, %gather3A_221 : vector<16xf32>
        %broadcast_in_dim3A_223 = vector.shape_cast %and3A_16 : vector<16xi32> to vector<16x1xi32>
        %gather3A_224 = vector.shape_cast %broadcast_in_dim3A_223 : vector<16x1xi32> to vector<16xi32>
        %gather3A_225 = tpu.dynamic_gather %add3A_222[%gather3A_224] in [0] : vector<16xf32>, vector<16xi32> -> vector<16xf32>
        %add3A_226 = arith.addf %add3A_222, %gather3A_225 : vector<16xf32>
        %broadcast_in_dim3A_227 = vector.shape_cast %and3A_22 : vector<16xi32> to vector<16x1xi32>
        %gather3A_228 = vector.shape_cast %broadcast_in_dim3A_227 : vector<16x1xi32> to vector<16xi32>
        %gather3A_229 = tpu.dynamic_gather %add3A_226[%gather3A_228] in [0] : vector<16xf32>, vector<16xi32> -> vector<16xf32>
        %add3A_230 = arith.addf %add3A_226, %gather3A_229 : vector<16xf32>
        %broadcast_in_dim3A_231 = vector.shape_cast %and3A_28 : vector<16xi32> to vector<16x1xi32>
        %gather3A_232 = vector.shape_cast %broadcast_in_dim3A_231 : vector<16x1xi32> to vector<16xi32>
        %gather3A_233 = tpu.dynamic_gather %add3A_230[%gather3A_232] in [0] : vector<16xf32>, vector<16xi32> -> vector<16xf32>
        %add3A_234 = arith.addf %add3A_230, %gather3A_233 : vector<16xf32>
        %mul3A_235 = arith.constant 2.500000e-01 : f32
        %mul3A_236 = vector.broadcast %mul3A_235 : f32 to vector<16xf32>
        %mul3A_237 = arith.mulf %add3A_234, %mul3A_236 : vector<16xf32>
        %jit3A_238 = arith.constant -1.000000e+01 : f32
        %jit3A_239 = arith.constant 1.000000e+01 : f32
        %max3A_240 = vector.broadcast %jit3A_238 : f32 to vector<16xf32>
        %max3A_241 = arith.maximumf %max3A_240, %mul3A_237 : vector<16xf32>
        %min3A_242 = vector.broadcast %jit3A_239 : f32 to vector<16xf32>
        %min3A_243 = arith.minimumf %min3A_242, %max3A_241 : vector<16xf32>
        %exp3A_244 = math.exp %min3A_243 : vector<16xf32>
        %add3A_245 = arith.addf %get3A_216, %get3A_160 : vector<16xf32>
        %mul3A_246 = arith.mulf %add3A_245, %exp3A_244 : vector<16xf32>
        %swap3A_247 = arith.index_cast %scan3A_157 : i32 to index
        %swap3A_248 = arith.constant 16 : index
        %swap3A_249 = tpu.vector_load %arg20[%swap3A_247, %swap3A_248] {strides = array<i32>} : memref<40x144xf32, #tpu.memory_space<vmem>>, vector<1x16xf32>,
        %swap3A_250 = vector.shape_cast %swap3A_249 : vector<1x16xf32> to vector<16xf32>
        %swap3A_251 = vector.shape_cast %mul3A_246 : vector<16xf32> to vector<1x16xf32>
        tpu.vector_store %arg20[%swap3A_247, %swap3A_248], %swap3A_251 {strides = array<i32>} : memref<40x144xf32, #tpu.memory_space<vmem>>, vector<1x16xf32>,
        %eq3A_252 = arith.constant 1 : i32
        %eq3A_253 = vector.broadcast %eq3A_252 : i32 to vector<16xi32>
        %eq3A_254 = arith.cmpi eq, %iota3A, %eq3A_253 : vector<16xi32>
        %select_n3A_255 = arith.select %eq3A_254, %exp3A_244, %select_n3A : vector<16xi1>, vector<16xf32>
        %get3A_256 = arith.index_cast %scan3A_157 : i32 to index
        %get3A_257 = arith.constant 32 : index
        %get3A_258 = tpu.vector_load %arg12[%get3A_256, %get3A_257] {strides = array<i32>} : memref<40x128xf32, #tpu.memory_space<vmem>>, vector<1x16xf32>,
        %get3A_259 = vector.shape_cast %get3A_258 : vector<1x16xf32> to vector<16xf32>
        %get3A_260 = arith.index_cast %scan3A_157 : i32 to index
        %get3A_261 = arith.constant 32 : index
        %get3A_262 = tpu.vector_load %arg14[%get3A_260, %get3A_261] {strides = array<i32>} : memref<40x128xf32, #tpu.memory_space<vmem>>, vector<1x16xf32>,
        %get3A_263 = vector.shape_cast %get3A_262 : vector<1x16xf32> to vector<16xf32>
        %get3A_264 = arith.index_cast %scan3A_157 : i32 to index
        %get3A_265 = arith.constant 32 : index
        %get3A_266 = tpu.vector_load %arg16[%get3A_264, %get3A_265] {strides = array<i32>} : memref<40x128xf32, #tpu.memory_space<vmem>>, vector<1x16xf32>,
        %get3A_267 = vector.shape_cast %get3A_266 : vector<1x16xf32> to vector<16xf32>
        %add3A_268 = arith.addf %get3A_259, %get3A_160 : vector<16xf32>
        %mul3A_269 = arith.mulf %add3A_268, %get3A_263 : vector<16xf32>
        %broadcast_in_dim3A_270 = vector.shape_cast %and3A_10 : vector<16xi32> to vector<16x1xi32>
        %gather3A_271 = vector.shape_cast %broadcast_in_dim3A_270 : vector<16x1xi32> to vector<16xi32>
        %gather3A_272 = tpu.dynamic_gather %mul3A_269[%gather3A_271] in [0] : vector<16xf32>, vector<16xi32> -> vector<16xf32>
        %add3A_273 = arith.addf %mul3A_269, %gather3A_272 : vector<16xf32>
        %broadcast_in_dim3A_274 = vector.shape_cast %and3A_16 : vector<16xi32> to vector<16x1xi32>
        %gather3A_275 = vector.shape_cast %broadcast_in_dim3A_274 : vector<16x1xi32> to vector<16xi32>
        %gather3A_276 = tpu.dynamic_gather %add3A_273[%gather3A_275] in [0] : vector<16xf32>, vector<16xi32> -> vector<16xf32>
        %add3A_277 = arith.addf %add3A_273, %gather3A_276 : vector<16xf32>
        %broadcast_in_dim3A_278 = vector.shape_cast %and3A_22 : vector<16xi32> to vector<16x1xi32>
        %gather3A_279 = vector.shape_cast %broadcast_in_dim3A_278 : vector<16x1xi32> to vector<16xi32>
        %gather3A_280 = tpu.dynamic_gather %add3A_277[%gather3A_279] in [0] : vector<16xf32>, vector<16xi32> -> vector<16xf32>
        %add3A_281 = arith.addf %add3A_277, %gather3A_280 : vector<16xf32>
        %broadcast_in_dim3A_282 = vector.shape_cast %and3A_28 : vector<16xi32> to vector<16x1xi32>
        %gather3A_283 = vector.shape_cast %broadcast_in_dim3A_282 : vector<16x1xi32> to vector<16xi32>
        %gather3A_284 = tpu.dynamic_gather %add3A_281[%gather3A_283] in [0] : vector<16xf32>, vector<16xi32> -> vector<16xf32>
        %add3A_285 = arith.addf %add3A_281, %gather3A_284 : vector<16xf32>
        %mul3A_286 = arith.constant 2.500000e-01 : f32
        %mul3A_287 = vector.broadcast %mul3A_286 : f32 to vector<16xf32>
        %mul3A_288 = arith.mulf %add3A_285, %mul3A_287 : vector<16xf32>
        %jit3A_289 = arith.constant -1.000000e+01 : f32
        %jit3A_290 = arith.constant 1.000000e+01 : f32
        %max3A_291 = vector.broadcast %jit3A_289 : f32 to vector<16xf32>
        %max3A_292 = arith.maximumf %max3A_291, %mul3A_288 : vector<16xf32>
        %min3A_293 = vector.broadcast %jit3A_290 : f32 to vector<16xf32>
        %min3A_294 = arith.minimumf %min3A_293, %max3A_292 : vector<16xf32>
        %exp3A_295 = math.exp %min3A_294 : vector<16xf32>
        %add3A_296 = arith.addf %get3A_267, %get3A_160 : vector<16xf32>
        %mul3A_297 = arith.mulf %add3A_296, %exp3A_295 : vector<16xf32>
        %swap3A_298 = arith.index_cast %scan3A_157 : i32 to index
        %swap3A_299 = arith.constant 32 : index
        %swap3A_300 = tpu.vector_load %arg20[%swap3A_298, %swap3A_299] {strides = array<i32>} : memref<40x144xf32, #tpu.memory_space<vmem>>, vector<1x16xf32>,
        %swap3A_301 = vector.shape_cast %swap3A_300 : vector<1x16xf32> to vector<16xf32>
        %swap3A_302 = vector.shape_cast %mul3A_297 : vector<16xf32> to vector<1x16xf32>
        tpu.vector_store %arg20[%swap3A_298, %swap3A_299], %swap3A_302 {strides = array<i32>} : memref<40x144xf32, #tpu.memory_space<vmem>>, vector<1x16xf32>,
        %eq3A_303 = arith.constant 2 : i32
        %eq3A_304 = vector.broadcast %eq3A_303 : i32 to vector<16xi32>
        %eq3A_305 = arith.cmpi eq, %iota3A, %eq3A_304 : vector<16xi32>
        %select_n3A_306 = arith.select %eq3A_305, %exp3A_295, %select_n3A_255 : vector<16xi1>, vector<16xf32>
        %get3A_307 = arith.index_cast %scan3A_157 : i32 to index
        %get3A_308 = arith.constant 48 : index
        %get3A_309 = tpu.vector_load %arg12[%get3A_307, %get3A_308] {strides = array<i32>} : memref<40x128xf32, #tpu.memory_space<vmem>>, vector<1x16xf32>,
        %get3A_310 = vector.shape_cast %get3A_309 : vector<1x16xf32> to vector<16xf32>
        %get3A_311 = arith.index_cast %scan3A_157 : i32 to index
        %get3A_312 = arith.constant 48 : index
        %get3A_313 = tpu.vector_load %arg14[%get3A_311, %get3A_312] {strides = array<i32>} : memref<40x128xf32, #tpu.memory_space<vmem>>, vector<1x16xf32>,
        %get3A_314 = vector.shape_cast %get3A_313 : vector<1x16xf32> to vector<16xf32>
        %get3A_315 = arith.index_cast %scan3A_157 : i32 to index
        %get3A_316 = arith.constant 48 : index
        %get3A_317 = tpu.vector_load %arg16[%get3A_315, %get3A_316] {strides = array<i32>} : memref<40x128xf32, #tpu.memory_space<vmem>>, vector<1x16xf32>,
        %get3A_318 = vector.shape_cast %get3A_317 : vector<1x16xf32> to vector<16xf32>
        %add3A_319 = arith.addf %get3A_310, %get3A_160 : vector<16xf32>
        %mul3A_320 = arith.mulf %add3A_319, %get3A_314 : vector<16xf32>
        %broadcast_in_dim3A_321 = vector.shape_cast %and3A_10 : vector<16xi32> to vector<16x1xi32>
        %gather3A_322 = vector.shape_cast %broadcast_in_dim3A_321 : vector<16x1xi32> to vector<16xi32>
        %gather3A_323 = tpu.dynamic_gather %mul3A_320[%gather3A_322] in [0] : vector<16xf32>, vector<16xi32> -> vector<16xf32>
        %add3A_324 = arith.addf %mul3A_320, %gather3A_323 : vector<16xf32>
        %broadcast_in_dim3A_325 = vector.shape_cast %and3A_16 : vector<16xi32> to vector<16x1xi32>
        %gather3A_326 = vector.shape_cast %broadcast_in_dim3A_325 : vector<16x1xi32> to vector<16xi32>
        %gather3A_327 = tpu.dynamic_gather %add3A_324[%gather3A_326] in [0] : vector<16xf32>, vector<16xi32> -> vector<16xf32>
        %add3A_328 = arith.addf %add3A_324, %gather3A_327 : vector<16xf32>
        %broadcast_in_dim3A_329 = vector.shape_cast %and3A_22 : vector<16xi32> to vector<16x1xi32>
        %gather3A_330 = vector.shape_cast %broadcast_in_dim3A_329 : vector<16x1xi32> to vector<16xi32>
        %gather3A_331 = tpu.dynamic_gather %add3A_328[%gather3A_330] in [0] : vector<16xf32>, vector<16xi32> -> vector<16xf32>
        %add3A_332 = arith.addf %add3A_328, %gather3A_331 : vector<16xf32>
        %broadcast_in_dim3A_333 = vector.shape_cast %and3A_28 : vector<16xi32> to vector<16x1xi32>
        %gather3A_334 = vector.shape_cast %broadcast_in_dim3A_333 : vector<16x1xi32> to vector<16xi32>
        %gather3A_335 = tpu.dynamic_gather %add3A_332[%gather3A_334] in [0] : vector<16xf32>, vector<16xi32> -> vector<16xf32>
        %add3A_336 = arith.addf %add3A_332, %gather3A_335 : vector<16xf32>
        %mul3A_337 = arith.constant 2.500000e-01 : f32
        %mul3A_338 = vector.broadcast %mul3A_337 : f32 to vector<16xf32>
        %mul3A_339 = arith.mulf %add3A_336, %mul3A_338 : vector<16xf32>
        %jit3A_340 = arith.constant -1.000000e+01 : f32
        %jit3A_341 = arith.constant 1.000000e+01 : f32
        %max3A_342 = vector.broadcast %jit3A_340 : f32 to vector<16xf32>
        %max3A_343 = arith.maximumf %max3A_342, %mul3A_339 : vector<16xf32>
        %min3A_344 = vector.broadcast %jit3A_341 : f32 to vector<16xf32>
        %min3A_345 = arith.minimumf %min3A_344, %max3A_343 : vector<16xf32>
        %exp3A_346 = math.exp %min3A_345 : vector<16xf32>
        %add3A_347 = arith.addf %get3A_318, %get3A_160 : vector<16xf32>
        %mul3A_348 = arith.mulf %add3A_347, %exp3A_346 : vector<16xf32>
        %swap3A_349 = arith.index_cast %scan3A_157 : i32 to index
        %swap3A_350 = arith.constant 48 : index
        %swap3A_351 = tpu.vector_load %arg20[%swap3A_349, %swap3A_350] {strides = array<i32>} : memref<40x144xf32, #tpu.memory_space<vmem>>, vector<1x16xf32>,
        %swap3A_352 = vector.shape_cast %swap3A_351 : vector<1x16xf32> to vector<16xf32>
        %swap3A_353 = vector.shape_cast %mul3A_348 : vector<16xf32> to vector<1x16xf32>
        tpu.vector_store %arg20[%swap3A_349, %swap3A_350], %swap3A_353 {strides = array<i32>} : memref<40x144xf32, #tpu.memory_space<vmem>>, vector<1x16xf32>,
        %eq3A_354 = arith.constant 3 : i32
        %eq3A_355 = vector.broadcast %eq3A_354 : i32 to vector<16xi32>
        %eq3A_356 = arith.cmpi eq, %iota3A, %eq3A_355 : vector<16xi32>
        %select_n3A_357 = arith.select %eq3A_356, %exp3A_346, %select_n3A_306 : vector<16xi1>, vector<16xf32>
        %get3A_358 = arith.index_cast %scan3A_157 : i32 to index
        %get3A_359 = arith.constant 64 : index
        %get3A_360 = tpu.vector_load %arg12[%get3A_358, %get3A_359] {strides = array<i32>} : memref<40x128xf32, #tpu.memory_space<vmem>>, vector<1x16xf32>,
        %get3A_361 = vector.shape_cast %get3A_360 : vector<1x16xf32> to vector<16xf32>
        %get3A_362 = arith.index_cast %scan3A_157 : i32 to index
        %get3A_363 = arith.constant 64 : index
        %get3A_364 = tpu.vector_load %arg14[%get3A_362, %get3A_363] {strides = array<i32>} : memref<40x128xf32, #tpu.memory_space<vmem>>, vector<1x16xf32>,
        %get3A_365 = vector.shape_cast %get3A_364 : vector<1x16xf32> to vector<16xf32>
        %get3A_366 = arith.index_cast %scan3A_157 : i32 to index
        %get3A_367 = arith.constant 64 : index
        %get3A_368 = tpu.vector_load %arg16[%get3A_366, %get3A_367] {strides = array<i32>} : memref<40x128xf32, #tpu.memory_space<vmem>>, vector<1x16xf32>,
        %get3A_369 = vector.shape_cast %get3A_368 : vector<1x16xf32> to vector<16xf32>
        %add3A_370 = arith.addf %get3A_361, %get3A_160 : vector<16xf32>
        %mul3A_371 = arith.mulf %add3A_370, %get3A_365 : vector<16xf32>
        %broadcast_in_dim3A_372 = vector.shape_cast %and3A_10 : vector<16xi32> to vector<16x1xi32>
        %gather3A_373 = vector.shape_cast %broadcast_in_dim3A_372 : vector<16x1xi32> to vector<16xi32>
        %gather3A_374 = tpu.dynamic_gather %mul3A_371[%gather3A_373] in [0] : vector<16xf32>, vector<16xi32> -> vector<16xf32>
        %add3A_375 = arith.addf %mul3A_371, %gather3A_374 : vector<16xf32>
        %broadcast_in_dim3A_376 = vector.shape_cast %and3A_16 : vector<16xi32> to vector<16x1xi32>
        %gather3A_377 = vector.shape_cast %broadcast_in_dim3A_376 : vector<16x1xi32> to vector<16xi32>
        %gather3A_378 = tpu.dynamic_gather %add3A_375[%gather3A_377] in [0] : vector<16xf32>, vector<16xi32> -> vector<16xf32>
        %add3A_379 = arith.addf %add3A_375, %gather3A_378 : vector<16xf32>
        %broadcast_in_dim3A_380 = vector.shape_cast %and3A_22 : vector<16xi32> to vector<16x1xi32>
        %gather3A_381 = vector.shape_cast %broadcast_in_dim3A_380 : vector<16x1xi32> to vector<16xi32>
        %gather3A_382 = tpu.dynamic_gather %add3A_379[%gather3A_381] in [0] : vector<16xf32>, vector<16xi32> -> vector<16xf32>
        %add3A_383 = arith.addf %add3A_379, %gather3A_382 : vector<16xf32>
        %broadcast_in_dim3A_384 = vector.shape_cast %and3A_28 : vector<16xi32> to vector<16x1xi32>
        %gather3A_385 = vector.shape_cast %broadcast_in_dim3A_384 : vector<16x1xi32> to vector<16xi32>
        %gather3A_386 = tpu.dynamic_gather %add3A_383[%gather3A_385] in [0] : vector<16xf32>, vector<16xi32> -> vector<16xf32>
        %add3A_387 = arith.addf %add3A_383, %gather3A_386 : vector<16xf32>
        %mul3A_388 = arith.constant 2.500000e-01 : f32
        %mul3A_389 = vector.broadcast %mul3A_388 : f32 to vector<16xf32>
        %mul3A_390 = arith.mulf %add3A_387, %mul3A_389 : vector<16xf32>
        %jit3A_391 = arith.constant -1.000000e+01 : f32
        %jit3A_392 = arith.constant 1.000000e+01 : f32
        %max3A_393 = vector.broadcast %jit3A_391 : f32 to vector<16xf32>
        %max3A_394 = arith.maximumf %max3A_393, %mul3A_390 : vector<16xf32>
        %min3A_395 = vector.broadcast %jit3A_392 : f32 to vector<16xf32>
        %min3A_396 = arith.minimumf %min3A_395, %max3A_394 : vector<16xf32>
        %exp3A_397 = math.exp %min3A_396 : vector<16xf32>
        %add3A_398 = arith.addf %get3A_369, %get3A_160 : vector<16xf32>
        %mul3A_399 = arith.mulf %add3A_398, %exp3A_397 : vector<16xf32>
        %swap3A_400 = arith.index_cast %scan3A_157 : i32 to index
        %swap3A_401 = arith.constant 64 : index
        %swap3A_402 = tpu.vector_load %arg20[%swap3A_400, %swap3A_401] {strides = array<i32>} : memref<40x144xf32, #tpu.memory_space<vmem>>, vector<1x16xf32>,
        %swap3A_403 = vector.shape_cast %swap3A_402 : vector<1x16xf32> to vector<16xf32>
        %swap3A_404 = vector.shape_cast %mul3A_399 : vector<16xf32> to vector<1x16xf32>
        tpu.vector_store %arg20[%swap3A_400, %swap3A_401], %swap3A_404 {strides = array<i32>} : memref<40x144xf32, #tpu.memory_space<vmem>>, vector<1x16xf32>,
        %eq3A_405 = arith.constant 4 : i32
        %eq3A_406 = vector.broadcast %eq3A_405 : i32 to vector<16xi32>
        %eq3A_407 = arith.cmpi eq, %iota3A, %eq3A_406 : vector<16xi32>
        %select_n3A_408 = arith.select %eq3A_407, %exp3A_397, %select_n3A_357 : vector<16xi1>, vector<16xf32>
        %get3A_409 = arith.index_cast %scan3A_157 : i32 to index
        %get3A_410 = arith.constant 80 : index
        %get3A_411 = tpu.vector_load %arg12[%get3A_409, %get3A_410] {strides = array<i32>} : memref<40x128xf32, #tpu.memory_space<vmem>>, vector<1x16xf32>,
        %get3A_412 = vector.shape_cast %get3A_411 : vector<1x16xf32> to vector<16xf32>
        %get3A_413 = arith.index_cast %scan3A_157 : i32 to index
        %get3A_414 = arith.constant 80 : index
        %get3A_415 = tpu.vector_load %arg14[%get3A_413, %get3A_414] {strides = array<i32>} : memref<40x128xf32, #tpu.memory_space<vmem>>, vector<1x16xf32>,
        %get3A_416 = vector.shape_cast %get3A_415 : vector<1x16xf32> to vector<16xf32>
        %get3A_417 = arith.index_cast %scan3A_157 : i32 to index
        %get3A_418 = arith.constant 80 : index
        %get3A_419 = tpu.vector_load %arg16[%get3A_417, %get3A_418] {strides = array<i32>} : memref<40x128xf32, #tpu.memory_space<vmem>>, vector<1x16xf32>,
        %get3A_420 = vector.shape_cast %get3A_419 : vector<1x16xf32> to vector<16xf32>
        %add3A_421 = arith.addf %get3A_412, %get3A_160 : vector<16xf32>
        %mul3A_422 = arith.mulf %add3A_421, %get3A_416 : vector<16xf32>
        %broadcast_in_dim3A_423 = vector.shape_cast %and3A_10 : vector<16xi32> to vector<16x1xi32>
        %gather3A_424 = vector.shape_cast %broadcast_in_dim3A_423 : vector<16x1xi32> to vector<16xi32>
        %gather3A_425 = tpu.dynamic_gather %mul3A_422[%gather3A_424] in [0] : vector<16xf32>, vector<16xi32> -> vector<16xf32>
        %add3A_426 = arith.addf %mul3A_422, %gather3A_425 : vector<16xf32>
        %broadcast_in_dim3A_427 = vector.shape_cast %and3A_16 : vector<16xi32> to vector<16x1xi32>
        %gather3A_428 = vector.shape_cast %broadcast_in_dim3A_427 : vector<16x1xi32> to vector<16xi32>
        %gather3A_429 = tpu.dynamic_gather %add3A_426[%gather3A_428] in [0] : vector<16xf32>, vector<16xi32> -> vector<16xf32>
        %add3A_430 = arith.addf %add3A_426, %gather3A_429 : vector<16xf32>
        %broadcast_in_dim3A_431 = vector.shape_cast %and3A_22 : vector<16xi32> to vector<16x1xi32>
        %gather3A_432 = vector.shape_cast %broadcast_in_dim3A_431 : vector<16x1xi32> to vector<16xi32>
        %gather3A_433 = tpu.dynamic_gather %add3A_430[%gather3A_432] in [0] : vector<16xf32>, vector<16xi32> -> vector<16xf32>
        %add3A_434 = arith.addf %add3A_430, %gather3A_433 : vector<16xf32>
        %broadcast_in_dim3A_435 = vector.shape_cast %and3A_28 : vector<16xi32> to vector<16x1xi32>
        %gather3A_436 = vector.shape_cast %broadcast_in_dim3A_435 : vector<16x1xi32> to vector<16xi32>
        %gather3A_437 = tpu.dynamic_gather %add3A_434[%gather3A_436] in [0] : vector<16xf32>, vector<16xi32> -> vector<16xf32>
        %add3A_438 = arith.addf %add3A_434, %gather3A_437 : vector<16xf32>
        %mul3A_439 = arith.constant 2.500000e-01 : f32
        %mul3A_440 = vector.broadcast %mul3A_439 : f32 to vector<16xf32>
        %mul3A_441 = arith.mulf %add3A_438, %mul3A_440 : vector<16xf32>
        %jit3A_442 = arith.constant -1.000000e+01 : f32
        %jit3A_443 = arith.constant 1.000000e+01 : f32
        %max3A_444 = vector.broadcast %jit3A_442 : f32 to vector<16xf32>
        %max3A_445 = arith.maximumf %max3A_444, %mul3A_441 : vector<16xf32>
        %min3A_446 = vector.broadcast %jit3A_443 : f32 to vector<16xf32>
        %min3A_447 = arith.minimumf %min3A_446, %max3A_445 : vector<16xf32>
        %exp3A_448 = math.exp %min3A_447 : vector<16xf32>
        %add3A_449 = arith.addf %get3A_420, %get3A_160 : vector<16xf32>
        %mul3A_450 = arith.mulf %add3A_449, %exp3A_448 : vector<16xf32>
        %swap3A_451 = arith.index_cast %scan3A_157 : i32 to index
        %swap3A_452 = arith.constant 80 : index
        %swap3A_453 = tpu.vector_load %arg20[%swap3A_451, %swap3A_452] {strides = array<i32>} : memref<40x144xf32, #tpu.memory_space<vmem>>, vector<1x16xf32>,
        %swap3A_454 = vector.shape_cast %swap3A_453 : vector<1x16xf32> to vector<16xf32>
        %swap3A_455 = vector.shape_cast %mul3A_450 : vector<16xf32> to vector<1x16xf32>
        tpu.vector_store %arg20[%swap3A_451, %swap3A_452], %swap3A_455 {strides = array<i32>} : memref<40x144xf32, #tpu.memory_space<vmem>>, vector<1x16xf32>,
        %eq3A_456 = arith.constant 5 : i32
        %eq3A_457 = vector.broadcast %eq3A_456 : i32 to vector<16xi32>
        %eq3A_458 = arith.cmpi eq, %iota3A, %eq3A_457 : vector<16xi32>
        %select_n3A_459 = arith.select %eq3A_458, %exp3A_448, %select_n3A_408 : vector<16xi1>, vector<16xf32>
        %get3A_460 = arith.index_cast %scan3A_157 : i32 to index
        %get3A_461 = arith.constant 96 : index
        %get3A_462 = tpu.vector_load %arg12[%get3A_460, %get3A_461] {strides = array<i32>} : memref<40x128xf32, #tpu.memory_space<vmem>>, vector<1x16xf32>,
        %get3A_463 = vector.shape_cast %get3A_462 : vector<1x16xf32> to vector<16xf32>
        %get3A_464 = arith.index_cast %scan3A_157 : i32 to index
        %get3A_465 = arith.constant 96 : index
        %get3A_466 = tpu.vector_load %arg14[%get3A_464, %get3A_465] {strides = array<i32>} : memref<40x128xf32, #tpu.memory_space<vmem>>, vector<1x16xf32>,
        %get3A_467 = vector.shape_cast %get3A_466 : vector<1x16xf32> to vector<16xf32>
        %get3A_468 = arith.index_cast %scan3A_157 : i32 to index
        %get3A_469 = arith.constant 96 : index
        %get3A_470 = tpu.vector_load %arg16[%get3A_468, %get3A_469] {strides = array<i32>} : memref<40x128xf32, #tpu.memory_space<vmem>>, vector<1x16xf32>,
        %get3A_471 = vector.shape_cast %get3A_470 : vector<1x16xf32> to vector<16xf32>
        %add3A_472 = arith.addf %get3A_463, %get3A_160 : vector<16xf32>
        %mul3A_473 = arith.mulf %add3A_472, %get3A_467 : vector<16xf32>
        %broadcast_in_dim3A_474 = vector.shape_cast %and3A_10 : vector<16xi32> to vector<16x1xi32>
        %gather3A_475 = vector.shape_cast %broadcast_in_dim3A_474 : vector<16x1xi32> to vector<16xi32>
        %gather3A_476 = tpu.dynamic_gather %mul3A_473[%gather3A_475] in [0] : vector<16xf32>, vector<16xi32> -> vector<16xf32>
        %add3A_477 = arith.addf %mul3A_473, %gather3A_476 : vector<16xf32>
        %broadcast_in_dim3A_478 = vector.shape_cast %and3A_16 : vector<16xi32> to vector<16x1xi32>
        %gather3A_479 = vector.shape_cast %broadcast_in_dim3A_478 : vector<16x1xi32> to vector<16xi32>
        %gather3A_480 = tpu.dynamic_gather %add3A_477[%gather3A_479] in [0] : vector<16xf32>, vector<16xi32> -> vector<16xf32>
        %add3A_481 = arith.addf %add3A_477, %gather3A_480 : vector<16xf32>
        %broadcast_in_dim3A_482 = vector.shape_cast %and3A_22 : vector<16xi32> to vector<16x1xi32>
        %gather3A_483 = vector.shape_cast %broadcast_in_dim3A_482 : vector<16x1xi32> to vector<16xi32>
        %gather3A_484 = tpu.dynamic_gather %add3A_481[%gather3A_483] in [0] : vector<16xf32>, vector<16xi32> -> vector<16xf32>
        %add3A_485 = arith.addf %add3A_481, %gather3A_484 : vector<16xf32>
        %broadcast_in_dim3A_486 = vector.shape_cast %and3A_28 : vector<16xi32> to vector<16x1xi32>
        %gather3A_487 = vector.shape_cast %broadcast_in_dim3A_486 : vector<16x1xi32> to vector<16xi32>
        %gather3A_488 = tpu.dynamic_gather %add3A_485[%gather3A_487] in [0] : vector<16xf32>, vector<16xi32> -> vector<16xf32>
        %add3A_489 = arith.addf %add3A_485, %gather3A_488 : vector<16xf32>
        %mul3A_490 = arith.constant 2.500000e-01 : f32
        %mul3A_491 = vector.broadcast %mul3A_490 : f32 to vector<16xf32>
        %mul3A_492 = arith.mulf %add3A_489, %mul3A_491 : vector<16xf32>
        %jit3A_493 = arith.constant -1.000000e+01 : f32
        %jit3A_494 = arith.constant 1.000000e+01 : f32
        %max3A_495 = vector.broadcast %jit3A_493 : f32 to vector<16xf32>
        %max3A_496 = arith.maximumf %max3A_495, %mul3A_492 : vector<16xf32>
        %min3A_497 = vector.broadcast %jit3A_494 : f32 to vector<16xf32>
        %min3A_498 = arith.minimumf %min3A_497, %max3A_496 : vector<16xf32>
        %exp3A_499 = math.exp %min3A_498 : vector<16xf32>
        %add3A_500 = arith.addf %get3A_471, %get3A_160 : vector<16xf32>
        %mul3A_501 = arith.mulf %add3A_500, %exp3A_499 : vector<16xf32>
        %swap3A_502 = arith.index_cast %scan3A_157 : i32 to index
        %swap3A_503 = arith.constant 96 : index
        %swap3A_504 = tpu.vector_load %arg20[%swap3A_502, %swap3A_503] {strides = array<i32>} : memref<40x144xf32, #tpu.memory_space<vmem>>, vector<1x16xf32>,
        %swap3A_505 = vector.shape_cast %swap3A_504 : vector<1x16xf32> to vector<16xf32>
        %swap3A_506 = vector.shape_cast %mul3A_501 : vector<16xf32> to vector<1x16xf32>
        tpu.vector_store %arg20[%swap3A_502, %swap3A_503], %swap3A_506 {strides = array<i32>} : memref<40x144xf32, #tpu.memory_space<vmem>>, vector<1x16xf32>,
        %eq3A_507 = arith.constant 6 : i32
        %eq3A_508 = vector.broadcast %eq3A_507 : i32 to vector<16xi32>
        %eq3A_509 = arith.cmpi eq, %iota3A, %eq3A_508 : vector<16xi32>
        %select_n3A_510 = arith.select %eq3A_509, %exp3A_499, %select_n3A_459 : vector<16xi1>, vector<16xf32>
        %get3A_511 = arith.index_cast %scan3A_157 : i32 to index
        %get3A_512 = arith.constant 112 : index
        %get3A_513 = tpu.vector_load %arg12[%get3A_511, %get3A_512] {strides = array<i32>} : memref<40x128xf32, #tpu.memory_space<vmem>>, vector<1x16xf32>,
        %get3A_514 = vector.shape_cast %get3A_513 : vector<1x16xf32> to vector<16xf32>
        %get3A_515 = arith.index_cast %scan3A_157 : i32 to index
        %get3A_516 = arith.constant 112 : index
        %get3A_517 = tpu.vector_load %arg14[%get3A_515, %get3A_516] {strides = array<i32>} : memref<40x128xf32, #tpu.memory_space<vmem>>, vector<1x16xf32>,
        %get3A_518 = vector.shape_cast %get3A_517 : vector<1x16xf32> to vector<16xf32>
        %get3A_519 = arith.index_cast %scan3A_157 : i32 to index
        %get3A_520 = arith.constant 112 : index
        %get3A_521 = tpu.vector_load %arg16[%get3A_519, %get3A_520] {strides = array<i32>} : memref<40x128xf32, #tpu.memory_space<vmem>>, vector<1x16xf32>,
        %get3A_522 = vector.shape_cast %get3A_521 : vector<1x16xf32> to vector<16xf32>
        %add3A_523 = arith.addf %get3A_514, %get3A_160 : vector<16xf32>
        %mul3A_524 = arith.mulf %add3A_523, %get3A_518 : vector<16xf32>
        %broadcast_in_dim3A_525 = vector.shape_cast %and3A_10 : vector<16xi32> to vector<16x1xi32>
        %gather3A_526 = vector.shape_cast %broadcast_in_dim3A_525 : vector<16x1xi32> to vector<16xi32>
        %gather3A_527 = tpu.dynamic_gather %mul3A_524[%gather3A_526] in [0] : vector<16xf32>, vector<16xi32> -> vector<16xf32>
        %add3A_528 = arith.addf %mul3A_524, %gather3A_527 : vector<16xf32>
        %broadcast_in_dim3A_529 = vector.shape_cast %and3A_16 : vector<16xi32> to vector<16x1xi32>
        %gather3A_530 = vector.shape_cast %broadcast_in_dim3A_529 : vector<16x1xi32> to vector<16xi32>
        %gather3A_531 = tpu.dynamic_gather %add3A_528[%gather3A_530] in [0] : vector<16xf32>, vector<16xi32> -> vector<16xf32>
        %add3A_532 = arith.addf %add3A_528, %gather3A_531 : vector<16xf32>
        %broadcast_in_dim3A_533 = vector.shape_cast %and3A_22 : vector<16xi32> to vector<16x1xi32>
        %gather3A_534 = vector.shape_cast %broadcast_in_dim3A_533 : vector<16x1xi32> to vector<16xi32>
        %gather3A_535 = tpu.dynamic_gather %add3A_532[%gather3A_534] in [0] : vector<16xf32>, vector<16xi32> -> vector<16xf32>
        %add3A_536 = arith.addf %add3A_532, %gather3A_535 : vector<16xf32>
        %broadcast_in_dim3A_537 = vector.shape_cast %and3A_28 : vector<16xi32> to vector<16x1xi32>
        %gather3A_538 = vector.shape_cast %broadcast_in_dim3A_537 : vector<16x1xi32> to vector<16xi32>
        %gather3A_539 = tpu.dynamic_gather %add3A_536[%gather3A_538] in [0] : vector<16xf32>, vector<16xi32> -> vector<16xf32>
        %add3A_540 = arith.addf %add3A_536, %gather3A_539 : vector<16xf32>
        %mul3A_541 = arith.constant 2.500000e-01 : f32
        %mul3A_542 = vector.broadcast %mul3A_541 : f32 to vector<16xf32>
        %mul3A_543 = arith.mulf %add3A_540, %mul3A_542 : vector<16xf32>
        %jit3A_544 = arith.constant -1.000000e+01 : f32
        %jit3A_545 = arith.constant 1.000000e+01 : f32
        %max3A_546 = vector.broadcast %jit3A_544 : f32 to vector<16xf32>
        %max3A_547 = arith.maximumf %max3A_546, %mul3A_543 : vector<16xf32>
        %min3A_548 = vector.broadcast %jit3A_545 : f32 to vector<16xf32>
        %min3A_549 = arith.minimumf %min3A_548, %max3A_547 : vector<16xf32>
        %exp3A_550 = math.exp %min3A_549 : vector<16xf32>
        %add3A_551 = arith.addf %get3A_522, %get3A_160 : vector<16xf32>
        %mul3A_552 = arith.mulf %add3A_551, %exp3A_550 : vector<16xf32>
        %swap3A_553 = arith.index_cast %scan3A_157 : i32 to index
        %swap3A_554 = arith.constant 112 : index
        %swap3A_555 = tpu.vector_load %arg20[%swap3A_553, %swap3A_554] {strides = array<i32>} : memref<40x144xf32, #tpu.memory_space<vmem>>, vector<1x16xf32>,
        %swap3A_556 = vector.shape_cast %swap3A_555 : vector<1x16xf32> to vector<16xf32>
        %swap3A_557 = vector.shape_cast %mul3A_552 : vector<16xf32> to vector<1x16xf32>
        tpu.vector_store %arg20[%swap3A_553, %swap3A_554], %swap3A_557 {strides = array<i32>} : memref<40x144xf32, #tpu.memory_space<vmem>>, vector<1x16xf32>,
        %eq3A_558 = arith.constant 7 : i32
        %eq3A_559 = vector.broadcast %eq3A_558 : i32 to vector<16xi32>
        %eq3A_560 = arith.cmpi eq, %iota3A, %eq3A_559 : vector<16xi32>
        %select_n3A_561 = arith.select %eq3A_560, %exp3A_550, %select_n3A_510 : vector<16xi1>, vector<16xf32>
        %swap3A_562 = arith.index_cast %scan3A_157 : i32 to index
        %swap3A_563 = arith.constant 128 : index
        %swap3A_564 = tpu.vector_load %arg20[%swap3A_562, %swap3A_563] {strides = array<i32>} : memref<40x144xf32, #tpu.memory_space<vmem>>, vector<1x16xf32>,
        %swap3A_565 = vector.shape_cast %swap3A_564 : vector<1x16xf32> to vector<16xf32>
        %swap3A_566 = vector.shape_cast %select_n3A_561 : vector<16xf32> to vector<1x16xf32>
        tpu.vector_store %arg20[%swap3A_562, %swap3A_563], %swap3A_566 {strides = array<i32>} : memref<40x144xf32, #tpu.memory_space<vmem>>, vector<1x16xf32>,
      }
      %scan3A_112 = arith.constant 40 : i32
      %run_scoped3A = arith.constant 1 : i32
      "tpu.region"() ({
        %run_scoped3A_157 = tpu.sem_alloc : memref<!tpu.dma_semaphore, #tpu.memory_space<semaphore_mem>>
        %dma_start3A_158 = arith.constant 0 : i32
        %dma_start3A_159 = tpu.memref_slice %arg10[%run_scoped3A, %dma_start3A_158] : memref<3x40xi32, #tpu.memory_space<vmem>> -> memref<1x40xi32, #tpu.memory_space<vmem>>
        %dma_start3A_160 = tpu.memref_squeeze %dma_start3A_159 : memref<1x40xi32, #tpu.memory_space<vmem>> -> memref<40xi32, #tpu.memory_space<vmem>>
        %dma_start3A_161 = arith.constant 0 : i32
        %dma_start3A_162 = arith.constant 0 : i32
        %dma_start3A_163 = tpu.memref_slice %arg9[%dma_start3A_161, %dma_start3A_162] : memref<10000x144xf32, #tpu.memory_space<vmem_shared>> -> memref<10000x144xf32, #tpu.memory_space<vmem_shared>>
        tpu.enqueue_indirect_dma source(%arg20 : memref<40x144xf32, #tpu.memory_space<vmem>>) target(%dma_start3A_163 : memref<10000x144xf32, #tpu.memory_space<vmem_shared>>) offsets(%dma_start3A_160 : memref<40xi32, #tpu.memory_space<vmem>>) semaphore(%run_scoped3A_157 : memref<!tpu.dma_semaphore, #tpu.memory_space<semaphore_mem>>) {add = true}
        %dma_wait3A_164 = arith.constant 0 : i32
        %dma_wait3A_165 = tpu.memref_slice %arg10[%run_scoped3A, %dma_wait3A_164] : memref<3x40xi32, #tpu.memory_space<vmem>> -> memref<1x40xi32, #tpu.memory_space<vmem>>
        %dma_wait3A_166 = tpu.memref_squeeze %dma_wait3A_165 : memref<1x40xi32, #tpu.memory_space<vmem>> -> memref<40xi32, #tpu.memory_space<vmem>>
        %dma_wait3A_167 = arith.constant 0 : i32
        %dma_wait3A_168 = arith.constant 0 : i32
        %dma_wait3A_169 = tpu.memref_slice %arg9[%dma_wait3A_167, %dma_wait3A_168] : memref<10000x144xf32, #tpu.memory_space<vmem_shared>> -> memref<10000x144xf32, #tpu.memory_space<vmem_shared>>
        tpu.wait_indirect_dma semaphore(%run_scoped3A_157 : memref<!tpu.dma_semaphore, #tpu.memory_space<semaphore_mem>>) src(%arg20 : memref<40x144xf32, #tpu.memory_space<vmem>>) dst(%dma_wait3A_169 : memref<10000x144xf32, #tpu.memory_space<vmem_shared>>)
        tpu.yield
      }) : () -> ()
      %mul3A_113 = arith.constant 2 : i32
      %mul3A_114 = arith.muli %scan3A_71, %mul3A_113 : i32
      %add3A_115 = arith.constant 1 : i32
      %add3A_116 = arith.addi %mul3A_114, %add3A_115 : i32
      %lt3A_117 = arith.constant 249 : i32
      %lt3A_118 = arith.cmpi slt, %add3A_116, %lt3A_117 : i32
      %convert_element_type3A_119 = arith.extui %lt3A_118 : i1 to i32
      %cond3A_120 = arith.constant 0 : i32
      %cond3A_121 = arith.cmpi ne, %convert_element_type3A_119, %cond3A_120 : i32
      scf.if %cond3A_121 {
        %add3A_157 = arith.constant 1 : i32
        %add3A_158 = arith.addi %add3A_116, %add3A_157 : i32
        %mul3A_159 = arith.constant 250 : i32
        %mul3A_160 = arith.muli %add3A, %mul3A_159 : i32
        %add3A_161 = arith.addi %mul3A_160, %add3A_158 : i32
        "tpu.region"() ({
          %run_scoped3A_190 = tpu.sem_alloc : memref<!tpu.dma_semaphore, #tpu.memory_space<semaphore_mem>>
          %dma_start3A_191 = arith.constant 0 : i32
          %dma_start3A_192 = arith.constant 0 : i32
          %dma_start3A_193 = tpu.memref_slice %arg6[%add3A_161, %dma_start3A_191, %dma_start3A_192] : memref<8000x3x40xi32, #tpu.memory_space<hbm>> -> memref<1x3x40xi32, #tpu.memory_space<hbm>>
          %dma_start3A_194 = tpu.memref_squeeze %dma_start3A_193 : memref<1x3x40xi32, #tpu.memory_space<hbm>> -> memref<3x40xi32, #tpu.memory_space<hbm>>
          %dma_start3A_195 = arith.constant 0 : i32
          %dma_start3A_196 = arith.constant 0 : i32
          %dma_start3A_197 = tpu.memref_slice %arg6[%add3A_161, %dma_start3A_195, %dma_start3A_196] : memref<8000x3x40xi32, #tpu.memory_space<hbm>> -> memref<1x3x40xi32, #tpu.memory_space<hbm>>
          %dma_start3A_198 = tpu.memref_squeeze %dma_start3A_197 : memref<1x3x40xi32, #tpu.memory_space<hbm>> -> memref<3x40xi32, #tpu.memory_space<hbm>>
          tpu.enqueue_dma source(%dma_start3A_198 : memref<3x40xi32, #tpu.memory_space<hbm>>) target(%arg10 : memref<3x40xi32, #tpu.memory_space<vmem>>) target_semaphore(%run_scoped3A_190 : memref<!tpu.dma_semaphore, #tpu.memory_space<semaphore_mem>>)
          %dma_wait3A_199 = arith.constant 0 : i32
          %dma_wait3A_200 = arith.constant 0 : i32
          %dma_wait3A_201 = tpu.memref_slice %arg6[%add3A_161, %dma_wait3A_199, %dma_wait3A_200] : memref<8000x3x40xi32, #tpu.memory_space<hbm>> -> memref<1x3x40xi32, #tpu.memory_space<hbm>>
          %dma_wait3A_202 = tpu.memref_squeeze %dma_wait3A_201 : memref<1x3x40xi32, #tpu.memory_space<hbm>> -> memref<3x40xi32, #tpu.memory_space<hbm>>
          %dma_wait3A_203 = arith.constant 0 : i32
          %dma_wait3A_204 = arith.constant 0 : i32
          %dma_wait3A_205 = tpu.memref_slice %arg6[%add3A_161, %dma_wait3A_203, %dma_wait3A_204] : memref<8000x3x40xi32, #tpu.memory_space<hbm>> -> memref<1x3x40xi32, #tpu.memory_space<hbm>>
          %dma_wait3A_206 = tpu.memref_squeeze %dma_wait3A_205 : memref<1x3x40xi32, #tpu.memory_space<hbm>> -> memref<3x40xi32, #tpu.memory_space<hbm>>
          tpu.wait_dma2 semaphore(%run_scoped3A_190 : memref<!tpu.dma_semaphore, #tpu.memory_space<semaphore_mem>>) src(%dma_wait3A_206 : memref<3x40xi32, #tpu.memory_space<hbm>>) dst(%arg10 : memref<3x40xi32, #tpu.memory_space<vmem>>)
          tpu.yield
        }) : () -> ()
        %dma_start3A_162 = arith.constant 0 : i32
        %dma_start3A_163 = arith.constant 0 : i32
        %dma_start3A_164 = tpu.memref_slice %arg10[%dma_start3A_162, %dma_start3A_163] : memref<3x40xi32, #tpu.memory_space<vmem>> -> memref<1x40xi32, #tpu.memory_space<vmem>>
        %dma_start3A_165 = tpu.memref_squeeze %dma_start3A_164 : memref<1x40xi32, #tpu.memory_space<vmem>> -> memref<40xi32, #tpu.memory_space<vmem>>
        %dma_start3A_166 = arith.constant 0 : i32
        %dma_start3A_167 = arith.constant 0 : i32
        %dma_start3A_168 = tpu.memref_slice %arg3[%dma_start3A_166, %dma_start3A_167] : memref<10000x128xf32, #tpu.memory_space<hbm>> -> memref<10000x128xf32, #tpu.memory_space<hbm>>
        tpu.enqueue_indirect_dma source(%dma_start3A_168 : memref<10000x128xf32, #tpu.memory_space<hbm>>) target(%arg12 : memref<40x128xf32, #tpu.memory_space<vmem>>) offsets(%dma_start3A_165 : memref<40xi32, #tpu.memory_space<vmem>>) semaphore(%arg21 : memref<!tpu.dma_semaphore, #tpu.memory_space<semaphore_mem>>)
        %dma_start3A_169 = arith.constant 1 : i32
        %dma_start3A_170 = arith.constant 0 : i32
        %dma_start3A_171 = tpu.memref_slice %arg10[%dma_start3A_169, %dma_start3A_170] : memref<3x40xi32, #tpu.memory_space<vmem>> -> memref<1x40xi32, #tpu.memory_space<vmem>>
        %dma_start3A_172 = tpu.memref_squeeze %dma_start3A_171 : memref<1x40xi32, #tpu.memory_space<vmem>> -> memref<40xi32, #tpu.memory_space<vmem>>
        %dma_start3A_173 = arith.constant 0 : i32
        %dma_start3A_174 = arith.constant 0 : i32
        %dma_start3A_175 = tpu.memref_slice %arg2[%dma_start3A_173, %dma_start3A_174] : memref<10000x128xf32, #tpu.memory_space<hbm>> -> memref<10000x128xf32, #tpu.memory_space<hbm>>
        tpu.enqueue_indirect_dma source(%dma_start3A_175 : memref<10000x128xf32, #tpu.memory_space<hbm>>) target(%arg14 : memref<40x128xf32, #tpu.memory_space<vmem>>) offsets(%dma_start3A_172 : memref<40xi32, #tpu.memory_space<vmem>>) semaphore(%arg21 : memref<!tpu.dma_semaphore, #tpu.memory_space<semaphore_mem>>)
        %dma_start3A_176 = arith.constant 0 : i32
        %dma_start3A_177 = arith.constant 0 : i32
        %dma_start3A_178 = tpu.memref_slice %arg10[%dma_start3A_176, %dma_start3A_177] : memref<3x40xi32, #tpu.memory_space<vmem>> -> memref<1x40xi32, #tpu.memory_space<vmem>>
        %dma_start3A_179 = tpu.memref_squeeze %dma_start3A_178 : memref<1x40xi32, #tpu.memory_space<vmem>> -> memref<40xi32, #tpu.memory_space<vmem>>
        %dma_start3A_180 = arith.constant 0 : i32
        %dma_start3A_181 = arith.constant 0 : i32
        %dma_start3A_182 = tpu.memref_slice %arg4[%dma_start3A_180, %dma_start3A_181] : memref<10000x128xf32, #tpu.memory_space<hbm>> -> memref<10000x128xf32, #tpu.memory_space<hbm>>
        tpu.enqueue_indirect_dma source(%dma_start3A_182 : memref<10000x128xf32, #tpu.memory_space<hbm>>) target(%arg16 : memref<40x128xf32, #tpu.memory_space<vmem>>) offsets(%dma_start3A_179 : memref<40xi32, #tpu.memory_space<vmem>>) semaphore(%arg21 : memref<!tpu.dma_semaphore, #tpu.memory_space<semaphore_mem>>)
        %dma_start3A_183 = arith.constant 2 : i32
        %dma_start3A_184 = arith.constant 0 : i32
        %dma_start3A_185 = tpu.memref_slice %arg10[%dma_start3A_183, %dma_start3A_184] : memref<3x40xi32, #tpu.memory_space<vmem>> -> memref<1x40xi32, #tpu.memory_space<vmem>>
        %dma_start3A_186 = tpu.memref_squeeze %dma_start3A_185 : memref<1x40xi32, #tpu.memory_space<vmem>> -> memref<40xi32, #tpu.memory_space<vmem>>
        %dma_start3A_187 = arith.constant 0 : i32
        %dma_start3A_188 = arith.constant 0 : i32
        %dma_start3A_189 = tpu.memref_slice %arg5[%dma_start3A_187, %dma_start3A_188] : memref<50x16xf32, #tpu.memory_space<hbm>> -> memref<50x16xf32, #tpu.memory_space<hbm>>
        tpu.enqueue_indirect_dma source(%dma_start3A_189 : memref<50x16xf32, #tpu.memory_space<hbm>>) target(%arg18 : memref<40x16xf32, #tpu.memory_space<vmem>>) offsets(%dma_start3A_186 : memref<40xi32, #tpu.memory_space<vmem>>) semaphore(%arg21 : memref<!tpu.dma_semaphore, #tpu.memory_space<semaphore_mem>>)
      } else {
      }
      %dma_wait3A_122 = arith.constant 0 : i32
      %dma_wait3A_123 = arith.constant 0 : i32
      %dma_wait3A_124 = tpu.memref_slice %arg11[%dma_wait3A_122, %dma_wait3A_123] : memref<3x40xi32, #tpu.memory_space<vmem>> -> memref<1x40xi32, #tpu.memory_space<vmem>>
      %dma_wait3A_125 = tpu.memref_squeeze %dma_wait3A_124 : memref<1x40xi32, #tpu.memory_space<vmem>> -> memref<40xi32, #tpu.memory_space<vmem>>
      %dma_wait3A_126 = arith.constant 0 : i32
      %dma_wait3A_127 = arith.constant 0 : i32
      %dma_wait3A_128 = tpu.memref_slice %arg3[%dma_wait3A_126, %dma_wait3A_127] : memref<10000x128xf32, #tpu.memory_space<hbm>> -> memref<10000x128xf32, #tpu.memory_space<hbm>>
      tpu.wait_indirect_dma semaphore(%arg22 : memref<!tpu.dma_semaphore, #tpu.memory_space<semaphore_mem>>) src(%dma_wait3A_128 : memref<10000x128xf32, #tpu.memory_space<hbm>>) dst(%arg13 : memref<40x128xf32, #tpu.memory_space<vmem>>)
      %dma_wait3A_129 = arith.constant 1 : i32
      %dma_wait3A_130 = arith.constant 0 : i32
      %dma_wait3A_131 = tpu.memref_slice %arg11[%dma_wait3A_129, %dma_wait3A_130] : memref<3x40xi32, #tpu.memory_space<vmem>> -> memref<1x40xi32, #tpu.memory_space<vmem>>
      %dma_wait3A_132 = tpu.memref_squeeze %dma_wait3A_131 : memref<1x40xi32, #tpu.memory_space<vmem>> -> memref<40xi32, #tpu.memory_space<vmem>>
      %dma_wait3A_133 = arith.constant 0 : i32
      %dma_wait3A_134 = arith.constant 0 : i32
      %dma_wait3A_135 = tpu.memref_slice %arg2[%dma_wait3A_133, %dma_wait3A_134] : memref<10000x128xf32, #tpu.memory_space<hbm>> -> memref<10000x128xf32, #tpu.memory_space<hbm>>
      tpu.wait_indirect_dma semaphore(%arg22 : memref<!tpu.dma_semaphore, #tpu.memory_space<semaphore_mem>>) src(%dma_wait3A_135 : memref<10000x128xf32, #tpu.memory_space<hbm>>) dst(%arg15 : memref<40x128xf32, #tpu.memory_space<vmem>>)
      %dma_wait3A_136 = arith.constant 0 : i32
      %dma_wait3A_137 = arith.constant 0 : i32
      %dma_wait3A_138 = tpu.memref_slice %arg11[%dma_wait3A_136, %dma_wait3A_137] : memref<3x40xi32, #tpu.memory_space<vmem>> -> memref<1x40xi32, #tpu.memory_space<vmem>>
      %dma_wait3A_139 = tpu.memref_squeeze %dma_wait3A_138 : memref<1x40xi32, #tpu.memory_space<vmem>> -> memref<40xi32, #tpu.memory_space<vmem>>
      %dma_wait3A_140 = arith.constant 0 : i32
      %dma_wait3A_141 = arith.constant 0 : i32
      %dma_wait3A_142 = tpu.memref_slice %arg4[%dma_wait3A_140, %dma_wait3A_141] : memref<10000x128xf32, #tpu.memory_space<hbm>> -> memref<10000x128xf32, #tpu.memory_space<hbm>>
      tpu.wait_indirect_dma semaphore(%arg22 : memref<!tpu.dma_semaphore, #tpu.memory_space<semaphore_mem>>) src(%dma_wait3A_142 : memref<10000x128xf32, #tpu.memory_space<hbm>>) dst(%arg17 : memref<40x128xf32, #tpu.memory_space<vmem>>)
      %dma_wait3A_143 = arith.constant 2 : i32
      %dma_wait3A_144 = arith.constant 0 : i32
      %dma_wait3A_145 = tpu.memref_slice %arg11[%dma_wait3A_143, %dma_wait3A_144] : memref<3x40xi32, #tpu.memory_space<vmem>> -> memref<1x40xi32, #tpu.memory_space<vmem>>
      %dma_wait3A_146 = tpu.memref_squeeze %dma_wait3A_145 : memref<1x40xi32, #tpu.memory_space<vmem>> -> memref<40xi32, #tpu.memory_space<vmem>>
      %dma_wait3A_147 = arith.constant 0 : i32
      %dma_wait3A_148 = arith.constant 0 : i32
      %dma_wait3A_149 = tpu.memref_slice %arg5[%dma_wait3A_147, %dma_wait3A_148] : memref<50x16xf32, #tpu.memory_space<hbm>> -> memref<50x16xf32, #tpu.memory_space<hbm>>
      tpu.wait_indirect_dma semaphore(%arg22 : memref<!tpu.dma_semaphore, #tpu.memory_space<semaphore_mem>>) src(%dma_wait3A_149 : memref<50x16xf32, #tpu.memory_space<hbm>>) dst(%arg19 : memref<40x16xf32, #tpu.memory_space<vmem>>)
      %scan3A_150 = arith.constant 0 : i32
      %scan3A_151 = arith.constant 0 : i32
      %scan3A_152 = arith.constant 40 : i32
      %scan3A_153 = arith.addi %scan3A_151, %scan3A_152 : i32
      %scan3A_154 = arith.constant 1 : i32
      scf.for %scan3A_157 = %scan3A_151 to %scan3A_153 step %scan3A_154  : i32 {
        %get3A = arith.index_cast %scan3A_157 : i32 to index
        %get3A_158 = arith.constant 0 : index
        %get3A_159 = tpu.vector_load %arg19[%get3A, %get3A_158] {strides = array<i32>} : memref<40x16xf32, #tpu.memory_space<vmem>>, vector<1x16xf32>,
        %get3A_160 = vector.shape_cast %get3A_159 : vector<1x16xf32> to vector<16xf32>
        %get3A_161 = arith.index_cast %scan3A_157 : i32 to index
        %get3A_162 = arith.constant 0 : index
        %get3A_163 = tpu.vector_load %arg13[%get3A_161, %get3A_162] {strides = array<i32>} : memref<40x128xf32, #tpu.memory_space<vmem>>, vector<1x16xf32>,
        %get3A_164 = vector.shape_cast %get3A_163 : vector<1x16xf32> to vector<16xf32>
        %get3A_165 = arith.index_cast %scan3A_157 : i32 to index
        %get3A_166 = arith.constant 0 : index
        %get3A_167 = tpu.vector_load %arg15[%get3A_165, %get3A_166] {strides = array<i32>} : memref<40x128xf32, #tpu.memory_space<vmem>>, vector<1x16xf32>,
        %get3A_168 = vector.shape_cast %get3A_167 : vector<1x16xf32> to vector<16xf32>
        %get3A_169 = arith.index_cast %scan3A_157 : i32 to index
        %get3A_170 = arith.constant 0 : index
        %get3A_171 = tpu.vector_load %arg17[%get3A_169, %get3A_170] {strides = array<i32>} : memref<40x128xf32, #tpu.memory_space<vmem>>, vector<1x16xf32>,
        %get3A_172 = vector.shape_cast %get3A_171 : vector<1x16xf32> to vector<16xf32>
        %add3A_173 = arith.addf %get3A_164, %get3A_160 : vector<16xf32>
        %mul3A_174 = arith.mulf %add3A_173, %get3A_168 : vector<16xf32>
        %broadcast_in_dim3A_175 = vector.shape_cast %and3A_10 : vector<16xi32> to vector<16x1xi32>
        %gather3A = vector.shape_cast %broadcast_in_dim3A_175 : vector<16x1xi32> to vector<16xi32>
        %gather3A_176 = tpu.dynamic_gather %mul3A_174[%gather3A] in [0] : vector<16xf32>, vector<16xi32> -> vector<16xf32>
        %add3A_177 = arith.addf %mul3A_174, %gather3A_176 : vector<16xf32>
        %broadcast_in_dim3A_178 = vector.shape_cast %and3A_16 : vector<16xi32> to vector<16x1xi32>
        %gather3A_179 = vector.shape_cast %broadcast_in_dim3A_178 : vector<16x1xi32> to vector<16xi32>
        %gather3A_180 = tpu.dynamic_gather %add3A_177[%gather3A_179] in [0] : vector<16xf32>, vector<16xi32> -> vector<16xf32>
        %add3A_181 = arith.addf %add3A_177, %gather3A_180 : vector<16xf32>
        %broadcast_in_dim3A_182 = vector.shape_cast %and3A_22 : vector<16xi32> to vector<16x1xi32>
        %gather3A_183 = vector.shape_cast %broadcast_in_dim3A_182 : vector<16x1xi32> to vector<16xi32>
        %gather3A_184 = tpu.dynamic_gather %add3A_181[%gather3A_183] in [0] : vector<16xf32>, vector<16xi32> -> vector<16xf32>
        %add3A_185 = arith.addf %add3A_181, %gather3A_184 : vector<16xf32>
        %broadcast_in_dim3A_186 = vector.shape_cast %and3A_28 : vector<16xi32> to vector<16x1xi32>
        %gather3A_187 = vector.shape_cast %broadcast_in_dim3A_186 : vector<16x1xi32> to vector<16xi32>
        %gather3A_188 = tpu.dynamic_gather %add3A_185[%gather3A_187] in [0] : vector<16xf32>, vector<16xi32> -> vector<16xf32>
        %add3A_189 = arith.addf %add3A_185, %gather3A_188 : vector<16xf32>
        %mul3A_190 = arith.constant 2.500000e-01 : f32
        %mul3A_191 = vector.broadcast %mul3A_190 : f32 to vector<16xf32>
        %mul3A_192 = arith.mulf %add3A_189, %mul3A_191 : vector<16xf32>
        %jit3A = arith.constant -1.000000e+01 : f32
        %jit3A_193 = arith.constant 1.000000e+01 : f32
        %max3A = vector.broadcast %jit3A : f32 to vector<16xf32>
        %max3A_194 = arith.maximumf %max3A, %mul3A_192 : vector<16xf32>
        %min3A = vector.broadcast %jit3A_193 : f32 to vector<16xf32>
        %min3A_195 = arith.minimumf %min3A, %max3A_194 : vector<16xf32>
        %exp3A = math.exp %min3A_195 : vector<16xf32>
        %add3A_196 = arith.addf %get3A_172, %get3A_160 : vector<16xf32>
        %mul3A_197 = arith.mulf %add3A_196, %exp3A : vector<16xf32>
        %swap3A = arith.index_cast %scan3A_157 : i32 to index
        %swap3A_198 = arith.constant 0 : index
        %swap3A_199 = tpu.vector_load %arg20[%swap3A, %swap3A_198] {strides = array<i32>} : memref<40x144xf32, #tpu.memory_space<vmem>>, vector<1x16xf32>,
        %swap3A_200 = vector.shape_cast %swap3A_199 : vector<1x16xf32> to vector<16xf32>
        %swap3A_201 = vector.shape_cast %mul3A_197 : vector<16xf32> to vector<1x16xf32>
        tpu.vector_store %arg20[%swap3A, %swap3A_198], %swap3A_201 {strides = array<i32>} : memref<40x144xf32, #tpu.memory_space<vmem>>, vector<1x16xf32>,
        %eq3A_202 = arith.constant 0 : i32
        %eq3A_203 = vector.broadcast %eq3A_202 : i32 to vector<16xi32>
        %eq3A_204 = arith.cmpi eq, %iota3A, %eq3A_203 : vector<16xi32>
        %select_n3A = arith.select %eq3A_204, %exp3A, %broadcast_in_dim3A_1 : vector<16xi1>, vector<16xf32>
        %get3A_205 = arith.index_cast %scan3A_157 : i32 to index
        %get3A_206 = arith.constant 16 : index
        %get3A_207 = tpu.vector_load %arg13[%get3A_205, %get3A_206] {strides = array<i32>} : memref<40x128xf32, #tpu.memory_space<vmem>>, vector<1x16xf32>,
        %get3A_208 = vector.shape_cast %get3A_207 : vector<1x16xf32> to vector<16xf32>
        %get3A_209 = arith.index_cast %scan3A_157 : i32 to index
        %get3A_210 = arith.constant 16 : index
        %get3A_211 = tpu.vector_load %arg15[%get3A_209, %get3A_210] {strides = array<i32>} : memref<40x128xf32, #tpu.memory_space<vmem>>, vector<1x16xf32>,
        %get3A_212 = vector.shape_cast %get3A_211 : vector<1x16xf32> to vector<16xf32>
        %get3A_213 = arith.index_cast %scan3A_157 : i32 to index
        %get3A_214 = arith.constant 16 : index
        %get3A_215 = tpu.vector_load %arg17[%get3A_213, %get3A_214] {strides = array<i32>} : memref<40x128xf32, #tpu.memory_space<vmem>>, vector<1x16xf32>,
        %get3A_216 = vector.shape_cast %get3A_215 : vector<1x16xf32> to vector<16xf32>
        %add3A_217 = arith.addf %get3A_208, %get3A_160 : vector<16xf32>
        %mul3A_218 = arith.mulf %add3A_217, %get3A_212 : vector<16xf32>
        %broadcast_in_dim3A_219 = vector.shape_cast %and3A_10 : vector<16xi32> to vector<16x1xi32>
        %gather3A_220 = vector.shape_cast %broadcast_in_dim3A_219 : vector<16x1xi32> to vector<16xi32>
        %gather3A_221 = tpu.dynamic_gather %mul3A_218[%gather3A_220] in [0] : vector<16xf32>, vector<16xi32> -> vector<16xf32>
        %add3A_222 = arith.addf %mul3A_218, %gather3A_221 : vector<16xf32>
        %broadcast_in_dim3A_223 = vector.shape_cast %and3A_16 : vector<16xi32> to vector<16x1xi32>
        %gather3A_224 = vector.shape_cast %broadcast_in_dim3A_223 : vector<16x1xi32> to vector<16xi32>
        %gather3A_225 = tpu.dynamic_gather %add3A_222[%gather3A_224] in [0] : vector<16xf32>, vector<16xi32> -> vector<16xf32>
        %add3A_226 = arith.addf %add3A_222, %gather3A_225 : vector<16xf32>
        %broadcast_in_dim3A_227 = vector.shape_cast %and3A_22 : vector<16xi32> to vector<16x1xi32>
        %gather3A_228 = vector.shape_cast %broadcast_in_dim3A_227 : vector<16x1xi32> to vector<16xi32>
        %gather3A_229 = tpu.dynamic_gather %add3A_226[%gather3A_228] in [0] : vector<16xf32>, vector<16xi32> -> vector<16xf32>
        %add3A_230 = arith.addf %add3A_226, %gather3A_229 : vector<16xf32>
        %broadcast_in_dim3A_231 = vector.shape_cast %and3A_28 : vector<16xi32> to vector<16x1xi32>
        %gather3A_232 = vector.shape_cast %broadcast_in_dim3A_231 : vector<16x1xi32> to vector<16xi32>
        %gather3A_233 = tpu.dynamic_gather %add3A_230[%gather3A_232] in [0] : vector<16xf32>, vector<16xi32> -> vector<16xf32>
        %add3A_234 = arith.addf %add3A_230, %gather3A_233 : vector<16xf32>
        %mul3A_235 = arith.constant 2.500000e-01 : f32
        %mul3A_236 = vector.broadcast %mul3A_235 : f32 to vector<16xf32>
        %mul3A_237 = arith.mulf %add3A_234, %mul3A_236 : vector<16xf32>
        %jit3A_238 = arith.constant -1.000000e+01 : f32
        %jit3A_239 = arith.constant 1.000000e+01 : f32
        %max3A_240 = vector.broadcast %jit3A_238 : f32 to vector<16xf32>
        %max3A_241 = arith.maximumf %max3A_240, %mul3A_237 : vector<16xf32>
        %min3A_242 = vector.broadcast %jit3A_239 : f32 to vector<16xf32>
        %min3A_243 = arith.minimumf %min3A_242, %max3A_241 : vector<16xf32>
        %exp3A_244 = math.exp %min3A_243 : vector<16xf32>
        %add3A_245 = arith.addf %get3A_216, %get3A_160 : vector<16xf32>
        %mul3A_246 = arith.mulf %add3A_245, %exp3A_244 : vector<16xf32>
        %swap3A_247 = arith.index_cast %scan3A_157 : i32 to index
        %swap3A_248 = arith.constant 16 : index
        %swap3A_249 = tpu.vector_load %arg20[%swap3A_247, %swap3A_248] {strides = array<i32>} : memref<40x144xf32, #tpu.memory_space<vmem>>, vector<1x16xf32>,
        %swap3A_250 = vector.shape_cast %swap3A_249 : vector<1x16xf32> to vector<16xf32>
        %swap3A_251 = vector.shape_cast %mul3A_246 : vector<16xf32> to vector<1x16xf32>
        tpu.vector_store %arg20[%swap3A_247, %swap3A_248], %swap3A_251 {strides = array<i32>} : memref<40x144xf32, #tpu.memory_space<vmem>>, vector<1x16xf32>,
        %eq3A_252 = arith.constant 1 : i32
        %eq3A_253 = vector.broadcast %eq3A_252 : i32 to vector<16xi32>
        %eq3A_254 = arith.cmpi eq, %iota3A, %eq3A_253 : vector<16xi32>
        %select_n3A_255 = arith.select %eq3A_254, %exp3A_244, %select_n3A : vector<16xi1>, vector<16xf32>
        %get3A_256 = arith.index_cast %scan3A_157 : i32 to index
        %get3A_257 = arith.constant 32 : index
        %get3A_258 = tpu.vector_load %arg13[%get3A_256, %get3A_257] {strides = array<i32>} : memref<40x128xf32, #tpu.memory_space<vmem>>, vector<1x16xf32>,
        %get3A_259 = vector.shape_cast %get3A_258 : vector<1x16xf32> to vector<16xf32>
        %get3A_260 = arith.index_cast %scan3A_157 : i32 to index
        %get3A_261 = arith.constant 32 : index
        %get3A_262 = tpu.vector_load %arg15[%get3A_260, %get3A_261] {strides = array<i32>} : memref<40x128xf32, #tpu.memory_space<vmem>>, vector<1x16xf32>,
        %get3A_263 = vector.shape_cast %get3A_262 : vector<1x16xf32> to vector<16xf32>
        %get3A_264 = arith.index_cast %scan3A_157 : i32 to index
        %get3A_265 = arith.constant 32 : index
        %get3A_266 = tpu.vector_load %arg17[%get3A_264, %get3A_265] {strides = array<i32>} : memref<40x128xf32, #tpu.memory_space<vmem>>, vector<1x16xf32>,
        %get3A_267 = vector.shape_cast %get3A_266 : vector<1x16xf32> to vector<16xf32>
        %add3A_268 = arith.addf %get3A_259, %get3A_160 : vector<16xf32>
        %mul3A_269 = arith.mulf %add3A_268, %get3A_263 : vector<16xf32>
        %broadcast_in_dim3A_270 = vector.shape_cast %and3A_10 : vector<16xi32> to vector<16x1xi32>
        %gather3A_271 = vector.shape_cast %broadcast_in_dim3A_270 : vector<16x1xi32> to vector<16xi32>
        %gather3A_272 = tpu.dynamic_gather %mul3A_269[%gather3A_271] in [0] : vector<16xf32>, vector<16xi32> -> vector<16xf32>
        %add3A_273 = arith.addf %mul3A_269, %gather3A_272 : vector<16xf32>
        %broadcast_in_dim3A_274 = vector.shape_cast %and3A_16 : vector<16xi32> to vector<16x1xi32>
        %gather3A_275 = vector.shape_cast %broadcast_in_dim3A_274 : vector<16x1xi32> to vector<16xi32>
        %gather3A_276 = tpu.dynamic_gather %add3A_273[%gather3A_275] in [0] : vector<16xf32>, vector<16xi32> -> vector<16xf32>
        %add3A_277 = arith.addf %add3A_273, %gather3A_276 : vector<16xf32>
        %broadcast_in_dim3A_278 = vector.shape_cast %and3A_22 : vector<16xi32> to vector<16x1xi32>
        %gather3A_279 = vector.shape_cast %broadcast_in_dim3A_278 : vector<16x1xi32> to vector<16xi32>
        %gather3A_280 = tpu.dynamic_gather %add3A_277[%gather3A_279] in [0] : vector<16xf32>, vector<16xi32> -> vector<16xf32>
        %add3A_281 = arith.addf %add3A_277, %gather3A_280 : vector<16xf32>
        %broadcast_in_dim3A_282 = vector.shape_cast %and3A_28 : vector<16xi32> to vector<16x1xi32>
        %gather3A_283 = vector.shape_cast %broadcast_in_dim3A_282 : vector<16x1xi32> to vector<16xi32>
        %gather3A_284 = tpu.dynamic_gather %add3A_281[%gather3A_283] in [0] : vector<16xf32>, vector<16xi32> -> vector<16xf32>
        %add3A_285 = arith.addf %add3A_281, %gather3A_284 : vector<16xf32>
        %mul3A_286 = arith.constant 2.500000e-01 : f32
        %mul3A_287 = vector.broadcast %mul3A_286 : f32 to vector<16xf32>
        %mul3A_288 = arith.mulf %add3A_285, %mul3A_287 : vector<16xf32>
        %jit3A_289 = arith.constant -1.000000e+01 : f32
        %jit3A_290 = arith.constant 1.000000e+01 : f32
        %max3A_291 = vector.broadcast %jit3A_289 : f32 to vector<16xf32>
        %max3A_292 = arith.maximumf %max3A_291, %mul3A_288 : vector<16xf32>
        %min3A_293 = vector.broadcast %jit3A_290 : f32 to vector<16xf32>
        %min3A_294 = arith.minimumf %min3A_293, %max3A_292 : vector<16xf32>
        %exp3A_295 = math.exp %min3A_294 : vector<16xf32>
        %add3A_296 = arith.addf %get3A_267, %get3A_160 : vector<16xf32>
        %mul3A_297 = arith.mulf %add3A_296, %exp3A_295 : vector<16xf32>
        %swap3A_298 = arith.index_cast %scan3A_157 : i32 to index
        %swap3A_299 = arith.constant 32 : index
        %swap3A_300 = tpu.vector_load %arg20[%swap3A_298, %swap3A_299] {strides = array<i32>} : memref<40x144xf32, #tpu.memory_space<vmem>>, vector<1x16xf32>,
        %swap3A_301 = vector.shape_cast %swap3A_300 : vector<1x16xf32> to vector<16xf32>
        %swap3A_302 = vector.shape_cast %mul3A_297 : vector<16xf32> to vector<1x16xf32>
        tpu.vector_store %arg20[%swap3A_298, %swap3A_299], %swap3A_302 {strides = array<i32>} : memref<40x144xf32, #tpu.memory_space<vmem>>, vector<1x16xf32>,
        %eq3A_303 = arith.constant 2 : i32
        %eq3A_304 = vector.broadcast %eq3A_303 : i32 to vector<16xi32>
        %eq3A_305 = arith.cmpi eq, %iota3A, %eq3A_304 : vector<16xi32>
        %select_n3A_306 = arith.select %eq3A_305, %exp3A_295, %select_n3A_255 : vector<16xi1>, vector<16xf32>
        %get3A_307 = arith.index_cast %scan3A_157 : i32 to index
        %get3A_308 = arith.constant 48 : index
        %get3A_309 = tpu.vector_load %arg13[%get3A_307, %get3A_308] {strides = array<i32>} : memref<40x128xf32, #tpu.memory_space<vmem>>, vector<1x16xf32>,
        %get3A_310 = vector.shape_cast %get3A_309 : vector<1x16xf32> to vector<16xf32>
        %get3A_311 = arith.index_cast %scan3A_157 : i32 to index
        %get3A_312 = arith.constant 48 : index
        %get3A_313 = tpu.vector_load %arg15[%get3A_311, %get3A_312] {strides = array<i32>} : memref<40x128xf32, #tpu.memory_space<vmem>>, vector<1x16xf32>,
        %get3A_314 = vector.shape_cast %get3A_313 : vector<1x16xf32> to vector<16xf32>
        %get3A_315 = arith.index_cast %scan3A_157 : i32 to index
        %get3A_316 = arith.constant 48 : index
        %get3A_317 = tpu.vector_load %arg17[%get3A_315, %get3A_316] {strides = array<i32>} : memref<40x128xf32, #tpu.memory_space<vmem>>, vector<1x16xf32>,
        %get3A_318 = vector.shape_cast %get3A_317 : vector<1x16xf32> to vector<16xf32>
        %add3A_319 = arith.addf %get3A_310, %get3A_160 : vector<16xf32>
        %mul3A_320 = arith.mulf %add3A_319, %get3A_314 : vector<16xf32>
        %broadcast_in_dim3A_321 = vector.shape_cast %and3A_10 : vector<16xi32> to vector<16x1xi32>
        %gather3A_322 = vector.shape_cast %broadcast_in_dim3A_321 : vector<16x1xi32> to vector<16xi32>
        %gather3A_323 = tpu.dynamic_gather %mul3A_320[%gather3A_322] in [0] : vector<16xf32>, vector<16xi32> -> vector<16xf32>
        %add3A_324 = arith.addf %mul3A_320, %gather3A_323 : vector<16xf32>
        %broadcast_in_dim3A_325 = vector.shape_cast %and3A_16 : vector<16xi32> to vector<16x1xi32>
        %gather3A_326 = vector.shape_cast %broadcast_in_dim3A_325 : vector<16x1xi32> to vector<16xi32>
        %gather3A_327 = tpu.dynamic_gather %add3A_324[%gather3A_326] in [0] : vector<16xf32>, vector<16xi32> -> vector<16xf32>
        %add3A_328 = arith.addf %add3A_324, %gather3A_327 : vector<16xf32>
        %broadcast_in_dim3A_329 = vector.shape_cast %and3A_22 : vector<16xi32> to vector<16x1xi32>
        %gather3A_330 = vector.shape_cast %broadcast_in_dim3A_329 : vector<16x1xi32> to vector<16xi32>
        %gather3A_331 = tpu.dynamic_gather %add3A_328[%gather3A_330] in [0] : vector<16xf32>, vector<16xi32> -> vector<16xf32>
        %add3A_332 = arith.addf %add3A_328, %gather3A_331 : vector<16xf32>
        %broadcast_in_dim3A_333 = vector.shape_cast %and3A_28 : vector<16xi32> to vector<16x1xi32>
        %gather3A_334 = vector.shape_cast %broadcast_in_dim3A_333 : vector<16x1xi32> to vector<16xi32>
        %gather3A_335 = tpu.dynamic_gather %add3A_332[%gather3A_334] in [0] : vector<16xf32>, vector<16xi32> -> vector<16xf32>
        %add3A_336 = arith.addf %add3A_332, %gather3A_335 : vector<16xf32>
        %mul3A_337 = arith.constant 2.500000e-01 : f32
        %mul3A_338 = vector.broadcast %mul3A_337 : f32 to vector<16xf32>
        %mul3A_339 = arith.mulf %add3A_336, %mul3A_338 : vector<16xf32>
        %jit3A_340 = arith.constant -1.000000e+01 : f32
        %jit3A_341 = arith.constant 1.000000e+01 : f32
        %max3A_342 = vector.broadcast %jit3A_340 : f32 to vector<16xf32>
        %max3A_343 = arith.maximumf %max3A_342, %mul3A_339 : vector<16xf32>
        %min3A_344 = vector.broadcast %jit3A_341 : f32 to vector<16xf32>
        %min3A_345 = arith.minimumf %min3A_344, %max3A_343 : vector<16xf32>
        %exp3A_346 = math.exp %min3A_345 : vector<16xf32>
        %add3A_347 = arith.addf %get3A_318, %get3A_160 : vector<16xf32>
        %mul3A_348 = arith.mulf %add3A_347, %exp3A_346 : vector<16xf32>
        %swap3A_349 = arith.index_cast %scan3A_157 : i32 to index
        %swap3A_350 = arith.constant 48 : index
        %swap3A_351 = tpu.vector_load %arg20[%swap3A_349, %swap3A_350] {strides = array<i32>} : memref<40x144xf32, #tpu.memory_space<vmem>>, vector<1x16xf32>,
        %swap3A_352 = vector.shape_cast %swap3A_351 : vector<1x16xf32> to vector<16xf32>
        %swap3A_353 = vector.shape_cast %mul3A_348 : vector<16xf32> to vector<1x16xf32>
        tpu.vector_store %arg20[%swap3A_349, %swap3A_350], %swap3A_353 {strides = array<i32>} : memref<40x144xf32, #tpu.memory_space<vmem>>, vector<1x16xf32>,
        %eq3A_354 = arith.constant 3 : i32
        %eq3A_355 = vector.broadcast %eq3A_354 : i32 to vector<16xi32>
        %eq3A_356 = arith.cmpi eq, %iota3A, %eq3A_355 : vector<16xi32>
        %select_n3A_357 = arith.select %eq3A_356, %exp3A_346, %select_n3A_306 : vector<16xi1>, vector<16xf32>
        %get3A_358 = arith.index_cast %scan3A_157 : i32 to index
        %get3A_359 = arith.constant 64 : index
        %get3A_360 = tpu.vector_load %arg13[%get3A_358, %get3A_359] {strides = array<i32>} : memref<40x128xf32, #tpu.memory_space<vmem>>, vector<1x16xf32>,
        %get3A_361 = vector.shape_cast %get3A_360 : vector<1x16xf32> to vector<16xf32>
        %get3A_362 = arith.index_cast %scan3A_157 : i32 to index
        %get3A_363 = arith.constant 64 : index
        %get3A_364 = tpu.vector_load %arg15[%get3A_362, %get3A_363] {strides = array<i32>} : memref<40x128xf32, #tpu.memory_space<vmem>>, vector<1x16xf32>,
        %get3A_365 = vector.shape_cast %get3A_364 : vector<1x16xf32> to vector<16xf32>
        %get3A_366 = arith.index_cast %scan3A_157 : i32 to index
        %get3A_367 = arith.constant 64 : index
        %get3A_368 = tpu.vector_load %arg17[%get3A_366, %get3A_367] {strides = array<i32>} : memref<40x128xf32, #tpu.memory_space<vmem>>, vector<1x16xf32>,
        %get3A_369 = vector.shape_cast %get3A_368 : vector<1x16xf32> to vector<16xf32>
        %add3A_370 = arith.addf %get3A_361, %get3A_160 : vector<16xf32>
        %mul3A_371 = arith.mulf %add3A_370, %get3A_365 : vector<16xf32>
        %broadcast_in_dim3A_372 = vector.shape_cast %and3A_10 : vector<16xi32> to vector<16x1xi32>
        %gather3A_373 = vector.shape_cast %broadcast_in_dim3A_372 : vector<16x1xi32> to vector<16xi32>
        %gather3A_374 = tpu.dynamic_gather %mul3A_371[%gather3A_373] in [0] : vector<16xf32>, vector<16xi32> -> vector<16xf32>
        %add3A_375 = arith.addf %mul3A_371, %gather3A_374 : vector<16xf32>
        %broadcast_in_dim3A_376 = vector.shape_cast %and3A_16 : vector<16xi32> to vector<16x1xi32>
        %gather3A_377 = vector.shape_cast %broadcast_in_dim3A_376 : vector<16x1xi32> to vector<16xi32>
        %gather3A_378 = tpu.dynamic_gather %add3A_375[%gather3A_377] in [0] : vector<16xf32>, vector<16xi32> -> vector<16xf32>
        %add3A_379 = arith.addf %add3A_375, %gather3A_378 : vector<16xf32>
        %broadcast_in_dim3A_380 = vector.shape_cast %and3A_22 : vector<16xi32> to vector<16x1xi32>
        %gather3A_381 = vector.shape_cast %broadcast_in_dim3A_380 : vector<16x1xi32> to vector<16xi32>
        %gather3A_382 = tpu.dynamic_gather %add3A_379[%gather3A_381] in [0] : vector<16xf32>, vector<16xi32> -> vector<16xf32>
        %add3A_383 = arith.addf %add3A_379, %gather3A_382 : vector<16xf32>
        %broadcast_in_dim3A_384 = vector.shape_cast %and3A_28 : vector<16xi32> to vector<16x1xi32>
        %gather3A_385 = vector.shape_cast %broadcast_in_dim3A_384 : vector<16x1xi32> to vector<16xi32>
        %gather3A_386 = tpu.dynamic_gather %add3A_383[%gather3A_385] in [0] : vector<16xf32>, vector<16xi32> -> vector<16xf32>
        %add3A_387 = arith.addf %add3A_383, %gather3A_386 : vector<16xf32>
        %mul3A_388 = arith.constant 2.500000e-01 : f32
        %mul3A_389 = vector.broadcast %mul3A_388 : f32 to vector<16xf32>
        %mul3A_390 = arith.mulf %add3A_387, %mul3A_389 : vector<16xf32>
        %jit3A_391 = arith.constant -1.000000e+01 : f32
        %jit3A_392 = arith.constant 1.000000e+01 : f32
        %max3A_393 = vector.broadcast %jit3A_391 : f32 to vector<16xf32>
        %max3A_394 = arith.maximumf %max3A_393, %mul3A_390 : vector<16xf32>
        %min3A_395 = vector.broadcast %jit3A_392 : f32 to vector<16xf32>
        %min3A_396 = arith.minimumf %min3A_395, %max3A_394 : vector<16xf32>
        %exp3A_397 = math.exp %min3A_396 : vector<16xf32>
        %add3A_398 = arith.addf %get3A_369, %get3A_160 : vector<16xf32>
        %mul3A_399 = arith.mulf %add3A_398, %exp3A_397 : vector<16xf32>
        %swap3A_400 = arith.index_cast %scan3A_157 : i32 to index
        %swap3A_401 = arith.constant 64 : index
        %swap3A_402 = tpu.vector_load %arg20[%swap3A_400, %swap3A_401] {strides = array<i32>} : memref<40x144xf32, #tpu.memory_space<vmem>>, vector<1x16xf32>,
        %swap3A_403 = vector.shape_cast %swap3A_402 : vector<1x16xf32> to vector<16xf32>
        %swap3A_404 = vector.shape_cast %mul3A_399 : vector<16xf32> to vector<1x16xf32>
        tpu.vector_store %arg20[%swap3A_400, %swap3A_401], %swap3A_404 {strides = array<i32>} : memref<40x144xf32, #tpu.memory_space<vmem>>, vector<1x16xf32>,
        %eq3A_405 = arith.constant 4 : i32
        %eq3A_406 = vector.broadcast %eq3A_405 : i32 to vector<16xi32>
        %eq3A_407 = arith.cmpi eq, %iota3A, %eq3A_406 : vector<16xi32>
        %select_n3A_408 = arith.select %eq3A_407, %exp3A_397, %select_n3A_357 : vector<16xi1>, vector<16xf32>
        %get3A_409 = arith.index_cast %scan3A_157 : i32 to index
        %get3A_410 = arith.constant 80 : index
        %get3A_411 = tpu.vector_load %arg13[%get3A_409, %get3A_410] {strides = array<i32>} : memref<40x128xf32, #tpu.memory_space<vmem>>, vector<1x16xf32>,
        %get3A_412 = vector.shape_cast %get3A_411 : vector<1x16xf32> to vector<16xf32>
        %get3A_413 = arith.index_cast %scan3A_157 : i32 to index
        %get3A_414 = arith.constant 80 : index
        %get3A_415 = tpu.vector_load %arg15[%get3A_413, %get3A_414] {strides = array<i32>} : memref<40x128xf32, #tpu.memory_space<vmem>>, vector<1x16xf32>,
        %get3A_416 = vector.shape_cast %get3A_415 : vector<1x16xf32> to vector<16xf32>
        %get3A_417 = arith.index_cast %scan3A_157 : i32 to index
        %get3A_418 = arith.constant 80 : index
        %get3A_419 = tpu.vector_load %arg17[%get3A_417, %get3A_418] {strides = array<i32>} : memref<40x128xf32, #tpu.memory_space<vmem>>, vector<1x16xf32>,
        %get3A_420 = vector.shape_cast %get3A_419 : vector<1x16xf32> to vector<16xf32>
        %add3A_421 = arith.addf %get3A_412, %get3A_160 : vector<16xf32>
        %mul3A_422 = arith.mulf %add3A_421, %get3A_416 : vector<16xf32>
        %broadcast_in_dim3A_423 = vector.shape_cast %and3A_10 : vector<16xi32> to vector<16x1xi32>
        %gather3A_424 = vector.shape_cast %broadcast_in_dim3A_423 : vector<16x1xi32> to vector<16xi32>
        %gather3A_425 = tpu.dynamic_gather %mul3A_422[%gather3A_424] in [0] : vector<16xf32>, vector<16xi32> -> vector<16xf32>
        %add3A_426 = arith.addf %mul3A_422, %gather3A_425 : vector<16xf32>
        %broadcast_in_dim3A_427 = vector.shape_cast %and3A_16 : vector<16xi32> to vector<16x1xi32>
        %gather3A_428 = vector.shape_cast %broadcast_in_dim3A_427 : vector<16x1xi32> to vector<16xi32>
        %gather3A_429 = tpu.dynamic_gather %add3A_426[%gather3A_428] in [0] : vector<16xf32>, vector<16xi32> -> vector<16xf32>
        %add3A_430 = arith.addf %add3A_426, %gather3A_429 : vector<16xf32>
        %broadcast_in_dim3A_431 = vector.shape_cast %and3A_22 : vector<16xi32> to vector<16x1xi32>
        %gather3A_432 = vector.shape_cast %broadcast_in_dim3A_431 : vector<16x1xi32> to vector<16xi32>
        %gather3A_433 = tpu.dynamic_gather %add3A_430[%gather3A_432] in [0] : vector<16xf32>, vector<16xi32> -> vector<16xf32>
        %add3A_434 = arith.addf %add3A_430, %gather3A_433 : vector<16xf32>
        %broadcast_in_dim3A_435 = vector.shape_cast %and3A_28 : vector<16xi32> to vector<16x1xi32>
        %gather3A_436 = vector.shape_cast %broadcast_in_dim3A_435 : vector<16x1xi32> to vector<16xi32>
        %gather3A_437 = tpu.dynamic_gather %add3A_434[%gather3A_436] in [0] : vector<16xf32>, vector<16xi32> -> vector<16xf32>
        %add3A_438 = arith.addf %add3A_434, %gather3A_437 : vector<16xf32>
        %mul3A_439 = arith.constant 2.500000e-01 : f32
        %mul3A_440 = vector.broadcast %mul3A_439 : f32 to vector<16xf32>
        %mul3A_441 = arith.mulf %add3A_438, %mul3A_440 : vector<16xf32>
        %jit3A_442 = arith.constant -1.000000e+01 : f32
        %jit3A_443 = arith.constant 1.000000e+01 : f32
        %max3A_444 = vector.broadcast %jit3A_442 : f32 to vector<16xf32>
        %max3A_445 = arith.maximumf %max3A_444, %mul3A_441 : vector<16xf32>
        %min3A_446 = vector.broadcast %jit3A_443 : f32 to vector<16xf32>
        %min3A_447 = arith.minimumf %min3A_446, %max3A_445 : vector<16xf32>
        %exp3A_448 = math.exp %min3A_447 : vector<16xf32>
        %add3A_449 = arith.addf %get3A_420, %get3A_160 : vector<16xf32>
        %mul3A_450 = arith.mulf %add3A_449, %exp3A_448 : vector<16xf32>
        %swap3A_451 = arith.index_cast %scan3A_157 : i32 to index
        %swap3A_452 = arith.constant 80 : index
        %swap3A_453 = tpu.vector_load %arg20[%swap3A_451, %swap3A_452] {strides = array<i32>} : memref<40x144xf32, #tpu.memory_space<vmem>>, vector<1x16xf32>,
        %swap3A_454 = vector.shape_cast %swap3A_453 : vector<1x16xf32> to vector<16xf32>
        %swap3A_455 = vector.shape_cast %mul3A_450 : vector<16xf32> to vector<1x16xf32>
        tpu.vector_store %arg20[%swap3A_451, %swap3A_452], %swap3A_455 {strides = array<i32>} : memref<40x144xf32, #tpu.memory_space<vmem>>, vector<1x16xf32>,
        %eq3A_456 = arith.constant 5 : i32
        %eq3A_457 = vector.broadcast %eq3A_456 : i32 to vector<16xi32>
        %eq3A_458 = arith.cmpi eq, %iota3A, %eq3A_457 : vector<16xi32>
        %select_n3A_459 = arith.select %eq3A_458, %exp3A_448, %select_n3A_408 : vector<16xi1>, vector<16xf32>
        %get3A_460 = arith.index_cast %scan3A_157 : i32 to index
        %get3A_461 = arith.constant 96 : index
        %get3A_462 = tpu.vector_load %arg13[%get3A_460, %get3A_461] {strides = array<i32>} : memref<40x128xf32, #tpu.memory_space<vmem>>, vector<1x16xf32>,
        %get3A_463 = vector.shape_cast %get3A_462 : vector<1x16xf32> to vector<16xf32>
        %get3A_464 = arith.index_cast %scan3A_157 : i32 to index
        %get3A_465 = arith.constant 96 : index
        %get3A_466 = tpu.vector_load %arg15[%get3A_464, %get3A_465] {strides = array<i32>} : memref<40x128xf32, #tpu.memory_space<vmem>>, vector<1x16xf32>,
        %get3A_467 = vector.shape_cast %get3A_466 : vector<1x16xf32> to vector<16xf32>
        %get3A_468 = arith.index_cast %scan3A_157 : i32 to index
        %get3A_469 = arith.constant 96 : index
        %get3A_470 = tpu.vector_load %arg17[%get3A_468, %get3A_469] {strides = array<i32>} : memref<40x128xf32, #tpu.memory_space<vmem>>, vector<1x16xf32>,
        %get3A_471 = vector.shape_cast %get3A_470 : vector<1x16xf32> to vector<16xf32>
        %add3A_472 = arith.addf %get3A_463, %get3A_160 : vector<16xf32>
        %mul3A_473 = arith.mulf %add3A_472, %get3A_467 : vector<16xf32>
        %broadcast_in_dim3A_474 = vector.shape_cast %and3A_10 : vector<16xi32> to vector<16x1xi32>
        %gather3A_475 = vector.shape_cast %broadcast_in_dim3A_474 : vector<16x1xi32> to vector<16xi32>
        %gather3A_476 = tpu.dynamic_gather %mul3A_473[%gather3A_475] in [0] : vector<16xf32>, vector<16xi32> -> vector<16xf32>
        %add3A_477 = arith.addf %mul3A_473, %gather3A_476 : vector<16xf32>
        %broadcast_in_dim3A_478 = vector.shape_cast %and3A_16 : vector<16xi32> to vector<16x1xi32>
        %gather3A_479 = vector.shape_cast %broadcast_in_dim3A_478 : vector<16x1xi32> to vector<16xi32>
        %gather3A_480 = tpu.dynamic_gather %add3A_477[%gather3A_479] in [0] : vector<16xf32>, vector<16xi32> -> vector<16xf32>
        %add3A_481 = arith.addf %add3A_477, %gather3A_480 : vector<16xf32>
        %broadcast_in_dim3A_482 = vector.shape_cast %and3A_22 : vector<16xi32> to vector<16x1xi32>
        %gather3A_483 = vector.shape_cast %broadcast_in_dim3A_482 : vector<16x1xi32> to vector<16xi32>
        %gather3A_484 = tpu.dynamic_gather %add3A_481[%gather3A_483] in [0] : vector<16xf32>, vector<16xi32> -> vector<16xf32>
        %add3A_485 = arith.addf %add3A_481, %gather3A_484 : vector<16xf32>
        %broadcast_in_dim3A_486 = vector.shape_cast %and3A_28 : vector<16xi32> to vector<16x1xi32>
        %gather3A_487 = vector.shape_cast %broadcast_in_dim3A_486 : vector<16x1xi32> to vector<16xi32>
        %gather3A_488 = tpu.dynamic_gather %add3A_485[%gather3A_487] in [0] : vector<16xf32>, vector<16xi32> -> vector<16xf32>
        %add3A_489 = arith.addf %add3A_485, %gather3A_488 : vector<16xf32>
        %mul3A_490 = arith.constant 2.500000e-01 : f32
        %mul3A_491 = vector.broadcast %mul3A_490 : f32 to vector<16xf32>
        %mul3A_492 = arith.mulf %add3A_489, %mul3A_491 : vector<16xf32>
        %jit3A_493 = arith.constant -1.000000e+01 : f32
        %jit3A_494 = arith.constant 1.000000e+01 : f32
        %max3A_495 = vector.broadcast %jit3A_493 : f32 to vector<16xf32>
        %max3A_496 = arith.maximumf %max3A_495, %mul3A_492 : vector<16xf32>
        %min3A_497 = vector.broadcast %jit3A_494 : f32 to vector<16xf32>
        %min3A_498 = arith.minimumf %min3A_497, %max3A_496 : vector<16xf32>
        %exp3A_499 = math.exp %min3A_498 : vector<16xf32>
        %add3A_500 = arith.addf %get3A_471, %get3A_160 : vector<16xf32>
        %mul3A_501 = arith.mulf %add3A_500, %exp3A_499 : vector<16xf32>
        %swap3A_502 = arith.index_cast %scan3A_157 : i32 to index
        %swap3A_503 = arith.constant 96 : index
        %swap3A_504 = tpu.vector_load %arg20[%swap3A_502, %swap3A_503] {strides = array<i32>} : memref<40x144xf32, #tpu.memory_space<vmem>>, vector<1x16xf32>,
        %swap3A_505 = vector.shape_cast %swap3A_504 : vector<1x16xf32> to vector<16xf32>
        %swap3A_506 = vector.shape_cast %mul3A_501 : vector<16xf32> to vector<1x16xf32>
        tpu.vector_store %arg20[%swap3A_502, %swap3A_503], %swap3A_506 {strides = array<i32>} : memref<40x144xf32, #tpu.memory_space<vmem>>, vector<1x16xf32>,
        %eq3A_507 = arith.constant 6 : i32
        %eq3A_508 = vector.broadcast %eq3A_507 : i32 to vector<16xi32>
        %eq3A_509 = arith.cmpi eq, %iota3A, %eq3A_508 : vector<16xi32>
        %select_n3A_510 = arith.select %eq3A_509, %exp3A_499, %select_n3A_459 : vector<16xi1>, vector<16xf32>
        %get3A_511 = arith.index_cast %scan3A_157 : i32 to index
        %get3A_512 = arith.constant 112 : index
        %get3A_513 = tpu.vector_load %arg13[%get3A_511, %get3A_512] {strides = array<i32>} : memref<40x128xf32, #tpu.memory_space<vmem>>, vector<1x16xf32>,
        %get3A_514 = vector.shape_cast %get3A_513 : vector<1x16xf32> to vector<16xf32>
        %get3A_515 = arith.index_cast %scan3A_157 : i32 to index
        %get3A_516 = arith.constant 112 : index
        %get3A_517 = tpu.vector_load %arg15[%get3A_515, %get3A_516] {strides = array<i32>} : memref<40x128xf32, #tpu.memory_space<vmem>>, vector<1x16xf32>,
        %get3A_518 = vector.shape_cast %get3A_517 : vector<1x16xf32> to vector<16xf32>
        %get3A_519 = arith.index_cast %scan3A_157 : i32 to index
        %get3A_520 = arith.constant 112 : index
        %get3A_521 = tpu.vector_load %arg17[%get3A_519, %get3A_520] {strides = array<i32>} : memref<40x128xf32, #tpu.memory_space<vmem>>, vector<1x16xf32>,
        %get3A_522 = vector.shape_cast %get3A_521 : vector<1x16xf32> to vector<16xf32>
        %add3A_523 = arith.addf %get3A_514, %get3A_160 : vector<16xf32>
        %mul3A_524 = arith.mulf %add3A_523, %get3A_518 : vector<16xf32>
        %broadcast_in_dim3A_525 = vector.shape_cast %and3A_10 : vector<16xi32> to vector<16x1xi32>
        %gather3A_526 = vector.shape_cast %broadcast_in_dim3A_525 : vector<16x1xi32> to vector<16xi32>
        %gather3A_527 = tpu.dynamic_gather %mul3A_524[%gather3A_526] in [0] : vector<16xf32>, vector<16xi32> -> vector<16xf32>
        %add3A_528 = arith.addf %mul3A_524, %gather3A_527 : vector<16xf32>
        %broadcast_in_dim3A_529 = vector.shape_cast %and3A_16 : vector<16xi32> to vector<16x1xi32>
        %gather3A_530 = vector.shape_cast %broadcast_in_dim3A_529 : vector<16x1xi32> to vector<16xi32>
        %gather3A_531 = tpu.dynamic_gather %add3A_528[%gather3A_530] in [0] : vector<16xf32>, vector<16xi32> -> vector<16xf32>
        %add3A_532 = arith.addf %add3A_528, %gather3A_531 : vector<16xf32>
        %broadcast_in_dim3A_533 = vector.shape_cast %and3A_22 : vector<16xi32> to vector<16x1xi32>
        %gather3A_534 = vector.shape_cast %broadcast_in_dim3A_533 : vector<16x1xi32> to vector<16xi32>
        %gather3A_535 = tpu.dynamic_gather %add3A_532[%gather3A_534] in [0] : vector<16xf32>, vector<16xi32> -> vector<16xf32>
        %add3A_536 = arith.addf %add3A_532, %gather3A_535 : vector<16xf32>
        %broadcast_in_dim3A_537 = vector.shape_cast %and3A_28 : vector<16xi32> to vector<16x1xi32>
        %gather3A_538 = vector.shape_cast %broadcast_in_dim3A_537 : vector<16x1xi32> to vector<16xi32>
        %gather3A_539 = tpu.dynamic_gather %add3A_536[%gather3A_538] in [0] : vector<16xf32>, vector<16xi32> -> vector<16xf32>
        %add3A_540 = arith.addf %add3A_536, %gather3A_539 : vector<16xf32>
        %mul3A_541 = arith.constant 2.500000e-01 : f32
        %mul3A_542 = vector.broadcast %mul3A_541 : f32 to vector<16xf32>
        %mul3A_543 = arith.mulf %add3A_540, %mul3A_542 : vector<16xf32>
        %jit3A_544 = arith.constant -1.000000e+01 : f32
        %jit3A_545 = arith.constant 1.000000e+01 : f32
        %max3A_546 = vector.broadcast %jit3A_544 : f32 to vector<16xf32>
        %max3A_547 = arith.maximumf %max3A_546, %mul3A_543 : vector<16xf32>
        %min3A_548 = vector.broadcast %jit3A_545 : f32 to vector<16xf32>
        %min3A_549 = arith.minimumf %min3A_548, %max3A_547 : vector<16xf32>
        %exp3A_550 = math.exp %min3A_549 : vector<16xf32>
        %add3A_551 = arith.addf %get3A_522, %get3A_160 : vector<16xf32>
        %mul3A_552 = arith.mulf %add3A_551, %exp3A_550 : vector<16xf32>
        %swap3A_553 = arith.index_cast %scan3A_157 : i32 to index
        %swap3A_554 = arith.constant 112 : index
        %swap3A_555 = tpu.vector_load %arg20[%swap3A_553, %swap3A_554] {strides = array<i32>} : memref<40x144xf32, #tpu.memory_space<vmem>>, vector<1x16xf32>,
        %swap3A_556 = vector.shape_cast %swap3A_555 : vector<1x16xf32> to vector<16xf32>
        %swap3A_557 = vector.shape_cast %mul3A_552 : vector<16xf32> to vector<1x16xf32>
        tpu.vector_store %arg20[%swap3A_553, %swap3A_554], %swap3A_557 {strides = array<i32>} : memref<40x144xf32, #tpu.memory_space<vmem>>, vector<1x16xf32>,
        %eq3A_558 = arith.constant 7 : i32
        %eq3A_559 = vector.broadcast %eq3A_558 : i32 to vector<16xi32>
        %eq3A_560 = arith.cmpi eq, %iota3A, %eq3A_559 : vector<16xi32>
        %select_n3A_561 = arith.select %eq3A_560, %exp3A_550, %select_n3A_510 : vector<16xi1>, vector<16xf32>
        %swap3A_562 = arith.index_cast %scan3A_157 : i32 to index
        %swap3A_563 = arith.constant 128 : index
        %swap3A_564 = tpu.vector_load %arg20[%swap3A_562, %swap3A_563] {strides = array<i32>} : memref<40x144xf32, #tpu.memory_space<vmem>>, vector<1x16xf32>,
        %swap3A_565 = vector.shape_cast %swap3A_564 : vector<1x16xf32> to vector<16xf32>
        %swap3A_566 = vector.shape_cast %select_n3A_561 : vector<16xf32> to vector<1x16xf32>
        tpu.vector_store %arg20[%swap3A_562, %swap3A_563], %swap3A_566 {strides = array<i32>} : memref<40x144xf32, #tpu.memory_space<vmem>>, vector<1x16xf32>,
      }
      %scan3A_155 = arith.constant 40 : i32
      %run_scoped3A_156 = arith.constant 1 : i32
      "tpu.region"() ({
        %run_scoped3A_157 = tpu.sem_alloc : memref<!tpu.dma_semaphore, #tpu.memory_space<semaphore_mem>>
        %dma_start3A_158 = arith.constant 0 : i32
        %dma_start3A_159 = tpu.memref_slice %arg11[%run_scoped3A_156, %dma_start3A_158] : memref<3x40xi32, #tpu.memory_space<vmem>> -> memref<1x40xi32, #tpu.memory_space<vmem>>
        %dma_start3A_160 = tpu.memref_squeeze %dma_start3A_159 : memref<1x40xi32, #tpu.memory_space<vmem>> -> memref<40xi32, #tpu.memory_space<vmem>>
        %dma_start3A_161 = arith.constant 0 : i32
        %dma_start3A_162 = arith.constant 0 : i32
        %dma_start3A_163 = tpu.memref_slice %arg9[%dma_start3A_161, %dma_start3A_162] : memref<10000x144xf32, #tpu.memory_space<vmem_shared>> -> memref<10000x144xf32, #tpu.memory_space<vmem_shared>>
        tpu.enqueue_indirect_dma source(%arg20 : memref<40x144xf32, #tpu.memory_space<vmem>>) target(%dma_start3A_163 : memref<10000x144xf32, #tpu.memory_space<vmem_shared>>) offsets(%dma_start3A_160 : memref<40xi32, #tpu.memory_space<vmem>>) semaphore(%run_scoped3A_157 : memref<!tpu.dma_semaphore, #tpu.memory_space<semaphore_mem>>) {add = true}
        %dma_wait3A_164 = arith.constant 0 : i32
        %dma_wait3A_165 = tpu.memref_slice %arg11[%run_scoped3A_156, %dma_wait3A_164] : memref<3x40xi32, #tpu.memory_space<vmem>> -> memref<1x40xi32, #tpu.memory_space<vmem>>
        %dma_wait3A_166 = tpu.memref_squeeze %dma_wait3A_165 : memref<1x40xi32, #tpu.memory_space<vmem>> -> memref<40xi32, #tpu.memory_space<vmem>>
        %dma_wait3A_167 = arith.constant 0 : i32
        %dma_wait3A_168 = arith.constant 0 : i32
        %dma_wait3A_169 = tpu.memref_slice %arg9[%dma_wait3A_167, %dma_wait3A_168] : memref<10000x144xf32, #tpu.memory_space<vmem_shared>> -> memref<10000x144xf32, #tpu.memory_space<vmem_shared>>
        tpu.wait_indirect_dma semaphore(%run_scoped3A_157 : memref<!tpu.dma_semaphore, #tpu.memory_space<semaphore_mem>>) src(%arg20 : memref<40x144xf32, #tpu.memory_space<vmem>>) dst(%dma_wait3A_169 : memref<10000x144xf32, #tpu.memory_space<vmem_shared>>)
        tpu.yield
      }) : () -> ()
    }
    %scan3A_64 = arith.constant 125 : i32
    %barrier3A_65 = arith.constant 0 : index
    tpu.barrier barrier_id(%barrier3A_65)
    "tpu.region"() ({
      %run_scoped3A = tpu.sem_alloc : memref<!tpu.dma_semaphore, #tpu.memory_space<semaphore_mem>>
      %dma_start3A_71 = arith.constant 0 : i32
      %dma_start3A_72 = tpu.memref_slice %arg8[%arg0, %mul3A_3, %dma_start3A_71] : memref<2x10000x144xf32, #tpu.memory_space<hbm>> -> memref<1x624x144xf32, #tpu.memory_space<hbm>>
      %dma_start3A_73 = tpu.memref_squeeze %dma_start3A_72 : memref<1x624x144xf32, #tpu.memory_space<hbm>> -> memref<624x144xf32, #tpu.memory_space<hbm>>
      %dma_start3A_74 = arith.constant 0 : i32
      %dma_start3A_75 = tpu.memref_slice %arg9[%mul3A_3, %dma_start3A_74] : memref<10000x144xf32, #tpu.memory_space<vmem_shared>> -> memref<624x144xf32, #tpu.memory_space<vmem_shared>>
      tpu.enqueue_dma source(%dma_start3A_75 : memref<624x144xf32, #tpu.memory_space<vmem_shared>>) target(%dma_start3A_73 : memref<624x144xf32, #tpu.memory_space<hbm>>) target_semaphore(%run_scoped3A : memref<!tpu.dma_semaphore, #tpu.memory_space<semaphore_mem>>)
      %dma_wait3A = arith.constant 0 : i32
      %dma_wait3A_76 = tpu.memref_slice %arg8[%arg0, %mul3A_3, %dma_wait3A] : memref<2x10000x144xf32, #tpu.memory_space<hbm>> -> memref<1x624x144xf32, #tpu.memory_space<hbm>>
      %dma_wait3A_77 = tpu.memref_squeeze %dma_wait3A_76 : memref<1x624x144xf32, #tpu.memory_space<hbm>> -> memref<624x144xf32, #tpu.memory_space<hbm>>
      %dma_wait3A_78 = arith.constant 0 : i32
      %dma_wait3A_79 = tpu.memref_slice %arg9[%mul3A_3, %dma_wait3A_78] : memref<10000x144xf32, #tpu.memory_space<vmem_shared>> -> memref<624x144xf32, #tpu.memory_space<vmem_shared>>
      tpu.wait_dma2 semaphore(%run_scoped3A : memref<!tpu.dma_semaphore, #tpu.memory_space<semaphore_mem>>) src(%dma_wait3A_79 : memref<624x144xf32, #tpu.memory_space<vmem_shared>>) dst(%dma_wait3A_77 : memref<624x144xf32, #tpu.memory_space<hbm>>)
      tpu.yield
    }) : () -> ()
    %eq3A_66 = arith.constant 15 : i32
    %eq3A_67 = arith.cmpi eq, %arg1, %eq3A_66 : i32
    %convert_element_type3A_68 = arith.extui %eq3A_67 : i1 to i32
    %cond3A_69 = arith.constant 0 : i32
    %cond3A_70 = arith.cmpi ne, %convert_element_type3A_68, %cond3A_69 : i32
    scf.if %cond3A_70 {
      "tpu.region"() ({
        %run_scoped3A = tpu.sem_alloc : memref<!tpu.dma_semaphore, #tpu.memory_space<semaphore_mem>>
        %dma_start3A_71 = arith.constant 9984 : i32
        %dma_start3A_72 = arith.constant 0 : i32
        %dma_start3A_73 = tpu.memref_slice %arg8[%arg0, %dma_start3A_71, %dma_start3A_72] : memref<2x10000x144xf32, #tpu.memory_space<hbm>> -> memref<1x16x144xf32, #tpu.memory_space<hbm>>
        %dma_start3A_74 = tpu.memref_squeeze %dma_start3A_73 : memref<1x16x144xf32, #tpu.memory_space<hbm>> -> memref<16x144xf32, #tpu.memory_space<hbm>>
        %dma_start3A_75 = arith.constant 9984 : i32
        %dma_start3A_76 = arith.constant 0 : i32
        %dma_start3A_77 = tpu.memref_slice %arg9[%dma_start3A_75, %dma_start3A_76] : memref<10000x144xf32, #tpu.memory_space<vmem_shared>> -> memref<16x144xf32, #tpu.memory_space<vmem_shared>>
        tpu.enqueue_dma source(%dma_start3A_77 : memref<16x144xf32, #tpu.memory_space<vmem_shared>>) target(%dma_start3A_74 : memref<16x144xf32, #tpu.memory_space<hbm>>) target_semaphore(%run_scoped3A : memref<!tpu.dma_semaphore, #tpu.memory_space<semaphore_mem>>)
        %dma_wait3A = arith.constant 9984 : i32
        %dma_wait3A_78 = arith.constant 0 : i32
        %dma_wait3A_79 = tpu.memref_slice %arg8[%arg0, %dma_wait3A, %dma_wait3A_78] : memref<2x10000x144xf32, #tpu.memory_space<hbm>> -> memref<1x16x144xf32, #tpu.memory_space<hbm>>
        %dma_wait3A_80 = tpu.memref_squeeze %dma_wait3A_79 : memref<1x16x144xf32, #tpu.memory_space<hbm>> -> memref<16x144xf32, #tpu.memory_space<hbm>>
        %dma_wait3A_81 = arith.constant 9984 : i32
        %dma_wait3A_82 = arith.constant 0 : i32
        %dma_wait3A_83 = tpu.memref_slice %arg9[%dma_wait3A_81, %dma_wait3A_82] : memref<10000x144xf32, #tpu.memory_space<vmem_shared>> -> memref<16x144xf32, #tpu.memory_space<vmem_shared>>
        tpu.wait_dma2 semaphore(%run_scoped3A : memref<!tpu.dma_semaphore, #tpu.memory_space<semaphore_mem>>) src(%dma_wait3A_83 : memref<16x144xf32, #tpu.memory_space<vmem_shared>>) dst(%dma_wait3A_80 : memref<16x144xf32, #tpu.memory_space<hbm>>)
        tpu.yield
      }) : () -> ()
    } else {
    }
    return
  }
}

#map = affine_map<(d0, d1) -> (0, 0)>
#map1 = affine_map<(d0, d1) -> (0, 0, 0)>
module attributes {stable_mosaic.version = 14 : i64} {
  func.func @_sc_edge_body(%arg0: i32, %arg1: i32, %arg2: memref<10000x128xf32, #tpu.memory_space<hbm>>, %arg3: memref<10000x128xf32, #tpu.memory_space<hbm>>, %arg4: memref<10000x128xf32, #tpu.memory_space<hbm>>, %arg5: memref<50x16xf32, #tpu.memory_space<hbm>>, %arg6: memref<8000x3x40xi32, #tpu.memory_space<hbm>>, %arg7: memref<10000x144xf32, #tpu.memory_space<hbm>>, %arg8: memref<2x10000x144xf32, #tpu.memory_space<hbm>>, %arg9: memref<10000x144xf32, #tpu.memory_space<vmem_shared>>, %arg10: memref<3x40xi32, #tpu.memory_space<vmem>>, %arg11: memref<3x40xi32, #tpu.memory_space<vmem>>, %arg12: memref<40x128xf32, #tpu.memory_space<vmem>>, %arg13: memref<40x128xf32, #tpu.memory_space<vmem>>, %arg14: memref<40x128xf32, #tpu.memory_space<vmem>>, %arg15: memref<40x128xf32, #tpu.memory_space<vmem>>, %arg16: memref<40x128xf32, #tpu.memory_space<vmem>>, %arg17: memref<40x128xf32, #tpu.memory_space<vmem>>, %arg18: memref<40x16xf32, #tpu.memory_space<vmem>>, %arg19: memref<40x16xf32, #tpu.memory_space<vmem>>, %arg20: memref<40x144xf32, #tpu.memory_space<vmem>>, %arg21: memref<!tpu.dma_semaphore, #tpu.memory_space<semaphore_mem>>, %arg22: memref<!tpu.dma_semaphore, #tpu.memory_space<semaphore_mem>>) attributes {dimension_semantics = [#tpu.dimension_semantics<core_parallel>, #tpu.dimension_semantics<subcore_parallel>], iteration_bounds = array<i64: 2, 16>, scalar_prefetch = 0 : i64, scratch_operands = 14 : i64, tpu.core_type = #tpu.core_type<sc_vector_subcore>, window_params = [{transform_indices = #map}, {transform_indices = #map}, {transform_indices = #map}, {transform_indices = #map}, {transform_indices = #map1}, {transform_indices = #map}, {transform_indices = #map1}]} {
    %mul3A = arith.constant 16 : i32
    %mul3A_0 = arith.muli %arg0, %mul3A : i32
    %add3A = arith.addi %mul3A_0, %arg1 : i32
    %broadcast_in_dim3A = arith.constant 0.000000e+00 : f32
    %broadcast_in_dim3A_1 = vector.broadcast %broadcast_in_dim3A : f32 to vector<16xf32>
    %mul3A_2 = arith.constant 624 : i32
    %mul3A_3 = arith.muli %arg1, %mul3A_2 : i32
    "tpu.region"() ({
      %run_scoped3A = tpu.sem_alloc : memref<!tpu.dma_semaphore, #tpu.memory_space<semaphore_mem>>
      %dma_start3A_71 = arith.constant 0 : i32
      %dma_start3A_72 = tpu.memref_slice %arg9[%mul3A_3, %dma_start3A_71] : memref<10000x144xf32, #tpu.memory_space<vmem_shared>> -> memref<624x144xf32, #tpu.memory_space<vmem_shared>>
      %dma_start3A_73 = arith.constant 0 : i32
      %dma_start3A_74 = tpu.memref_slice %arg7[%mul3A_3, %dma_start3A_73] : memref<10000x144xf32, #tpu.memory_space<hbm>> -> memref<624x144xf32, #tpu.memory_space<hbm>>
      tpu.enqueue_dma source(%dma_start3A_74 : memref<624x144xf32, #tpu.memory_space<hbm>>) target(%dma_start3A_72 : memref<624x144xf32, #tpu.memory_space<vmem_shared>>) target_semaphore(%run_scoped3A : memref<!tpu.dma_semaphore, #tpu.memory_space<semaphore_mem>>)
      %dma_wait3A = arith.constant 0 : i32
      %dma_wait3A_75 = tpu.memref_slice %arg9[%mul3A_3, %dma_wait3A] : memref<10000x144xf32, #tpu.memory_space<vmem_shared>> -> memref<624x144xf32, #tpu.memory_space<vmem_shared>>
      %dma_wait3A_76 = arith.constant 0 : i32
      %dma_wait3A_77 = tpu.memref_slice %arg7[%mul3A_3, %dma_wait3A_76] : memref<10000x144xf32, #tpu.memory_space<hbm>> -> memref<624x144xf32, #tpu.memory_space<hbm>>
      tpu.wait_dma2 semaphore(%run_scoped3A : memref<!tpu.dma_semaphore, #tpu.memory_space<semaphore_mem>>) src(%dma_wait3A_77 : memref<624x144xf32, #tpu.memory_space<hbm>>) dst(%dma_wait3A_75 : memref<624x144xf32, #tpu.memory_space<vmem_shared>>)
      tpu.yield
    }) : () -> ()
    %eq3A = arith.constant 15 : i32
    %eq3A_4 = arith.cmpi eq, %arg1, %eq3A : i32
    %convert_element_type3A = arith.extui %eq3A_4 : i1 to i32
    %cond3A = arith.constant 0 : i32
    %cond3A_5 = arith.cmpi ne, %convert_element_type3A, %cond3A : i32
    scf.if %cond3A_5 {
      "tpu.region"() ({
        %run_scoped3A = tpu.sem_alloc : memref<!tpu.dma_semaphore, #tpu.memory_space<semaphore_mem>>
        %dma_start3A_71 = arith.constant 9984 : i32
        %dma_start3A_72 = arith.constant 0 : i32
        %dma_start3A_73 = tpu.memref_slice %arg9[%dma_start3A_71, %dma_start3A_72] : memref<10000x144xf32, #tpu.memory_space<vmem_shared>> -> memref<16x144xf32, #tpu.memory_space<vmem_shared>>
        %dma_start3A_74 = arith.constant 9984 : i32
        %dma_start3A_75 = arith.constant 0 : i32
        %dma_start3A_76 = tpu.memref_slice %arg7[%dma_start3A_74, %dma_start3A_75] : memref<10000x144xf32, #tpu.memory_space<hbm>> -> memref<16x144xf32, #tpu.memory_space<hbm>>
        tpu.enqueue_dma source(%dma_start3A_76 : memref<16x144xf32, #tpu.memory_space<hbm>>) target(%dma_start3A_73 : memref<16x144xf32, #tpu.memory_space<vmem_shared>>) target_semaphore(%run_scoped3A : memref<!tpu.dma_semaphore, #tpu.memory_space<semaphore_mem>>)
        %dma_wait3A = arith.constant 9984 : i32
        %dma_wait3A_77 = arith.constant 0 : i32
        %dma_wait3A_78 = tpu.memref_slice %arg9[%dma_wait3A, %dma_wait3A_77] : memref<10000x144xf32, #tpu.memory_space<vmem_shared>> -> memref<16x144xf32, #tpu.memory_space<vmem_shared>>
        %dma_wait3A_79 = arith.constant 9984 : i32
        %dma_wait3A_80 = arith.constant 0 : i32
        %dma_wait3A_81 = tpu.memref_slice %arg7[%dma_wait3A_79, %dma_wait3A_80] : memref<10000x144xf32, #tpu.memory_space<hbm>> -> memref<16x144xf32, #tpu.memory_space<hbm>>
        tpu.wait_dma2 semaphore(%run_scoped3A : memref<!tpu.dma_semaphore, #tpu.memory_space<semaphore_mem>>) src(%dma_wait3A_81 : memref<16x144xf32, #tpu.memory_space<hbm>>) dst(%dma_wait3A_78 : memref<16x144xf32, #tpu.memory_space<vmem_shared>>)
        tpu.yield
      }) : () -> ()
    } else {
    }
    %barrier3A = arith.constant 0 : index
    tpu.barrier barrier_id(%barrier3A)
    %iota3A = tpu.iota {dimensions = array<i32: 0>} : vector<16xi32>
    %add3A_6 = arith.constant 8 : i32
    %add3A_7 = vector.broadcast %add3A_6 : i32 to vector<16xi32>
    %add3A_8 = arith.addi %iota3A, %add3A_7 : vector<16xi32>
    %and3A = arith.constant 15 : i32
    %and3A_9 = vector.broadcast %and3A : i32 to vector<16xi32>
    %and3A_10 = arith.andi %add3A_8, %and3A_9 : vector<16xi32>
    %add3A_11 = arith.constant 4 : i32
    %add3A_12 = vector.broadcast %add3A_11 : i32 to vector<16xi32>
    %add3A_13 = arith.addi %iota3A, %add3A_12 : vector<16xi32>
    %and3A_14 = arith.constant 15 : i32
    %and3A_15 = vector.broadcast %and3A_14 : i32 to vector<16xi32>
    %and3A_16 = arith.andi %add3A_13, %and3A_15 : vector<16xi32>
    %add3A_17 = arith.constant 2 : i32
    %add3A_18 = vector.broadcast %add3A_17 : i32 to vector<16xi32>
    %add3A_19 = arith.addi %iota3A, %add3A_18 : vector<16xi32>
    %and3A_20 = arith.constant 15 : i32
    %and3A_21 = vector.broadcast %and3A_20 : i32 to vector<16xi32>
    %and3A_22 = arith.andi %add3A_19, %and3A_21 : vector<16xi32>
    %add3A_23 = arith.constant 1 : i32
    %add3A_24 = vector.broadcast %add3A_23 : i32 to vector<16xi32>
    %add3A_25 = arith.addi %iota3A, %add3A_24 : vector<16xi32>
    %and3A_26 = arith.constant 15 : i32
    %and3A_27 = vector.broadcast %and3A_26 : i32 to vector<16xi32>
    %and3A_28 = arith.andi %add3A_25, %and3A_27 : vector<16xi32>
    %mul3A_29 = arith.constant 250 : i32
    %mul3A_30 = arith.muli %add3A, %mul3A_29 : i32
    %add3A_31 = arith.constant 0 : i32
    %add3A_32 = arith.addi %mul3A_30, %add3A_31 : i32
    "tpu.region"() ({
      %run_scoped3A = tpu.sem_alloc : memref<!tpu.dma_semaphore, #tpu.memory_space<semaphore_mem>>
      %dma_start3A_71 = arith.constant 0 : i32
      %dma_start3A_72 = arith.constant 0 : i32
      %dma_start3A_73 = tpu.memref_slice %arg6[%add3A_32, %dma_start3A_71, %dma_start3A_72] : memref<8000x3x40xi32, #tpu.memory_space<hbm>> -> memref<1x3x40xi32, #tpu.memory_space<hbm>>
      %dma_start3A_74 = tpu.memref_squeeze %dma_start3A_73 : memref<1x3x40xi32, #tpu.memory_space<hbm>> -> memref<3x40xi32, #tpu.memory_space<hbm>>
      %dma_start3A_75 = arith.constant 0 : i32
      %dma_start3A_76 = arith.constant 0 : i32
      %dma_start3A_77 = tpu.memref_slice %arg6[%add3A_32, %dma_start3A_75, %dma_start3A_76] : memref<8000x3x40xi32, #tpu.memory_space<hbm>> -> memref<1x3x40xi32, #tpu.memory_space<hbm>>
      %dma_start3A_78 = tpu.memref_squeeze %dma_start3A_77 : memref<1x3x40xi32, #tpu.memory_space<hbm>> -> memref<3x40xi32, #tpu.memory_space<hbm>>
      tpu.enqueue_dma source(%dma_start3A_78 : memref<3x40xi32, #tpu.memory_space<hbm>>) target(%arg10 : memref<3x40xi32, #tpu.memory_space<vmem>>) target_semaphore(%run_scoped3A : memref<!tpu.dma_semaphore, #tpu.memory_space<semaphore_mem>>)
      %dma_wait3A = arith.constant 0 : i32
      %dma_wait3A_79 = arith.constant 0 : i32
      %dma_wait3A_80 = tpu.memref_slice %arg6[%add3A_32, %dma_wait3A, %dma_wait3A_79] : memref<8000x3x40xi32, #tpu.memory_space<hbm>> -> memref<1x3x40xi32, #tpu.memory_space<hbm>>
      %dma_wait3A_81 = tpu.memref_squeeze %dma_wait3A_80 : memref<1x3x40xi32, #tpu.memory_space<hbm>> -> memref<3x40xi32, #tpu.memory_space<hbm>>
      %dma_wait3A_82 = arith.constant 0 : i32
      %dma_wait3A_83 = arith.constant 0 : i32
      %dma_wait3A_84 = tpu.memref_slice %arg6[%add3A_32, %dma_wait3A_82, %dma_wait3A_83] : memref<8000x3x40xi32, #tpu.memory_space<hbm>> -> memref<1x3x40xi32, #tpu.memory_space<hbm>>
      %dma_wait3A_85 = tpu.memref_squeeze %dma_wait3A_84 : memref<1x3x40xi32, #tpu.memory_space<hbm>> -> memref<3x40xi32, #tpu.memory_space<hbm>>
      tpu.wait_dma2 semaphore(%run_scoped3A : memref<!tpu.dma_semaphore, #tpu.memory_space<semaphore_mem>>) src(%dma_wait3A_85 : memref<3x40xi32, #tpu.memory_space<hbm>>) dst(%arg10 : memref<3x40xi32, #tpu.memory_space<vmem>>)
      tpu.yield
    }) : () -> ()
    %dma_start3A = arith.constant 0 : i32
    %dma_start3A_33 = arith.constant 0 : i32
    %dma_start3A_34 = tpu.memref_slice %arg10[%dma_start3A, %dma_start3A_33] : memref<3x40xi32, #tpu.memory_space<vmem>> -> memref<1x40xi32, #tpu.memory_space<vmem>>
    %dma_start3A_35 = tpu.memref_squeeze %dma_start3A_34 : memref<1x40xi32, #tpu.memory_space<vmem>> -> memref<40xi32, #tpu.memory_space<vmem>>
    %dma_start3A_36 = arith.constant 0 : i32
    %dma_start3A_37 = arith.constant 0 : i32
    %dma_start3A_38 = tpu.memref_slice %arg3[%dma_start3A_36, %dma_start3A_37] : memref<10000x128xf32, #tpu.memory_space<hbm>> -> memref<10000x128xf32, #tpu.memory_space<hbm>>
    tpu.enqueue_indirect_dma source(%dma_start3A_38 : memref<10000x128xf32, #tpu.memory_space<hbm>>) target(%arg12 : memref<40x128xf32, #tpu.memory_space<vmem>>) offsets(%dma_start3A_35 : memref<40xi32, #tpu.memory_space<vmem>>) semaphore(%arg21 : memref<!tpu.dma_semaphore, #tpu.memory_space<semaphore_mem>>)
    %dma_start3A_39 = arith.constant 1 : i32
    %dma_start3A_40 = arith.constant 0 : i32
    %dma_start3A_41 = tpu.memref_slice %arg10[%dma_start3A_39, %dma_start3A_40] : memref<3x40xi32, #tpu.memory_space<vmem>> -> memref<1x40xi32, #tpu.memory_space<vmem>>
    %dma_start3A_42 = tpu.memref_squeeze %dma_start3A_41 : memref<1x40xi32, #tpu.memory_space<vmem>> -> memref<40xi32, #tpu.memory_space<vmem>>
    %dma_start3A_43 = arith.constant 0 : i32
    %dma_start3A_44 = arith.constant 0 : i32
    %dma_start3A_45 = tpu.memref_slice %arg2[%dma_start3A_43, %dma_start3A_44] : memref<10000x128xf32, #tpu.memory_space<hbm>> -> memref<10000x128xf32, #tpu.memory_space<hbm>>
    tpu.enqueue_indirect_dma source(%dma_start3A_45 : memref<10000x128xf32, #tpu.memory_space<hbm>>) target(%arg14 : memref<40x128xf32, #tpu.memory_space<vmem>>) offsets(%dma_start3A_42 : memref<40xi32, #tpu.memory_space<vmem>>) semaphore(%arg21 : memref<!tpu.dma_semaphore, #tpu.memory_space<semaphore_mem>>)
    %dma_start3A_46 = arith.constant 0 : i32
    %dma_start3A_47 = arith.constant 0 : i32
    %dma_start3A_48 = tpu.memref_slice %arg10[%dma_start3A_46, %dma_start3A_47] : memref<3x40xi32, #tpu.memory_space<vmem>> -> memref<1x40xi32, #tpu.memory_space<vmem>>
    %dma_start3A_49 = tpu.memref_squeeze %dma_start3A_48 : memref<1x40xi32, #tpu.memory_space<vmem>> -> memref<40xi32, #tpu.memory_space<vmem>>
    %dma_start3A_50 = arith.constant 0 : i32
    %dma_start3A_51 = arith.constant 0 : i32
    %dma_start3A_52 = tpu.memref_slice %arg4[%dma_start3A_50, %dma_start3A_51] : memref<10000x128xf32, #tpu.memory_space<hbm>> -> memref<10000x128xf32, #tpu.memory_space<hbm>>
    tpu.enqueue_indirect_dma source(%dma_start3A_52 : memref<10000x128xf32, #tpu.memory_space<hbm>>) target(%arg16 : memref<40x128xf32, #tpu.memory_space<vmem>>) offsets(%dma_start3A_49 : memref<40xi32, #tpu.memory_space<vmem>>) semaphore(%arg21 : memref<!tpu.dma_semaphore, #tpu.memory_space<semaphore_mem>>)
    %dma_start3A_53 = arith.constant 2 : i32
    %dma_start3A_54 = arith.constant 0 : i32
    %dma_start3A_55 = tpu.memref_slice %arg10[%dma_start3A_53, %dma_start3A_54] : memref<3x40xi32, #tpu.memory_space<vmem>> -> memref<1x40xi32, #tpu.memory_space<vmem>>
    %dma_start3A_56 = tpu.memref_squeeze %dma_start3A_55 : memref<1x40xi32, #tpu.memory_space<vmem>> -> memref<40xi32, #tpu.memory_space<vmem>>
    %dma_start3A_57 = arith.constant 0 : i32
    %dma_start3A_58 = arith.constant 0 : i32
    %dma_start3A_59 = tpu.memref_slice %arg5[%dma_start3A_57, %dma_start3A_58] : memref<50x16xf32, #tpu.memory_space<hbm>> -> memref<50x16xf32, #tpu.memory_space<hbm>>
    tpu.enqueue_indirect_dma source(%dma_start3A_59 : memref<50x16xf32, #tpu.memory_space<hbm>>) target(%arg18 : memref<40x16xf32, #tpu.memory_space<vmem>>) offsets(%dma_start3A_56 : memref<40xi32, #tpu.memory_space<vmem>>) semaphore(%arg21 : memref<!tpu.dma_semaphore, #tpu.memory_space<semaphore_mem>>)
    %scan3A = arith.constant 0 : i32
    %scan3A_60 = arith.constant 0 : i32
    %scan3A_61 = arith.constant 125 : i32
    %scan3A_62 = arith.addi %scan3A_60, %scan3A_61 : i32
    %scan3A_63 = arith.constant 1 : i32
    scf.for %scan3A_71 = %scan3A_60 to %scan3A_62 step %scan3A_63  : i32 {
      %mul3A_72 = arith.constant 2 : i32
      %mul3A_73 = arith.muli %scan3A_71, %mul3A_72 : i32
      %add3A_74 = arith.constant 0 : i32
      %add3A_75 = arith.addi %mul3A_73, %add3A_74 : i32
      %lt3A = arith.constant 249 : i32
      %lt3A_76 = arith.cmpi slt, %add3A_75, %lt3A : i32
      %convert_element_type3A_77 = arith.extui %lt3A_76 : i1 to i32
      %cond3A_78 = arith.constant 0 : i32
      %cond3A_79 = arith.cmpi ne, %convert_element_type3A_77, %cond3A_78 : i32
      scf.if %cond3A_79 {
        %add3A_157 = arith.constant 1 : i32
        %add3A_158 = arith.addi %add3A_75, %add3A_157 : i32
        %mul3A_159 = arith.constant 250 : i32
        %mul3A_160 = arith.muli %add3A, %mul3A_159 : i32
        %add3A_161 = arith.addi %mul3A_160, %add3A_158 : i32
        "tpu.region"() ({
          %run_scoped3A_190 = tpu.sem_alloc : memref<!tpu.dma_semaphore, #tpu.memory_space<semaphore_mem>>
          %dma_start3A_191 = arith.constant 0 : i32
          %dma_start3A_192 = arith.constant 0 : i32
          %dma_start3A_193 = tpu.memref_slice %arg6[%add3A_161, %dma_start3A_191, %dma_start3A_192] : memref<8000x3x40xi32, #tpu.memory_space<hbm>> -> memref<1x3x40xi32, #tpu.memory_space<hbm>>
          %dma_start3A_194 = tpu.memref_squeeze %dma_start3A_193 : memref<1x3x40xi32, #tpu.memory_space<hbm>> -> memref<3x40xi32, #tpu.memory_space<hbm>>
          %dma_start3A_195 = arith.constant 0 : i32
          %dma_start3A_196 = arith.constant 0 : i32
          %dma_start3A_197 = tpu.memref_slice %arg6[%add3A_161, %dma_start3A_195, %dma_start3A_196] : memref<8000x3x40xi32, #tpu.memory_space<hbm>> -> memref<1x3x40xi32, #tpu.memory_space<hbm>>
          %dma_start3A_198 = tpu.memref_squeeze %dma_start3A_197 : memref<1x3x40xi32, #tpu.memory_space<hbm>> -> memref<3x40xi32, #tpu.memory_space<hbm>>
          tpu.enqueue_dma source(%dma_start3A_198 : memref<3x40xi32, #tpu.memory_space<hbm>>) target(%arg11 : memref<3x40xi32, #tpu.memory_space<vmem>>) target_semaphore(%run_scoped3A_190 : memref<!tpu.dma_semaphore, #tpu.memory_space<semaphore_mem>>)
          %dma_wait3A_199 = arith.constant 0 : i32
          %dma_wait3A_200 = arith.constant 0 : i32
          %dma_wait3A_201 = tpu.memref_slice %arg6[%add3A_161, %dma_wait3A_199, %dma_wait3A_200] : memref<8000x3x40xi32, #tpu.memory_space<hbm>> -> memref<1x3x40xi32, #tpu.memory_space<hbm>>
          %dma_wait3A_202 = tpu.memref_squeeze %dma_wait3A_201 : memref<1x3x40xi32, #tpu.memory_space<hbm>> -> memref<3x40xi32, #tpu.memory_space<hbm>>
          %dma_wait3A_203 = arith.constant 0 : i32
          %dma_wait3A_204 = arith.constant 0 : i32
          %dma_wait3A_205 = tpu.memref_slice %arg6[%add3A_161, %dma_wait3A_203, %dma_wait3A_204] : memref<8000x3x40xi32, #tpu.memory_space<hbm>> -> memref<1x3x40xi32, #tpu.memory_space<hbm>>
          %dma_wait3A_206 = tpu.memref_squeeze %dma_wait3A_205 : memref<1x3x40xi32, #tpu.memory_space<hbm>> -> memref<3x40xi32, #tpu.memory_space<hbm>>
          tpu.wait_dma2 semaphore(%run_scoped3A_190 : memref<!tpu.dma_semaphore, #tpu.memory_space<semaphore_mem>>) src(%dma_wait3A_206 : memref<3x40xi32, #tpu.memory_space<hbm>>) dst(%arg11 : memref<3x40xi32, #tpu.memory_space<vmem>>)
          tpu.yield
        }) : () -> ()
        %dma_start3A_162 = arith.constant 0 : i32
        %dma_start3A_163 = arith.constant 0 : i32
        %dma_start3A_164 = tpu.memref_slice %arg11[%dma_start3A_162, %dma_start3A_163] : memref<3x40xi32, #tpu.memory_space<vmem>> -> memref<1x40xi32, #tpu.memory_space<vmem>>
        %dma_start3A_165 = tpu.memref_squeeze %dma_start3A_164 : memref<1x40xi32, #tpu.memory_space<vmem>> -> memref<40xi32, #tpu.memory_space<vmem>>
        %dma_start3A_166 = arith.constant 0 : i32
        %dma_start3A_167 = arith.constant 0 : i32
        %dma_start3A_168 = tpu.memref_slice %arg3[%dma_start3A_166, %dma_start3A_167] : memref<10000x128xf32, #tpu.memory_space<hbm>> -> memref<10000x128xf32, #tpu.memory_space<hbm>>
        tpu.enqueue_indirect_dma source(%dma_start3A_168 : memref<10000x128xf32, #tpu.memory_space<hbm>>) target(%arg13 : memref<40x128xf32, #tpu.memory_space<vmem>>) offsets(%dma_start3A_165 : memref<40xi32, #tpu.memory_space<vmem>>) semaphore(%arg22 : memref<!tpu.dma_semaphore, #tpu.memory_space<semaphore_mem>>)
        %dma_start3A_169 = arith.constant 1 : i32
        %dma_start3A_170 = arith.constant 0 : i32
        %dma_start3A_171 = tpu.memref_slice %arg11[%dma_start3A_169, %dma_start3A_170] : memref<3x40xi32, #tpu.memory_space<vmem>> -> memref<1x40xi32, #tpu.memory_space<vmem>>
        %dma_start3A_172 = tpu.memref_squeeze %dma_start3A_171 : memref<1x40xi32, #tpu.memory_space<vmem>> -> memref<40xi32, #tpu.memory_space<vmem>>
        %dma_start3A_173 = arith.constant 0 : i32
        %dma_start3A_174 = arith.constant 0 : i32
        %dma_start3A_175 = tpu.memref_slice %arg2[%dma_start3A_173, %dma_start3A_174] : memref<10000x128xf32, #tpu.memory_space<hbm>> -> memref<10000x128xf32, #tpu.memory_space<hbm>>
        tpu.enqueue_indirect_dma source(%dma_start3A_175 : memref<10000x128xf32, #tpu.memory_space<hbm>>) target(%arg15 : memref<40x128xf32, #tpu.memory_space<vmem>>) offsets(%dma_start3A_172 : memref<40xi32, #tpu.memory_space<vmem>>) semaphore(%arg22 : memref<!tpu.dma_semaphore, #tpu.memory_space<semaphore_mem>>)
        %dma_start3A_176 = arith.constant 0 : i32
        %dma_start3A_177 = arith.constant 0 : i32
        %dma_start3A_178 = tpu.memref_slice %arg11[%dma_start3A_176, %dma_start3A_177] : memref<3x40xi32, #tpu.memory_space<vmem>> -> memref<1x40xi32, #tpu.memory_space<vmem>>
        %dma_start3A_179 = tpu.memref_squeeze %dma_start3A_178 : memref<1x40xi32, #tpu.memory_space<vmem>> -> memref<40xi32, #tpu.memory_space<vmem>>
        %dma_start3A_180 = arith.constant 0 : i32
        %dma_start3A_181 = arith.constant 0 : i32
        %dma_start3A_182 = tpu.memref_slice %arg4[%dma_start3A_180, %dma_start3A_181] : memref<10000x128xf32, #tpu.memory_space<hbm>> -> memref<10000x128xf32, #tpu.memory_space<hbm>>
        tpu.enqueue_indirect_dma source(%dma_start3A_182 : memref<10000x128xf32, #tpu.memory_space<hbm>>) target(%arg17 : memref<40x128xf32, #tpu.memory_space<vmem>>) offsets(%dma_start3A_179 : memref<40xi32, #tpu.memory_space<vmem>>) semaphore(%arg22 : memref<!tpu.dma_semaphore, #tpu.memory_space<semaphore_mem>>)
        %dma_start3A_183 = arith.constant 2 : i32
        %dma_start3A_184 = arith.constant 0 : i32
        %dma_start3A_185 = tpu.memref_slice %arg11[%dma_start3A_183, %dma_start3A_184] : memref<3x40xi32, #tpu.memory_space<vmem>> -> memref<1x40xi32, #tpu.memory_space<vmem>>
        %dma_start3A_186 = tpu.memref_squeeze %dma_start3A_185 : memref<1x40xi32, #tpu.memory_space<vmem>> -> memref<40xi32, #tpu.memory_space<vmem>>
        %dma_start3A_187 = arith.constant 0 : i32
        %dma_start3A_188 = arith.constant 0 : i32
        %dma_start3A_189 = tpu.memref_slice %arg5[%dma_start3A_187, %dma_start3A_188] : memref<50x16xf32, #tpu.memory_space<hbm>> -> memref<50x16xf32, #tpu.memory_space<hbm>>
        tpu.enqueue_indirect_dma source(%dma_start3A_189 : memref<50x16xf32, #tpu.memory_space<hbm>>) target(%arg19 : memref<40x16xf32, #tpu.memory_space<vmem>>) offsets(%dma_start3A_186 : memref<40xi32, #tpu.memory_space<vmem>>) semaphore(%arg22 : memref<!tpu.dma_semaphore, #tpu.memory_space<semaphore_mem>>)
      } else {
      }
      %dma_wait3A = arith.constant 0 : i32
      %dma_wait3A_80 = arith.constant 0 : i32
      %dma_wait3A_81 = tpu.memref_slice %arg10[%dma_wait3A, %dma_wait3A_80] : memref<3x40xi32, #tpu.memory_space<vmem>> -> memref<1x40xi32, #tpu.memory_space<vmem>>
      %dma_wait3A_82 = tpu.memref_squeeze %dma_wait3A_81 : memref<1x40xi32, #tpu.memory_space<vmem>> -> memref<40xi32, #tpu.memory_space<vmem>>
      %dma_wait3A_83 = arith.constant 0 : i32
      %dma_wait3A_84 = arith.constant 0 : i32
      %dma_wait3A_85 = tpu.memref_slice %arg3[%dma_wait3A_83, %dma_wait3A_84] : memref<10000x128xf32, #tpu.memory_space<hbm>> -> memref<10000x128xf32, #tpu.memory_space<hbm>>
      tpu.wait_indirect_dma semaphore(%arg21 : memref<!tpu.dma_semaphore, #tpu.memory_space<semaphore_mem>>) src(%dma_wait3A_85 : memref<10000x128xf32, #tpu.memory_space<hbm>>) dst(%arg12 : memref<40x128xf32, #tpu.memory_space<vmem>>)
      %dma_wait3A_86 = arith.constant 1 : i32
      %dma_wait3A_87 = arith.constant 0 : i32
      %dma_wait3A_88 = tpu.memref_slice %arg10[%dma_wait3A_86, %dma_wait3A_87] : memref<3x40xi32, #tpu.memory_space<vmem>> -> memref<1x40xi32, #tpu.memory_space<vmem>>
      %dma_wait3A_89 = tpu.memref_squeeze %dma_wait3A_88 : memref<1x40xi32, #tpu.memory_space<vmem>> -> memref<40xi32, #tpu.memory_space<vmem>>
      %dma_wait3A_90 = arith.constant 0 : i32
      %dma_wait3A_91 = arith.constant 0 : i32
      %dma_wait3A_92 = tpu.memref_slice %arg2[%dma_wait3A_90, %dma_wait3A_91] : memref<10000x128xf32, #tpu.memory_space<hbm>> -> memref<10000x128xf32, #tpu.memory_space<hbm>>
      tpu.wait_indirect_dma semaphore(%arg21 : memref<!tpu.dma_semaphore, #tpu.memory_space<semaphore_mem>>) src(%dma_wait3A_92 : memref<10000x128xf32, #tpu.memory_space<hbm>>) dst(%arg14 : memref<40x128xf32, #tpu.memory_space<vmem>>)
      %dma_wait3A_93 = arith.constant 0 : i32
      %dma_wait3A_94 = arith.constant 0 : i32
      %dma_wait3A_95 = tpu.memref_slice %arg10[%dma_wait3A_93, %dma_wait3A_94] : memref<3x40xi32, #tpu.memory_space<vmem>> -> memref<1x40xi32, #tpu.memory_space<vmem>>
      %dma_wait3A_96 = tpu.memref_squeeze %dma_wait3A_95 : memref<1x40xi32, #tpu.memory_space<vmem>> -> memref<40xi32, #tpu.memory_space<vmem>>
      %dma_wait3A_97 = arith.constant 0 : i32
      %dma_wait3A_98 = arith.constant 0 : i32
      %dma_wait3A_99 = tpu.memref_slice %arg4[%dma_wait3A_97, %dma_wait3A_98] : memref<10000x128xf32, #tpu.memory_space<hbm>> -> memref<10000x128xf32, #tpu.memory_space<hbm>>
      tpu.wait_indirect_dma semaphore(%arg21 : memref<!tpu.dma_semaphore, #tpu.memory_space<semaphore_mem>>) src(%dma_wait3A_99 : memref<10000x128xf32, #tpu.memory_space<hbm>>) dst(%arg16 : memref<40x128xf32, #tpu.memory_space<vmem>>)
      %dma_wait3A_100 = arith.constant 2 : i32
      %dma_wait3A_101 = arith.constant 0 : i32
      %dma_wait3A_102 = tpu.memref_slice %arg10[%dma_wait3A_100, %dma_wait3A_101] : memref<3x40xi32, #tpu.memory_space<vmem>> -> memref<1x40xi32, #tpu.memory_space<vmem>>
      %dma_wait3A_103 = tpu.memref_squeeze %dma_wait3A_102 : memref<1x40xi32, #tpu.memory_space<vmem>> -> memref<40xi32, #tpu.memory_space<vmem>>
      %dma_wait3A_104 = arith.constant 0 : i32
      %dma_wait3A_105 = arith.constant 0 : i32
      %dma_wait3A_106 = tpu.memref_slice %arg5[%dma_wait3A_104, %dma_wait3A_105] : memref<50x16xf32, #tpu.memory_space<hbm>> -> memref<50x16xf32, #tpu.memory_space<hbm>>
      tpu.wait_indirect_dma semaphore(%arg21 : memref<!tpu.dma_semaphore, #tpu.memory_space<semaphore_mem>>) src(%dma_wait3A_106 : memref<50x16xf32, #tpu.memory_space<hbm>>) dst(%arg18 : memref<40x16xf32, #tpu.memory_space<vmem>>)
      %scan3A_107 = arith.constant 0 : i32
      %scan3A_108 = arith.constant 0 : i32
      %scan3A_109 = arith.constant 40 : i32
      %scan3A_110 = arith.addi %scan3A_108, %scan3A_109 : i32
      %scan3A_111 = arith.constant 1 : i32
      scf.for %scan3A_157 = %scan3A_108 to %scan3A_110 step %scan3A_111  : i32 {
        %get3A = arith.index_cast %scan3A_157 : i32 to index
        %get3A_158 = arith.constant 0 : index
        %get3A_159 = tpu.vector_load %arg18[%get3A, %get3A_158] {strides = array<i32>} : memref<40x16xf32, #tpu.memory_space<vmem>>, vector<1x16xf32>,
        %get3A_160 = vector.shape_cast %get3A_159 : vector<1x16xf32> to vector<16xf32>
        %get3A_161 = arith.index_cast %scan3A_157 : i32 to index
        %get3A_162 = arith.constant 0 : index
        %get3A_163 = tpu.vector_load %arg12[%get3A_161, %get3A_162] {strides = array<i32>} : memref<40x128xf32, #tpu.memory_space<vmem>>, vector<1x16xf32>,
        %get3A_164 = vector.shape_cast %get3A_163 : vector<1x16xf32> to vector<16xf32>
        %get3A_165 = arith.index_cast %scan3A_157 : i32 to index
        %get3A_166 = arith.constant 0 : index
        %get3A_167 = tpu.vector_load %arg14[%get3A_165, %get3A_166] {strides = array<i32>} : memref<40x128xf32, #tpu.memory_space<vmem>>, vector<1x16xf32>,
        %get3A_168 = vector.shape_cast %get3A_167 : vector<1x16xf32> to vector<16xf32>
        %get3A_169 = arith.index_cast %scan3A_157 : i32 to index
        %get3A_170 = arith.constant 0 : index
        %get3A_171 = tpu.vector_load %arg16[%get3A_169, %get3A_170] {strides = array<i32>} : memref<40x128xf32, #tpu.memory_space<vmem>>, vector<1x16xf32>,
        %get3A_172 = vector.shape_cast %get3A_171 : vector<1x16xf32> to vector<16xf32>
        %add3A_173 = arith.addf %get3A_164, %get3A_160 : vector<16xf32>
        %mul3A_174 = arith.mulf %add3A_173, %get3A_168 : vector<16xf32>
        %broadcast_in_dim3A_175 = vector.shape_cast %and3A_10 : vector<16xi32> to vector<16x1xi32>
        %gather3A = vector.shape_cast %broadcast_in_dim3A_175 : vector<16x1xi32> to vector<16xi32>
        %gather3A_176 = tpu.dynamic_gather %mul3A_174[%gather3A] in [0] : vector<16xf32>, vector<16xi32> -> vector<16xf32>
        %add3A_177 = arith.addf %mul3A_174, %gather3A_176 : vector<16xf32>
        %broadcast_in_dim3A_178 = vector.shape_cast %and3A_16 : vector<16xi32> to vector<16x1xi32>
        %gather3A_179 = vector.shape_cast %broadcast_in_dim3A_178 : vector<16x1xi32> to vector<16xi32>
        %gather3A_180 = tpu.dynamic_gather %add3A_177[%gather3A_179] in [0] : vector<16xf32>, vector<16xi32> -> vector<16xf32>
        %add3A_181 = arith.addf %add3A_177, %gather3A_180 : vector<16xf32>
        %broadcast_in_dim3A_182 = vector.shape_cast %and3A_22 : vector<16xi32> to vector<16x1xi32>
        %gather3A_183 = vector.shape_cast %broadcast_in_dim3A_182 : vector<16x1xi32> to vector<16xi32>
        %gather3A_184 = tpu.dynamic_gather %add3A_181[%gather3A_183] in [0] : vector<16xf32>, vector<16xi32> -> vector<16xf32>
        %add3A_185 = arith.addf %add3A_181, %gather3A_184 : vector<16xf32>
        %broadcast_in_dim3A_186 = vector.shape_cast %and3A_28 : vector<16xi32> to vector<16x1xi32>
        %gather3A_187 = vector.shape_cast %broadcast_in_dim3A_186 : vector<16x1xi32> to vector<16xi32>
        %gather3A_188 = tpu.dynamic_gather %add3A_185[%gather3A_187] in [0] : vector<16xf32>, vector<16xi32> -> vector<16xf32>
        %add3A_189 = arith.addf %add3A_185, %gather3A_188 : vector<16xf32>
        %mul3A_190 = arith.constant 2.500000e-01 : f32
        %mul3A_191 = vector.broadcast %mul3A_190 : f32 to vector<16xf32>
        %mul3A_192 = arith.mulf %add3A_189, %mul3A_191 : vector<16xf32>
        %jit3A = arith.constant -1.000000e+01 : f32
        %jit3A_193 = arith.constant 1.000000e+01 : f32
        %max3A = vector.broadcast %jit3A : f32 to vector<16xf32>
        %max3A_194 = arith.maximumf %max3A, %mul3A_192 : vector<16xf32>
        %min3A = vector.broadcast %jit3A_193 : f32 to vector<16xf32>
        %min3A_195 = arith.minimumf %min3A, %max3A_194 : vector<16xf32>
        %exp3A = math.exp %min3A_195 : vector<16xf32>
        %add3A_196 = arith.addf %get3A_172, %get3A_160 : vector<16xf32>
        %mul3A_197 = arith.mulf %add3A_196, %exp3A : vector<16xf32>
        %swap3A = arith.index_cast %scan3A_157 : i32 to index
        %swap3A_198 = arith.constant 0 : index
        %swap3A_199 = tpu.vector_load %arg20[%swap3A, %swap3A_198] {strides = array<i32>} : memref<40x144xf32, #tpu.memory_space<vmem>>, vector<1x16xf32>,
        %swap3A_200 = vector.shape_cast %swap3A_199 : vector<1x16xf32> to vector<16xf32>
        %swap3A_201 = vector.shape_cast %mul3A_197 : vector<16xf32> to vector<1x16xf32>
        tpu.vector_store %arg20[%swap3A, %swap3A_198], %swap3A_201 {strides = array<i32>} : memref<40x144xf32, #tpu.memory_space<vmem>>, vector<1x16xf32>,
        %eq3A_202 = arith.constant 0 : i32
        %eq3A_203 = vector.broadcast %eq3A_202 : i32 to vector<16xi32>
        %eq3A_204 = arith.cmpi eq, %iota3A, %eq3A_203 : vector<16xi32>
        %select_n3A = arith.select %eq3A_204, %exp3A, %broadcast_in_dim3A_1 : vector<16xi1>, vector<16xf32>
        %get3A_205 = arith.index_cast %scan3A_157 : i32 to index
        %get3A_206 = arith.constant 16 : index
        %get3A_207 = tpu.vector_load %arg12[%get3A_205, %get3A_206] {strides = array<i32>} : memref<40x128xf32, #tpu.memory_space<vmem>>, vector<1x16xf32>,
        %get3A_208 = vector.shape_cast %get3A_207 : vector<1x16xf32> to vector<16xf32>
        %get3A_209 = arith.index_cast %scan3A_157 : i32 to index
        %get3A_210 = arith.constant 16 : index
        %get3A_211 = tpu.vector_load %arg14[%get3A_209, %get3A_210] {strides = array<i32>} : memref<40x128xf32, #tpu.memory_space<vmem>>, vector<1x16xf32>,
        %get3A_212 = vector.shape_cast %get3A_211 : vector<1x16xf32> to vector<16xf32>
        %get3A_213 = arith.index_cast %scan3A_157 : i32 to index
        %get3A_214 = arith.constant 16 : index
        %get3A_215 = tpu.vector_load %arg16[%get3A_213, %get3A_214] {strides = array<i32>} : memref<40x128xf32, #tpu.memory_space<vmem>>, vector<1x16xf32>,
        %get3A_216 = vector.shape_cast %get3A_215 : vector<1x16xf32> to vector<16xf32>
        %add3A_217 = arith.addf %get3A_208, %get3A_160 : vector<16xf32>
        %mul3A_218 = arith.mulf %add3A_217, %get3A_212 : vector<16xf32>
        %broadcast_in_dim3A_219 = vector.shape_cast %and3A_10 : vector<16xi32> to vector<16x1xi32>
        %gather3A_220 = vector.shape_cast %broadcast_in_dim3A_219 : vector<16x1xi32> to vector<16xi32>
        %gather3A_221 = tpu.dynamic_gather %mul3A_218[%gather3A_220] in [0] : vector<16xf32>, vector<16xi32> -> vector<16xf32>
        %add3A_222 = arith.addf %mul3A_218, %gather3A_221 : vector<16xf32>
        %broadcast_in_dim3A_223 = vector.shape_cast %and3A_16 : vector<16xi32> to vector<16x1xi32>
        %gather3A_224 = vector.shape_cast %broadcast_in_dim3A_223 : vector<16x1xi32> to vector<16xi32>
        %gather3A_225 = tpu.dynamic_gather %add3A_222[%gather3A_224] in [0] : vector<16xf32>, vector<16xi32> -> vector<16xf32>
        %add3A_226 = arith.addf %add3A_222, %gather3A_225 : vector<16xf32>
        %broadcast_in_dim3A_227 = vector.shape_cast %and3A_22 : vector<16xi32> to vector<16x1xi32>
        %gather3A_228 = vector.shape_cast %broadcast_in_dim3A_227 : vector<16x1xi32> to vector<16xi32>
        %gather3A_229 = tpu.dynamic_gather %add3A_226[%gather3A_228] in [0] : vector<16xf32>, vector<16xi32> -> vector<16xf32>
        %add3A_230 = arith.addf %add3A_226, %gather3A_229 : vector<16xf32>
        %broadcast_in_dim3A_231 = vector.shape_cast %and3A_28 : vector<16xi32> to vector<16x1xi32>
        %gather3A_232 = vector.shape_cast %broadcast_in_dim3A_231 : vector<16x1xi32> to vector<16xi32>
        %gather3A_233 = tpu.dynamic_gather %add3A_230[%gather3A_232] in [0] : vector<16xf32>, vector<16xi32> -> vector<16xf32>
        %add3A_234 = arith.addf %add3A_230, %gather3A_233 : vector<16xf32>
        %mul3A_235 = arith.constant 2.500000e-01 : f32
        %mul3A_236 = vector.broadcast %mul3A_235 : f32 to vector<16xf32>
        %mul3A_237 = arith.mulf %add3A_234, %mul3A_236 : vector<16xf32>
        %jit3A_238 = arith.constant -1.000000e+01 : f32
        %jit3A_239 = arith.constant 1.000000e+01 : f32
        %max3A_240 = vector.broadcast %jit3A_238 : f32 to vector<16xf32>
        %max3A_241 = arith.maximumf %max3A_240, %mul3A_237 : vector<16xf32>
        %min3A_242 = vector.broadcast %jit3A_239 : f32 to vector<16xf32>
        %min3A_243 = arith.minimumf %min3A_242, %max3A_241 : vector<16xf32>
        %exp3A_244 = math.exp %min3A_243 : vector<16xf32>
        %add3A_245 = arith.addf %get3A_216, %get3A_160 : vector<16xf32>
        %mul3A_246 = arith.mulf %add3A_245, %exp3A_244 : vector<16xf32>
        %swap3A_247 = arith.index_cast %scan3A_157 : i32 to index
        %swap3A_248 = arith.constant 16 : index
        %swap3A_249 = tpu.vector_load %arg20[%swap3A_247, %swap3A_248] {strides = array<i32>} : memref<40x144xf32, #tpu.memory_space<vmem>>, vector<1x16xf32>,
        %swap3A_250 = vector.shape_cast %swap3A_249 : vector<1x16xf32> to vector<16xf32>
        %swap3A_251 = vector.shape_cast %mul3A_246 : vector<16xf32> to vector<1x16xf32>
        tpu.vector_store %arg20[%swap3A_247, %swap3A_248], %swap3A_251 {strides = array<i32>} : memref<40x144xf32, #tpu.memory_space<vmem>>, vector<1x16xf32>,
        %eq3A_252 = arith.constant 1 : i32
        %eq3A_253 = vector.broadcast %eq3A_252 : i32 to vector<16xi32>
        %eq3A_254 = arith.cmpi eq, %iota3A, %eq3A_253 : vector<16xi32>
        %select_n3A_255 = arith.select %eq3A_254, %exp3A_244, %select_n3A : vector<16xi1>, vector<16xf32>
        %get3A_256 = arith.index_cast %scan3A_157 : i32 to index
        %get3A_257 = arith.constant 32 : index
        %get3A_258 = tpu.vector_load %arg12[%get3A_256, %get3A_257] {strides = array<i32>} : memref<40x128xf32, #tpu.memory_space<vmem>>, vector<1x16xf32>,
        %get3A_259 = vector.shape_cast %get3A_258 : vector<1x16xf32> to vector<16xf32>
        %get3A_260 = arith.index_cast %scan3A_157 : i32 to index
        %get3A_261 = arith.constant 32 : index
        %get3A_262 = tpu.vector_load %arg14[%get3A_260, %get3A_261] {strides = array<i32>} : memref<40x128xf32, #tpu.memory_space<vmem>>, vector<1x16xf32>,
        %get3A_263 = vector.shape_cast %get3A_262 : vector<1x16xf32> to vector<16xf32>
        %get3A_264 = arith.index_cast %scan3A_157 : i32 to index
        %get3A_265 = arith.constant 32 : index
        %get3A_266 = tpu.vector_load %arg16[%get3A_264, %get3A_265] {strides = array<i32>} : memref<40x128xf32, #tpu.memory_space<vmem>>, vector<1x16xf32>,
        %get3A_267 = vector.shape_cast %get3A_266 : vector<1x16xf32> to vector<16xf32>
        %add3A_268 = arith.addf %get3A_259, %get3A_160 : vector<16xf32>
        %mul3A_269 = arith.mulf %add3A_268, %get3A_263 : vector<16xf32>
        %broadcast_in_dim3A_270 = vector.shape_cast %and3A_10 : vector<16xi32> to vector<16x1xi32>
        %gather3A_271 = vector.shape_cast %broadcast_in_dim3A_270 : vector<16x1xi32> to vector<16xi32>
        %gather3A_272 = tpu.dynamic_gather %mul3A_269[%gather3A_271] in [0] : vector<16xf32>, vector<16xi32> -> vector<16xf32>
        %add3A_273 = arith.addf %mul3A_269, %gather3A_272 : vector<16xf32>
        %broadcast_in_dim3A_274 = vector.shape_cast %and3A_16 : vector<16xi32> to vector<16x1xi32>
        %gather3A_275 = vector.shape_cast %broadcast_in_dim3A_274 : vector<16x1xi32> to vector<16xi32>
        %gather3A_276 = tpu.dynamic_gather %add3A_273[%gather3A_275] in [0] : vector<16xf32>, vector<16xi32> -> vector<16xf32>
        %add3A_277 = arith.addf %add3A_273, %gather3A_276 : vector<16xf32>
        %broadcast_in_dim3A_278 = vector.shape_cast %and3A_22 : vector<16xi32> to vector<16x1xi32>
        %gather3A_279 = vector.shape_cast %broadcast_in_dim3A_278 : vector<16x1xi32> to vector<16xi32>
        %gather3A_280 = tpu.dynamic_gather %add3A_277[%gather3A_279] in [0] : vector<16xf32>, vector<16xi32> -> vector<16xf32>
        %add3A_281 = arith.addf %add3A_277, %gather3A_280 : vector<16xf32>
        %broadcast_in_dim3A_282 = vector.shape_cast %and3A_28 : vector<16xi32> to vector<16x1xi32>
        %gather3A_283 = vector.shape_cast %broadcast_in_dim3A_282 : vector<16x1xi32> to vector<16xi32>
        %gather3A_284 = tpu.dynamic_gather %add3A_281[%gather3A_283] in [0] : vector<16xf32>, vector<16xi32> -> vector<16xf32>
        %add3A_285 = arith.addf %add3A_281, %gather3A_284 : vector<16xf32>
        %mul3A_286 = arith.constant 2.500000e-01 : f32
        %mul3A_287 = vector.broadcast %mul3A_286 : f32 to vector<16xf32>
        %mul3A_288 = arith.mulf %add3A_285, %mul3A_287 : vector<16xf32>
        %jit3A_289 = arith.constant -1.000000e+01 : f32
        %jit3A_290 = arith.constant 1.000000e+01 : f32
        %max3A_291 = vector.broadcast %jit3A_289 : f32 to vector<16xf32>
        %max3A_292 = arith.maximumf %max3A_291, %mul3A_288 : vector<16xf32>
        %min3A_293 = vector.broadcast %jit3A_290 : f32 to vector<16xf32>
        %min3A_294 = arith.minimumf %min3A_293, %max3A_292 : vector<16xf32>
        %exp3A_295 = math.exp %min3A_294 : vector<16xf32>
        %add3A_296 = arith.addf %get3A_267, %get3A_160 : vector<16xf32>
        %mul3A_297 = arith.mulf %add3A_296, %exp3A_295 : vector<16xf32>
        %swap3A_298 = arith.index_cast %scan3A_157 : i32 to index
        %swap3A_299 = arith.constant 32 : index
        %swap3A_300 = tpu.vector_load %arg20[%swap3A_298, %swap3A_299] {strides = array<i32>} : memref<40x144xf32, #tpu.memory_space<vmem>>, vector<1x16xf32>,
        %swap3A_301 = vector.shape_cast %swap3A_300 : vector<1x16xf32> to vector<16xf32>
        %swap3A_302 = vector.shape_cast %mul3A_297 : vector<16xf32> to vector<1x16xf32>
        tpu.vector_store %arg20[%swap3A_298, %swap3A_299], %swap3A_302 {strides = array<i32>} : memref<40x144xf32, #tpu.memory_space<vmem>>, vector<1x16xf32>,
        %eq3A_303 = arith.constant 2 : i32
        %eq3A_304 = vector.broadcast %eq3A_303 : i32 to vector<16xi32>
        %eq3A_305 = arith.cmpi eq, %iota3A, %eq3A_304 : vector<16xi32>
        %select_n3A_306 = arith.select %eq3A_305, %exp3A_295, %select_n3A_255 : vector<16xi1>, vector<16xf32>
        %get3A_307 = arith.index_cast %scan3A_157 : i32 to index
        %get3A_308 = arith.constant 48 : index
        %get3A_309 = tpu.vector_load %arg12[%get3A_307, %get3A_308] {strides = array<i32>} : memref<40x128xf32, #tpu.memory_space<vmem>>, vector<1x16xf32>,
        %get3A_310 = vector.shape_cast %get3A_309 : vector<1x16xf32> to vector<16xf32>
        %get3A_311 = arith.index_cast %scan3A_157 : i32 to index
        %get3A_312 = arith.constant 48 : index
        %get3A_313 = tpu.vector_load %arg14[%get3A_311, %get3A_312] {strides = array<i32>} : memref<40x128xf32, #tpu.memory_space<vmem>>, vector<1x16xf32>,
        %get3A_314 = vector.shape_cast %get3A_313 : vector<1x16xf32> to vector<16xf32>
        %get3A_315 = arith.index_cast %scan3A_157 : i32 to index
        %get3A_316 = arith.constant 48 : index
        %get3A_317 = tpu.vector_load %arg16[%get3A_315, %get3A_316] {strides = array<i32>} : memref<40x128xf32, #tpu.memory_space<vmem>>, vector<1x16xf32>,
        %get3A_318 = vector.shape_cast %get3A_317 : vector<1x16xf32> to vector<16xf32>
        %add3A_319 = arith.addf %get3A_310, %get3A_160 : vector<16xf32>
        %mul3A_320 = arith.mulf %add3A_319, %get3A_314 : vector<16xf32>
        %broadcast_in_dim3A_321 = vector.shape_cast %and3A_10 : vector<16xi32> to vector<16x1xi32>
        %gather3A_322 = vector.shape_cast %broadcast_in_dim3A_321 : vector<16x1xi32> to vector<16xi32>
        %gather3A_323 = tpu.dynamic_gather %mul3A_320[%gather3A_322] in [0] : vector<16xf32>, vector<16xi32> -> vector<16xf32>
        %add3A_324 = arith.addf %mul3A_320, %gather3A_323 : vector<16xf32>
        %broadcast_in_dim3A_325 = vector.shape_cast %and3A_16 : vector<16xi32> to vector<16x1xi32>
        %gather3A_326 = vector.shape_cast %broadcast_in_dim3A_325 : vector<16x1xi32> to vector<16xi32>
        %gather3A_327 = tpu.dynamic_gather %add3A_324[%gather3A_326] in [0] : vector<16xf32>, vector<16xi32> -> vector<16xf32>
        %add3A_328 = arith.addf %add3A_324, %gather3A_327 : vector<16xf32>
        %broadcast_in_dim3A_329 = vector.shape_cast %and3A_22 : vector<16xi32> to vector<16x1xi32>
        %gather3A_330 = vector.shape_cast %broadcast_in_dim3A_329 : vector<16x1xi32> to vector<16xi32>
        %gather3A_331 = tpu.dynamic_gather %add3A_328[%gather3A_330] in [0] : vector<16xf32>, vector<16xi32> -> vector<16xf32>
        %add3A_332 = arith.addf %add3A_328, %gather3A_331 : vector<16xf32>
        %broadcast_in_dim3A_333 = vector.shape_cast %and3A_28 : vector<16xi32> to vector<16x1xi32>
        %gather3A_334 = vector.shape_cast %broadcast_in_dim3A_333 : vector<16x1xi32> to vector<16xi32>
        %gather3A_335 = tpu.dynamic_gather %add3A_332[%gather3A_334] in [0] : vector<16xf32>, vector<16xi32> -> vector<16xf32>
        %add3A_336 = arith.addf %add3A_332, %gather3A_335 : vector<16xf32>
        %mul3A_337 = arith.constant 2.500000e-01 : f32
        %mul3A_338 = vector.broadcast %mul3A_337 : f32 to vector<16xf32>
        %mul3A_339 = arith.mulf %add3A_336, %mul3A_338 : vector<16xf32>
        %jit3A_340 = arith.constant -1.000000e+01 : f32
        %jit3A_341 = arith.constant 1.000000e+01 : f32
        %max3A_342 = vector.broadcast %jit3A_340 : f32 to vector<16xf32>
        %max3A_343 = arith.maximumf %max3A_342, %mul3A_339 : vector<16xf32>
        %min3A_344 = vector.broadcast %jit3A_341 : f32 to vector<16xf32>
        %min3A_345 = arith.minimumf %min3A_344, %max3A_343 : vector<16xf32>
        %exp3A_346 = math.exp %min3A_345 : vector<16xf32>
        %add3A_347 = arith.addf %get3A_318, %get3A_160 : vector<16xf32>
        %mul3A_348 = arith.mulf %add3A_347, %exp3A_346 : vector<16xf32>
        %swap3A_349 = arith.index_cast %scan3A_157 : i32 to index
        %swap3A_350 = arith.constant 48 : index
        %swap3A_351 = tpu.vector_load %arg20[%swap3A_349, %swap3A_350] {strides = array<i32>} : memref<40x144xf32, #tpu.memory_space<vmem>>, vector<1x16xf32>,
        %swap3A_352 = vector.shape_cast %swap3A_351 : vector<1x16xf32> to vector<16xf32>
        %swap3A_353 = vector.shape_cast %mul3A_348 : vector<16xf32> to vector<1x16xf32>
        tpu.vector_store %arg20[%swap3A_349, %swap3A_350], %swap3A_353 {strides = array<i32>} : memref<40x144xf32, #tpu.memory_space<vmem>>, vector<1x16xf32>,
        %eq3A_354 = arith.constant 3 : i32
        %eq3A_355 = vector.broadcast %eq3A_354 : i32 to vector<16xi32>
        %eq3A_356 = arith.cmpi eq, %iota3A, %eq3A_355 : vector<16xi32>
        %select_n3A_357 = arith.select %eq3A_356, %exp3A_346, %select_n3A_306 : vector<16xi1>, vector<16xf32>
        %get3A_358 = arith.index_cast %scan3A_157 : i32 to index
        %get3A_359 = arith.constant 64 : index
        %get3A_360 = tpu.vector_load %arg12[%get3A_358, %get3A_359] {strides = array<i32>} : memref<40x128xf32, #tpu.memory_space<vmem>>, vector<1x16xf32>,
        %get3A_361 = vector.shape_cast %get3A_360 : vector<1x16xf32> to vector<16xf32>
        %get3A_362 = arith.index_cast %scan3A_157 : i32 to index
        %get3A_363 = arith.constant 64 : index
        %get3A_364 = tpu.vector_load %arg14[%get3A_362, %get3A_363] {strides = array<i32>} : memref<40x128xf32, #tpu.memory_space<vmem>>, vector<1x16xf32>,
        %get3A_365 = vector.shape_cast %get3A_364 : vector<1x16xf32> to vector<16xf32>
        %get3A_366 = arith.index_cast %scan3A_157 : i32 to index
        %get3A_367 = arith.constant 64 : index
        %get3A_368 = tpu.vector_load %arg16[%get3A_366, %get3A_367] {strides = array<i32>} : memref<40x128xf32, #tpu.memory_space<vmem>>, vector<1x16xf32>,
        %get3A_369 = vector.shape_cast %get3A_368 : vector<1x16xf32> to vector<16xf32>
        %add3A_370 = arith.addf %get3A_361, %get3A_160 : vector<16xf32>
        %mul3A_371 = arith.mulf %add3A_370, %get3A_365 : vector<16xf32>
        %broadcast_in_dim3A_372 = vector.shape_cast %and3A_10 : vector<16xi32> to vector<16x1xi32>
        %gather3A_373 = vector.shape_cast %broadcast_in_dim3A_372 : vector<16x1xi32> to vector<16xi32>
        %gather3A_374 = tpu.dynamic_gather %mul3A_371[%gather3A_373] in [0] : vector<16xf32>, vector<16xi32> -> vector<16xf32>
        %add3A_375 = arith.addf %mul3A_371, %gather3A_374 : vector<16xf32>
        %broadcast_in_dim3A_376 = vector.shape_cast %and3A_16 : vector<16xi32> to vector<16x1xi32>
        %gather3A_377 = vector.shape_cast %broadcast_in_dim3A_376 : vector<16x1xi32> to vector<16xi32>
        %gather3A_378 = tpu.dynamic_gather %add3A_375[%gather3A_377] in [0] : vector<16xf32>, vector<16xi32> -> vector<16xf32>
        %add3A_379 = arith.addf %add3A_375, %gather3A_378 : vector<16xf32>
        %broadcast_in_dim3A_380 = vector.shape_cast %and3A_22 : vector<16xi32> to vector<16x1xi32>
        %gather3A_381 = vector.shape_cast %broadcast_in_dim3A_380 : vector<16x1xi32> to vector<16xi32>
        %gather3A_382 = tpu.dynamic_gather %add3A_379[%gather3A_381] in [0] : vector<16xf32>, vector<16xi32> -> vector<16xf32>
        %add3A_383 = arith.addf %add3A_379, %gather3A_382 : vector<16xf32>
        %broadcast_in_dim3A_384 = vector.shape_cast %and3A_28 : vector<16xi32> to vector<16x1xi32>
        %gather3A_385 = vector.shape_cast %broadcast_in_dim3A_384 : vector<16x1xi32> to vector<16xi32>
        %gather3A_386 = tpu.dynamic_gather %add3A_383[%gather3A_385] in [0] : vector<16xf32>, vector<16xi32> -> vector<16xf32>
        %add3A_387 = arith.addf %add3A_383, %gather3A_386 : vector<16xf32>
        %mul3A_388 = arith.constant 2.500000e-01 : f32
        %mul3A_389 = vector.broadcast %mul3A_388 : f32 to vector<16xf32>
        %mul3A_390 = arith.mulf %add3A_387, %mul3A_389 : vector<16xf32>
        %jit3A_391 = arith.constant -1.000000e+01 : f32
        %jit3A_392 = arith.constant 1.000000e+01 : f32
        %max3A_393 = vector.broadcast %jit3A_391 : f32 to vector<16xf32>
        %max3A_394 = arith.maximumf %max3A_393, %mul3A_390 : vector<16xf32>
        %min3A_395 = vector.broadcast %jit3A_392 : f32 to vector<16xf32>
        %min3A_396 = arith.minimumf %min3A_395, %max3A_394 : vector<16xf32>
        %exp3A_397 = math.exp %min3A_396 : vector<16xf32>
        %add3A_398 = arith.addf %get3A_369, %get3A_160 : vector<16xf32>
        %mul3A_399 = arith.mulf %add3A_398, %exp3A_397 : vector<16xf32>
        %swap3A_400 = arith.index_cast %scan3A_157 : i32 to index
        %swap3A_401 = arith.constant 64 : index
        %swap3A_402 = tpu.vector_load %arg20[%swap3A_400, %swap3A_401] {strides = array<i32>} : memref<40x144xf32, #tpu.memory_space<vmem>>, vector<1x16xf32>,
        %swap3A_403 = vector.shape_cast %swap3A_402 : vector<1x16xf32> to vector<16xf32>
        %swap3A_404 = vector.shape_cast %mul3A_399 : vector<16xf32> to vector<1x16xf32>
        tpu.vector_store %arg20[%swap3A_400, %swap3A_401], %swap3A_404 {strides = array<i32>} : memref<40x144xf32, #tpu.memory_space<vmem>>, vector<1x16xf32>,
        %eq3A_405 = arith.constant 4 : i32
        %eq3A_406 = vector.broadcast %eq3A_405 : i32 to vector<16xi32>
        %eq3A_407 = arith.cmpi eq, %iota3A, %eq3A_406 : vector<16xi32>
        %select_n3A_408 = arith.select %eq3A_407, %exp3A_397, %select_n3A_357 : vector<16xi1>, vector<16xf32>
        %get3A_409 = arith.index_cast %scan3A_157 : i32 to index
        %get3A_410 = arith.constant 80 : index
        %get3A_411 = tpu.vector_load %arg12[%get3A_409, %get3A_410] {strides = array<i32>} : memref<40x128xf32, #tpu.memory_space<vmem>>, vector<1x16xf32>,
        %get3A_412 = vector.shape_cast %get3A_411 : vector<1x16xf32> to vector<16xf32>
        %get3A_413 = arith.index_cast %scan3A_157 : i32 to index
        %get3A_414 = arith.constant 80 : index
        %get3A_415 = tpu.vector_load %arg14[%get3A_413, %get3A_414] {strides = array<i32>} : memref<40x128xf32, #tpu.memory_space<vmem>>, vector<1x16xf32>,
        %get3A_416 = vector.shape_cast %get3A_415 : vector<1x16xf32> to vector<16xf32>
        %get3A_417 = arith.index_cast %scan3A_157 : i32 to index
        %get3A_418 = arith.constant 80 : index
        %get3A_419 = tpu.vector_load %arg16[%get3A_417, %get3A_418] {strides = array<i32>} : memref<40x128xf32, #tpu.memory_space<vmem>>, vector<1x16xf32>,
        %get3A_420 = vector.shape_cast %get3A_419 : vector<1x16xf32> to vector<16xf32>
        %add3A_421 = arith.addf %get3A_412, %get3A_160 : vector<16xf32>
        %mul3A_422 = arith.mulf %add3A_421, %get3A_416 : vector<16xf32>
        %broadcast_in_dim3A_423 = vector.shape_cast %and3A_10 : vector<16xi32> to vector<16x1xi32>
        %gather3A_424 = vector.shape_cast %broadcast_in_dim3A_423 : vector<16x1xi32> to vector<16xi32>
        %gather3A_425 = tpu.dynamic_gather %mul3A_422[%gather3A_424] in [0] : vector<16xf32>, vector<16xi32> -> vector<16xf32>
        %add3A_426 = arith.addf %mul3A_422, %gather3A_425 : vector<16xf32>
        %broadcast_in_dim3A_427 = vector.shape_cast %and3A_16 : vector<16xi32> to vector<16x1xi32>
        %gather3A_428 = vector.shape_cast %broadcast_in_dim3A_427 : vector<16x1xi32> to vector<16xi32>
        %gather3A_429 = tpu.dynamic_gather %add3A_426[%gather3A_428] in [0] : vector<16xf32>, vector<16xi32> -> vector<16xf32>
        %add3A_430 = arith.addf %add3A_426, %gather3A_429 : vector<16xf32>
        %broadcast_in_dim3A_431 = vector.shape_cast %and3A_22 : vector<16xi32> to vector<16x1xi32>
        %gather3A_432 = vector.shape_cast %broadcast_in_dim3A_431 : vector<16x1xi32> to vector<16xi32>
        %gather3A_433 = tpu.dynamic_gather %add3A_430[%gather3A_432] in [0] : vector<16xf32>, vector<16xi32> -> vector<16xf32>
        %add3A_434 = arith.addf %add3A_430, %gather3A_433 : vector<16xf32>
        %broadcast_in_dim3A_435 = vector.shape_cast %and3A_28 : vector<16xi32> to vector<16x1xi32>
        %gather3A_436 = vector.shape_cast %broadcast_in_dim3A_435 : vector<16x1xi32> to vector<16xi32>
        %gather3A_437 = tpu.dynamic_gather %add3A_434[%gather3A_436] in [0] : vector<16xf32>, vector<16xi32> -> vector<16xf32>
        %add3A_438 = arith.addf %add3A_434, %gather3A_437 : vector<16xf32>
        %mul3A_439 = arith.constant 2.500000e-01 : f32
        %mul3A_440 = vector.broadcast %mul3A_439 : f32 to vector<16xf32>
        %mul3A_441 = arith.mulf %add3A_438, %mul3A_440 : vector<16xf32>
        %jit3A_442 = arith.constant -1.000000e+01 : f32
        %jit3A_443 = arith.constant 1.000000e+01 : f32
        %max3A_444 = vector.broadcast %jit3A_442 : f32 to vector<16xf32>
        %max3A_445 = arith.maximumf %max3A_444, %mul3A_441 : vector<16xf32>
        %min3A_446 = vector.broadcast %jit3A_443 : f32 to vector<16xf32>
        %min3A_447 = arith.minimumf %min3A_446, %max3A_445 : vector<16xf32>
        %exp3A_448 = math.exp %min3A_447 : vector<16xf32>
        %add3A_449 = arith.addf %get3A_420, %get3A_160 : vector<16xf32>
        %mul3A_450 = arith.mulf %add3A_449, %exp3A_448 : vector<16xf32>
        %swap3A_451 = arith.index_cast %scan3A_157 : i32 to index
        %swap3A_452 = arith.constant 80 : index
        %swap3A_453 = tpu.vector_load %arg20[%swap3A_451, %swap3A_452] {strides = array<i32>} : memref<40x144xf32, #tpu.memory_space<vmem>>, vector<1x16xf32>,
        %swap3A_454 = vector.shape_cast %swap3A_453 : vector<1x16xf32> to vector<16xf32>
        %swap3A_455 = vector.shape_cast %mul3A_450 : vector<16xf32> to vector<1x16xf32>
        tpu.vector_store %arg20[%swap3A_451, %swap3A_452], %swap3A_455 {strides = array<i32>} : memref<40x144xf32, #tpu.memory_space<vmem>>, vector<1x16xf32>,
        %eq3A_456 = arith.constant 5 : i32
        %eq3A_457 = vector.broadcast %eq3A_456 : i32 to vector<16xi32>
        %eq3A_458 = arith.cmpi eq, %iota3A, %eq3A_457 : vector<16xi32>
        %select_n3A_459 = arith.select %eq3A_458, %exp3A_448, %select_n3A_408 : vector<16xi1>, vector<16xf32>
        %get3A_460 = arith.index_cast %scan3A_157 : i32 to index
        %get3A_461 = arith.constant 96 : index
        %get3A_462 = tpu.vector_load %arg12[%get3A_460, %get3A_461] {strides = array<i32>} : memref<40x128xf32, #tpu.memory_space<vmem>>, vector<1x16xf32>,
        %get3A_463 = vector.shape_cast %get3A_462 : vector<1x16xf32> to vector<16xf32>
        %get3A_464 = arith.index_cast %scan3A_157 : i32 to index
        %get3A_465 = arith.constant 96 : index
        %get3A_466 = tpu.vector_load %arg14[%get3A_464, %get3A_465] {strides = array<i32>} : memref<40x128xf32, #tpu.memory_space<vmem>>, vector<1x16xf32>,
        %get3A_467 = vector.shape_cast %get3A_466 : vector<1x16xf32> to vector<16xf32>
        %get3A_468 = arith.index_cast %scan3A_157 : i32 to index
        %get3A_469 = arith.constant 96 : index
        %get3A_470 = tpu.vector_load %arg16[%get3A_468, %get3A_469] {strides = array<i32>} : memref<40x128xf32, #tpu.memory_space<vmem>>, vector<1x16xf32>,
        %get3A_471 = vector.shape_cast %get3A_470 : vector<1x16xf32> to vector<16xf32>
        %add3A_472 = arith.addf %get3A_463, %get3A_160 : vector<16xf32>
        %mul3A_473 = arith.mulf %add3A_472, %get3A_467 : vector<16xf32>
        %broadcast_in_dim3A_474 = vector.shape_cast %and3A_10 : vector<16xi32> to vector<16x1xi32>
        %gather3A_475 = vector.shape_cast %broadcast_in_dim3A_474 : vector<16x1xi32> to vector<16xi32>
        %gather3A_476 = tpu.dynamic_gather %mul3A_473[%gather3A_475] in [0] : vector<16xf32>, vector<16xi32> -> vector<16xf32>
        %add3A_477 = arith.addf %mul3A_473, %gather3A_476 : vector<16xf32>
        %broadcast_in_dim3A_478 = vector.shape_cast %and3A_16 : vector<16xi32> to vector<16x1xi32>
        %gather3A_479 = vector.shape_cast %broadcast_in_dim3A_478 : vector<16x1xi32> to vector<16xi32>
        %gather3A_480 = tpu.dynamic_gather %add3A_477[%gather3A_479] in [0] : vector<16xf32>, vector<16xi32> -> vector<16xf32>
        %add3A_481 = arith.addf %add3A_477, %gather3A_480 : vector<16xf32>
        %broadcast_in_dim3A_482 = vector.shape_cast %and3A_22 : vector<16xi32> to vector<16x1xi32>
        %gather3A_483 = vector.shape_cast %broadcast_in_dim3A_482 : vector<16x1xi32> to vector<16xi32>
        %gather3A_484 = tpu.dynamic_gather %add3A_481[%gather3A_483] in [0] : vector<16xf32>, vector<16xi32> -> vector<16xf32>
        %add3A_485 = arith.addf %add3A_481, %gather3A_484 : vector<16xf32>
        %broadcast_in_dim3A_486 = vector.shape_cast %and3A_28 : vector<16xi32> to vector<16x1xi32>
        %gather3A_487 = vector.shape_cast %broadcast_in_dim3A_486 : vector<16x1xi32> to vector<16xi32>
        %gather3A_488 = tpu.dynamic_gather %add3A_485[%gather3A_487] in [0] : vector<16xf32>, vector<16xi32> -> vector<16xf32>
        %add3A_489 = arith.addf %add3A_485, %gather3A_488 : vector<16xf32>
        %mul3A_490 = arith.constant 2.500000e-01 : f32
        %mul3A_491 = vector.broadcast %mul3A_490 : f32 to vector<16xf32>
        %mul3A_492 = arith.mulf %add3A_489, %mul3A_491 : vector<16xf32>
        %jit3A_493 = arith.constant -1.000000e+01 : f32
        %jit3A_494 = arith.constant 1.000000e+01 : f32
        %max3A_495 = vector.broadcast %jit3A_493 : f32 to vector<16xf32>
        %max3A_496 = arith.maximumf %max3A_495, %mul3A_492 : vector<16xf32>
        %min3A_497 = vector.broadcast %jit3A_494 : f32 to vector<16xf32>
        %min3A_498 = arith.minimumf %min3A_497, %max3A_496 : vector<16xf32>
        %exp3A_499 = math.exp %min3A_498 : vector<16xf32>
        %add3A_500 = arith.addf %get3A_471, %get3A_160 : vector<16xf32>
        %mul3A_501 = arith.mulf %add3A_500, %exp3A_499 : vector<16xf32>
        %swap3A_502 = arith.index_cast %scan3A_157 : i32 to index
        %swap3A_503 = arith.constant 96 : index
        %swap3A_504 = tpu.vector_load %arg20[%swap3A_502, %swap3A_503] {strides = array<i32>} : memref<40x144xf32, #tpu.memory_space<vmem>>, vector<1x16xf32>,
        %swap3A_505 = vector.shape_cast %swap3A_504 : vector<1x16xf32> to vector<16xf32>
        %swap3A_506 = vector.shape_cast %mul3A_501 : vector<16xf32> to vector<1x16xf32>
        tpu.vector_store %arg20[%swap3A_502, %swap3A_503], %swap3A_506 {strides = array<i32>} : memref<40x144xf32, #tpu.memory_space<vmem>>, vector<1x16xf32>,
        %eq3A_507 = arith.constant 6 : i32
        %eq3A_508 = vector.broadcast %eq3A_507 : i32 to vector<16xi32>
        %eq3A_509 = arith.cmpi eq, %iota3A, %eq3A_508 : vector<16xi32>
        %select_n3A_510 = arith.select %eq3A_509, %exp3A_499, %select_n3A_459 : vector<16xi1>, vector<16xf32>
        %get3A_511 = arith.index_cast %scan3A_157 : i32 to index
        %get3A_512 = arith.constant 112 : index
        %get3A_513 = tpu.vector_load %arg12[%get3A_511, %get3A_512] {strides = array<i32>} : memref<40x128xf32, #tpu.memory_space<vmem>>, vector<1x16xf32>,
        %get3A_514 = vector.shape_cast %get3A_513 : vector<1x16xf32> to vector<16xf32>
        %get3A_515 = arith.index_cast %scan3A_157 : i32 to index
        %get3A_516 = arith.constant 112 : index
        %get3A_517 = tpu.vector_load %arg14[%get3A_515, %get3A_516] {strides = array<i32>} : memref<40x128xf32, #tpu.memory_space<vmem>>, vector<1x16xf32>,
        %get3A_518 = vector.shape_cast %get3A_517 : vector<1x16xf32> to vector<16xf32>
        %get3A_519 = arith.index_cast %scan3A_157 : i32 to index
        %get3A_520 = arith.constant 112 : index
        %get3A_521 = tpu.vector_load %arg16[%get3A_519, %get3A_520] {strides = array<i32>} : memref<40x128xf32, #tpu.memory_space<vmem>>, vector<1x16xf32>,
        %get3A_522 = vector.shape_cast %get3A_521 : vector<1x16xf32> to vector<16xf32>
        %add3A_523 = arith.addf %get3A_514, %get3A_160 : vector<16xf32>
        %mul3A_524 = arith.mulf %add3A_523, %get3A_518 : vector<16xf32>
        %broadcast_in_dim3A_525 = vector.shape_cast %and3A_10 : vector<16xi32> to vector<16x1xi32>
        %gather3A_526 = vector.shape_cast %broadcast_in_dim3A_525 : vector<16x1xi32> to vector<16xi32>
        %gather3A_527 = tpu.dynamic_gather %mul3A_524[%gather3A_526] in [0] : vector<16xf32>, vector<16xi32> -> vector<16xf32>
        %add3A_528 = arith.addf %mul3A_524, %gather3A_527 : vector<16xf32>
        %broadcast_in_dim3A_529 = vector.shape_cast %and3A_16 : vector<16xi32> to vector<16x1xi32>
        %gather3A_530 = vector.shape_cast %broadcast_in_dim3A_529 : vector<16x1xi32> to vector<16xi32>
        %gather3A_531 = tpu.dynamic_gather %add3A_528[%gather3A_530] in [0] : vector<16xf32>, vector<16xi32> -> vector<16xf32>
        %add3A_532 = arith.addf %add3A_528, %gather3A_531 : vector<16xf32>
        %broadcast_in_dim3A_533 = vector.shape_cast %and3A_22 : vector<16xi32> to vector<16x1xi32>
        %gather3A_534 = vector.shape_cast %broadcast_in_dim3A_533 : vector<16x1xi32> to vector<16xi32>
        %gather3A_535 = tpu.dynamic_gather %add3A_532[%gather3A_534] in [0] : vector<16xf32>, vector<16xi32> -> vector<16xf32>
        %add3A_536 = arith.addf %add3A_532, %gather3A_535 : vector<16xf32>
        %broadcast_in_dim3A_537 = vector.shape_cast %and3A_28 : vector<16xi32> to vector<16x1xi32>
        %gather3A_538 = vector.shape_cast %broadcast_in_dim3A_537 : vector<16x1xi32> to vector<16xi32>
        %gather3A_539 = tpu.dynamic_gather %add3A_536[%gather3A_538] in [0] : vector<16xf32>, vector<16xi32> -> vector<16xf32>
        %add3A_540 = arith.addf %add3A_536, %gather3A_539 : vector<16xf32>
        %mul3A_541 = arith.constant 2.500000e-01 : f32
        %mul3A_542 = vector.broadcast %mul3A_541 : f32 to vector<16xf32>
        %mul3A_543 = arith.mulf %add3A_540, %mul3A_542 : vector<16xf32>
        %jit3A_544 = arith.constant -1.000000e+01 : f32
        %jit3A_545 = arith.constant 1.000000e+01 : f32
        %max3A_546 = vector.broadcast %jit3A_544 : f32 to vector<16xf32>
        %max3A_547 = arith.maximumf %max3A_546, %mul3A_543 : vector<16xf32>
        %min3A_548 = vector.broadcast %jit3A_545 : f32 to vector<16xf32>
        %min3A_549 = arith.minimumf %min3A_548, %max3A_547 : vector<16xf32>
        %exp3A_550 = math.exp %min3A_549 : vector<16xf32>
        %add3A_551 = arith.addf %get3A_522, %get3A_160 : vector<16xf32>
        %mul3A_552 = arith.mulf %add3A_551, %exp3A_550 : vector<16xf32>
        %swap3A_553 = arith.index_cast %scan3A_157 : i32 to index
        %swap3A_554 = arith.constant 112 : index
        %swap3A_555 = tpu.vector_load %arg20[%swap3A_553, %swap3A_554] {strides = array<i32>} : memref<40x144xf32, #tpu.memory_space<vmem>>, vector<1x16xf32>,
        %swap3A_556 = vector.shape_cast %swap3A_555 : vector<1x16xf32> to vector<16xf32>
        %swap3A_557 = vector.shape_cast %mul3A_552 : vector<16xf32> to vector<1x16xf32>
        tpu.vector_store %arg20[%swap3A_553, %swap3A_554], %swap3A_557 {strides = array<i32>} : memref<40x144xf32, #tpu.memory_space<vmem>>, vector<1x16xf32>,
        %eq3A_558 = arith.constant 7 : i32
        %eq3A_559 = vector.broadcast %eq3A_558 : i32 to vector<16xi32>
        %eq3A_560 = arith.cmpi eq, %iota3A, %eq3A_559 : vector<16xi32>
        %select_n3A_561 = arith.select %eq3A_560, %exp3A_550, %select_n3A_510 : vector<16xi1>, vector<16xf32>
        %swap3A_562 = arith.index_cast %scan3A_157 : i32 to index
        %swap3A_563 = arith.constant 128 : index
        %swap3A_564 = tpu.vector_load %arg20[%swap3A_562, %swap3A_563] {strides = array<i32>} : memref<40x144xf32, #tpu.memory_space<vmem>>, vector<1x16xf32>,
        %swap3A_565 = vector.shape_cast %swap3A_564 : vector<1x16xf32> to vector<16xf32>
        %swap3A_566 = vector.shape_cast %select_n3A_561 : vector<16xf32> to vector<1x16xf32>
        tpu.vector_store %arg20[%swap3A_562, %swap3A_563], %swap3A_566 {strides = array<i32>} : memref<40x144xf32, #tpu.memory_space<vmem>>, vector<1x16xf32>,
      }
      %scan3A_112 = arith.constant 40 : i32
      %run_scoped3A = arith.constant 1 : i32
      "tpu.region"() ({
        %run_scoped3A_157 = tpu.sem_alloc : memref<!tpu.dma_semaphore, #tpu.memory_space<semaphore_mem>>
        %dma_start3A_158 = arith.constant 0 : i32
        %dma_start3A_159 = tpu.memref_slice %arg10[%run_scoped3A, %dma_start3A_158] : memref<3x40xi32, #tpu.memory_space<vmem>> -> memref<1x40xi32, #tpu.memory_space<vmem>>
        %dma_start3A_160 = tpu.memref_squeeze %dma_start3A_159 : memref<1x40xi32, #tpu.memory_space<vmem>> -> memref<40xi32, #tpu.memory_space<vmem>>
        %dma_start3A_161 = arith.constant 0 : i32
        %dma_start3A_162 = arith.constant 0 : i32
        %dma_start3A_163 = tpu.memref_slice %arg9[%dma_start3A_161, %dma_start3A_162] : memref<10000x144xf32, #tpu.memory_space<vmem_shared>> -> memref<10000x144xf32, #tpu.memory_space<vmem_shared>>
        tpu.enqueue_indirect_dma source(%arg20 : memref<40x144xf32, #tpu.memory_space<vmem>>) target(%dma_start3A_163 : memref<10000x144xf32, #tpu.memory_space<vmem_shared>>) offsets(%dma_start3A_160 : memref<40xi32, #tpu.memory_space<vmem>>) semaphore(%run_scoped3A_157 : memref<!tpu.dma_semaphore, #tpu.memory_space<semaphore_mem>>) {add = true}
        %dma_wait3A_164 = arith.constant 0 : i32
        %dma_wait3A_165 = tpu.memref_slice %arg10[%run_scoped3A, %dma_wait3A_164] : memref<3x40xi32, #tpu.memory_space<vmem>> -> memref<1x40xi32, #tpu.memory_space<vmem>>
        %dma_wait3A_166 = tpu.memref_squeeze %dma_wait3A_165 : memref<1x40xi32, #tpu.memory_space<vmem>> -> memref<40xi32, #tpu.memory_space<vmem>>
        %dma_wait3A_167 = arith.constant 0 : i32
        %dma_wait3A_168 = arith.constant 0 : i32
        %dma_wait3A_169 = tpu.memref_slice %arg9[%dma_wait3A_167, %dma_wait3A_168] : memref<10000x144xf32, #tpu.memory_space<vmem_shared>> -> memref<10000x144xf32, #tpu.memory_space<vmem_shared>>
        tpu.wait_indirect_dma semaphore(%run_scoped3A_157 : memref<!tpu.dma_semaphore, #tpu.memory_space<semaphore_mem>>) src(%arg20 : memref<40x144xf32, #tpu.memory_space<vmem>>) dst(%dma_wait3A_169 : memref<10000x144xf32, #tpu.memory_space<vmem_shared>>)
        tpu.yield
      }) : () -> ()
      %mul3A_113 = arith.constant 2 : i32
      %mul3A_114 = arith.muli %scan3A_71, %mul3A_113 : i32
      %add3A_115 = arith.constant 1 : i32
      %add3A_116 = arith.addi %mul3A_114, %add3A_115 : i32
      %lt3A_117 = arith.constant 249 : i32
      %lt3A_118 = arith.cmpi slt, %add3A_116, %lt3A_117 : i32
      %convert_element_type3A_119 = arith.extui %lt3A_118 : i1 to i32
      %cond3A_120 = arith.constant 0 : i32
      %cond3A_121 = arith.cmpi ne, %convert_element_type3A_119, %cond3A_120 : i32
      scf.if %cond3A_121 {
        %add3A_157 = arith.constant 1 : i32
        %add3A_158 = arith.addi %add3A_116, %add3A_157 : i32
        %mul3A_159 = arith.constant 250 : i32
        %mul3A_160 = arith.muli %add3A, %mul3A_159 : i32
        %add3A_161 = arith.addi %mul3A_160, %add3A_158 : i32
        "tpu.region"() ({
          %run_scoped3A_190 = tpu.sem_alloc : memref<!tpu.dma_semaphore, #tpu.memory_space<semaphore_mem>>
          %dma_start3A_191 = arith.constant 0 : i32
          %dma_start3A_192 = arith.constant 0 : i32
          %dma_start3A_193 = tpu.memref_slice %arg6[%add3A_161, %dma_start3A_191, %dma_start3A_192] : memref<8000x3x40xi32, #tpu.memory_space<hbm>> -> memref<1x3x40xi32, #tpu.memory_space<hbm>>
          %dma_start3A_194 = tpu.memref_squeeze %dma_start3A_193 : memref<1x3x40xi32, #tpu.memory_space<hbm>> -> memref<3x40xi32, #tpu.memory_space<hbm>>
          %dma_start3A_195 = arith.constant 0 : i32
          %dma_start3A_196 = arith.constant 0 : i32
          %dma_start3A_197 = tpu.memref_slice %arg6[%add3A_161, %dma_start3A_195, %dma_start3A_196] : memref<8000x3x40xi32, #tpu.memory_space<hbm>> -> memref<1x3x40xi32, #tpu.memory_space<hbm>>
          %dma_start3A_198 = tpu.memref_squeeze %dma_start3A_197 : memref<1x3x40xi32, #tpu.memory_space<hbm>> -> memref<3x40xi32, #tpu.memory_space<hbm>>
          tpu.enqueue_dma source(%dma_start3A_198 : memref<3x40xi32, #tpu.memory_space<hbm>>) target(%arg10 : memref<3x40xi32, #tpu.memory_space<vmem>>) target_semaphore(%run_scoped3A_190 : memref<!tpu.dma_semaphore, #tpu.memory_space<semaphore_mem>>)
          %dma_wait3A_199 = arith.constant 0 : i32
          %dma_wait3A_200 = arith.constant 0 : i32
          %dma_wait3A_201 = tpu.memref_slice %arg6[%add3A_161, %dma_wait3A_199, %dma_wait3A_200] : memref<8000x3x40xi32, #tpu.memory_space<hbm>> -> memref<1x3x40xi32, #tpu.memory_space<hbm>>
          %dma_wait3A_202 = tpu.memref_squeeze %dma_wait3A_201 : memref<1x3x40xi32, #tpu.memory_space<hbm>> -> memref<3x40xi32, #tpu.memory_space<hbm>>
          %dma_wait3A_203 = arith.constant 0 : i32
          %dma_wait3A_204 = arith.constant 0 : i32
          %dma_wait3A_205 = tpu.memref_slice %arg6[%add3A_161, %dma_wait3A_203, %dma_wait3A_204] : memref<8000x3x40xi32, #tpu.memory_space<hbm>> -> memref<1x3x40xi32, #tpu.memory_space<hbm>>
          %dma_wait3A_206 = tpu.memref_squeeze %dma_wait3A_205 : memref<1x3x40xi32, #tpu.memory_space<hbm>> -> memref<3x40xi32, #tpu.memory_space<hbm>>
          tpu.wait_dma2 semaphore(%run_scoped3A_190 : memref<!tpu.dma_semaphore, #tpu.memory_space<semaphore_mem>>) src(%dma_wait3A_206 : memref<3x40xi32, #tpu.memory_space<hbm>>) dst(%arg10 : memref<3x40xi32, #tpu.memory_space<vmem>>)
          tpu.yield
        }) : () -> ()
        %dma_start3A_162 = arith.constant 0 : i32
        %dma_start3A_163 = arith.constant 0 : i32
        %dma_start3A_164 = tpu.memref_slice %arg10[%dma_start3A_162, %dma_start3A_163] : memref<3x40xi32, #tpu.memory_space<vmem>> -> memref<1x40xi32, #tpu.memory_space<vmem>>
        %dma_start3A_165 = tpu.memref_squeeze %dma_start3A_164 : memref<1x40xi32, #tpu.memory_space<vmem>> -> memref<40xi32, #tpu.memory_space<vmem>>
        %dma_start3A_166 = arith.constant 0 : i32
        %dma_start3A_167 = arith.constant 0 : i32
        %dma_start3A_168 = tpu.memref_slice %arg3[%dma_start3A_166, %dma_start3A_167] : memref<10000x128xf32, #tpu.memory_space<hbm>> -> memref<10000x128xf32, #tpu.memory_space<hbm>>
        tpu.enqueue_indirect_dma source(%dma_start3A_168 : memref<10000x128xf32, #tpu.memory_space<hbm>>) target(%arg12 : memref<40x128xf32, #tpu.memory_space<vmem>>) offsets(%dma_start3A_165 : memref<40xi32, #tpu.memory_space<vmem>>) semaphore(%arg21 : memref<!tpu.dma_semaphore, #tpu.memory_space<semaphore_mem>>)
        %dma_start3A_169 = arith.constant 1 : i32
        %dma_start3A_170 = arith.constant 0 : i32
        %dma_start3A_171 = tpu.memref_slice %arg10[%dma_start3A_169, %dma_start3A_170] : memref<3x40xi32, #tpu.memory_space<vmem>> -> memref<1x40xi32, #tpu.memory_space<vmem>>
        %dma_start3A_172 = tpu.memref_squeeze %dma_start3A_171 : memref<1x40xi32, #tpu.memory_space<vmem>> -> memref<40xi32, #tpu.memory_space<vmem>>
        %dma_start3A_173 = arith.constant 0 : i32
        %dma_start3A_174 = arith.constant 0 : i32
        %dma_start3A_175 = tpu.memref_slice %arg2[%dma_start3A_173, %dma_start3A_174] : memref<10000x128xf32, #tpu.memory_space<hbm>> -> memref<10000x128xf32, #tpu.memory_space<hbm>>
        tpu.enqueue_indirect_dma source(%dma_start3A_175 : memref<10000x128xf32, #tpu.memory_space<hbm>>) target(%arg14 : memref<40x128xf32, #tpu.memory_space<vmem>>) offsets(%dma_start3A_172 : memref<40xi32, #tpu.memory_space<vmem>>) semaphore(%arg21 : memref<!tpu.dma_semaphore, #tpu.memory_space<semaphore_mem>>)
        %dma_start3A_176 = arith.constant 0 : i32
        %dma_start3A_177 = arith.constant 0 : i32
        %dma_start3A_178 = tpu.memref_slice %arg10[%dma_start3A_176, %dma_start3A_177] : memref<3x40xi32, #tpu.memory_space<vmem>> -> memref<1x40xi32, #tpu.memory_space<vmem>>
        %dma_start3A_179 = tpu.memref_squeeze %dma_start3A_178 : memref<1x40xi32, #tpu.memory_space<vmem>> -> memref<40xi32, #tpu.memory_space<vmem>>
        %dma_start3A_180 = arith.constant 0 : i32
        %dma_start3A_181 = arith.constant 0 : i32
        %dma_start3A_182 = tpu.memref_slice %arg4[%dma_start3A_180, %dma_start3A_181] : memref<10000x128xf32, #tpu.memory_space<hbm>> -> memref<10000x128xf32, #tpu.memory_space<hbm>>
        tpu.enqueue_indirect_dma source(%dma_start3A_182 : memref<10000x128xf32, #tpu.memory_space<hbm>>) target(%arg16 : memref<40x128xf32, #tpu.memory_space<vmem>>) offsets(%dma_start3A_179 : memref<40xi32, #tpu.memory_space<vmem>>) semaphore(%arg21 : memref<!tpu.dma_semaphore, #tpu.memory_space<semaphore_mem>>)
        %dma_start3A_183 = arith.constant 2 : i32
        %dma_start3A_184 = arith.constant 0 : i32
        %dma_start3A_185 = tpu.memref_slice %arg10[%dma_start3A_183, %dma_start3A_184] : memref<3x40xi32, #tpu.memory_space<vmem>> -> memref<1x40xi32, #tpu.memory_space<vmem>>
        %dma_start3A_186 = tpu.memref_squeeze %dma_start3A_185 : memref<1x40xi32, #tpu.memory_space<vmem>> -> memref<40xi32, #tpu.memory_space<vmem>>
        %dma_start3A_187 = arith.constant 0 : i32
        %dma_start3A_188 = arith.constant 0 : i32
        %dma_start3A_189 = tpu.memref_slice %arg5[%dma_start3A_187, %dma_start3A_188] : memref<50x16xf32, #tpu.memory_space<hbm>> -> memref<50x16xf32, #tpu.memory_space<hbm>>
        tpu.enqueue_indirect_dma source(%dma_start3A_189 : memref<50x16xf32, #tpu.memory_space<hbm>>) target(%arg18 : memref<40x16xf32, #tpu.memory_space<vmem>>) offsets(%dma_start3A_186 : memref<40xi32, #tpu.memory_space<vmem>>) semaphore(%arg21 : memref<!tpu.dma_semaphore, #tpu.memory_space<semaphore_mem>>)
      } else {
      }
      %dma_wait3A_122 = arith.constant 0 : i32
      %dma_wait3A_123 = arith.constant 0 : i32
      %dma_wait3A_124 = tpu.memref_slice %arg11[%dma_wait3A_122, %dma_wait3A_123] : memref<3x40xi32, #tpu.memory_space<vmem>> -> memref<1x40xi32, #tpu.memory_space<vmem>>
      %dma_wait3A_125 = tpu.memref_squeeze %dma_wait3A_124 : memref<1x40xi32, #tpu.memory_space<vmem>> -> memref<40xi32, #tpu.memory_space<vmem>>
      %dma_wait3A_126 = arith.constant 0 : i32
      %dma_wait3A_127 = arith.constant 0 : i32
      %dma_wait3A_128 = tpu.memref_slice %arg3[%dma_wait3A_126, %dma_wait3A_127] : memref<10000x128xf32, #tpu.memory_space<hbm>> -> memref<10000x128xf32, #tpu.memory_space<hbm>>
      tpu.wait_indirect_dma semaphore(%arg22 : memref<!tpu.dma_semaphore, #tpu.memory_space<semaphore_mem>>) src(%dma_wait3A_128 : memref<10000x128xf32, #tpu.memory_space<hbm>>) dst(%arg13 : memref<40x128xf32, #tpu.memory_space<vmem>>)
      %dma_wait3A_129 = arith.constant 1 : i32
      %dma_wait3A_130 = arith.constant 0 : i32
      %dma_wait3A_131 = tpu.memref_slice %arg11[%dma_wait3A_129, %dma_wait3A_130] : memref<3x40xi32, #tpu.memory_space<vmem>> -> memref<1x40xi32, #tpu.memory_space<vmem>>
      %dma_wait3A_132 = tpu.memref_squeeze %dma_wait3A_131 : memref<1x40xi32, #tpu.memory_space<vmem>> -> memref<40xi32, #tpu.memory_space<vmem>>
      %dma_wait3A_133 = arith.constant 0 : i32
      %dma_wait3A_134 = arith.constant 0 : i32
      %dma_wait3A_135 = tpu.memref_slice %arg2[%dma_wait3A_133, %dma_wait3A_134] : memref<10000x128xf32, #tpu.memory_space<hbm>> -> memref<10000x128xf32, #tpu.memory_space<hbm>>
      tpu.wait_indirect_dma semaphore(%arg22 : memref<!tpu.dma_semaphore, #tpu.memory_space<semaphore_mem>>) src(%dma_wait3A_135 : memref<10000x128xf32, #tpu.memory_space<hbm>>) dst(%arg15 : memref<40x128xf32, #tpu.memory_space<vmem>>)
      %dma_wait3A_136 = arith.constant 0 : i32
      %dma_wait3A_137 = arith.constant 0 : i32
      %dma_wait3A_138 = tpu.memref_slice %arg11[%dma_wait3A_136, %dma_wait3A_137] : memref<3x40xi32, #tpu.memory_space<vmem>> -> memref<1x40xi32, #tpu.memory_space<vmem>>
      %dma_wait3A_139 = tpu.memref_squeeze %dma_wait3A_138 : memref<1x40xi32, #tpu.memory_space<vmem>> -> memref<40xi32, #tpu.memory_space<vmem>>
      %dma_wait3A_140 = arith.constant 0 : i32
      %dma_wait3A_141 = arith.constant 0 : i32
      %dma_wait3A_142 = tpu.memref_slice %arg4[%dma_wait3A_140, %dma_wait3A_141] : memref<10000x128xf32, #tpu.memory_space<hbm>> -> memref<10000x128xf32, #tpu.memory_space<hbm>>
      tpu.wait_indirect_dma semaphore(%arg22 : memref<!tpu.dma_semaphore, #tpu.memory_space<semaphore_mem>>) src(%dma_wait3A_142 : memref<10000x128xf32, #tpu.memory_space<hbm>>) dst(%arg17 : memref<40x128xf32, #tpu.memory_space<vmem>>)
      %dma_wait3A_143 = arith.constant 2 : i32
      %dma_wait3A_144 = arith.constant 0 : i32
      %dma_wait3A_145 = tpu.memref_slice %arg11[%dma_wait3A_143, %dma_wait3A_144] : memref<3x40xi32, #tpu.memory_space<vmem>> -> memref<1x40xi32, #tpu.memory_space<vmem>>
      %dma_wait3A_146 = tpu.memref_squeeze %dma_wait3A_145 : memref<1x40xi32, #tpu.memory_space<vmem>> -> memref<40xi32, #tpu.memory_space<vmem>>
      %dma_wait3A_147 = arith.constant 0 : i32
      %dma_wait3A_148 = arith.constant 0 : i32
      %dma_wait3A_149 = tpu.memref_slice %arg5[%dma_wait3A_147, %dma_wait3A_148] : memref<50x16xf32, #tpu.memory_space<hbm>> -> memref<50x16xf32, #tpu.memory_space<hbm>>
      tpu.wait_indirect_dma semaphore(%arg22 : memref<!tpu.dma_semaphore, #tpu.memory_space<semaphore_mem>>) src(%dma_wait3A_149 : memref<50x16xf32, #tpu.memory_space<hbm>>) dst(%arg19 : memref<40x16xf32, #tpu.memory_space<vmem>>)
      %scan3A_150 = arith.constant 0 : i32
      %scan3A_151 = arith.constant 0 : i32
      %scan3A_152 = arith.constant 40 : i32
      %scan3A_153 = arith.addi %scan3A_151, %scan3A_152 : i32
      %scan3A_154 = arith.constant 1 : i32
      scf.for %scan3A_157 = %scan3A_151 to %scan3A_153 step %scan3A_154  : i32 {
        %get3A = arith.index_cast %scan3A_157 : i32 to index
        %get3A_158 = arith.constant 0 : index
        %get3A_159 = tpu.vector_load %arg19[%get3A, %get3A_158] {strides = array<i32>} : memref<40x16xf32, #tpu.memory_space<vmem>>, vector<1x16xf32>,
        %get3A_160 = vector.shape_cast %get3A_159 : vector<1x16xf32> to vector<16xf32>
        %get3A_161 = arith.index_cast %scan3A_157 : i32 to index
        %get3A_162 = arith.constant 0 : index
        %get3A_163 = tpu.vector_load %arg13[%get3A_161, %get3A_162] {strides = array<i32>} : memref<40x128xf32, #tpu.memory_space<vmem>>, vector<1x16xf32>,
        %get3A_164 = vector.shape_cast %get3A_163 : vector<1x16xf32> to vector<16xf32>
        %get3A_165 = arith.index_cast %scan3A_157 : i32 to index
        %get3A_166 = arith.constant 0 : index
        %get3A_167 = tpu.vector_load %arg15[%get3A_165, %get3A_166] {strides = array<i32>} : memref<40x128xf32, #tpu.memory_space<vmem>>, vector<1x16xf32>,
        %get3A_168 = vector.shape_cast %get3A_167 : vector<1x16xf32> to vector<16xf32>
        %get3A_169 = arith.index_cast %scan3A_157 : i32 to index
        %get3A_170 = arith.constant 0 : index
        %get3A_171 = tpu.vector_load %arg17[%get3A_169, %get3A_170] {strides = array<i32>} : memref<40x128xf32, #tpu.memory_space<vmem>>, vector<1x16xf32>,
        %get3A_172 = vector.shape_cast %get3A_171 : vector<1x16xf32> to vector<16xf32>
        %add3A_173 = arith.addf %get3A_164, %get3A_160 : vector<16xf32>
        %mul3A_174 = arith.mulf %add3A_173, %get3A_168 : vector<16xf32>
        %broadcast_in_dim3A_175 = vector.shape_cast %and3A_10 : vector<16xi32> to vector<16x1xi32>
        %gather3A = vector.shape_cast %broadcast_in_dim3A_175 : vector<16x1xi32> to vector<16xi32>
        %gather3A_176 = tpu.dynamic_gather %mul3A_174[%gather3A] in [0] : vector<16xf32>, vector<16xi32> -> vector<16xf32>
        %add3A_177 = arith.addf %mul3A_174, %gather3A_176 : vector<16xf32>
        %broadcast_in_dim3A_178 = vector.shape_cast %and3A_16 : vector<16xi32> to vector<16x1xi32>
        %gather3A_179 = vector.shape_cast %broadcast_in_dim3A_178 : vector<16x1xi32> to vector<16xi32>
        %gather3A_180 = tpu.dynamic_gather %add3A_177[%gather3A_179] in [0] : vector<16xf32>, vector<16xi32> -> vector<16xf32>
        %add3A_181 = arith.addf %add3A_177, %gather3A_180 : vector<16xf32>
        %broadcast_in_dim3A_182 = vector.shape_cast %and3A_22 : vector<16xi32> to vector<16x1xi32>
        %gather3A_183 = vector.shape_cast %broadcast_in_dim3A_182 : vector<16x1xi32> to vector<16xi32>
        %gather3A_184 = tpu.dynamic_gather %add3A_181[%gather3A_183] in [0] : vector<16xf32>, vector<16xi32> -> vector<16xf32>
        %add3A_185 = arith.addf %add3A_181, %gather3A_184 : vector<16xf32>
        %broadcast_in_dim3A_186 = vector.shape_cast %and3A_28 : vector<16xi32> to vector<16x1xi32>
        %gather3A_187 = vector.shape_cast %broadcast_in_dim3A_186 : vector<16x1xi32> to vector<16xi32>
        %gather3A_188 = tpu.dynamic_gather %add3A_185[%gather3A_187] in [0] : vector<16xf32>, vector<16xi32> -> vector<16xf32>
        %add3A_189 = arith.addf %add3A_185, %gather3A_188 : vector<16xf32>
        %mul3A_190 = arith.constant 2.500000e-01 : f32
        %mul3A_191 = vector.broadcast %mul3A_190 : f32 to vector<16xf32>
        %mul3A_192 = arith.mulf %add3A_189, %mul3A_191 : vector<16xf32>
        %jit3A = arith.constant -1.000000e+01 : f32
        %jit3A_193 = arith.constant 1.000000e+01 : f32
        %max3A = vector.broadcast %jit3A : f32 to vector<16xf32>
        %max3A_194 = arith.maximumf %max3A, %mul3A_192 : vector<16xf32>
        %min3A = vector.broadcast %jit3A_193 : f32 to vector<16xf32>
        %min3A_195 = arith.minimumf %min3A, %max3A_194 : vector<16xf32>
        %exp3A = math.exp %min3A_195 : vector<16xf32>
        %add3A_196 = arith.addf %get3A_172, %get3A_160 : vector<16xf32>
        %mul3A_197 = arith.mulf %add3A_196, %exp3A : vector<16xf32>
        %swap3A = arith.index_cast %scan3A_157 : i32 to index
        %swap3A_198 = arith.constant 0 : index
        %swap3A_199 = tpu.vector_load %arg20[%swap3A, %swap3A_198] {strides = array<i32>} : memref<40x144xf32, #tpu.memory_space<vmem>>, vector<1x16xf32>,
        %swap3A_200 = vector.shape_cast %swap3A_199 : vector<1x16xf32> to vector<16xf32>
        %swap3A_201 = vector.shape_cast %mul3A_197 : vector<16xf32> to vector<1x16xf32>
        tpu.vector_store %arg20[%swap3A, %swap3A_198], %swap3A_201 {strides = array<i32>} : memref<40x144xf32, #tpu.memory_space<vmem>>, vector<1x16xf32>,
        %eq3A_202 = arith.constant 0 : i32
        %eq3A_203 = vector.broadcast %eq3A_202 : i32 to vector<16xi32>
        %eq3A_204 = arith.cmpi eq, %iota3A, %eq3A_203 : vector<16xi32>
        %select_n3A = arith.select %eq3A_204, %exp3A, %broadcast_in_dim3A_1 : vector<16xi1>, vector<16xf32>
        %get3A_205 = arith.index_cast %scan3A_157 : i32 to index
        %get3A_206 = arith.constant 16 : index
        %get3A_207 = tpu.vector_load %arg13[%get3A_205, %get3A_206] {strides = array<i32>} : memref<40x128xf32, #tpu.memory_space<vmem>>, vector<1x16xf32>,
        %get3A_208 = vector.shape_cast %get3A_207 : vector<1x16xf32> to vector<16xf32>
        %get3A_209 = arith.index_cast %scan3A_157 : i32 to index
        %get3A_210 = arith.constant 16 : index
        %get3A_211 = tpu.vector_load %arg15[%get3A_209, %get3A_210] {strides = array<i32>} : memref<40x128xf32, #tpu.memory_space<vmem>>, vector<1x16xf32>,
        %get3A_212 = vector.shape_cast %get3A_211 : vector<1x16xf32> to vector<16xf32>
        %get3A_213 = arith.index_cast %scan3A_157 : i32 to index
        %get3A_214 = arith.constant 16 : index
        %get3A_215 = tpu.vector_load %arg17[%get3A_213, %get3A_214] {strides = array<i32>} : memref<40x128xf32, #tpu.memory_space<vmem>>, vector<1x16xf32>,
        %get3A_216 = vector.shape_cast %get3A_215 : vector<1x16xf32> to vector<16xf32>
        %add3A_217 = arith.addf %get3A_208, %get3A_160 : vector<16xf32>
        %mul3A_218 = arith.mulf %add3A_217, %get3A_212 : vector<16xf32>
        %broadcast_in_dim3A_219 = vector.shape_cast %and3A_10 : vector<16xi32> to vector<16x1xi32>
        %gather3A_220 = vector.shape_cast %broadcast_in_dim3A_219 : vector<16x1xi32> to vector<16xi32>
        %gather3A_221 = tpu.dynamic_gather %mul3A_218[%gather3A_220] in [0] : vector<16xf32>, vector<16xi32> -> vector<16xf32>
        %add3A_222 = arith.addf %mul3A_218, %gather3A_221 : vector<16xf32>
        %broadcast_in_dim3A_223 = vector.shape_cast %and3A_16 : vector<16xi32> to vector<16x1xi32>
        %gather3A_224 = vector.shape_cast %broadcast_in_dim3A_223 : vector<16x1xi32> to vector<16xi32>
        %gather3A_225 = tpu.dynamic_gather %add3A_222[%gather3A_224] in [0] : vector<16xf32>, vector<16xi32> -> vector<16xf32>
        %add3A_226 = arith.addf %add3A_222, %gather3A_225 : vector<16xf32>
        %broadcast_in_dim3A_227 = vector.shape_cast %and3A_22 : vector<16xi32> to vector<16x1xi32>
        %gather3A_228 = vector.shape_cast %broadcast_in_dim3A_227 : vector<16x1xi32> to vector<16xi32>
        %gather3A_229 = tpu.dynamic_gather %add3A_226[%gather3A_228] in [0] : vector<16xf32>, vector<16xi32> -> vector<16xf32>
        %add3A_230 = arith.addf %add3A_226, %gather3A_229 : vector<16xf32>
        %broadcast_in_dim3A_231 = vector.shape_cast %and3A_28 : vector<16xi32> to vector<16x1xi32>
        %gather3A_232 = vector.shape_cast %broadcast_in_dim3A_231 : vector<16x1xi32> to vector<16xi32>
        %gather3A_233 = tpu.dynamic_gather %add3A_230[%gather3A_232] in [0] : vector<16xf32>, vector<16xi32> -> vector<16xf32>
        %add3A_234 = arith.addf %add3A_230, %gather3A_233 : vector<16xf32>
        %mul3A_235 = arith.constant 2.500000e-01 : f32
        %mul3A_236 = vector.broadcast %mul3A_235 : f32 to vector<16xf32>
        %mul3A_237 = arith.mulf %add3A_234, %mul3A_236 : vector<16xf32>
        %jit3A_238 = arith.constant -1.000000e+01 : f32
        %jit3A_239 = arith.constant 1.000000e+01 : f32
        %max3A_240 = vector.broadcast %jit3A_238 : f32 to vector<16xf32>
        %max3A_241 = arith.maximumf %max3A_240, %mul3A_237 : vector<16xf32>
        %min3A_242 = vector.broadcast %jit3A_239 : f32 to vector<16xf32>
        %min3A_243 = arith.minimumf %min3A_242, %max3A_241 : vector<16xf32>
        %exp3A_244 = math.exp %min3A_243 : vector<16xf32>
        %add3A_245 = arith.addf %get3A_216, %get3A_160 : vector<16xf32>
        %mul3A_246 = arith.mulf %add3A_245, %exp3A_244 : vector<16xf32>
        %swap3A_247 = arith.index_cast %scan3A_157 : i32 to index
        %swap3A_248 = arith.constant 16 : index
        %swap3A_249 = tpu.vector_load %arg20[%swap3A_247, %swap3A_248] {strides = array<i32>} : memref<40x144xf32, #tpu.memory_space<vmem>>, vector<1x16xf32>,
        %swap3A_250 = vector.shape_cast %swap3A_249 : vector<1x16xf32> to vector<16xf32>
        %swap3A_251 = vector.shape_cast %mul3A_246 : vector<16xf32> to vector<1x16xf32>
        tpu.vector_store %arg20[%swap3A_247, %swap3A_248], %swap3A_251 {strides = array<i32>} : memref<40x144xf32, #tpu.memory_space<vmem>>, vector<1x16xf32>,
        %eq3A_252 = arith.constant 1 : i32
        %eq3A_253 = vector.broadcast %eq3A_252 : i32 to vector<16xi32>
        %eq3A_254 = arith.cmpi eq, %iota3A, %eq3A_253 : vector<16xi32>
        %select_n3A_255 = arith.select %eq3A_254, %exp3A_244, %select_n3A : vector<16xi1>, vector<16xf32>
        %get3A_256 = arith.index_cast %scan3A_157 : i32 to index
        %get3A_257 = arith.constant 32 : index
        %get3A_258 = tpu.vector_load %arg13[%get3A_256, %get3A_257] {strides = array<i32>} : memref<40x128xf32, #tpu.memory_space<vmem>>, vector<1x16xf32>,
        %get3A_259 = vector.shape_cast %get3A_258 : vector<1x16xf32> to vector<16xf32>
        %get3A_260 = arith.index_cast %scan3A_157 : i32 to index
        %get3A_261 = arith.constant 32 : index
        %get3A_262 = tpu.vector_load %arg15[%get3A_260, %get3A_261] {strides = array<i32>} : memref<40x128xf32, #tpu.memory_space<vmem>>, vector<1x16xf32>,
        %get3A_263 = vector.shape_cast %get3A_262 : vector<1x16xf32> to vector<16xf32>
        %get3A_264 = arith.index_cast %scan3A_157 : i32 to index
        %get3A_265 = arith.constant 32 : index
        %get3A_266 = tpu.vector_load %arg17[%get3A_264, %get3A_265] {strides = array<i32>} : memref<40x128xf32, #tpu.memory_space<vmem>>, vector<1x16xf32>,
        %get3A_267 = vector.shape_cast %get3A_266 : vector<1x16xf32> to vector<16xf32>
        %add3A_268 = arith.addf %get3A_259, %get3A_160 : vector<16xf32>
        %mul3A_269 = arith.mulf %add3A_268, %get3A_263 : vector<16xf32>
        %broadcast_in_dim3A_270 = vector.shape_cast %and3A_10 : vector<16xi32> to vector<16x1xi32>
        %gather3A_271 = vector.shape_cast %broadcast_in_dim3A_270 : vector<16x1xi32> to vector<16xi32>
        %gather3A_272 = tpu.dynamic_gather %mul3A_269[%gather3A_271] in [0] : vector<16xf32>, vector<16xi32> -> vector<16xf32>
        %add3A_273 = arith.addf %mul3A_269, %gather3A_272 : vector<16xf32>
        %broadcast_in_dim3A_274 = vector.shape_cast %and3A_16 : vector<16xi32> to vector<16x1xi32>
        %gather3A_275 = vector.shape_cast %broadcast_in_dim3A_274 : vector<16x1xi32> to vector<16xi32>
        %gather3A_276 = tpu.dynamic_gather %add3A_273[%gather3A_275] in [0] : vector<16xf32>, vector<16xi32> -> vector<16xf32>
        %add3A_277 = arith.addf %add3A_273, %gather3A_276 : vector<16xf32>
        %broadcast_in_dim3A_278 = vector.shape_cast %and3A_22 : vector<16xi32> to vector<16x1xi32>
        %gather3A_279 = vector.shape_cast %broadcast_in_dim3A_278 : vector<16x1xi32> to vector<16xi32>
        %gather3A_280 = tpu.dynamic_gather %add3A_277[%gather3A_279] in [0] : vector<16xf32>, vector<16xi32> -> vector<16xf32>
        %add3A_281 = arith.addf %add3A_277, %gather3A_280 : vector<16xf32>
        %broadcast_in_dim3A_282 = vector.shape_cast %and3A_28 : vector<16xi32> to vector<16x1xi32>
        %gather3A_283 = vector.shape_cast %broadcast_in_dim3A_282 : vector<16x1xi32> to vector<16xi32>
        %gather3A_284 = tpu.dynamic_gather %add3A_281[%gather3A_283] in [0] : vector<16xf32>, vector<16xi32> -> vector<16xf32>
        %add3A_285 = arith.addf %add3A_281, %gather3A_284 : vector<16xf32>
        %mul3A_286 = arith.constant 2.500000e-01 : f32
        %mul3A_287 = vector.broadcast %mul3A_286 : f32 to vector<16xf32>
        %mul3A_288 = arith.mulf %add3A_285, %mul3A_287 : vector<16xf32>
        %jit3A_289 = arith.constant -1.000000e+01 : f32
        %jit3A_290 = arith.constant 1.000000e+01 : f32
        %max3A_291 = vector.broadcast %jit3A_289 : f32 to vector<16xf32>
        %max3A_292 = arith.maximumf %max3A_291, %mul3A_288 : vector<16xf32>
        %min3A_293 = vector.broadcast %jit3A_290 : f32 to vector<16xf32>
        %min3A_294 = arith.minimumf %min3A_293, %max3A_292 : vector<16xf32>
        %exp3A_295 = math.exp %min3A_294 : vector<16xf32>
        %add3A_296 = arith.addf %get3A_267, %get3A_160 : vector<16xf32>
        %mul3A_297 = arith.mulf %add3A_296, %exp3A_295 : vector<16xf32>
        %swap3A_298 = arith.index_cast %scan3A_157 : i32 to index
        %swap3A_299 = arith.constant 32 : index
        %swap3A_300 = tpu.vector_load %arg20[%swap3A_298, %swap3A_299] {strides = array<i32>} : memref<40x144xf32, #tpu.memory_space<vmem>>, vector<1x16xf32>,
        %swap3A_301 = vector.shape_cast %swap3A_300 : vector<1x16xf32> to vector<16xf32>
        %swap3A_302 = vector.shape_cast %mul3A_297 : vector<16xf32> to vector<1x16xf32>
        tpu.vector_store %arg20[%swap3A_298, %swap3A_299], %swap3A_302 {strides = array<i32>} : memref<40x144xf32, #tpu.memory_space<vmem>>, vector<1x16xf32>,
        %eq3A_303 = arith.constant 2 : i32
        %eq3A_304 = vector.broadcast %eq3A_303 : i32 to vector<16xi32>
        %eq3A_305 = arith.cmpi eq, %iota3A, %eq3A_304 : vector<16xi32>
        %select_n3A_306 = arith.select %eq3A_305, %exp3A_295, %select_n3A_255 : vector<16xi1>, vector<16xf32>
        %get3A_307 = arith.index_cast %scan3A_157 : i32 to index
        %get3A_308 = arith.constant 48 : index
        %get3A_309 = tpu.vector_load %arg13[%get3A_307, %get3A_308] {strides = array<i32>} : memref<40x128xf32, #tpu.memory_space<vmem>>, vector<1x16xf32>,
        %get3A_310 = vector.shape_cast %get3A_309 : vector<1x16xf32> to vector<16xf32>
        %get3A_311 = arith.index_cast %scan3A_157 : i32 to index
        %get3A_312 = arith.constant 48 : index
        %get3A_313 = tpu.vector_load %arg15[%get3A_311, %get3A_312] {strides = array<i32>} : memref<40x128xf32, #tpu.memory_space<vmem>>, vector<1x16xf32>,
        %get3A_314 = vector.shape_cast %get3A_313 : vector<1x16xf32> to vector<16xf32>
        %get3A_315 = arith.index_cast %scan3A_157 : i32 to index
        %get3A_316 = arith.constant 48 : index
        %get3A_317 = tpu.vector_load %arg17[%get3A_315, %get3A_316] {strides = array<i32>} : memref<40x128xf32, #tpu.memory_space<vmem>>, vector<1x16xf32>,
        %get3A_318 = vector.shape_cast %get3A_317 : vector<1x16xf32> to vector<16xf32>
        %add3A_319 = arith.addf %get3A_310, %get3A_160 : vector<16xf32>
        %mul3A_320 = arith.mulf %add3A_319, %get3A_314 : vector<16xf32>
        %broadcast_in_dim3A_321 = vector.shape_cast %and3A_10 : vector<16xi32> to vector<16x1xi32>
        %gather3A_322 = vector.shape_cast %broadcast_in_dim3A_321 : vector<16x1xi32> to vector<16xi32>
        %gather3A_323 = tpu.dynamic_gather %mul3A_320[%gather3A_322] in [0] : vector<16xf32>, vector<16xi32> -> vector<16xf32>
        %add3A_324 = arith.addf %mul3A_320, %gather3A_323 : vector<16xf32>
        %broadcast_in_dim3A_325 = vector.shape_cast %and3A_16 : vector<16xi32> to vector<16x1xi32>
        %gather3A_326 = vector.shape_cast %broadcast_in_dim3A_325 : vector<16x1xi32> to vector<16xi32>
        %gather3A_327 = tpu.dynamic_gather %add3A_324[%gather3A_326] in [0] : vector<16xf32>, vector<16xi32> -> vector<16xf32>
        %add3A_328 = arith.addf %add3A_324, %gather3A_327 : vector<16xf32>
        %broadcast_in_dim3A_329 = vector.shape_cast %and3A_22 : vector<16xi32> to vector<16x1xi32>
        %gather3A_330 = vector.shape_cast %broadcast_in_dim3A_329 : vector<16x1xi32> to vector<16xi32>
        %gather3A_331 = tpu.dynamic_gather %add3A_328[%gather3A_330] in [0] : vector<16xf32>, vector<16xi32> -> vector<16xf32>
        %add3A_332 = arith.addf %add3A_328, %gather3A_331 : vector<16xf32>
        %broadcast_in_dim3A_333 = vector.shape_cast %and3A_28 : vector<16xi32> to vector<16x1xi32>
        %gather3A_334 = vector.shape_cast %broadcast_in_dim3A_333 : vector<16x1xi32> to vector<16xi32>
        %gather3A_335 = tpu.dynamic_gather %add3A_332[%gather3A_334] in [0] : vector<16xf32>, vector<16xi32> -> vector<16xf32>
        %add3A_336 = arith.addf %add3A_332, %gather3A_335 : vector<16xf32>
        %mul3A_337 = arith.constant 2.500000e-01 : f32
        %mul3A_338 = vector.broadcast %mul3A_337 : f32 to vector<16xf32>
        %mul3A_339 = arith.mulf %add3A_336, %mul3A_338 : vector<16xf32>
        %jit3A_340 = arith.constant -1.000000e+01 : f32
        %jit3A_341 = arith.constant 1.000000e+01 : f32
        %max3A_342 = vector.broadcast %jit3A_340 : f32 to vector<16xf32>
        %max3A_343 = arith.maximumf %max3A_342, %mul3A_339 : vector<16xf32>
        %min3A_344 = vector.broadcast %jit3A_341 : f32 to vector<16xf32>
        %min3A_345 = arith.minimumf %min3A_344, %max3A_343 : vector<16xf32>
        %exp3A_346 = math.exp %min3A_345 : vector<16xf32>
        %add3A_347 = arith.addf %get3A_318, %get3A_160 : vector<16xf32>
        %mul3A_348 = arith.mulf %add3A_347, %exp3A_346 : vector<16xf32>
        %swap3A_349 = arith.index_cast %scan3A_157 : i32 to index
        %swap3A_350 = arith.constant 48 : index
        %swap3A_351 = tpu.vector_load %arg20[%swap3A_349, %swap3A_350] {strides = array<i32>} : memref<40x144xf32, #tpu.memory_space<vmem>>, vector<1x16xf32>,
        %swap3A_352 = vector.shape_cast %swap3A_351 : vector<1x16xf32> to vector<16xf32>
        %swap3A_353 = vector.shape_cast %mul3A_348 : vector<16xf32> to vector<1x16xf32>
        tpu.vector_store %arg20[%swap3A_349, %swap3A_350], %swap3A_353 {strides = array<i32>} : memref<40x144xf32, #tpu.memory_space<vmem>>, vector<1x16xf32>,
        %eq3A_354 = arith.constant 3 : i32
        %eq3A_355 = vector.broadcast %eq3A_354 : i32 to vector<16xi32>
        %eq3A_356 = arith.cmpi eq, %iota3A, %eq3A_355 : vector<16xi32>
        %select_n3A_357 = arith.select %eq3A_356, %exp3A_346, %select_n3A_306 : vector<16xi1>, vector<16xf32>
        %get3A_358 = arith.index_cast %scan3A_157 : i32 to index
        %get3A_359 = arith.constant 64 : index
        %get3A_360 = tpu.vector_load %arg13[%get3A_358, %get3A_359] {strides = array<i32>} : memref<40x128xf32, #tpu.memory_space<vmem>>, vector<1x16xf32>,
        %get3A_361 = vector.shape_cast %get3A_360 : vector<1x16xf32> to vector<16xf32>
        %get3A_362 = arith.index_cast %scan3A_157 : i32 to index
        %get3A_363 = arith.constant 64 : index
        %get3A_364 = tpu.vector_load %arg15[%get3A_362, %get3A_363] {strides = array<i32>} : memref<40x128xf32, #tpu.memory_space<vmem>>, vector<1x16xf32>,
        %get3A_365 = vector.shape_cast %get3A_364 : vector<1x16xf32> to vector<16xf32>
        %get3A_366 = arith.index_cast %scan3A_157 : i32 to index
        %get3A_367 = arith.constant 64 : index
        %get3A_368 = tpu.vector_load %arg17[%get3A_366, %get3A_367] {strides = array<i32>} : memref<40x128xf32, #tpu.memory_space<vmem>>, vector<1x16xf32>,
        %get3A_369 = vector.shape_cast %get3A_368 : vector<1x16xf32> to vector<16xf32>
        %add3A_370 = arith.addf %get3A_361, %get3A_160 : vector<16xf32>
        %mul3A_371 = arith.mulf %add3A_370, %get3A_365 : vector<16xf32>
        %broadcast_in_dim3A_372 = vector.shape_cast %and3A_10 : vector<16xi32> to vector<16x1xi32>
        %gather3A_373 = vector.shape_cast %broadcast_in_dim3A_372 : vector<16x1xi32> to vector<16xi32>
        %gather3A_374 = tpu.dynamic_gather %mul3A_371[%gather3A_373] in [0] : vector<16xf32>, vector<16xi32> -> vector<16xf32>
        %add3A_375 = arith.addf %mul3A_371, %gather3A_374 : vector<16xf32>
        %broadcast_in_dim3A_376 = vector.shape_cast %and3A_16 : vector<16xi32> to vector<16x1xi32>
        %gather3A_377 = vector.shape_cast %broadcast_in_dim3A_376 : vector<16x1xi32> to vector<16xi32>
        %gather3A_378 = tpu.dynamic_gather %add3A_375[%gather3A_377] in [0] : vector<16xf32>, vector<16xi32> -> vector<16xf32>
        %add3A_379 = arith.addf %add3A_375, %gather3A_378 : vector<16xf32>
        %broadcast_in_dim3A_380 = vector.shape_cast %and3A_22 : vector<16xi32> to vector<16x1xi32>
        %gather3A_381 = vector.shape_cast %broadcast_in_dim3A_380 : vector<16x1xi32> to vector<16xi32>
        %gather3A_382 = tpu.dynamic_gather %add3A_379[%gather3A_381] in [0] : vector<16xf32>, vector<16xi32> -> vector<16xf32>
        %add3A_383 = arith.addf %add3A_379, %gather3A_382 : vector<16xf32>
        %broadcast_in_dim3A_384 = vector.shape_cast %and3A_28 : vector<16xi32> to vector<16x1xi32>
        %gather3A_385 = vector.shape_cast %broadcast_in_dim3A_384 : vector<16x1xi32> to vector<16xi32>
        %gather3A_386 = tpu.dynamic_gather %add3A_383[%gather3A_385] in [0] : vector<16xf32>, vector<16xi32> -> vector<16xf32>
        %add3A_387 = arith.addf %add3A_383, %gather3A_386 : vector<16xf32>
        %mul3A_388 = arith.constant 2.500000e-01 : f32
        %mul3A_389 = vector.broadcast %mul3A_388 : f32 to vector<16xf32>
        %mul3A_390 = arith.mulf %add3A_387, %mul3A_389 : vector<16xf32>
        %jit3A_391 = arith.constant -1.000000e+01 : f32
        %jit3A_392 = arith.constant 1.000000e+01 : f32
        %max3A_393 = vector.broadcast %jit3A_391 : f32 to vector<16xf32>
        %max3A_394 = arith.maximumf %max3A_393, %mul3A_390 : vector<16xf32>
        %min3A_395 = vector.broadcast %jit3A_392 : f32 to vector<16xf32>
        %min3A_396 = arith.minimumf %min3A_395, %max3A_394 : vector<16xf32>
        %exp3A_397 = math.exp %min3A_396 : vector<16xf32>
        %add3A_398 = arith.addf %get3A_369, %get3A_160 : vector<16xf32>
        %mul3A_399 = arith.mulf %add3A_398, %exp3A_397 : vector<16xf32>
        %swap3A_400 = arith.index_cast %scan3A_157 : i32 to index
        %swap3A_401 = arith.constant 64 : index
        %swap3A_402 = tpu.vector_load %arg20[%swap3A_400, %swap3A_401] {strides = array<i32>} : memref<40x144xf32, #tpu.memory_space<vmem>>, vector<1x16xf32>,
        %swap3A_403 = vector.shape_cast %swap3A_402 : vector<1x16xf32> to vector<16xf32>
        %swap3A_404 = vector.shape_cast %mul3A_399 : vector<16xf32> to vector<1x16xf32>
        tpu.vector_store %arg20[%swap3A_400, %swap3A_401], %swap3A_404 {strides = array<i32>} : memref<40x144xf32, #tpu.memory_space<vmem>>, vector<1x16xf32>,
        %eq3A_405 = arith.constant 4 : i32
        %eq3A_406 = vector.broadcast %eq3A_405 : i32 to vector<16xi32>
        %eq3A_407 = arith.cmpi eq, %iota3A, %eq3A_406 : vector<16xi32>
        %select_n3A_408 = arith.select %eq3A_407, %exp3A_397, %select_n3A_357 : vector<16xi1>, vector<16xf32>
        %get3A_409 = arith.index_cast %scan3A_157 : i32 to index
        %get3A_410 = arith.constant 80 : index
        %get3A_411 = tpu.vector_load %arg13[%get3A_409, %get3A_410] {strides = array<i32>} : memref<40x128xf32, #tpu.memory_space<vmem>>, vector<1x16xf32>,
        %get3A_412 = vector.shape_cast %get3A_411 : vector<1x16xf32> to vector<16xf32>
        %get3A_413 = arith.index_cast %scan3A_157 : i32 to index
        %get3A_414 = arith.constant 80 : index
        %get3A_415 = tpu.vector_load %arg15[%get3A_413, %get3A_414] {strides = array<i32>} : memref<40x128xf32, #tpu.memory_space<vmem>>, vector<1x16xf32>,
        %get3A_416 = vector.shape_cast %get3A_415 : vector<1x16xf32> to vector<16xf32>
        %get3A_417 = arith.index_cast %scan3A_157 : i32 to index
        %get3A_418 = arith.constant 80 : index
        %get3A_419 = tpu.vector_load %arg17[%get3A_417, %get3A_418] {strides = array<i32>} : memref<40x128xf32, #tpu.memory_space<vmem>>, vector<1x16xf32>,
        %get3A_420 = vector.shape_cast %get3A_419 : vector<1x16xf32> to vector<16xf32>
        %add3A_421 = arith.addf %get3A_412, %get3A_160 : vector<16xf32>
        %mul3A_422 = arith.mulf %add3A_421, %get3A_416 : vector<16xf32>
        %broadcast_in_dim3A_423 = vector.shape_cast %and3A_10 : vector<16xi32> to vector<16x1xi32>
        %gather3A_424 = vector.shape_cast %broadcast_in_dim3A_423 : vector<16x1xi32> to vector<16xi32>
        %gather3A_425 = tpu.dynamic_gather %mul3A_422[%gather3A_424] in [0] : vector<16xf32>, vector<16xi32> -> vector<16xf32>
        %add3A_426 = arith.addf %mul3A_422, %gather3A_425 : vector<16xf32>
        %broadcast_in_dim3A_427 = vector.shape_cast %and3A_16 : vector<16xi32> to vector<16x1xi32>
        %gather3A_428 = vector.shape_cast %broadcast_in_dim3A_427 : vector<16x1xi32> to vector<16xi32>
        %gather3A_429 = tpu.dynamic_gather %add3A_426[%gather3A_428] in [0] : vector<16xf32>, vector<16xi32> -> vector<16xf32>
        %add3A_430 = arith.addf %add3A_426, %gather3A_429 : vector<16xf32>
        %broadcast_in_dim3A_431 = vector.shape_cast %and3A_22 : vector<16xi32> to vector<16x1xi32>
        %gather3A_432 = vector.shape_cast %broadcast_in_dim3A_431 : vector<16x1xi32> to vector<16xi32>
        %gather3A_433 = tpu.dynamic_gather %add3A_430[%gather3A_432] in [0] : vector<16xf32>, vector<16xi32> -> vector<16xf32>
        %add3A_434 = arith.addf %add3A_430, %gather3A_433 : vector<16xf32>
        %broadcast_in_dim3A_435 = vector.shape_cast %and3A_28 : vector<16xi32> to vector<16x1xi32>
        %gather3A_436 = vector.shape_cast %broadcast_in_dim3A_435 : vector<16x1xi32> to vector<16xi32>
        %gather3A_437 = tpu.dynamic_gather %add3A_434[%gather3A_436] in [0] : vector<16xf32>, vector<16xi32> -> vector<16xf32>
        %add3A_438 = arith.addf %add3A_434, %gather3A_437 : vector<16xf32>
        %mul3A_439 = arith.constant 2.500000e-01 : f32
        %mul3A_440 = vector.broadcast %mul3A_439 : f32 to vector<16xf32>
        %mul3A_441 = arith.mulf %add3A_438, %mul3A_440 : vector<16xf32>
        %jit3A_442 = arith.constant -1.000000e+01 : f32
        %jit3A_443 = arith.constant 1.000000e+01 : f32
        %max3A_444 = vector.broadcast %jit3A_442 : f32 to vector<16xf32>
        %max3A_445 = arith.maximumf %max3A_444, %mul3A_441 : vector<16xf32>
        %min3A_446 = vector.broadcast %jit3A_443 : f32 to vector<16xf32>
        %min3A_447 = arith.minimumf %min3A_446, %max3A_445 : vector<16xf32>
        %exp3A_448 = math.exp %min3A_447 : vector<16xf32>
        %add3A_449 = arith.addf %get3A_420, %get3A_160 : vector<16xf32>
        %mul3A_450 = arith.mulf %add3A_449, %exp3A_448 : vector<16xf32>
        %swap3A_451 = arith.index_cast %scan3A_157 : i32 to index
        %swap3A_452 = arith.constant 80 : index
        %swap3A_453 = tpu.vector_load %arg20[%swap3A_451, %swap3A_452] {strides = array<i32>} : memref<40x144xf32, #tpu.memory_space<vmem>>, vector<1x16xf32>,
        %swap3A_454 = vector.shape_cast %swap3A_453 : vector<1x16xf32> to vector<16xf32>
        %swap3A_455 = vector.shape_cast %mul3A_450 : vector<16xf32> to vector<1x16xf32>
        tpu.vector_store %arg20[%swap3A_451, %swap3A_452], %swap3A_455 {strides = array<i32>} : memref<40x144xf32, #tpu.memory_space<vmem>>, vector<1x16xf32>,
        %eq3A_456 = arith.constant 5 : i32
        %eq3A_457 = vector.broadcast %eq3A_456 : i32 to vector<16xi32>
        %eq3A_458 = arith.cmpi eq, %iota3A, %eq3A_457 : vector<16xi32>
        %select_n3A_459 = arith.select %eq3A_458, %exp3A_448, %select_n3A_408 : vector<16xi1>, vector<16xf32>
        %get3A_460 = arith.index_cast %scan3A_157 : i32 to index
        %get3A_461 = arith.constant 96 : index
        %get3A_462 = tpu.vector_load %arg13[%get3A_460, %get3A_461] {strides = array<i32>} : memref<40x128xf32, #tpu.memory_space<vmem>>, vector<1x16xf32>,
        %get3A_463 = vector.shape_cast %get3A_462 : vector<1x16xf32> to vector<16xf32>
        %get3A_464 = arith.index_cast %scan3A_157 : i32 to index
        %get3A_465 = arith.constant 96 : index
        %get3A_466 = tpu.vector_load %arg15[%get3A_464, %get3A_465] {strides = array<i32>} : memref<40x128xf32, #tpu.memory_space<vmem>>, vector<1x16xf32>,
        %get3A_467 = vector.shape_cast %get3A_466 : vector<1x16xf32> to vector<16xf32>
        %get3A_468 = arith.index_cast %scan3A_157 : i32 to index
        %get3A_469 = arith.constant 96 : index
        %get3A_470 = tpu.vector_load %arg17[%get3A_468, %get3A_469] {strides = array<i32>} : memref<40x128xf32, #tpu.memory_space<vmem>>, vector<1x16xf32>,
        %get3A_471 = vector.shape_cast %get3A_470 : vector<1x16xf32> to vector<16xf32>
        %add3A_472 = arith.addf %get3A_463, %get3A_160 : vector<16xf32>
        %mul3A_473 = arith.mulf %add3A_472, %get3A_467 : vector<16xf32>
        %broadcast_in_dim3A_474 = vector.shape_cast %and3A_10 : vector<16xi32> to vector<16x1xi32>
        %gather3A_475 = vector.shape_cast %broadcast_in_dim3A_474 : vector<16x1xi32> to vector<16xi32>
        %gather3A_476 = tpu.dynamic_gather %mul3A_473[%gather3A_475] in [0] : vector<16xf32>, vector<16xi32> -> vector<16xf32>
        %add3A_477 = arith.addf %mul3A_473, %gather3A_476 : vector<16xf32>
        %broadcast_in_dim3A_478 = vector.shape_cast %and3A_16 : vector<16xi32> to vector<16x1xi32>
        %gather3A_479 = vector.shape_cast %broadcast_in_dim3A_478 : vector<16x1xi32> to vector<16xi32>
        %gather3A_480 = tpu.dynamic_gather %add3A_477[%gather3A_479] in [0] : vector<16xf32>, vector<16xi32> -> vector<16xf32>
        %add3A_481 = arith.addf %add3A_477, %gather3A_480 : vector<16xf32>
        %broadcast_in_dim3A_482 = vector.shape_cast %and3A_22 : vector<16xi32> to vector<16x1xi32>
        %gather3A_483 = vector.shape_cast %broadcast_in_dim3A_482 : vector<16x1xi32> to vector<16xi32>
        %gather3A_484 = tpu.dynamic_gather %add3A_481[%gather3A_483] in [0] : vector<16xf32>, vector<16xi32> -> vector<16xf32>
        %add3A_485 = arith.addf %add3A_481, %gather3A_484 : vector<16xf32>
        %broadcast_in_dim3A_486 = vector.shape_cast %and3A_28 : vector<16xi32> to vector<16x1xi32>
        %gather3A_487 = vector.shape_cast %broadcast_in_dim3A_486 : vector<16x1xi32> to vector<16xi32>
        %gather3A_488 = tpu.dynamic_gather %add3A_485[%gather3A_487] in [0] : vector<16xf32>, vector<16xi32> -> vector<16xf32>
        %add3A_489 = arith.addf %add3A_485, %gather3A_488 : vector<16xf32>
        %mul3A_490 = arith.constant 2.500000e-01 : f32
        %mul3A_491 = vector.broadcast %mul3A_490 : f32 to vector<16xf32>
        %mul3A_492 = arith.mulf %add3A_489, %mul3A_491 : vector<16xf32>
        %jit3A_493 = arith.constant -1.000000e+01 : f32
        %jit3A_494 = arith.constant 1.000000e+01 : f32
        %max3A_495 = vector.broadcast %jit3A_493 : f32 to vector<16xf32>
        %max3A_496 = arith.maximumf %max3A_495, %mul3A_492 : vector<16xf32>
        %min3A_497 = vector.broadcast %jit3A_494 : f32 to vector<16xf32>
        %min3A_498 = arith.minimumf %min3A_497, %max3A_496 : vector<16xf32>
        %exp3A_499 = math.exp %min3A_498 : vector<16xf32>
        %add3A_500 = arith.addf %get3A_471, %get3A_160 : vector<16xf32>
        %mul3A_501 = arith.mulf %add3A_500, %exp3A_499 : vector<16xf32>
        %swap3A_502 = arith.index_cast %scan3A_157 : i32 to index
        %swap3A_503 = arith.constant 96 : index
        %swap3A_504 = tpu.vector_load %arg20[%swap3A_502, %swap3A_503] {strides = array<i32>} : memref<40x144xf32, #tpu.memory_space<vmem>>, vector<1x16xf32>,
        %swap3A_505 = vector.shape_cast %swap3A_504 : vector<1x16xf32> to vector<16xf32>
        %swap3A_506 = vector.shape_cast %mul3A_501 : vector<16xf32> to vector<1x16xf32>
        tpu.vector_store %arg20[%swap3A_502, %swap3A_503], %swap3A_506 {strides = array<i32>} : memref<40x144xf32, #tpu.memory_space<vmem>>, vector<1x16xf32>,
        %eq3A_507 = arith.constant 6 : i32
        %eq3A_508 = vector.broadcast %eq3A_507 : i32 to vector<16xi32>
        %eq3A_509 = arith.cmpi eq, %iota3A, %eq3A_508 : vector<16xi32>
        %select_n3A_510 = arith.select %eq3A_509, %exp3A_499, %select_n3A_459 : vector<16xi1>, vector<16xf32>
        %get3A_511 = arith.index_cast %scan3A_157 : i32 to index
        %get3A_512 = arith.constant 112 : index
        %get3A_513 = tpu.vector_load %arg13[%get3A_511, %get3A_512] {strides = array<i32>} : memref<40x128xf32, #tpu.memory_space<vmem>>, vector<1x16xf32>,
        %get3A_514 = vector.shape_cast %get3A_513 : vector<1x16xf32> to vector<16xf32>
        %get3A_515 = arith.index_cast %scan3A_157 : i32 to index
        %get3A_516 = arith.constant 112 : index
        %get3A_517 = tpu.vector_load %arg15[%get3A_515, %get3A_516] {strides = array<i32>} : memref<40x128xf32, #tpu.memory_space<vmem>>, vector<1x16xf32>,
        %get3A_518 = vector.shape_cast %get3A_517 : vector<1x16xf32> to vector<16xf32>
        %get3A_519 = arith.index_cast %scan3A_157 : i32 to index
        %get3A_520 = arith.constant 112 : index
        %get3A_521 = tpu.vector_load %arg17[%get3A_519, %get3A_520] {strides = array<i32>} : memref<40x128xf32, #tpu.memory_space<vmem>>, vector<1x16xf32>,
        %get3A_522 = vector.shape_cast %get3A_521 : vector<1x16xf32> to vector<16xf32>
        %add3A_523 = arith.addf %get3A_514, %get3A_160 : vector<16xf32>
        %mul3A_524 = arith.mulf %add3A_523, %get3A_518 : vector<16xf32>
        %broadcast_in_dim3A_525 = vector.shape_cast %and3A_10 : vector<16xi32> to vector<16x1xi32>
        %gather3A_526 = vector.shape_cast %broadcast_in_dim3A_525 : vector<16x1xi32> to vector<16xi32>
        %gather3A_527 = tpu.dynamic_gather %mul3A_524[%gather3A_526] in [0] : vector<16xf32>, vector<16xi32> -> vector<16xf32>
        %add3A_528 = arith.addf %mul3A_524, %gather3A_527 : vector<16xf32>
        %broadcast_in_dim3A_529 = vector.shape_cast %and3A_16 : vector<16xi32> to vector<16x1xi32>
        %gather3A_530 = vector.shape_cast %broadcast_in_dim3A_529 : vector<16x1xi32> to vector<16xi32>
        %gather3A_531 = tpu.dynamic_gather %add3A_528[%gather3A_530] in [0] : vector<16xf32>, vector<16xi32> -> vector<16xf32>
        %add3A_532 = arith.addf %add3A_528, %gather3A_531 : vector<16xf32>
        %broadcast_in_dim3A_533 = vector.shape_cast %and3A_22 : vector<16xi32> to vector<16x1xi32>
        %gather3A_534 = vector.shape_cast %broadcast_in_dim3A_533 : vector<16x1xi32> to vector<16xi32>
        %gather3A_535 = tpu.dynamic_gather %add3A_532[%gather3A_534] in [0] : vector<16xf32>, vector<16xi32> -> vector<16xf32>
        %add3A_536 = arith.addf %add3A_532, %gather3A_535 : vector<16xf32>
        %broadcast_in_dim3A_537 = vector.shape_cast %and3A_28 : vector<16xi32> to vector<16x1xi32>
        %gather3A_538 = vector.shape_cast %broadcast_in_dim3A_537 : vector<16x1xi32> to vector<16xi32>
        %gather3A_539 = tpu.dynamic_gather %add3A_536[%gather3A_538] in [0] : vector<16xf32>, vector<16xi32> -> vector<16xf32>
        %add3A_540 = arith.addf %add3A_536, %gather3A_539 : vector<16xf32>
        %mul3A_541 = arith.constant 2.500000e-01 : f32
        %mul3A_542 = vector.broadcast %mul3A_541 : f32 to vector<16xf32>
        %mul3A_543 = arith.mulf %add3A_540, %mul3A_542 : vector<16xf32>
        %jit3A_544 = arith.constant -1.000000e+01 : f32
        %jit3A_545 = arith.constant 1.000000e+01 : f32
        %max3A_546 = vector.broadcast %jit3A_544 : f32 to vector<16xf32>
        %max3A_547 = arith.maximumf %max3A_546, %mul3A_543 : vector<16xf32>
        %min3A_548 = vector.broadcast %jit3A_545 : f32 to vector<16xf32>
        %min3A_549 = arith.minimumf %min3A_548, %max3A_547 : vector<16xf32>
        %exp3A_550 = math.exp %min3A_549 : vector<16xf32>
        %add3A_551 = arith.addf %get3A_522, %get3A_160 : vector<16xf32>
        %mul3A_552 = arith.mulf %add3A_551, %exp3A_550 : vector<16xf32>
        %swap3A_553 = arith.index_cast %scan3A_157 : i32 to index
        %swap3A_554 = arith.constant 112 : index
        %swap3A_555 = tpu.vector_load %arg20[%swap3A_553, %swap3A_554] {strides = array<i32>} : memref<40x144xf32, #tpu.memory_space<vmem>>, vector<1x16xf32>,
        %swap3A_556 = vector.shape_cast %swap3A_555 : vector<1x16xf32> to vector<16xf32>
        %swap3A_557 = vector.shape_cast %mul3A_552 : vector<16xf32> to vector<1x16xf32>
        tpu.vector_store %arg20[%swap3A_553, %swap3A_554], %swap3A_557 {strides = array<i32>} : memref<40x144xf32, #tpu.memory_space<vmem>>, vector<1x16xf32>,
        %eq3A_558 = arith.constant 7 : i32
        %eq3A_559 = vector.broadcast %eq3A_558 : i32 to vector<16xi32>
        %eq3A_560 = arith.cmpi eq, %iota3A, %eq3A_559 : vector<16xi32>
        %select_n3A_561 = arith.select %eq3A_560, %exp3A_550, %select_n3A_510 : vector<16xi1>, vector<16xf32>
        %swap3A_562 = arith.index_cast %scan3A_157 : i32 to index
        %swap3A_563 = arith.constant 128 : index
        %swap3A_564 = tpu.vector_load %arg20[%swap3A_562, %swap3A_563] {strides = array<i32>} : memref<40x144xf32, #tpu.memory_space<vmem>>, vector<1x16xf32>,
        %swap3A_565 = vector.shape_cast %swap3A_564 : vector<1x16xf32> to vector<16xf32>
        %swap3A_566 = vector.shape_cast %select_n3A_561 : vector<16xf32> to vector<1x16xf32>
        tpu.vector_store %arg20[%swap3A_562, %swap3A_563], %swap3A_566 {strides = array<i32>} : memref<40x144xf32, #tpu.memory_space<vmem>>, vector<1x16xf32>,
      }
      %scan3A_155 = arith.constant 40 : i32
      %run_scoped3A_156 = arith.constant 1 : i32
      "tpu.region"() ({
        %run_scoped3A_157 = tpu.sem_alloc : memref<!tpu.dma_semaphore, #tpu.memory_space<semaphore_mem>>
        %dma_start3A_158 = arith.constant 0 : i32
        %dma_start3A_159 = tpu.memref_slice %arg11[%run_scoped3A_156, %dma_start3A_158] : memref<3x40xi32, #tpu.memory_space<vmem>> -> memref<1x40xi32, #tpu.memory_space<vmem>>
        %dma_start3A_160 = tpu.memref_squeeze %dma_start3A_159 : memref<1x40xi32, #tpu.memory_space<vmem>> -> memref<40xi32, #tpu.memory_space<vmem>>
        %dma_start3A_161 = arith.constant 0 : i32
        %dma_start3A_162 = arith.constant 0 : i32
        %dma_start3A_163 = tpu.memref_slice %arg9[%dma_start3A_161, %dma_start3A_162] : memref<10000x144xf32, #tpu.memory_space<vmem_shared>> -> memref<10000x144xf32, #tpu.memory_space<vmem_shared>>
        tpu.enqueue_indirect_dma source(%arg20 : memref<40x144xf32, #tpu.memory_space<vmem>>) target(%dma_start3A_163 : memref<10000x144xf32, #tpu.memory_space<vmem_shared>>) offsets(%dma_start3A_160 : memref<40xi32, #tpu.memory_space<vmem>>) semaphore(%run_scoped3A_157 : memref<!tpu.dma_semaphore, #tpu.memory_space<semaphore_mem>>) {add = true}
        %dma_wait3A_164 = arith.constant 0 : i32
        %dma_wait3A_165 = tpu.memref_slice %arg11[%run_scoped3A_156, %dma_wait3A_164] : memref<3x40xi32, #tpu.memory_space<vmem>> -> memref<1x40xi32, #tpu.memory_space<vmem>>
        %dma_wait3A_166 = tpu.memref_squeeze %dma_wait3A_165 : memref<1x40xi32, #tpu.memory_space<vmem>> -> memref<40xi32, #tpu.memory_space<vmem>>
        %dma_wait3A_167 = arith.constant 0 : i32
        %dma_wait3A_168 = arith.constant 0 : i32
        %dma_wait3A_169 = tpu.memref_slice %arg9[%dma_wait3A_167, %dma_wait3A_168] : memref<10000x144xf32, #tpu.memory_space<vmem_shared>> -> memref<10000x144xf32, #tpu.memory_space<vmem_shared>>
        tpu.wait_indirect_dma semaphore(%run_scoped3A_157 : memref<!tpu.dma_semaphore, #tpu.memory_space<semaphore_mem>>) src(%arg20 : memref<40x144xf32, #tpu.memory_space<vmem>>) dst(%dma_wait3A_169 : memref<10000x144xf32, #tpu.memory_space<vmem_shared>>)
        tpu.yield
      }) : () -> ()
    }
    %scan3A_64 = arith.constant 125 : i32
    %barrier3A_65 = arith.constant 0 : index
    tpu.barrier barrier_id(%barrier3A_65)
    "tpu.region"() ({
      %run_scoped3A = tpu.sem_alloc : memref<!tpu.dma_semaphore, #tpu.memory_space<semaphore_mem>>
      %dma_start3A_71 = arith.constant 0 : i32
      %dma_start3A_72 = tpu.memref_slice %arg8[%arg0, %mul3A_3, %dma_start3A_71] : memref<2x10000x144xf32, #tpu.memory_space<hbm>> -> memref<1x624x144xf32, #tpu.memory_space<hbm>>
      %dma_start3A_73 = tpu.memref_squeeze %dma_start3A_72 : memref<1x624x144xf32, #tpu.memory_space<hbm>> -> memref<624x144xf32, #tpu.memory_space<hbm>>
      %dma_start3A_74 = arith.constant 0 : i32
      %dma_start3A_75 = tpu.memref_slice %arg9[%mul3A_3, %dma_start3A_74] : memref<10000x144xf32, #tpu.memory_space<vmem_shared>> -> memref<624x144xf32, #tpu.memory_space<vmem_shared>>
      tpu.enqueue_dma source(%dma_start3A_75 : memref<624x144xf32, #tpu.memory_space<vmem_shared>>) target(%dma_start3A_73 : memref<624x144xf32, #tpu.memory_space<hbm>>) target_semaphore(%run_scoped3A : memref<!tpu.dma_semaphore, #tpu.memory_space<semaphore_mem>>)
      %dma_wait3A = arith.constant 0 : i32
      %dma_wait3A_76 = tpu.memref_slice %arg8[%arg0, %mul3A_3, %dma_wait3A] : memref<2x10000x144xf32, #tpu.memory_space<hbm>> -> memref<1x624x144xf32, #tpu.memory_space<hbm>>
      %dma_wait3A_77 = tpu.memref_squeeze %dma_wait3A_76 : memref<1x624x144xf32, #tpu.memory_space<hbm>> -> memref<624x144xf32, #tpu.memory_space<hbm>>
      %dma_wait3A_78 = arith.constant 0 : i32
      %dma_wait3A_79 = tpu.memref_slice %arg9[%mul3A_3, %dma_wait3A_78] : memref<10000x144xf32, #tpu.memory_space<vmem_shared>> -> memref<624x144xf32, #tpu.memory_space<vmem_shared>>
      tpu.wait_dma2 semaphore(%run_scoped3A : memref<!tpu.dma_semaphore, #tpu.memory_space<semaphore_mem>>) src(%dma_wait3A_79 : memref<624x144xf32, #tpu.memory_space<vmem_shared>>) dst(%dma_wait3A_77 : memref<624x144xf32, #tpu.memory_space<hbm>>)
      tpu.yield
    }) : () -> ()
    %eq3A_66 = arith.constant 15 : i32
    %eq3A_67 = arith.cmpi eq, %arg1, %eq3A_66 : i32
    %convert_element_type3A_68 = arith.extui %eq3A_67 : i1 to i32
    %cond3A_69 = arith.constant 0 : i32
    %cond3A_70 = arith.cmpi ne, %convert_element_type3A_68, %cond3A_69 : i32
    scf.if %cond3A_70 {
      "tpu.region"() ({
        %run_scoped3A = tpu.sem_alloc : memref<!tpu.dma_semaphore, #tpu.memory_space<semaphore_mem>>
        %dma_start3A_71 = arith.constant 9984 : i32
        %dma_start3A_72 = arith.constant 0 : i32
        %dma_start3A_73 = tpu.memref_slice %arg8[%arg0, %dma_start3A_71, %dma_start3A_72] : memref<2x10000x144xf32, #tpu.memory_space<hbm>> -> memref<1x16x144xf32, #tpu.memory_space<hbm>>
        %dma_start3A_74 = tpu.memref_squeeze %dma_start3A_73 : memref<1x16x144xf32, #tpu.memory_space<hbm>> -> memref<16x144xf32, #tpu.memory_space<hbm>>
        %dma_start3A_75 = arith.constant 9984 : i32
        %dma_start3A_76 = arith.constant 0 : i32
        %dma_start3A_77 = tpu.memref_slice %arg9[%dma_start3A_75, %dma_start3A_76] : memref<10000x144xf32, #tpu.memory_space<vmem_shared>> -> memref<16x144xf32, #tpu.memory_space<vmem_shared>>
        tpu.enqueue_dma source(%dma_start3A_77 : memref<16x144xf32, #tpu.memory_space<vmem_shared>>) target(%dma_start3A_74 : memref<16x144xf32, #tpu.memory_space<hbm>>) target_semaphore(%run_scoped3A : memref<!tpu.dma_semaphore, #tpu.memory_space<semaphore_mem>>)
        %dma_wait3A = arith.constant 9984 : i32
        %dma_wait3A_78 = arith.constant 0 : i32
        %dma_wait3A_79 = tpu.memref_slice %arg8[%arg0, %dma_wait3A, %dma_wait3A_78] : memref<2x10000x144xf32, #tpu.memory_space<hbm>> -> memref<1x16x144xf32, #tpu.memory_space<hbm>>
        %dma_wait3A_80 = tpu.memref_squeeze %dma_wait3A_79 : memref<1x16x144xf32, #tpu.memory_space<hbm>> -> memref<16x144xf32, #tpu.memory_space<hbm>>
        %dma_wait3A_81 = arith.constant 9984 : i32
        %dma_wait3A_82 = arith.constant 0 : i32
        %dma_wait3A_83 = tpu.memref_slice %arg9[%dma_wait3A_81, %dma_wait3A_82] : memref<10000x144xf32, #tpu.memory_space<vmem_shared>> -> memref<16x144xf32, #tpu.memory_space<vmem_shared>>
        tpu.wait_dma2 semaphore(%run_scoped3A : memref<!tpu.dma_semaphore, #tpu.memory_space<semaphore_mem>>) src(%dma_wait3A_83 : memref<16x144xf32, #tpu.memory_space<vmem_shared>>) dst(%dma_wait3A_80 : memref<16x144xf32, #tpu.memory_space<hbm>>)
        tpu.yield
      }) : () -> ()
    } else {
    }
    return
  }
}

module attributes {stable_mosaic.version = 14 : i64} {
  func.func @_qkv_body(%arg0: i32, %arg1: memref<1000x128xf32, #tpu.memory_space<vmem>>, %arg2: memref<3x128x128xf32, #tpu.memory_space<vmem>>, %arg3: memref<1x128xf32, #tpu.memory_space<vmem>>, %arg4: memref<1000x128xf32, #tpu.memory_space<vmem>>, %arg5: memref<1000x128xf32, #tpu.memory_space<vmem>>, %arg6: memref<1000x128xf32, #tpu.memory_space<vmem>>) attributes {dimension_semantics = [#tpu.dimension_semantics<arbitrary>], iteration_bounds = array<i64: 10>, scalar_prefetch = 0 : i64, scratch_operands = 0 : i64, tpu.core_type = #tpu.core_type<tc>, window_params = [{transform_indices = @transform_0, window_bounds = array<i64: 1000, 128>}, {pipeline_mode = #tpu.pipeline_mode<synchronous>, transform_indices = @transform_1, window_bounds = array<i64: 3, 128, 128>}, {pipeline_mode = #tpu.pipeline_mode<synchronous>, transform_indices = @transform_2, window_bounds = array<i64: 1, 128>}, {transform_indices = @transform_3, window_bounds = array<i64: 1000, 128>}, {transform_indices = @transform_4, window_bounds = array<i64: 1000, 128>}, {transform_indices = @transform_5, window_bounds = array<i64: 1000, 128>}]} {
    %get3A = arith.constant 0 : index
    %get3A_0 = arith.constant 0 : index
    %get3A_1 = vector.load %arg1[%get3A, %get3A_0] : memref<1000x128xf32, #tpu.memory_space<vmem>>, vector<1000x128xf32>
    %get3A_2 = arith.constant 0 : index
    %get3A_3 = arith.constant 0 : index
    %get3A_4 = arith.constant 0 : index
    %get3A_5 = vector.load %arg2[%get3A_2, %get3A_3, %get3A_4] : memref<3x128x128xf32, #tpu.memory_space<vmem>>, vector<1x128x128xf32>
    %get3A_6 = vector.shape_cast %get3A_5 : vector<1x128x128xf32> to vector<128x128xf32>
    %dot_general3A = arith.constant dense<0.000000e+00> : vector<1000x128xf32>
    %dot_general3A_7 = tpu.matmul %get3A_1, %get3A_6, %dot_general3A {dimension_numbers = #tpu.dot_dimension_numbers<[1], [0], [0], [1], [0, 0, 1, 1], [], []>, transpose_lhs_hint = false} : vector<1000x128xf32>, vector<128x128xf32>, vector<1000x128xf32> -> vector<1000x128xf32>
    %get3A_8 = arith.constant 0 : index
    %get3A_9 = arith.constant 0 : index
    %get3A_10 = vector.load %arg3[%get3A_8, %get3A_9] : memref<1x128xf32, #tpu.memory_space<vmem>>, vector<1x128xf32>
    %add3A = vector.broadcast %get3A_10 : vector<1x128xf32> to vector<1000x128xf32>
    %add3A_11 = arith.addf %dot_general3A_7, %add3A : vector<1000x128xf32>
    %swap3A = arith.constant 0 : index
    %swap3A_12 = arith.constant 0 : index
    %swap3A_13 = vector.load %arg4[%swap3A, %swap3A_12] : memref<1000x128xf32, #tpu.memory_space<vmem>>, vector<1000x128xf32>
    tpu.vector_store %arg4[%swap3A, %swap3A_12], %add3A_11 {strides = array<i32>} : memref<1000x128xf32, #tpu.memory_space<vmem>>, vector<1000x128xf32>,
    %get3A_14 = arith.constant 1 : index
    %get3A_15 = arith.constant 0 : index
    %get3A_16 = arith.constant 0 : index
    %get3A_17 = vector.load %arg2[%get3A_14, %get3A_15, %get3A_16] : memref<3x128x128xf32, #tpu.memory_space<vmem>>, vector<1x128x128xf32>
    %get3A_18 = vector.shape_cast %get3A_17 : vector<1x128x128xf32> to vector<128x128xf32>
    %dot_general3A_19 = arith.constant dense<0.000000e+00> : vector<1000x128xf32>
    %dot_general3A_20 = tpu.matmul %get3A_1, %get3A_18, %dot_general3A_19 {dimension_numbers = #tpu.dot_dimension_numbers<[1], [0], [0], [1], [0, 0, 1, 1], [], []>, transpose_lhs_hint = false} : vector<1000x128xf32>, vector<128x128xf32>, vector<1000x128xf32> -> vector<1000x128xf32>
    %swap3A_21 = arith.constant 0 : index
    %swap3A_22 = arith.constant 0 : index
    %swap3A_23 = vector.load %arg5[%swap3A_21, %swap3A_22] : memref<1000x128xf32, #tpu.memory_space<vmem>>, vector<1000x128xf32>
    tpu.vector_store %arg5[%swap3A_21, %swap3A_22], %dot_general3A_20 {strides = array<i32>} : memref<1000x128xf32, #tpu.memory_space<vmem>>, vector<1000x128xf32>,
    %get3A_24 = arith.constant 2 : index
    %get3A_25 = arith.constant 0 : index
    %get3A_26 = arith.constant 0 : index
    %get3A_27 = vector.load %arg2[%get3A_24, %get3A_25, %get3A_26] : memref<3x128x128xf32, #tpu.memory_space<vmem>>, vector<1x128x128xf32>
    %get3A_28 = vector.shape_cast %get3A_27 : vector<1x128x128xf32> to vector<128x128xf32>
    %dot_general3A_29 = arith.constant dense<0.000000e+00> : vector<1000x128xf32>
    %dot_general3A_30 = tpu.matmul %get3A_1, %get3A_28, %dot_general3A_29 {dimension_numbers = #tpu.dot_dimension_numbers<[1], [0], [0], [1], [0, 0, 1, 1], [], []>, transpose_lhs_hint = false} : vector<1000x128xf32>, vector<128x128xf32>, vector<1000x128xf32> -> vector<1000x128xf32>
    %swap3A_31 = arith.constant 0 : index
    %swap3A_32 = arith.constant 0 : index
    %swap3A_33 = vector.load %arg6[%swap3A_31, %swap3A_32] : memref<1000x128xf32, #tpu.memory_space<vmem>>, vector<1000x128xf32>
    tpu.vector_store %arg6[%swap3A_31, %swap3A_32], %dot_general3A_30 {strides = array<i32>} : memref<1000x128xf32, #tpu.memory_space<vmem>>, vector<1000x128xf32>,
    return
  }
  func.func @transform_0(%arg0: i32) -> (i32, i32) {
    %c0_i32 = arith.constant 0 : i32
    %c0_i32_0 = arith.constant 0 : i32
    return %arg0, %c0_i32 : i32, i32
  }
  func.func @transform_1(%arg0: i32) -> (i32, i32, i32) {
    %c0_i32 = arith.constant 0 : i32
    %c0_i32_0 = arith.constant 0 : i32
    %c0_i32_1 = arith.constant 0 : i32
    %c0_i32_2 = arith.constant 0 : i32
    return %c0_i32, %c0_i32_0, %c0_i32_1 : i32, i32, i32
  }
  func.func @transform_2(%arg0: i32) -> (i32, i32) {
    %c0_i32 = arith.constant 0 : i32
    %c0_i32_0 = arith.constant 0 : i32
    %c0_i32_1 = arith.constant 0 : i32
    return %c0_i32, %c0_i32_0 : i32, i32
  }
  func.func @transform_3(%arg0: i32) -> (i32, i32) {
    %c0_i32 = arith.constant 0 : i32
    %c0_i32_0 = arith.constant 0 : i32
    return %arg0, %c0_i32 : i32, i32
  }
  func.func @transform_4(%arg0: i32) -> (i32, i32) {
    %c0_i32 = arith.constant 0 : i32
    %c0_i32_0 = arith.constant 0 : i32
    return %arg0, %c0_i32 : i32, i32
  }
  func.func @transform_5(%arg0: i32) -> (i32, i32) {
    %c0_i32 = arith.constant 0 : i32
    %c0_i32_0 = arith.constant 0 : i32
    return %arg0, %c0_i32 : i32, i32
  }
}

module attributes {stable_mosaic.version = 14 : i64} {
  func.func @_post_body(%arg0: i32, %arg1: memref<2x1000x144xf32, #tpu.memory_space<vmem>>, %arg2: memref<1000x128xf32, #tpu.memory_space<vmem>>, %arg3: memref<16x128xf32, #tpu.memory_space<vmem>>, %arg4: memref<128x128xf32, #tpu.memory_space<vmem>>, %arg5: memref<1x128xf32, #tpu.memory_space<vmem>>, %arg6: memref<1x128xf32, #tpu.memory_space<vmem>>, %arg7: memref<1x128xf32, #tpu.memory_space<vmem>>, %arg8: memref<128x512xf32, #tpu.memory_space<vmem>>, %arg9: memref<1x512xf32, #tpu.memory_space<vmem>>, %arg10: memref<512x128xf32, #tpu.memory_space<vmem>>, %arg11: memref<1x128xf32, #tpu.memory_space<vmem>>, %arg12: memref<1x128xf32, #tpu.memory_space<vmem>>, %arg13: memref<1x128xf32, #tpu.memory_space<vmem>>, %arg14: memref<1000x128xf32, #tpu.memory_space<vmem>>) attributes {dimension_semantics = [#tpu.dimension_semantics<arbitrary>], iteration_bounds = array<i64: 10>, scalar_prefetch = 0 : i64, scratch_operands = 0 : i64, tpu.core_type = #tpu.core_type<tc>, window_params = [{transform_indices = @transform_0, window_bounds = array<i64: 2, 1000, 144>}, {transform_indices = @transform_1, window_bounds = array<i64: 1000, 128>}, {pipeline_mode = #tpu.pipeline_mode<synchronous>, transform_indices = @transform_2, window_bounds = array<i64: 16, 128>}, {pipeline_mode = #tpu.pipeline_mode<synchronous>, transform_indices = @transform_3, window_bounds = array<i64: 128, 128>}, {pipeline_mode = #tpu.pipeline_mode<synchronous>, transform_indices = @transform_4, window_bounds = array<i64: 1, 128>}, {pipeline_mode = #tpu.pipeline_mode<synchronous>, transform_indices = @transform_5, window_bounds = array<i64: 1, 128>}, {pipeline_mode = #tpu.pipeline_mode<synchronous>, transform_indices = @transform_6, window_bounds = array<i64: 1, 128>}, {pipeline_mode = #tpu.pipeline_mode<synchronous>, transform_indices = @transform_7, window_bounds = array<i64: 128, 512>}, {pipeline_mode = #tpu.pipeline_mode<synchronous>, transform_indices = @transform_8, window_bounds = array<i64: 1, 512>}, {pipeline_mode = #tpu.pipeline_mode<synchronous>, transform_indices = @transform_9, window_bounds = array<i64: 512, 128>}, {pipeline_mode = #tpu.pipeline_mode<synchronous>, transform_indices = @transform_10, window_bounds = array<i64: 1, 128>}, {pipeline_mode = #tpu.pipeline_mode<synchronous>, transform_indices = @transform_11, window_bounds = array<i64: 1, 128>}, {pipeline_mode = #tpu.pipeline_mode<synchronous>, transform_indices = @transform_12, window_bounds = array<i64: 1, 128>}, {transform_indices = @transform_13, window_bounds = array<i64: 1000, 128>}]} {
    %get3A = arith.constant 0 : index
    %get3A_0 = arith.constant 0 : index
    %get3A_1 = arith.constant 0 : index
    %get3A_2 = vector.load %arg1[%get3A, %get3A_0, %get3A_1] : memref<2x1000x144xf32, #tpu.memory_space<vmem>>, vector<1x1000x144xf32>
    %get3A_3 = vector.shape_cast %get3A_2 : vector<1x1000x144xf32> to vector<1000x144xf32>
    %get3A_4 = arith.constant 1 : index
    %get3A_5 = arith.constant 0 : index
    %get3A_6 = arith.constant 0 : index
    %get3A_7 = vector.load %arg1[%get3A_4, %get3A_5, %get3A_6] : memref<2x1000x144xf32, #tpu.memory_space<vmem>>, vector<1x1000x144xf32>
    %get3A_8 = vector.shape_cast %get3A_7 : vector<1x1000x144xf32> to vector<1000x144xf32>
    %slice3A = vector.extract_strided_slice %get3A_3 {offsets = [0, 0], sizes = [1000, 128], strides = [1, 1]} : vector<1000x144xf32> to vector<1000x128xf32>
    %slice3A_9 = vector.extract_strided_slice %get3A_8 {offsets = [0, 0], sizes = [1000, 128], strides = [1, 1]} : vector<1000x144xf32> to vector<1000x128xf32>
    %add3A = arith.addf %slice3A, %slice3A_9 : vector<1000x128xf32>
    %slice3A_10 = vector.extract_strided_slice %get3A_3 {offsets = [0, 128], sizes = [1000, 16], strides = [1, 1]} : vector<1000x144xf32> to vector<1000x16xf32>
    %slice3A_11 = vector.extract_strided_slice %get3A_8 {offsets = [0, 128], sizes = [1000, 16], strides = [1, 1]} : vector<1000x144xf32> to vector<1000x16xf32>
    %add3A_12 = arith.addf %slice3A_10, %slice3A_11 : vector<1000x16xf32>
    %get3A_13 = arith.constant 0 : index
    %get3A_14 = arith.constant 0 : index
    %get3A_15 = vector.load %arg3[%get3A_13, %get3A_14] : memref<16x128xf32, #tpu.memory_space<vmem>>, vector<16x128xf32>
    %dot_general3A = arith.constant dense<0.000000e+00> : vector<1000x128xf32>
    %dot_general3A_16 = tpu.matmul %add3A_12, %get3A_15, %dot_general3A {dimension_numbers = #tpu.dot_dimension_numbers<[1], [0], [0], [1], [0, 0, 1, 1], [], []>, transpose_lhs_hint = false} : vector<1000x16xf32>, vector<16x128xf32>, vector<1000x128xf32> -> vector<1000x128xf32>
    %add3A_17 = arith.constant 9.99999996E-13 : f32
    %add3A_18 = vector.broadcast %add3A_17 : f32 to vector<1000x128xf32>
    %add3A_19 = arith.addf %dot_general3A_16, %add3A_18 : vector<1000x128xf32>
    %div3A = arith.divf %add3A, %add3A_19 : vector<1000x128xf32>
    %get3A_20 = arith.constant 0 : index
    %get3A_21 = arith.constant 0 : index
    %get3A_22 = vector.load %arg2[%get3A_20, %get3A_21] : memref<1000x128xf32, #tpu.memory_space<vmem>>, vector<1000x128xf32>
    %get3A_23 = arith.constant 0 : index
    %get3A_24 = arith.constant 0 : index
    %get3A_25 = vector.load %arg4[%get3A_23, %get3A_24] : memref<128x128xf32, #tpu.memory_space<vmem>>, vector<128x128xf32>
    %dot_general3A_26 = arith.constant dense<0.000000e+00> : vector<1000x128xf32>
    %dot_general3A_27 = tpu.matmul %div3A, %get3A_25, %dot_general3A_26 {dimension_numbers = #tpu.dot_dimension_numbers<[1], [0], [0], [1], [0, 0, 1, 1], [], []>, transpose_lhs_hint = false} : vector<1000x128xf32>, vector<128x128xf32>, vector<1000x128xf32> -> vector<1000x128xf32>
    %add3A_28 = arith.addf %get3A_22, %dot_general3A_27 : vector<1000x128xf32>
    %get3A_29 = arith.constant 0 : index
    %get3A_30 = arith.constant 0 : index
    %get3A_31 = vector.load %arg5[%get3A_29, %get3A_30] : memref<1x128xf32, #tpu.memory_space<vmem>>, vector<1x128xf32>
    %add3A_32 = vector.broadcast %get3A_31 : vector<1x128xf32> to vector<1000x128xf32>
    %add3A_33 = arith.addf %add3A_28, %add3A_32 : vector<1000x128xf32>
    %get3A_34 = arith.constant 0 : index
    %get3A_35 = arith.constant 0 : index
    %get3A_36 = vector.load %arg6[%get3A_34, %get3A_35] : memref<1x128xf32, #tpu.memory_space<vmem>>, vector<1x128xf32>
    %get3A_37 = arith.constant 0 : index
    %get3A_38 = arith.constant 0 : index
    %get3A_39 = vector.load %arg7[%get3A_37, %get3A_38] : memref<1x128xf32, #tpu.memory_space<vmem>>, vector<1x128xf32>
    %reduce_sum3A = arith.constant dense<0.000000e+00> : vector<1000xf32>
    %reduce_sum3A_40 = vector.multi_reduction <add>, %add3A_33, %reduce_sum3A [1] : vector<1000x128xf32> to vector<1000xf32>
    %broadcast_in_dim3A = vector.shape_cast %reduce_sum3A_40 : vector<1000xf32> to vector<1000x1xf32>
    %div3A_41 = arith.constant 1.280000e+02 : f32
    %div3A_42 = vector.broadcast %div3A_41 : f32 to vector<1000x1xf32>
    %div3A_43 = arith.divf %broadcast_in_dim3A, %div3A_42 : vector<1000x1xf32>
    %sub3A = vector.broadcast %div3A_43 : vector<1000x1xf32> to vector<1000x128xf32>
    %sub3A_44 = arith.subf %add3A_33, %sub3A : vector<1000x128xf32>
    %integer_pow3A = arith.mulf %sub3A_44, %sub3A_44 : vector<1000x128xf32>
    %reduce_sum3A_45 = arith.constant dense<0.000000e+00> : vector<1000xf32>
    %reduce_sum3A_46 = vector.multi_reduction <add>, %integer_pow3A, %reduce_sum3A_45 [1] : vector<1000x128xf32> to vector<1000xf32>
    %broadcast_in_dim3A_47 = vector.shape_cast %reduce_sum3A_46 : vector<1000xf32> to vector<1000x1xf32>
    %div3A_48 = arith.constant 1.280000e+02 : f32
    %div3A_49 = vector.broadcast %div3A_48 : f32 to vector<1000x1xf32>
    %div3A_50 = arith.divf %broadcast_in_dim3A_47, %div3A_49 : vector<1000x1xf32>
    %sub3A_51 = vector.broadcast %div3A_43 : vector<1000x1xf32> to vector<1000x128xf32>
    %sub3A_52 = arith.subf %add3A_33, %sub3A_51 : vector<1000x128xf32>
    %mul3A = vector.broadcast %get3A_36 : vector<1x128xf32> to vector<1000x128xf32>
    %mul3A_53 = arith.mulf %mul3A, %sub3A_52 : vector<1000x128xf32>
    %add3A_54 = arith.constant 9.99999974E-6 : f32
    %add3A_55 = vector.broadcast %add3A_54 : f32 to vector<1000x1xf32>
    %add3A_56 = arith.addf %div3A_50, %add3A_55 : vector<1000x1xf32>
    %sqrt3A = math.sqrt %add3A_56 : vector<1000x1xf32>
    %div3A_57 = vector.broadcast %sqrt3A : vector<1000x1xf32> to vector<1000x128xf32>
    %div3A_58 = arith.divf %mul3A_53, %div3A_57 : vector<1000x128xf32>
    %add3A_59 = vector.broadcast %get3A_39 : vector<1x128xf32> to vector<1000x128xf32>
    %add3A_60 = arith.addf %div3A_58, %add3A_59 : vector<1000x128xf32>
    %get3A_61 = arith.constant 0 : index
    %get3A_62 = arith.constant 0 : index
    %get3A_63 = vector.load %arg8[%get3A_61, %get3A_62] : memref<128x512xf32, #tpu.memory_space<vmem>>, vector<128x512xf32>
    %dot_general3A_64 = arith.constant dense<0.000000e+00> : vector<1000x512xf32>
    %dot_general3A_65 = tpu.matmul %add3A_60, %get3A_63, %dot_general3A_64 {dimension_numbers = #tpu.dot_dimension_numbers<[1], [0], [0], [1], [0, 0, 1, 1], [], []>, transpose_lhs_hint = false} : vector<1000x128xf32>, vector<128x512xf32>, vector<1000x512xf32> -> vector<1000x512xf32>
    %get3A_66 = arith.constant 0 : index
    %get3A_67 = arith.constant 0 : index
    %get3A_68 = vector.load %arg9[%get3A_66, %get3A_67] : memref<1x512xf32, #tpu.memory_space<vmem>>, vector<1x512xf32>
    %add3A_69 = vector.broadcast %get3A_68 : vector<1x512xf32> to vector<1000x512xf32>
    %add3A_70 = arith.addf %dot_general3A_65, %add3A_69 : vector<1000x512xf32>
    %max3A = arith.constant 0.000000e+00 : f32
    %max3A_71 = vector.broadcast %max3A : f32 to vector<1000x512xf32>
    %max3A_72 = arith.maximumf %add3A_70, %max3A_71 : vector<1000x512xf32>
    %get3A_73 = arith.constant 0 : index
    %get3A_74 = arith.constant 0 : index
    %get3A_75 = vector.load %arg10[%get3A_73, %get3A_74] : memref<512x128xf32, #tpu.memory_space<vmem>>, vector<512x128xf32>
    %dot_general3A_76 = arith.constant dense<0.000000e+00> : vector<1000x128xf32>
    %dot_general3A_77 = tpu.matmul %max3A_72, %get3A_75, %dot_general3A_76 {dimension_numbers = #tpu.dot_dimension_numbers<[1], [0], [0], [1], [0, 0, 1, 1], [], []>, transpose_lhs_hint = false} : vector<1000x512xf32>, vector<512x128xf32>, vector<1000x128xf32> -> vector<1000x128xf32>
    %get3A_78 = arith.constant 0 : index
    %get3A_79 = arith.constant 0 : index
    %get3A_80 = vector.load %arg11[%get3A_78, %get3A_79] : memref<1x128xf32, #tpu.memory_space<vmem>>, vector<1x128xf32>
    %add3A_81 = vector.broadcast %get3A_80 : vector<1x128xf32> to vector<1000x128xf32>
    %add3A_82 = arith.addf %dot_general3A_77, %add3A_81 : vector<1000x128xf32>
    %add3A_83 = arith.addf %add3A_60, %add3A_82 : vector<1000x128xf32>
    %get3A_84 = arith.constant 0 : index
    %get3A_85 = arith.constant 0 : index
    %get3A_86 = vector.load %arg12[%get3A_84, %get3A_85] : memref<1x128xf32, #tpu.memory_space<vmem>>, vector<1x128xf32>
    %get3A_87 = arith.constant 0 : index
    %get3A_88 = arith.constant 0 : index
    %get3A_89 = vector.load %arg13[%get3A_87, %get3A_88] : memref<1x128xf32, #tpu.memory_space<vmem>>, vector<1x128xf32>
    %reduce_sum3A_90 = arith.constant dense<0.000000e+00> : vector<1000xf32>
    %reduce_sum3A_91 = vector.multi_reduction <add>, %add3A_83, %reduce_sum3A_90 [1] : vector<1000x128xf32> to vector<1000xf32>
    %broadcast_in_dim3A_92 = vector.shape_cast %reduce_sum3A_91 : vector<1000xf32> to vector<1000x1xf32>
    %div3A_93 = arith.constant 1.280000e+02 : f32
    %div3A_94 = vector.broadcast %div3A_93 : f32 to vector<1000x1xf32>
    %div3A_95 = arith.divf %broadcast_in_dim3A_92, %div3A_94 : vector<1000x1xf32>
    %sub3A_96 = vector.broadcast %div3A_95 : vector<1000x1xf32> to vector<1000x128xf32>
    %sub3A_97 = arith.subf %add3A_83, %sub3A_96 : vector<1000x128xf32>
    %integer_pow3A_98 = arith.mulf %sub3A_97, %sub3A_97 : vector<1000x128xf32>
    %reduce_sum3A_99 = arith.constant dense<0.000000e+00> : vector<1000xf32>
    %reduce_sum3A_100 = vector.multi_reduction <add>, %integer_pow3A_98, %reduce_sum3A_99 [1] : vector<1000x128xf32> to vector<1000xf32>
    %broadcast_in_dim3A_101 = vector.shape_cast %reduce_sum3A_100 : vector<1000xf32> to vector<1000x1xf32>
    %div3A_102 = arith.constant 1.280000e+02 : f32
    %div3A_103 = vector.broadcast %div3A_102 : f32 to vector<1000x1xf32>
    %div3A_104 = arith.divf %broadcast_in_dim3A_101, %div3A_103 : vector<1000x1xf32>
    %sub3A_105 = vector.broadcast %div3A_95 : vector<1000x1xf32> to vector<1000x128xf32>
    %sub3A_106 = arith.subf %add3A_83, %sub3A_105 : vector<1000x128xf32>
    %mul3A_107 = vector.broadcast %get3A_86 : vector<1x128xf32> to vector<1000x128xf32>
    %mul3A_108 = arith.mulf %mul3A_107, %sub3A_106 : vector<1000x128xf32>
    %add3A_109 = arith.constant 9.99999974E-6 : f32
    %add3A_110 = vector.broadcast %add3A_109 : f32 to vector<1000x1xf32>
    %add3A_111 = arith.addf %div3A_104, %add3A_110 : vector<1000x1xf32>
    %sqrt3A_112 = math.sqrt %add3A_111 : vector<1000x1xf32>
    %div3A_113 = vector.broadcast %sqrt3A_112 : vector<1000x1xf32> to vector<1000x128xf32>
    %div3A_114 = arith.divf %mul3A_108, %div3A_113 : vector<1000x128xf32>
    %add3A_115 = vector.broadcast %get3A_89 : vector<1x128xf32> to vector<1000x128xf32>
    %add3A_116 = arith.addf %div3A_114, %add3A_115 : vector<1000x128xf32>
    %swap3A = arith.constant 0 : index
    %swap3A_117 = arith.constant 0 : index
    %swap3A_118 = vector.load %arg14[%swap3A, %swap3A_117] : memref<1000x128xf32, #tpu.memory_space<vmem>>, vector<1000x128xf32>
    tpu.vector_store %arg14[%swap3A, %swap3A_117], %add3A_116 {strides = array<i32>} : memref<1000x128xf32, #tpu.memory_space<vmem>>, vector<1000x128xf32>,
    return
  }
  func.func @transform_0(%arg0: i32) -> (i32, i32, i32) {
    %c0_i32 = arith.constant 0 : i32
    %c0_i32_0 = arith.constant 0 : i32
    %c0_i32_1 = arith.constant 0 : i32
    return %c0_i32, %arg0, %c0_i32_0 : i32, i32, i32
  }
  func.func @transform_1(%arg0: i32) -> (i32, i32) {
    %c0_i32 = arith.constant 0 : i32
    %c0_i32_0 = arith.constant 0 : i32
    return %arg0, %c0_i32 : i32, i32
  }
  func.func @transform_2(%arg0: i32) -> (i32, i32) {
    %c0_i32 = arith.constant 0 : i32
    %c0_i32_0 = arith.constant 0 : i32
    %c0_i32_1 = arith.constant 0 : i32
    return %c0_i32, %c0_i32_0 : i32, i32
  }
  func.func @transform_3(%arg0: i32) -> (i32, i32) {
    %c0_i32 = arith.constant 0 : i32
    %c0_i32_0 = arith.constant 0 : i32
    %c0_i32_1 = arith.constant 0 : i32
    return %c0_i32, %c0_i32_0 : i32, i32
  }
  func.func @transform_4(%arg0: i32) -> (i32, i32) {
    %c0_i32 = arith.constant 0 : i32
    %c0_i32_0 = arith.constant 0 : i32
    %c0_i32_1 = arith.constant 0 : i32
    return %c0_i32, %c0_i32_0 : i32, i32
  }
  func.func @transform_5(%arg0: i32) -> (i32, i32) {
    %c0_i32 = arith.constant 0 : i32
    %c0_i32_0 = arith.constant 0 : i32
    %c0_i32_1 = arith.constant 0 : i32
    return %c0_i32, %c0_i32_0 : i32, i32
  }
  func.func @transform_6(%arg0: i32) -> (i32, i32) {
    %c0_i32 = arith.constant 0 : i32
    %c0_i32_0 = arith.constant 0 : i32
    %c0_i32_1 = arith.constant 0 : i32
    return %c0_i32, %c0_i32_0 : i32, i32
  }
  func.func @transform_7(%arg0: i32) -> (i32, i32) {
    %c0_i32 = arith.constant 0 : i32
    %c0_i32_0 = arith.constant 0 : i32
    %c0_i32_1 = arith.constant 0 : i32
    return %c0_i32, %c0_i32_0 : i32, i32
  }
  func.func @transform_8(%arg0: i32) -> (i32, i32) {
    %c0_i32 = arith.constant 0 : i32
    %c0_i32_0 = arith.constant 0 : i32
    %c0_i32_1 = arith.constant 0 : i32
    return %c0_i32, %c0_i32_0 : i32, i32
  }
  func.func @transform_9(%arg0: i32) -> (i32, i32) {
    %c0_i32 = arith.constant 0 : i32
    %c0_i32_0 = arith.constant 0 : i32
    %c0_i32_1 = arith.constant 0 : i32
    return %c0_i32, %c0_i32_0 : i32, i32
  }
  func.func @transform_10(%arg0: i32) -> (i32, i32) {
    %c0_i32 = arith.constant 0 : i32
    %c0_i32_0 = arith.constant 0 : i32
    %c0_i32_1 = arith.constant 0 : i32
    return %c0_i32, %c0_i32_0 : i32, i32
  }
  func.func @transform_11(%arg0: i32) -> (i32, i32) {
    %c0_i32 = arith.constant 0 : i32
    %c0_i32_0 = arith.constant 0 : i32
    %c0_i32_1 = arith.constant 0 : i32
    return %c0_i32, %c0_i32_0 : i32, i32
  }
  func.func @transform_12(%arg0: i32) -> (i32, i32) {
    %c0_i32 = arith.constant 0 : i32
    %c0_i32_0 = arith.constant 0 : i32
    %c0_i32_1 = arith.constant 0 : i32
    return %c0_i32, %c0_i32_0 : i32, i32
  }
  func.func @transform_13(%arg0: i32) -> (i32, i32) {
    %c0_i32 = arith.constant 0 : i32
    %c0_i32_0 = arith.constant 0 : i32
    return %arg0, %c0_i32 : i32, i32
  }
}

module attributes {stable_mosaic.version = 14 : i64} {
  func.func @_post_body(%arg0: i32, %arg1: memref<2x1000x144xf32, #tpu.memory_space<vmem>>, %arg2: memref<1000x128xf32, #tpu.memory_space<vmem>>, %arg3: memref<16x128xf32, #tpu.memory_space<vmem>>, %arg4: memref<128x128xf32, #tpu.memory_space<vmem>>, %arg5: memref<1x128xf32, #tpu.memory_space<vmem>>, %arg6: memref<1x128xf32, #tpu.memory_space<vmem>>, %arg7: memref<1x128xf32, #tpu.memory_space<vmem>>, %arg8: memref<128x512xf32, #tpu.memory_space<vmem>>, %arg9: memref<1x512xf32, #tpu.memory_space<vmem>>, %arg10: memref<512x128xf32, #tpu.memory_space<vmem>>, %arg11: memref<1x128xf32, #tpu.memory_space<vmem>>, %arg12: memref<1x128xf32, #tpu.memory_space<vmem>>, %arg13: memref<1x128xf32, #tpu.memory_space<vmem>>, %arg14: memref<1000x128xf32, #tpu.memory_space<vmem>>) attributes {dimension_semantics = [#tpu.dimension_semantics<arbitrary>], iteration_bounds = array<i64: 10>, scalar_prefetch = 0 : i64, scratch_operands = 0 : i64, tpu.core_type = #tpu.core_type<tc>, window_params = [{transform_indices = @transform_0, window_bounds = array<i64: 2, 1000, 144>}, {transform_indices = @transform_1, window_bounds = array<i64: 1000, 128>}, {pipeline_mode = #tpu.pipeline_mode<synchronous>, transform_indices = @transform_2, window_bounds = array<i64: 16, 128>}, {pipeline_mode = #tpu.pipeline_mode<synchronous>, transform_indices = @transform_3, window_bounds = array<i64: 128, 128>}, {pipeline_mode = #tpu.pipeline_mode<synchronous>, transform_indices = @transform_4, window_bounds = array<i64: 1, 128>}, {pipeline_mode = #tpu.pipeline_mode<synchronous>, transform_indices = @transform_5, window_bounds = array<i64: 1, 128>}, {pipeline_mode = #tpu.pipeline_mode<synchronous>, transform_indices = @transform_6, window_bounds = array<i64: 1, 128>}, {pipeline_mode = #tpu.pipeline_mode<synchronous>, transform_indices = @transform_7, window_bounds = array<i64: 128, 512>}, {pipeline_mode = #tpu.pipeline_mode<synchronous>, transform_indices = @transform_8, window_bounds = array<i64: 1, 512>}, {pipeline_mode = #tpu.pipeline_mode<synchronous>, transform_indices = @transform_9, window_bounds = array<i64: 512, 128>}, {pipeline_mode = #tpu.pipeline_mode<synchronous>, transform_indices = @transform_10, window_bounds = array<i64: 1, 128>}, {pipeline_mode = #tpu.pipeline_mode<synchronous>, transform_indices = @transform_11, window_bounds = array<i64: 1, 128>}, {pipeline_mode = #tpu.pipeline_mode<synchronous>, transform_indices = @transform_12, window_bounds = array<i64: 1, 128>}, {transform_indices = @transform_13, window_bounds = array<i64: 1000, 128>}]} {
    %get3A = arith.constant 0 : index
    %get3A_0 = arith.constant 0 : index
    %get3A_1 = arith.constant 0 : index
    %get3A_2 = vector.load %arg1[%get3A, %get3A_0, %get3A_1] : memref<2x1000x144xf32, #tpu.memory_space<vmem>>, vector<1x1000x144xf32>
    %get3A_3 = vector.shape_cast %get3A_2 : vector<1x1000x144xf32> to vector<1000x144xf32>
    %get3A_4 = arith.constant 1 : index
    %get3A_5 = arith.constant 0 : index
    %get3A_6 = arith.constant 0 : index
    %get3A_7 = vector.load %arg1[%get3A_4, %get3A_5, %get3A_6] : memref<2x1000x144xf32, #tpu.memory_space<vmem>>, vector<1x1000x144xf32>
    %get3A_8 = vector.shape_cast %get3A_7 : vector<1x1000x144xf32> to vector<1000x144xf32>
    %slice3A = vector.extract_strided_slice %get3A_3 {offsets = [0, 0], sizes = [1000, 128], strides = [1, 1]} : vector<1000x144xf32> to vector<1000x128xf32>
    %slice3A_9 = vector.extract_strided_slice %get3A_8 {offsets = [0, 0], sizes = [1000, 128], strides = [1, 1]} : vector<1000x144xf32> to vector<1000x128xf32>
    %add3A = arith.addf %slice3A, %slice3A_9 : vector<1000x128xf32>
    %slice3A_10 = vector.extract_strided_slice %get3A_3 {offsets = [0, 128], sizes = [1000, 16], strides = [1, 1]} : vector<1000x144xf32> to vector<1000x16xf32>
    %slice3A_11 = vector.extract_strided_slice %get3A_8 {offsets = [0, 128], sizes = [1000, 16], strides = [1, 1]} : vector<1000x144xf32> to vector<1000x16xf32>
    %add3A_12 = arith.addf %slice3A_10, %slice3A_11 : vector<1000x16xf32>
    %get3A_13 = arith.constant 0 : index
    %get3A_14 = arith.constant 0 : index
    %get3A_15 = vector.load %arg3[%get3A_13, %get3A_14] : memref<16x128xf32, #tpu.memory_space<vmem>>, vector<16x128xf32>
    %dot_general3A = arith.constant dense<0.000000e+00> : vector<1000x128xf32>
    %dot_general3A_16 = tpu.matmul %add3A_12, %get3A_15, %dot_general3A {dimension_numbers = #tpu.dot_dimension_numbers<[1], [0], [0], [1], [0, 0, 1, 1], [], []>, transpose_lhs_hint = false} : vector<1000x16xf32>, vector<16x128xf32>, vector<1000x128xf32> -> vector<1000x128xf32>
    %add3A_17 = arith.constant 9.99999996E-13 : f32
    %add3A_18 = vector.broadcast %add3A_17 : f32 to vector<1000x128xf32>
    %add3A_19 = arith.addf %dot_general3A_16, %add3A_18 : vector<1000x128xf32>
    %div3A = arith.divf %add3A, %add3A_19 : vector<1000x128xf32>
    %get3A_20 = arith.constant 0 : index
    %get3A_21 = arith.constant 0 : index
    %get3A_22 = vector.load %arg2[%get3A_20, %get3A_21] : memref<1000x128xf32, #tpu.memory_space<vmem>>, vector<1000x128xf32>
    %get3A_23 = arith.constant 0 : index
    %get3A_24 = arith.constant 0 : index
    %get3A_25 = vector.load %arg4[%get3A_23, %get3A_24] : memref<128x128xf32, #tpu.memory_space<vmem>>, vector<128x128xf32>
    %dot_general3A_26 = arith.constant dense<0.000000e+00> : vector<1000x128xf32>
    %dot_general3A_27 = tpu.matmul %div3A, %get3A_25, %dot_general3A_26 {dimension_numbers = #tpu.dot_dimension_numbers<[1], [0], [0], [1], [0, 0, 1, 1], [], []>, transpose_lhs_hint = false} : vector<1000x128xf32>, vector<128x128xf32>, vector<1000x128xf32> -> vector<1000x128xf32>
    %add3A_28 = arith.addf %get3A_22, %dot_general3A_27 : vector<1000x128xf32>
    %get3A_29 = arith.constant 0 : index
    %get3A_30 = arith.constant 0 : index
    %get3A_31 = vector.load %arg5[%get3A_29, %get3A_30] : memref<1x128xf32, #tpu.memory_space<vmem>>, vector<1x128xf32>
    %add3A_32 = vector.broadcast %get3A_31 : vector<1x128xf32> to vector<1000x128xf32>
    %add3A_33 = arith.addf %add3A_28, %add3A_32 : vector<1000x128xf32>
    %get3A_34 = arith.constant 0 : index
    %get3A_35 = arith.constant 0 : index
    %get3A_36 = vector.load %arg6[%get3A_34, %get3A_35] : memref<1x128xf32, #tpu.memory_space<vmem>>, vector<1x128xf32>
    %get3A_37 = arith.constant 0 : index
    %get3A_38 = arith.constant 0 : index
    %get3A_39 = vector.load %arg7[%get3A_37, %get3A_38] : memref<1x128xf32, #tpu.memory_space<vmem>>, vector<1x128xf32>
    %reduce_sum3A = arith.constant dense<0.000000e+00> : vector<1000xf32>
    %reduce_sum3A_40 = vector.multi_reduction <add>, %add3A_33, %reduce_sum3A [1] : vector<1000x128xf32> to vector<1000xf32>
    %broadcast_in_dim3A = vector.shape_cast %reduce_sum3A_40 : vector<1000xf32> to vector<1000x1xf32>
    %div3A_41 = arith.constant 1.280000e+02 : f32
    %div3A_42 = vector.broadcast %div3A_41 : f32 to vector<1000x1xf32>
    %div3A_43 = arith.divf %broadcast_in_dim3A, %div3A_42 : vector<1000x1xf32>
    %sub3A = vector.broadcast %div3A_43 : vector<1000x1xf32> to vector<1000x128xf32>
    %sub3A_44 = arith.subf %add3A_33, %sub3A : vector<1000x128xf32>
    %integer_pow3A = arith.mulf %sub3A_44, %sub3A_44 : vector<1000x128xf32>
    %reduce_sum3A_45 = arith.constant dense<0.000000e+00> : vector<1000xf32>
    %reduce_sum3A_46 = vector.multi_reduction <add>, %integer_pow3A, %reduce_sum3A_45 [1] : vector<1000x128xf32> to vector<1000xf32>
    %broadcast_in_dim3A_47 = vector.shape_cast %reduce_sum3A_46 : vector<1000xf32> to vector<1000x1xf32>
    %div3A_48 = arith.constant 1.280000e+02 : f32
    %div3A_49 = vector.broadcast %div3A_48 : f32 to vector<1000x1xf32>
    %div3A_50 = arith.divf %broadcast_in_dim3A_47, %div3A_49 : vector<1000x1xf32>
    %sub3A_51 = vector.broadcast %div3A_43 : vector<1000x1xf32> to vector<1000x128xf32>
    %sub3A_52 = arith.subf %add3A_33, %sub3A_51 : vector<1000x128xf32>
    %mul3A = vector.broadcast %get3A_36 : vector<1x128xf32> to vector<1000x128xf32>
    %mul3A_53 = arith.mulf %mul3A, %sub3A_52 : vector<1000x128xf32>
    %add3A_54 = arith.constant 9.99999974E-6 : f32
    %add3A_55 = vector.broadcast %add3A_54 : f32 to vector<1000x1xf32>
    %add3A_56 = arith.addf %div3A_50, %add3A_55 : vector<1000x1xf32>
    %sqrt3A = math.sqrt %add3A_56 : vector<1000x1xf32>
    %div3A_57 = vector.broadcast %sqrt3A : vector<1000x1xf32> to vector<1000x128xf32>
    %div3A_58 = arith.divf %mul3A_53, %div3A_57 : vector<1000x128xf32>
    %add3A_59 = vector.broadcast %get3A_39 : vector<1x128xf32> to vector<1000x128xf32>
    %add3A_60 = arith.addf %div3A_58, %add3A_59 : vector<1000x128xf32>
    %get3A_61 = arith.constant 0 : index
    %get3A_62 = arith.constant 0 : index
    %get3A_63 = vector.load %arg8[%get3A_61, %get3A_62] : memref<128x512xf32, #tpu.memory_space<vmem>>, vector<128x512xf32>
    %dot_general3A_64 = arith.constant dense<0.000000e+00> : vector<1000x512xf32>
    %dot_general3A_65 = tpu.matmul %add3A_60, %get3A_63, %dot_general3A_64 {dimension_numbers = #tpu.dot_dimension_numbers<[1], [0], [0], [1], [0, 0, 1, 1], [], []>, transpose_lhs_hint = false} : vector<1000x128xf32>, vector<128x512xf32>, vector<1000x512xf32> -> vector<1000x512xf32>
    %get3A_66 = arith.constant 0 : index
    %get3A_67 = arith.constant 0 : index
    %get3A_68 = vector.load %arg9[%get3A_66, %get3A_67] : memref<1x512xf32, #tpu.memory_space<vmem>>, vector<1x512xf32>
    %add3A_69 = vector.broadcast %get3A_68 : vector<1x512xf32> to vector<1000x512xf32>
    %add3A_70 = arith.addf %dot_general3A_65, %add3A_69 : vector<1000x512xf32>
    %max3A = arith.constant 0.000000e+00 : f32
    %max3A_71 = vector.broadcast %max3A : f32 to vector<1000x512xf32>
    %max3A_72 = arith.maximumf %add3A_70, %max3A_71 : vector<1000x512xf32>
    %get3A_73 = arith.constant 0 : index
    %get3A_74 = arith.constant 0 : index
    %get3A_75 = vector.load %arg10[%get3A_73, %get3A_74] : memref<512x128xf32, #tpu.memory_space<vmem>>, vector<512x128xf32>
    %dot_general3A_76 = arith.constant dense<0.000000e+00> : vector<1000x128xf32>
    %dot_general3A_77 = tpu.matmul %max3A_72, %get3A_75, %dot_general3A_76 {dimension_numbers = #tpu.dot_dimension_numbers<[1], [0], [0], [1], [0, 0, 1, 1], [], []>, transpose_lhs_hint = false} : vector<1000x512xf32>, vector<512x128xf32>, vector<1000x128xf32> -> vector<1000x128xf32>
    %get3A_78 = arith.constant 0 : index
    %get3A_79 = arith.constant 0 : index
    %get3A_80 = vector.load %arg11[%get3A_78, %get3A_79] : memref<1x128xf32, #tpu.memory_space<vmem>>, vector<1x128xf32>
    %add3A_81 = vector.broadcast %get3A_80 : vector<1x128xf32> to vector<1000x128xf32>
    %add3A_82 = arith.addf %dot_general3A_77, %add3A_81 : vector<1000x128xf32>
    %add3A_83 = arith.addf %add3A_60, %add3A_82 : vector<1000x128xf32>
    %get3A_84 = arith.constant 0 : index
    %get3A_85 = arith.constant 0 : index
    %get3A_86 = vector.load %arg12[%get3A_84, %get3A_85] : memref<1x128xf32, #tpu.memory_space<vmem>>, vector<1x128xf32>
    %get3A_87 = arith.constant 0 : index
    %get3A_88 = arith.constant 0 : index
    %get3A_89 = vector.load %arg13[%get3A_87, %get3A_88] : memref<1x128xf32, #tpu.memory_space<vmem>>, vector<1x128xf32>
    %reduce_sum3A_90 = arith.constant dense<0.000000e+00> : vector<1000xf32>
    %reduce_sum3A_91 = vector.multi_reduction <add>, %add3A_83, %reduce_sum3A_90 [1] : vector<1000x128xf32> to vector<1000xf32>
    %broadcast_in_dim3A_92 = vector.shape_cast %reduce_sum3A_91 : vector<1000xf32> to vector<1000x1xf32>
    %div3A_93 = arith.constant 1.280000e+02 : f32
    %div3A_94 = vector.broadcast %div3A_93 : f32 to vector<1000x1xf32>
    %div3A_95 = arith.divf %broadcast_in_dim3A_92, %div3A_94 : vector<1000x1xf32>
    %sub3A_96 = vector.broadcast %div3A_95 : vector<1000x1xf32> to vector<1000x128xf32>
    %sub3A_97 = arith.subf %add3A_83, %sub3A_96 : vector<1000x128xf32>
    %integer_pow3A_98 = arith.mulf %sub3A_97, %sub3A_97 : vector<1000x128xf32>
    %reduce_sum3A_99 = arith.constant dense<0.000000e+00> : vector<1000xf32>
    %reduce_sum3A_100 = vector.multi_reduction <add>, %integer_pow3A_98, %reduce_sum3A_99 [1] : vector<1000x128xf32> to vector<1000xf32>
    %broadcast_in_dim3A_101 = vector.shape_cast %reduce_sum3A_100 : vector<1000xf32> to vector<1000x1xf32>
    %div3A_102 = arith.constant 1.280000e+02 : f32
    %div3A_103 = vector.broadcast %div3A_102 : f32 to vector<1000x1xf32>
    %div3A_104 = arith.divf %broadcast_in_dim3A_101, %div3A_103 : vector<1000x1xf32>
    %sub3A_105 = vector.broadcast %div3A_95 : vector<1000x1xf32> to vector<1000x128xf32>
    %sub3A_106 = arith.subf %add3A_83, %sub3A_105 : vector<1000x128xf32>
    %mul3A_107 = vector.broadcast %get3A_86 : vector<1x128xf32> to vector<1000x128xf32>
    %mul3A_108 = arith.mulf %mul3A_107, %sub3A_106 : vector<1000x128xf32>
    %add3A_109 = arith.constant 9.99999974E-6 : f32
    %add3A_110 = vector.broadcast %add3A_109 : f32 to vector<1000x1xf32>
    %add3A_111 = arith.addf %div3A_104, %add3A_110 : vector<1000x1xf32>
    %sqrt3A_112 = math.sqrt %add3A_111 : vector<1000x1xf32>
    %div3A_113 = vector.broadcast %sqrt3A_112 : vector<1000x1xf32> to vector<1000x128xf32>
    %div3A_114 = arith.divf %mul3A_108, %div3A_113 : vector<1000x128xf32>
    %add3A_115 = vector.broadcast %get3A_89 : vector<1x128xf32> to vector<1000x128xf32>
    %add3A_116 = arith.addf %div3A_114, %add3A_115 : vector<1000x128xf32>
    %swap3A = arith.constant 0 : index
    %swap3A_117 = arith.constant 0 : index
    %swap3A_118 = vector.load %arg14[%swap3A, %swap3A_117] : memref<1000x128xf32, #tpu.memory_space<vmem>>, vector<1000x128xf32>
    tpu.vector_store %arg14[%swap3A, %swap3A_117], %add3A_116 {strides = array<i32>} : memref<1000x128xf32, #tpu.memory_space<vmem>>, vector<1000x128xf32>,
    return
  }
  func.func @transform_0(%arg0: i32) -> (i32, i32, i32) {
    %c0_i32 = arith.constant 0 : i32
    %c0_i32_0 = arith.constant 0 : i32
    %c0_i32_1 = arith.constant 0 : i32
    return %c0_i32, %arg0, %c0_i32_0 : i32, i32, i32
  }
  func.func @transform_1(%arg0: i32) -> (i32, i32) {
    %c0_i32 = arith.constant 0 : i32
    %c0_i32_0 = arith.constant 0 : i32
    return %arg0, %c0_i32 : i32, i32
  }
  func.func @transform_2(%arg0: i32) -> (i32, i32) {
    %c0_i32 = arith.constant 0 : i32
    %c0_i32_0 = arith.constant 0 : i32
    %c0_i32_1 = arith.constant 0 : i32
    return %c0_i32, %c0_i32_0 : i32, i32
  }
  func.func @transform_3(%arg0: i32) -> (i32, i32) {
    %c0_i32 = arith.constant 0 : i32
    %c0_i32_0 = arith.constant 0 : i32
    %c0_i32_1 = arith.constant 0 : i32
    return %c0_i32, %c0_i32_0 : i32, i32
  }
  func.func @transform_4(%arg0: i32) -> (i32, i32) {
    %c0_i32 = arith.constant 0 : i32
    %c0_i32_0 = arith.constant 0 : i32
    %c0_i32_1 = arith.constant 0 : i32
    return %c0_i32, %c0_i32_0 : i32, i32
  }
  func.func @transform_5(%arg0: i32) -> (i32, i32) {
    %c0_i32 = arith.constant 0 : i32
    %c0_i32_0 = arith.constant 0 : i32
    %c0_i32_1 = arith.constant 0 : i32
    return %c0_i32, %c0_i32_0 : i32, i32
  }
  func.func @transform_6(%arg0: i32) -> (i32, i32) {
    %c0_i32 = arith.constant 0 : i32
    %c0_i32_0 = arith.constant 0 : i32
    %c0_i32_1 = arith.constant 0 : i32
    return %c0_i32, %c0_i32_0 : i32, i32
  }
  func.func @transform_7(%arg0: i32) -> (i32, i32) {
    %c0_i32 = arith.constant 0 : i32
    %c0_i32_0 = arith.constant 0 : i32
    %c0_i32_1 = arith.constant 0 : i32
    return %c0_i32, %c0_i32_0 : i32, i32
  }
  func.func @transform_8(%arg0: i32) -> (i32, i32) {
    %c0_i32 = arith.constant 0 : i32
    %c0_i32_0 = arith.constant 0 : i32
    %c0_i32_1 = arith.constant 0 : i32
    return %c0_i32, %c0_i32_0 : i32, i32
  }
  func.func @transform_9(%arg0: i32) -> (i32, i32) {
    %c0_i32 = arith.constant 0 : i32
    %c0_i32_0 = arith.constant 0 : i32
    %c0_i32_1 = arith.constant 0 : i32
    return %c0_i32, %c0_i32_0 : i32, i32
  }
  func.func @transform_10(%arg0: i32) -> (i32, i32) {
    %c0_i32 = arith.constant 0 : i32
    %c0_i32_0 = arith.constant 0 : i32
    %c0_i32_1 = arith.constant 0 : i32
    return %c0_i32, %c0_i32_0 : i32, i32
  }
  func.func @transform_11(%arg0: i32) -> (i32, i32) {
    %c0_i32 = arith.constant 0 : i32
    %c0_i32_0 = arith.constant 0 : i32
    %c0_i32_1 = arith.constant 0 : i32
    return %c0_i32, %c0_i32_0 : i32, i32
  }
  func.func @transform_12(%arg0: i32) -> (i32, i32) {
    %c0_i32 = arith.constant 0 : i32
    %c0_i32_0 = arith.constant 0 : i32
    %c0_i32_1 = arith.constant 0 : i32
    return %c0_i32, %c0_i32_0 : i32, i32
  }
  func.func @transform_13(%arg0: i32) -> (i32, i32) {
    %c0_i32 = arith.constant 0 : i32
    %c0_i32_0 = arith.constant 0 : i32
    return %arg0, %c0_i32 : i32, i32
  }
}

</mosaic_0001>

<sc_bundles>
// kernel: kernel.11.cloned.1.call-start
scs
__scs_entry_jumppad:
0x0: {  	(pc) =	sbr.rel $0x88, $3  }
0x1: {  	(tag) =	ssettag $0x0;
	lr =	simm.s32 $0x1  }
0x2: {  	[smem:$0x3F8F] =	sst lr;
	_ =	strace $0xD0000000  }
0x3: {  	_ = 	snop  }
0x4: {  	_ = 	snop  }
0x5: {  	_ = 	snop  }
0x6: {  	_ = 	snop  }
0x7: {  	_ = 	snop  }
__scs_overlays_trampoline_lowered:
0x8: {  	[smem:$0x3F9E] =	sst s0  }
0x9: {  	[smem:$0x3F9F] =	sst s1  }
0xa: {  	[smem:$0x3FA0] =	sst s2  }
0xb: {  	[smem:$0x3FA1] =	sst s3  }
0xc: {  	[smem:$0x3FA2] =	sst s4  }
0xd: {  	[smem:$0x3FA3] =	sst s5  }
0xe: {  	[smem:$0x3FA4] =	sst s6  }
0xf: {  	[smem:$0x3FA5] =	sst s7  }
0x10: {  	[smem:$0x3FA6] =	sst s8  }
0x11: {  	[smem:$0x3FA7] =	sst s9;
	s0 =	simm.s32 @!p0 $0x0  }
0x12: {  	s1 =	sld [smem:$0x3F8D];
	s0 =	simm.s32 @p0 $0x1  }
0x13: {  	[smem:$0x3FA8] =	sst s0;
	s0 =	simm.s32 @!p1 $0x0  }
0x14: {  	s2 =	sld [smem:$0x3F8C];
	s0 =	simm.s32 @p1 $0x1  }
0x15: {  	[smem:$0x3FA9] =	sst s0;
	s0 =	simm.s32 @!p2 $0x0  }
0x16: {  	s3 =	sld [smem:$0x3FDB];
	s0 =	simm.s32 @p2 $0x1  }
0x17: {  	s4 =	simm.s32 $0x1BF5;
	[smem:$0x3FAB] =	sst s0  }
0x18: {  	s0 =	sld [smem:$0x3F8E];
	_ =	swait.ge [sflag:s4], $0x0  }
0x19: {  	s7 =	sld [smem:$0x3F8F]  }
0x1a: {  	s8 =	sadd.s32 $0xFFFFE003, lr  }
0x1b: {  	s9 =	sadd.s32 $0xFFFFFEF7, lr;
	s5 =	simm.s32 $0xFFFFFFFF;
	p2 =	slt.u32 s8, $0xFFFFF086  }
0x1c: {  	p1 =	slt.u32 s9, $0xF7A;
	s5 =	simm.s32 @!p2 $0x0  }
0x1d: {  	s5 =	simm.s32 @p1 $0x1;
	p0 =	seq.s32 s7, s2  }
0x1e: {  	s7 =	smul.u32 @!p0 $0xF7A, s2;
	p2 =	seq.s32 @!p0 s5, $0x0  }
0x1f: {  	s9 =	smul.u32 $0xF7A, s1;
	s8 =	simm.s32 @!p0 $0x1BF5;
	p2 =	por !p2, p0  }
0x20: {  	[sflag:s8] =	ssyncset.s32 @!p0 $0xFFFFF086;
	s6 =	sadd.s32 @!p0 s3, s7;
	s7 =	simm.s32 @!p0 $0x108  }
0x21: {  	s3 =	sadd.s32 s3, s9;
	s6 =	sadd.s32 @!p0 $0x88, s6;
	s7 =	simm.s32 @p2 $0x1082  }
0x22: {  	[simem:s7], [sflag:s8] =	dma.local @!p0 [hbm:s6], $0xF7A  }
0x23: {  	s9 =	sor.u32 $0xD0000000, s2;
	s6 =	simm.s32 $0x108;
	_ =	swait.ge @!p0 [sflag:s8], $0x0  }
0x24: {  	s3 =	sadd.s32 $0x88, s3;
	s6 =	simm.s32 @!p1 $0x1082;
	[sflag:s4] =	ssyncset.s32 $0xFFFFF086  }
0x25: {  	[simem:s6], [sflag:s4] =	dma.local [hbm:s3], $0xF7A  }
0x26: {  	[smem:$0x3F8F] =	sst s1;
	(tag) =	ssettag s2;
	_ =	strace s9  }
0x27: {  	s1 =	sld [smem:$0x3F9F]  }
0x28: {  	s2 =	sld [smem:$0x3FA0]  }
0x29: {  	s4 =	sld [smem:$0x3FA2]  }
0x2a: {  	p0 =	seq.s32 s5, $0x0;
	s5 =	sld [smem:$0x3FA3]  }
0x2b: {  	s6 =	sld [smem:$0x3FA4]  }
0x2c: {  	s7 =	sld [smem:$0x3FA5]  }
0x2d: {  	s3 =	simm.s32 $0x108;
	s8 =	sld [smem:$0x3FA6]  }
0x2e: {  	s3 =	simm.s32 @!p0 $0x1082;
	s9 =	sld [smem:$0x3FA7]  }
0x2f: {  	lr =	sadd.s32 s0, s3;
	s0 =	sld [smem:$0x3F9E]  }
0x30: {  	s3 =	sld [smem:$0x3FA1]  }
0x31: {  	[smem:$0x3FAA] =	sst s10  }
0x32: {  	s10 =	sld [smem:$0x3FA8];
	_ =	sdelay $0x3  }
0x33: {  	p0 =	seq.s32 s10, $0x1;
	s10 =	sld [smem:$0x3FAA];
	_ =	sdelay $0x3  }
0x34: {  	[smem:$0x3FAA] =	sst s10  }
0x35: {  	s10 =	sld [smem:$0x3FA9];
	_ =	sdelay $0x3  }
0x36: {  	p1 =	seq.s32 s10, $0x1;
	s10 =	sld [smem:$0x3FAA];
	_ =	sdelay $0x3  }
0x37: {  	[smem:$0x3FAA] =	sst s10  }
0x38: {  	s10 =	sld [smem:$0x3FAB]  }
0x39: {  	_ = 	snop;
	(pc) =	sbr.ind lr, $3  }
0x3a: {  	_ = 	snop  }
0x3b: {  	_ = 	snop  }
0x3c: {  	p2 =	seq.s32 s10, $0x1;
	s10 =	sld [smem:$0x3FAA]  }
0x3d: {  	_ =	shalt  }
0x3e: {  	_ =	shalt  }
0x3f: {  	_ =	shalt  }
0x40: {  	_ =	shalt  }
0x41: {  	_ =	shalt  }
0x42: {  	_ =	shalt  }
0x43: {  	_ =	shalt  }
0x44: {  	_ =	shalt  }
0x45: {  	_ =	shalt  }
0x46: {  	_ =	shalt  }
0x47: {  	_ =	shalt  }
0x48: {  	_ =	shalt  }
0x49: {  	_ =	shalt  }
0x4a: {  	_ =	shalt  }
0x4b: {  	_ =	shalt  }
0x4c: {  	_ =	shalt  }
0x4d: {  	_ =	shalt  }
0x4e: {  	_ =	shalt  }
0x4f: {  	_ =	shalt  }
0x50: {  	_ =	shalt  }
0x51: {  	_ =	shalt  }
0x52: {  	_ =	shalt  }
0x53: {  	_ =	shalt  }
0x54: {  	_ =	shalt  }
0x55: {  	_ =	shalt  }
0x56: {  	_ =	shalt  }
0x57: {  	_ =	shalt  }
0x58: {  	_ =	shalt  }
0x59: {  	_ =	shalt  }
0x5a: {  	_ =	shalt  }
0x5b: {  	_ =	shalt  }
0x5c: {  	_ =	shalt  }
0x5d: {  	_ =	shalt  }
0x5e: {  	_ =	shalt  }
0x5f: {  	_ =	shalt  }
0x60: {  	_ =	shalt  }
0x61: {  	_ =	shalt  }
0x62: {  	_ =	shalt  }
0x63: {  	_ =	shalt  }
0x64: {  	_ =	shalt  }
0x65: {  	_ =	shalt  }
0x66: {  	_ =	shalt  }
0x67: {  	_ =	shalt  }
0x68: {  	_ =	shalt  }
0x69: {  	_ =	shalt  }
0x6a: {  	_ =	shalt  }
0x6b: {  	_ =	shalt  }
0x6c: {  	_ =	shalt  }
0x6d: {  	_ =	shalt  }
0x6e: {  	_ =	shalt  }
0x6f: {  	_ =	shalt  }
0x70: {  	_ =	shalt  }
0x71: {  	_ =	shalt  }
0x72: {  	_ =	shalt  }
0x73: {  	_ =	shalt  }
0x74: {  	_ =	shalt  }
0x75: {  	_ =	shalt  }
0x76: {  	_ =	shalt  }
0x77: {  	_ =	shalt  }
0x78: {  	_ =	shalt  }
0x79: {  	_ =	shalt  }
0x7a: {  	_ =	shalt  }
0x7b: {  	_ =	shalt  }
0x7c: {  	_ =	shalt  }
0x7d: {  	_ =	shalt  }
0x7e: {  	_ =	shalt  }
0x7f: {  	_ =	shalt  }
0x80: {  	_ =	shalt  }
0x81: {  	_ =	shalt  }
0x82: {  	_ =	shalt  }
0x83: {  	_ =	shalt  }
0x84: {  	_ =	shalt  }
0x85: {  	_ =	shalt  }
0x86: {  	_ =	shalt  }
0x87: {  	_ =	shalt  }
.Lfunc_end0:
.L_simem_size_0:
called_computation.1_lowered:
.L_overlay_start_0:
0x88: {  	s2 =	sld [smem:$0x3FD9]  }
0x89: {  	s3 =	sld [smem:$0x3FFE];
	_ =	sdelay $0x1  }
0x8a: {  	s1 =	srdreg.scid  }
0x8b: {  	s0 =	sand.u32 $0x1, s1  }
0x8c: {  	s17 =	sshll.u32 s0, $0xA;
	s2 =	sadd.s32 s3, s2  }
0x8d: {  	s2 =	sadd.s32 s2, s17  }
0x8e: {  	[smem:$0x3FB6] =	sst s2  }
0x8f: {  	_ = 	snop  }
0x90: {  	s2 =	sld [smem:$0x3FD0];
	(tm) =	ssettm $0x1  }
0x91: {  	s18 =	sld [smem:$0x3FFB];
	_ =	sdelay $0x3  }
0x92: {  	_ =	strace s18  }
0x93: {  	s3 =	sld [smem:$0x3FFC];
	_ =	sdelay $0x3  }
0x94: {  	_ =	strace s3  }
0x95: {  	s3 =	sld [smem:$0x3FFD];
	_ =	sdelay $0x3  }
0x96: {  	_ =	strace s3  }
0x97: {  	_ =	strace $0x8FFFFFFF  }
0x98: {  	s19 =	sld [smem:$0x3FDB];
	_ =	sdelay $0x1  }
0x99: {  	s4 =	simm.s32 $_scs_section_size  }
0x9a: {  	s5 =	simm.s32 $_size__tile_overlayer_lowered;
	s6 =	simm.s32 $_tile_overlayer_lowered  }
0x9b: {  	s22 =	simm.s32 $0x1BFF;
	s21 =	sshll.u32 s6, $0x1;
	s3 =	sadd.s32 s4, s19  }
0x9c: {  	s7 =	simm.s32 $0x0;
	s20 =	sshll.u32 s5, $0x1;
	s5 =	sadd.s32 s21, s3  }
0x9d: {  	[timem:s7], [sflag:s22] =	dma.local [hbm:s5], s20  }
0x9e: {  	_ =	swait.ge [sflag:s22], s20  }
0x9f: {  	s4 =	ssub.s32 $0x0, s20;
	[sflag:s22] =	ssyncset.done $0x0  }
0xa0: {  	[sflag:s22] =	ssyncadd.s32 s4;
	_ =	sdelay $0x1  }
0xa1: {  	s23 =	simm.s32 $0x1B8B  }
0xa2: {  	_ =	swait.ge [sflag:s23], $0x1  }
0xa3: {  	[sflag:s23] =	ssyncset.done $0x0  }
0xa4: {  	s25 =	simm.s32 $0x1B8E;
	s24 =	sld [smem:$0x3FFE];
	[sflag:s23] =	ssyncadd.s32 $0xFFFFFFFF  }
0xa5: {  	s26 =	simm.s32 $execute0_lowered;
	[smem:$0x3FD2] =	sst s25  }
0xa6: {  	s5 =	sshll.u32 s26, $0x1;
	_ =	strace $0x80000049;
	[dreg:$0x1] =	wrdreg $0xFFFFFFFF  }
0xa7: {  	s28 =	simm.s32 $_size_execute0_lowered;
	s3 =	sadd.s32 s3, s5;
	[dreg:$0x0] =	wrdreg $0x0  }
0xa8: {  	s5 =	sshll.u32 s28, $0x1;
	[dreg:$0x2] =	wrdreg s3  }
0xa9: {  	[dreg:$0x3] =	wrdreg s5  }
0xaa: {  	[dreg:$0x4] =	wrdreg $0xC0  }
0xab: {  	_ =	task [dreg:s7], $0x5FFFF  }
0xac: {  	[dreg:$0x1] =	wrdreg $0xFFFFFFFF  }
0xad: {  	[dreg:$0x0] =	wrdreg $0x60  }
0xae: {  	[dreg:$0x2] =	wrdreg s2  }
0xaf: {  	[dreg:$0x3] =	wrdreg s24  }
0xb0: {  	[dreg:$0x4] =	wrdreg $0x0  }
0xb1: {  	[dreg:$0x5] =	wrdreg $0x9  }
0xb2: {  	_ =	task.clear_ibuf [dreg:s7], $0x6FFFF;
	_ =	strace $0x90000049  }
0xb3: {  	s29 =	simm.s32 $0x9;
	_ =	strace $0x8000004B  }
0xb4: {  	_ =	swait.ge [sflag:s29], $0x1  }
0xb5: {  	[sflag:s29] =	ssyncadd.s32 $0xFFFFFFFF  }
0xb6: {  	_ =	strace $0x9000004B  }
0xb7: {  	_ =	sfence  }
0xb8: {  	s30 =	sld [smem:$0x0];
	_ =	sdelay $0x2  }
0xb9: {  	s31 =	sshll.u32 s1, $0xD;
	s1 =	sshrl.u32 s1, $0x2  }
0xba: {  	s3 =	sand.u32 $0x4000, s31;
	s1 =	sadd.s32 s1, s30  }
0xbb: {  	s0 =	sor.u32 s3, s0;
	s1 =	sshll.u32 s1, $0x11  }
0xbc: {  	s0 =	sor.u32 s1, s0  }
0xbd: {  	s0 =	sadd.s32 $0x8F2B, s0  }
0xbe: {  	[sflag:s0] =	ssyncadd.remote.s32 $0x1  }
0xbf: {  	_ =	sfence.sel $0xFFFF  }
0xc0: {  	[dreg:$0x0] =	wrdreg $0xFFFFFFFF;
	(pc) =	sbr.abs _section_cstart, $3  }
0xc1: {  	[dreg:$0x1] =	wrdreg $0xFFFFFFFF  }
0xc2: {  	_ =	task.clear_ibuf [dreg:s7], $0x2FFFF;
	_ =	strace $0x9FFFFFFF  }
0xc3: {  	(tm) =	ssettm $0x7FFFFFFF  }
tec
execute0_lowered:
.L_overlay_start_1:
0x0: {  	(tag) =	ssettag $0x1  }
0x1: {  	s1 =	rddreg [dreg:$0x0]  }
0x2: {  	s0 =	rddreg [dreg:$0x1]  }
0x3: {  	s3 =	rddreg [dreg:$0x2];
	s2 =	simm.s32 $0x0  }
0x4: {  	s16 =	stileid.u32;
	s4 =	srdreg.scid;
	s30 =	simm.s32 $0x16008  }
0x5: {  	s31 =	simm.s32 $0x17480;
	s28 =	simm.s32 $0x1DD80;
	s29 =	simm.s32 $0x2  }
0x6: {  	[smem:$0x7FF] =	sst s2;
	s19 =	smul.u32 $0x15F00, s16;
	s5 =	sadd.s32 $0x22000, s0  }
0x7: {  	s6 =	sadd.s32 $0x49200, s0;
	s4 =	sand.u32 $0x1, s4;
	s7 =	sadd.s32 $0x4800, s0  }
0x8: {  	s8 =	sadd.s32 $0x4A00, s0;
	s13 =	sadd.s32 $0x9C400, s0;
	s21 =	sshll.u32 s16, $0x6  }
0x9: {  	v0 =	vimm.s32 $0x76543210;
	p0 =	sne.s32 s16, $0xF;
	_ =	strace $0x8000004A;
	s10 =	ssub.s32 $0x2, s4  }
0xa: {  	v1 =	vimm.s32 $0xFEDCBA98;
	v2 =	vimm.s32 $0x3210FEDC;
	s20 =	sshll.u32 s4, $0x4;
	s4 =	smul.u32 $0x15F900, s4;
	s9 =	sshrl.u32 s19, $0x3  }
0xb: {  	v3 =	vimm.s32 $0xBA987654;
	v4 =	vimm.s32 $0x10FEDCBA;
	v5 =	vimm.s32 $0x98765432;
	s11 =	sshrl.u32 s10, $0x1;
	s12 =	sor.u32 s16, s20;
	s15 =	sadd.s32 s19, s3  }
0xc: {  	v6 =	vimm.s32 $0xFEDCBA9;
	v7 =	vimm.s32 $0x87654321;
	s9 =	sadd.s32 s9, s0;
	s11 =	ssub.s32 s10, s11;
	s22 =	smul.u32 $0xEA6, s12  }
0xd: {  	vm0 =	vmmov $0x1;
	vm1 =	vcmask $0x320;
	s10 =	sor.u32 $0x1C03, s21;
	s0 =	sadd.s32 $0x9C200, s0;
	s12 =	smul.u32 $0xFA, s12  }
0xe: {  	vm2 =	vcmask $0x720;
	vm3 =	vcmask $0xB20;
	vm4 =	vcmask $0xF20;
	s2 =	sadd.s32 s19, s4;
	s4 =	sshrl.u32 s4, $0x3;
	s15 =	sshrl.u32 s15, $0x3  }
0xf: {  	v0 =	vunpack.c.l.s4.s8 v0;
	v1 =	vunpack.c.l.s4.s8 v1;
	v2 =	vunpack.c.l.s4.s8 v2;
	s19 =	simm.s32 $0x3;
	s9 =	sadd.s32 $0x70400, s9;
	[dreg:$0x5] =	wrdreg s0  }
0x10: {  	v3 =	vunpack.c.l.s4.s8 v3;
	v4 =	vunpack.c.l.s4.s8 v4;
	v5 =	vunpack.c.l.s4.s8 v5;
	s23 =	sshrl.u32 s2, $0x3;
	s24 =	sadd.s32 s13, s4;
	s26 =	smax.u32 s11, $0x1  }
0x11: {  	v6 =	vunpack.c.l.s4.s8 v6;
	v7 =	vunpack.c.l.s4.s8 v7;
	v2 =	vunpack.c.0.s8.s32 v2;
	s2 =	simm.s32 $0x19C80;
	s4 =	simm.s32 $0x1C480;
	[dreg:$0x4] =	wrdreg s9  }
0x12: {  	v3 =	vunpack.c.0.s8.s32 v3;
	v4 =	vunpack.c.0.s8.s32 v4;
	v5 =	vunpack.c.0.s8.s32 v5;
	s9 =	sadd.s32 $0x15F000, s3;
	s0 =	sadd.s32 s8, s22;
	s14 =	sadd.s32 $0x2, s12  }
0x13: {  	v1 =	vunpack.c.0.s8.s32 v1;
	v6 =	vunpack.c.0.s8.s32 v6;
	v7 =	vunpack.c.0.s8.s32 v7;
	s25 =	sadd.s32 $0x2BE00, s24;
	[dreg:$0x9] =	wrdreg s26;
	s22 =	simm.s32 $0x28  }
0x14: {  	vm5 =	vcmask $0x1320;
	v0 =	vunpack.c.0.s8.s32 v0;
	v2 =	vcombine.low v3, v2;
	s24 =	simm.s32 $0x15FB8;
	s26 =	simm.s32 $0x1;
	[dreg:$0x6] =	wrdreg s0  }
0x15: {  	v3 =	vcombine.low v5, v4;
	v4 =	vcombine.low v7, v6;
	v1 =	vand.u32 $0xF, v1;
	s0 =	sadd.s32 s13, s23;
	[dreg:$0x8] =	wrdreg s25;
	s16 =	sshrl.u32 @!p0 s9, $0x3  }
0x16: {  	vm6 =	vcmask $0x1720;
	vm7 =	vcmask $0x1B20;
	v0 =	vcombine.low v1, v0;
	s23 =	simm.s32 $0x16058;
	s25 =	simm.s32 $0x1DB00;
	[dreg:$0x7] =	wrdreg s0  }
0x17: {  	v1 =	vand.u32 $0xF, v2;
	v2 =	vand.u32 $0xF, v3;
	v3 =	vand.u32 $0xF, v4;
	s9 =	simm.s32 $0x0;
	s0 =	simm.s32 $0x16030;
	[dreg:$0xa] =	wrdreg s16  }
.LBB2_1:
0x18: {  	s11 =	rddreg [dreg:$0x4]  }
0x19: {  	[spmem:s15], [sflag:s10] =	dma.local [hbm:s11], $0x2BE0  }
0x1a: {  	_ =	swait.ge [sflag:s19], $0x2BE0  }
0x1b: {  	[sflag:s19] =	ssyncset.done $0x0  }
0x1c: {  	s11 =	rddreg [dreg:$0x5];
	[sflag:s19] =	ssyncadd.s32 $0xFFFFD420  }
0x1d: {  	[spmem:s16], [sflag:s10] =	dma.local @!p0 [hbm:s11], $0x120  }
0x1e: {  	s11 =	simm.s32 @!p0 $0x3  }
0x1f: {  	_ =	swait.ge @!p0 [sflag:s11], $0x120  }
0x20: {  	[sflag:s11] =	ssyncset.done @!p0 $0x0  }
0x21: {  	[sflag:s11] =	ssyncadd.s32 @!p0 $0xFFFFFEE0  }
0x22: {  	[bflag:$0x0] =	sbarrier.arrive $0xFFFF  }
0x23: {  	s18 =	simm.s32 $0x0;
	s21 =	simm.s32 $0x15F90;
	s13 =	rddreg [dreg:$0x6]  }
0x24: {  	[tilespmem:s21], [sflag:$0x3] =	stream.linear.gather [hbm4b:s13+s18], $0x78, $0x38;
	[tilespmem:$0x1F400] =	vst v63  }
0x25: {  	_ =	swait.ge [sflag:s19], $0x78  }
0x26: {  	[sflag:s19] =	ssyncset.done $0x0  }
0x27: {  	s13 =	simm.s32 $0x16080;
	[sflag:s19] =	ssyncadd.s32 $0xFFFFFF88  }
0x28: {  	[tilespmem:s13], [sflag:$0x1] =	stream.indirect.gather [hbm4b:s5+s22], $0x80, s21, s22, $0xb8;
	[tilespmem:$0x1F400] =	vst v63  }
0x29: {  	s16 =	simm.s32 $0x18880  }
0x2a: {  	[tilespmem:s16], [sflag:$0x1] =	stream.indirect.gather [hbm4b:s1+s22], $0x80, s24, s22, $0xb8;
	[tilespmem:$0x1F400] =	vst v63  }
0x2b: {  	s20 =	smov.u32 s15;
	s17 =	simm.s32 $0x1B080  }
0x2c: {  	[tilespmem:s17], [sflag:$0x1] =	stream.indirect.gather [hbm4b:s6+s22], $0x80, s21, s22, $0xb8;
	[tilespmem:$0x1F400] =	vst v63  }
0x2d: {  	s11 =	simm.s32 $0x0;
	s18 =	simm.s32 $0x15FE0;
	s21 =	simm.s32 $0x1D880  }
0x2e: {  	[tilespmem:s21], [sflag:$0x1] =	stream.indirect.gather [hbm4b:s7+s22], $0x10, s18, s22, $0xb8;
	[tilespmem:$0x1F400] =	vst v63  }
.LBB2_2:
0x2f: {  	s13 =	sshllo.u32 s11, $0x1  }
0x30: {  	s15 =	sadd.s32 s12, s13  }
0x31: {  	s15 =	smul.u32 $0xF, s15;
	_ =	sdelay $0x1  }
0x32: {  	s16 =	sadd.s32 s8, s15;
	s15 =	simm.s32 $0x0  }
0x33: {  	[tilespmem:s30], [sflag:$0x3] =	stream.linear.gather [hbm4b:s16+s15], $0x78, $0x38;
	[tilespmem:$0x1F400] =	vst v63  }
0x34: {  	_ =	swait.ge [sflag:s19], $0x78  }
0x35: {  	[sflag:s19] =	ssyncset.done $0x0  }
0x36: {  	[sflag:s19] =	ssyncadd.s32 $0xFFFFFF88  }
0x37: {  	[tilespmem:s31], [sflag:$0x2] =	stream.indirect.gather [hbm4b:s5+s22], $0x80, s30, s22, $0xb8;
	[tilespmem:$0x1F400] =	vst v63  }
0x38: {  	_ = 	snop  }
0x39: {  	[tilespmem:s2], [sflag:$0x2] =	stream.indirect.gather [hbm4b:s1+s22], $0x80, s0, s22, $0xb8;
	[tilespmem:$0x1F400] =	vst v63  }
0x3a: {  	_ = 	snop  }
0x3b: {  	[tilespmem:s4], [sflag:$0x2] =	stream.indirect.gather [hbm4b:s6+s22], $0x80, s30, s22, $0xb8;
	[tilespmem:$0x1F400] =	vst v63  }
0x3c: {  	_ = 	snop  }
0x3d: {  	[tilespmem:s25], [sflag:$0x2] =	stream.indirect.gather [hbm4b:s7+s22], $0x10, s23, s22, $0xb8;
	[tilespmem:$0x1F400] =	vst v63  }
0x3e: {  	_ =	swait.ge [sflag:s26], $0x1400  }
0x3f: {  	[sflag:s26] =	ssyncset.done $0x0  }
0x40: {  	[sflag:s26] =	ssyncadd.s32 $0xFFFFEC00  }
0x41: {  	_ =	swait.ge [sflag:s26], $0x1400  }
0x42: {  	[sflag:s26] =	ssyncset.done $0x0  }
0x43: {  	[sflag:s26] =	ssyncadd.s32 $0xFFFFEC00  }
0x44: {  	_ =	swait.ge [sflag:s26], $0x1400  }
0x45: {  	[sflag:s26] =	ssyncset.done $0x0  }
0x46: {  	[sflag:s26] =	ssyncadd.s32 $0xFFFFEC00  }
0x47: {  	_ =	swait.ge [sflag:s26], $0x280  }
0x48: {  	s17 =	simm.s32 $0x1DDC0;
	[sflag:s26] =	ssyncset.done $0x0  }
0x49: {  	s21 =	simm.s32 $0x1D880;
	s16 =	sshll.u32 s11, $0x1;
	[sflag:s26] =	ssyncadd.s32 $0xFFFFFD80  }
.LBB2_3:
0x4a: {  	v4 =	vld [tilespmem:s21+$0x0];
	s18 =	sshra.s32 s15, $0x2  }
0x4b: {  	v5 =	vld [tilespmem:s18+$0x16080];
	_ =	sdelay $0x1  }
0x4c: {  	v6 =	vld [tilespmem:s18+$0x18880];
	_ =	sdelay $0x2  }
0x4d: {  	v5 =	vadd.f32 v5, v4;
	_ =	sdelay $0x1  }
0x4e: {  	v5 =	vmul.f32 v6, v5;
	_ =	sdelay $0x1  }
0x4f: {  	v6 =	vperm.xlane v5, v0;
	_ =	sdelay $0x1  }
0x50: {  	v5 =	vadd.f32 v6, v5;
	_ =	sdelay $0x1  }
0x51: {  	v6 =	vperm.xlane v5, v1;
	_ =	sdelay $0x1  }
0x52: {  	v5 =	vadd.f32 v6, v5;
	_ =	sdelay $0x1  }
0x53: {  	v6 =	vperm.xlane v5, v2;
	_ =	sdelay $0x1  }
0x54: {  	v5 =	vadd.f32 v6, v5;
	_ =	sdelay $0x1  }
0x55: {  	v6 =	vperm.xlane v5, v3;
	_ =	sdelay $0x1  }
0x56: {  	v5 =	vadd.f32 v6, v5;
	_ =	sdelay $0x1  }
0x57: {  	v5 =	vmul.f32 $2.500000000e-01, v5;
	_ =	sdelay $0x1  }
0x58: {  	v5 =	vmax.f32 v5, $-1.000000000e+01  }
0x59: {  	v5 =	vmin.f32 v5, $1.000000000e+01  }
0x5a: {  	v5 =	vmul.f32 $1.442695020e+00, v5;
	_ =	sdelay $0x1  }
0x5b: {  	(erf) = vpow2.f32 v5;
	_ =	sdelay $0x2  }
0x5c: {  	v5 =	vld [tilespmem:s18+$0x1B080];
	_ =	sdelay $0x4  }
0x5d: {  	v48 =	vadd.f32 v5, v4  }
0x5e: {  	v5 =	vpop (erf)  }
0x5f: {  	v6 =	vmul.f32 v5, v48;
	_ =	sdelay $0x1  }
0x60: {  	[tilespmem:s17+$0xFFFFFFC0] =	vst v6  }
0x61: {  	v6 =	vld [tilespmem:s18+$0x16090];
	_ =	sdelay $0x1  }
0x62: {  	v7 =	vld [tilespmem:s18+$0x18890];
	_ =	sdelay $0x2  }
0x63: {  	v6 =	vadd.f32 v6, v4;
	_ =	sdelay $0x1  }
0x64: {  	v6 =	vmul.f32 v7, v6;
	_ =	sdelay $0x1  }
0x65: {  	v7 =	vperm.xlane v6, v0;
	_ =	sdelay $0x1  }
0x66: {  	v6 =	vadd.f32 v7, v6;
	_ =	sdelay $0x1  }
0x67: {  	v7 =	vperm.xlane v6, v1;
	_ =	sdelay $0x1  }
0x68: {  	v6 =	vadd.f32 v7, v6;
	_ =	sdelay $0x1  }
0x69: {  	v7 =	vperm.xlane v6, v2;
	_ =	sdelay $0x1  }
0x6a: {  	v6 =	vadd.f32 v7, v6;
	_ =	sdelay $0x1  }
0x6b: {  	v7 =	vperm.xlane v6, v3;
	_ =	sdelay $0x1  }
0x6c: {  	v6 =	vadd.f32 v7, v6;
	_ =	sdelay $0x1  }
0x6d: {  	v6 =	vmul.f32 $2.500000000e-01, v6;
	_ =	sdelay $0x1  }
0x6e: {  	v6 =	vmax.f32 v6, $-1.000000000e+01  }
0x6f: {  	v6 =	vmin.f32 v6, $1.000000000e+01  }
0x70: {  	v6 =	vmul.f32 $1.442695020e+00, v6;
	_ =	sdelay $0x1  }
0x71: {  	(erf) = vpow2.f32 v6;
	_ =	sdelay $0x2  }
0x72: {  	v49 =	vld [tilespmem:s18+$0x1B090];
	_ =	sdelay $0x4  }
0x73: {  	v50 =	vadd.f32 v49, v4  }
0x74: {  	v51 =	vpop (erf)  }
0x75: {  	v7 =	vmul.f32 v51, v50;
	_ =	sdelay $0x1  }
0x76: {  	[tilespmem:s17+$0xFFFFFFD0] =	vst v7  }
0x77: {  	v7 =	vld [tilespmem:s18+$0x160A0];
	_ =	sdelay $0x1  }
0x78: {  	v8 =	vld [tilespmem:s18+$0x188A0];
	_ =	sdelay $0x2  }
0x79: {  	v7 =	vadd.f32 v7, v4;
	_ =	sdelay $0x1  }
0x7a: {  	v7 =	vmul.f32 v8, v7;
	_ =	sdelay $0x1  }
0x7b: {  	v8 =	vperm.xlane v7, v0;
	_ =	sdelay $0x1  }
0x7c: {  	v7 =	vadd.f32 v8, v7;
	_ =	sdelay $0x1  }
0x7d: {  	v8 =	vperm.xlane v7, v1;
	_ =	sdelay $0x1  }
0x7e: {  	v7 =	vadd.f32 v8, v7;
	_ =	sdelay $0x1  }
0x7f: {  	v8 =	vperm.xlane v7, v2;
	_ =	sdelay $0x1  }
0x80: {  	v7 =	vadd.f32 v8, v7;
	_ =	sdelay $0x1  }
0x81: {  	v8 =	vperm.xlane v7, v3;
	_ =	sdelay $0x1  }
0x82: {  	v7 =	vadd.f32 v8, v7;
	_ =	sdelay $0x1  }
0x83: {  	v7 =	vmul.f32 $2.500000000e-01, v7;
	_ =	sdelay $0x1  }
0x84: {  	v7 =	vmax.f32 v7, $-1.000000000e+01  }
0x85: {  	v7 =	vmin.f32 v7, $1.000000000e+01  }
0x86: {  	v7 =	vmul.f32 $1.442695020e+00, v7;
	_ =	sdelay $0x1  }
0x87: {  	(erf) = vpow2.f32 v7;
	_ =	sdelay $0x2  }
0x88: {  	v52 =	vld [tilespmem:s18+$0x1B0A0];
	_ =	sdelay $0x4  }
0x89: {  	v7 =	vadd.f32 v52, v4  }
0x8a: {  	v53 =	vpop (erf)  }
0x8b: {  	v7 =	vmul.f32 v53, v7;
	_ =	sdelay $0x1  }
0x8c: {  	[tilespmem:s17+$0xFFFFFFE0] =	vst v7  }
0x8d: {  	v7 =	vld [tilespmem:s18+$0x160B0];
	_ =	sdelay $0x1  }
0x8e: {  	v9 =	vld [tilespmem:s18+$0x188B0];
	_ =	sdelay $0x2  }
0x8f: {  	v7 =	vadd.f32 v7, v4;
	_ =	sdelay $0x1  }
0x90: {  	v7 =	vmul.f32 v9, v7;
	_ =	sdelay $0x1  }
0x91: {  	v9 =	vperm.xlane v7, v0;
	_ =	sdelay $0x1  }
0x92: {  	v7 =	vadd.f32 v9, v7;
	_ =	sdelay $0x1  }
0x93: {  	v9 =	vperm.xlane v7, v1;
	_ =	sdelay $0x1  }
0x94: {  	v7 =	vadd.f32 v9, v7;
	_ =	sdelay $0x1  }
0x95: {  	v9 =	vperm.xlane v7, v2;
	_ =	sdelay $0x1  }
0x96: {  	v7 =	vadd.f32 v9, v7;
	_ =	sdelay $0x1  }
0x97: {  	v9 =	vperm.xlane v7, v3;
	_ =	sdelay $0x1  }
0x98: {  	v7 =	vadd.f32 v9, v7;
	_ =	sdelay $0x1  }
0x99: {  	v7 =	vmul.f32 $2.500000000e-01, v7;
	_ =	sdelay $0x1  }
0x9a: {  	v7 =	vmax.f32 v7, $-1.000000000e+01  }
0x9b: {  	v7 =	vmin.f32 v7, $1.000000000e+01  }
0x9c: {  	v7 =	vmul.f32 $1.442695020e+00, v7;
	_ =	sdelay $0x1  }
0x9d: {  	(erf) = vpow2.f32 v7;
	_ =	sdelay $0x2  }
0x9e: {  	v54 =	vld [tilespmem:s18+$0x1B0B0];
	_ =	sdelay $0x4  }
0x9f: {  	v7 =	vadd.f32 v54, v4  }
0xa0: {  	v55 =	vpop (erf)  }
0xa1: {  	v7 =	vmul.f32 v55, v7;
	_ =	sdelay $0x1  }
0xa2: {  	[tilespmem:s17+$0xFFFFFFF0] =	vst v7  }
0xa3: {  	v7 =	vld [tilespmem:s18+$0x160C0];
	_ =	sdelay $0x1  }
0xa4: {  	v10 =	vld [tilespmem:s18+$0x188C0];
	_ =	sdelay $0x2  }
0xa5: {  	v7 =	vadd.f32 v7, v4;
	_ =	sdelay $0x1  }
0xa6: {  	v7 =	vmul.f32 v10, v7;
	_ =	sdelay $0x1  }
0xa7: {  	v10 =	vperm.xlane v7, v0;
	_ =	sdelay $0x1  }
0xa8: {  	v7 =	vadd.f32 v10, v7;
	_ =	sdelay $0x1  }
0xa9: {  	v10 =	vperm.xlane v7, v1;
	_ =	sdelay $0x1  }
0xaa: {  	v7 =	vadd.f32 v10, v7;
	_ =	sdelay $0x1  }
0xab: {  	v10 =	vperm.xlane v7, v2;
	_ =	sdelay $0x1  }
0xac: {  	v7 =	vadd.f32 v10, v7;
	_ =	sdelay $0x1  }
0xad: {  	v10 =	vperm.xlane v7, v3;
	_ =	sdelay $0x1  }
0xae: {  	v7 =	vadd.f32 v10, v7;
	_ =	sdelay $0x1  }
0xaf: {  	v7 =	vmul.f32 $2.500000000e-01, v7;
	_ =	sdelay $0x1  }
0xb0: {  	v7 =	vmax.f32 v7, $-1.000000000e+01  }
0xb1: {  	v7 =	vmin.f32 v7, $1.000000000e+01  }
0xb2: {  	v7 =	vmul.f32 $1.442695020e+00, v7;
	_ =	sdelay $0x1  }
0xb3: {  	(erf) = vpow2.f32 v7;
	_ =	sdelay $0x2  }
0xb4: {  	v56 =	vld [tilespmem:s18+$0x1B0C0];
	_ =	sdelay $0x4  }
0xb5: {  	v7 =	vadd.f32 v56, v4  }
0xb6: {  	v57 =	vpop (erf)  }
0xb7: {  	v7 =	vmul.f32 v57, v7;
	_ =	sdelay $0x1  }
0xb8: {  	[tilespmem:s17+$0x0] =	vst v7  }
0xb9: {  	v7 =	vld [tilespmem:s18+$0x160D0];
	_ =	sdelay $0x1  }
0xba: {  	v11 =	vld [tilespmem:s18+$0x188D0];
	_ =	sdelay $0x2  }
0xbb: {  	v7 =	vadd.f32 v7, v4;
	_ =	sdelay $0x1  }
0xbc: {  	v7 =	vmul.f32 v11, v7;
	_ =	sdelay $0x1  }
0xbd: {  	v11 =	vperm.xlane v7, v0;
	_ =	sdelay $0x1  }
0xbe: {  	v7 =	vadd.f32 v11, v7;
	_ =	sdelay $0x1  }
0xbf: {  	v11 =	vperm.xlane v7, v1;
	_ =	sdelay $0x1  }
0xc0: {  	v7 =	vadd.f32 v11, v7;
	_ =	sdelay $0x1  }
0xc1: {  	v11 =	vperm.xlane v7, v2;
	_ =	sdelay $0x1  }
0xc2: {  	v7 =	vadd.f32 v11, v7;
	_ =	sdelay $0x1  }
0xc3: {  	v11 =	vperm.xlane v7, v3;
	_ =	sdelay $0x1  }
0xc4: {  	v7 =	vadd.f32 v11, v7;
	_ =	sdelay $0x1  }
0xc5: {  	v7 =	vmul.f32 $2.500000000e-01, v7;
	_ =	sdelay $0x1  }
0xc6: {  	v7 =	vmax.f32 v7, $-1.000000000e+01  }
0xc7: {  	v7 =	vmin.f32 v7, $1.000000000e+01  }
0xc8: {  	v7 =	vmul.f32 $1.442695020e+00, v7;
	_ =	sdelay $0x1  }
0xc9: {  	(erf) = vpow2.f32 v7;
	_ =	sdelay $0x2  }
0xca: {  	v58 =	vld [tilespmem:s18+$0x1B0D0];
	_ =	sdelay $0x4  }
0xcb: {  	v7 =	vadd.f32 v58, v4  }
0xcc: {  	v59 =	vpop (erf)  }
0xcd: {  	v7 =	vmul.f32 v59, v7;
	_ =	sdelay $0x1  }
0xce: {  	[tilespmem:s17+$0x10] =	vst v7  }
0xcf: {  	v7 =	vld [tilespmem:s18+$0x160E0];
	_ =	sdelay $0x1  }
0xd0: {  	v12 =	vld [tilespmem:s18+$0x188E0];
	_ =	sdelay $0x2  }
0xd1: {  	v7 =	vadd.f32 v7, v4;
	_ =	sdelay $0x1  }
0xd2: {  	v7 =	vmul.f32 v12, v7;
	_ =	sdelay $0x1  }
0xd3: {  	v12 =	vperm.xlane v7, v0;
	_ =	sdelay $0x1  }
0xd4: {  	v7 =	vadd.f32 v12, v7;
	_ =	sdelay $0x1  }
0xd5: {  	v12 =	vperm.xlane v7, v1;
	_ =	sdelay $0x1  }
0xd6: {  	v7 =	vadd.f32 v12, v7;
	_ =	sdelay $0x1  }
0xd7: {  	v12 =	vperm.xlane v7, v2;
	_ =	sdelay $0x1  }
0xd8: {  	v7 =	vadd.f32 v12, v7;
	_ =	sdelay $0x1  }
0xd9: {  	v12 =	vperm.xlane v7, v3;
	_ =	sdelay $0x1  }
0xda: {  	v7 =	vadd.f32 v12, v7;
	_ =	sdelay $0x1  }
0xdb: {  	v7 =	vmul.f32 $2.500000000e-01, v7;
	_ =	sdelay $0x1  }
0xdc: {  	v7 =	vmax.f32 v7, $-1.000000000e+01  }
0xdd: {  	v7 =	vmin.f32 v7, $1.000000000e+01  }
0xde: {  	v7 =	vmul.f32 $1.442695020e+00, v7;
	_ =	sdelay $0x1  }
0xdf: {  	(erf) = vpow2.f32 v7;
	_ =	sdelay $0x2  }
0xe0: {  	v60 =	vld [tilespmem:s18+$0x1B0E0];
	_ =	sdelay $0x4  }
0xe1: {  	v7 =	vadd.f32 v60, v4  }
0xe2: {  	v61 =	vpop (erf)  }
0xe3: {  	v7 =	vmul.f32 v61, v7;
	_ =	sdelay $0x1  }
0xe4: {  	[tilespmem:s17+$0x20] =	vst v7  }
0xe5: {  	v7 =	vld [tilespmem:s18+$0x160F0];
	_ =	sdelay $0x1  }
0xe6: {  	v13 =	vld [tilespmem:s18+$0x188F0];
	_ =	sdelay $0x2  }
0xe7: {  	v7 =	vadd.f32 v7, v4;
	_ =	sdelay $0x1  }
0xe8: {  	v7 =	vmul.f32 v13, v7;
	_ =	sdelay $0x1  }
0xe9: {  	v13 =	vperm.xlane v7, v0;
	_ =	sdelay $0x1  }
0xea: {  	v7 =	vadd.f32 v13, v7;
	_ =	sdelay $0x1  }
0xeb: {  	v13 =	vperm.xlane v7, v1;
	_ =	sdelay $0x1  }
0xec: {  	v7 =	vadd.f32 v13, v7;
	_ =	sdelay $0x1  }
0xed: {  	v13 =	vperm.xlane v7, v2;
	_ =	sdelay $0x1  }
0xee: {  	v7 =	vadd.f32 v13, v7;
	_ =	sdelay $0x1  }
0xef: {  	v13 =	vperm.xlane v7, v3;
	_ =	sdelay $0x1  }
0xf0: {  	v7 =	vadd.f32 v13, v7;
	_ =	sdelay $0x1  }
0xf1: {  	v7 =	vmul.f32 $2.500000000e-01, v7;
	_ =	sdelay $0x1  }
0xf2: {  	v7 =	vmax.f32 v7, $-1.000000000e+01  }
0xf3: {  	v7 =	vmin.f32 v7, $1.000000000e+01  }
0xf4: {  	v7 =	vmul.f32 $1.442695020e+00, v7;
	_ =	sdelay $0x1  }
0xf5: {  	(erf) = vpow2.f32 v7;
	_ =	sdelay $0x2  }
0xf6: {  	v62 =	vld [tilespmem:s18+$0x1B0F0];
	_ =	sdelay $0x1  }
0xf7: {  	v5 =	vnsel vm0, $0x0, v5  }
0xf8: {  	v5 =	vsel vm1, v5, v51  }
0xf9: {  	v5 =	vsel vm2, v5, v53  }
0xfa: {  	p1 =	sne.s32 s15, $0x4E00;
	v5 =	vsel vm3, v5, v55;
	v4 =	vadd.f32 v62, v4  }
.Ltmp0:
0xfb: {  	v5 =	vsel vm4, v5, v57;
	v63 =	vpop (erf);
	(pc) =	sbr.rel @p1 .LBB2_3-.Ltmp0, $4  }
0xfc: {  	v5 =	vsel vm5, v5, v59;
	v4 =	vmul.f32 v63, v4  }
0xfd: {  	v5 =	vsel vm6, v5, v61  }
0xfe: {  	[tilespmem:s17+$0x30] =	vst v4;
	v4 =	vsel vm7, v5, v63  }
0xff: {  	s21 =	sadd.s32 $0x10, s21;
	s15 =	sadd.s32 $0x200, s15;
	[tilespmem:s17+$0x40] =	vst v4;
	s17 =	sadd.s32 $0x90, s17  }
0x100: {  	[spmem:s3] =	stream.indirect.scatter.add.f32 [tilespmem:s28], [sflag:$0x3], $0x90, s24, s22, $0xb8;
	[tilespmem:$0x1F400] =	vst v63  }
0x101: {  	p1 =	sgt.u32 s13, $0xF8  }
0x102: {  	s13 =	sadd.s32 @!p1 s16, s14  }
0x103: {  	_ =	swait.ge [sflag:s19], $0x1680;
	s13 =	smul.u32 @!p1 $0xF, s13  }
0x104: {  	s15 =	simm.s32 @!p1 $0x0;
	[sflag:s19] =	ssyncset.done $0x0  }
0x105: {  	s16 =	simm.s32 @!p1 $0x15F90;
	[sflag:s19] =	ssyncadd.s32 $0xFFFFE980;
	s13 =	sadd.s32 @!p1 s8, s13  }
0x106: {  	[tilespmem:s16], [sflag:$0x3] =	stream.linear.gather @!p1 [hbm4b:s13+s15], $0x78, $0x38;
	[tilespmem:$0x1F400] =	vst v63  }
0x107: {  	s13 =	simm.s32 @!p1 $0x3  }
0x108: {  	_ =	swait.ge @!p1 [sflag:s13], $0x78  }
0x109: {  	[sflag:s13] =	ssyncset.done @!p1 $0x0  }
0x10a: {  	s15 =	simm.s32 @!p1 $0x16080;
	[sflag:s13] =	ssyncadd.s32 @!p1 $0xFFFFFF88;
	s13 =	simm.s32 @!p1 $0x28  }
0x10b: {  	[tilespmem:s15], [sflag:$0x1] =	stream.indirect.gather @!p1 [hbm4b:s5+s13], $0x80, s16, s13, $0xb8;
	[tilespmem:$0x1F400] =	vst v63  }
0x10c: {  	s17 =	simm.s32 @!p1 $0x18880;
	s15 =	simm.s32 @!p1 $0x15FB8  }
0x10d: {  	[tilespmem:s17], [sflag:$0x1] =	stream.indirect.gather @!p1 [hbm4b:s1+s13], $0x80, s15, s13, $0xb8;
	[tilespmem:$0x1F400] =	vst v63  }
0x10e: {  	s15 =	simm.s32 @!p1 $0x1B080  }
0x10f: {  	[tilespmem:s15], [sflag:$0x1] =	stream.indirect.gather @!p1 [hbm4b:s6+s13], $0x80, s16, s13, $0xb8;
	[tilespmem:$0x1F400] =	vst v63  }
0x110: {  	s15 =	simm.s32 @!p1 $0x15FE0;
	s16 =	simm.s32 @!p1 $0x1D880  }
0x111: {  	[tilespmem:s16], [sflag:$0x1] =	stream.indirect.gather @!p1 [hbm4b:s7+s13], $0x10, s15, s13, $0xb8;
	[tilespmem:$0x1F400] =	vst v63  }
0x112: {  	_ =	swait.ge [sflag:s29], $0x1400  }
0x113: {  	[sflag:s29] =	ssyncset.done $0x0  }
0x114: {  	[sflag:s29] =	ssyncadd.s32 $0xFFFFEC00  }
0x115: {  	_ =	swait.ge [sflag:s29], $0x1400  }
0x116: {  	[sflag:s29] =	ssyncset.done $0x0  }
0x117: {  	[sflag:s29] =	ssyncadd.s32 $0xFFFFEC00  }
0x118: {  	_ =	swait.ge [sflag:s29], $0x1400  }
0x119: {  	[sflag:s29] =	ssyncset.done $0x0  }
0x11a: {  	[sflag:s29] =	ssyncadd.s32 $0xFFFFEC00  }
0x11b: {  	_ =	swait.ge [sflag:s29], $0x280  }
0x11c: {  	s13 =	simm.s32 $0x0;
	[sflag:s29] =	ssyncset.done $0x0  }
0x11d: {  	s15 =	simm.s32 $0x1DDC0;
	s16 =	simm.s32 $0x1DB00;
	[sflag:s29] =	ssyncadd.s32 $0xFFFFFD80  }
.LBB2_5:
0x11e: {  	v4 =	vld [tilespmem:s16+$0x0];
	s17 =	sshra.s32 s13, $0x2  }
0x11f: {  	v5 =	vld [tilespmem:s17+$0x17480];
	_ =	sdelay $0x1  }
0x120: {  	v6 =	vld [tilespmem:s17+$0x19C80];
	_ =	sdelay $0x2  }
0x121: {  	v5 =	vadd.f32 v5, v4;
	_ =	sdelay $0x1  }
0x122: {  	v5 =	vmul.f32 v6, v5;
	_ =	sdelay $0x1  }
0x123: {  	v6 =	vperm.xlane v5, v0;
	_ =	sdelay $0x1  }
0x124: {  	v5 =	vadd.f32 v6, v5;
	_ =	sdelay $0x1  }
0x125: {  	v6 =	vperm.xlane v5, v1;
	_ =	sdelay $0x1  }
0x126: {  	v5 =	vadd.f32 v6, v5;
	_ =	sdelay $0x1  }
0x127: {  	v6 =	vperm.xlane v5, v2;
	_ =	sdelay $0x1  }
0x128: {  	v5 =	vadd.f32 v6, v5;
	_ =	sdelay $0x1  }
0x129: {  	v6 =	vperm.xlane v5, v3;
	_ =	sdelay $0x1  }
0x12a: {  	v5 =	vadd.f32 v6, v5;
	_ =	sdelay $0x1  }
0x12b: {  	v5 =	vmul.f32 $2.500000000e-01, v5;
	_ =	sdelay $0x1  }
0x12c: {  	v5 =	vmax.f32 v5, $-1.000000000e+01  }
0x12d: {  	v5 =	vmin.f32 v5, $1.000000000e+01  }
0x12e: {  	v5 =	vmul.f32 $1.442695020e+00, v5;
	_ =	sdelay $0x1  }
0x12f: {  	(erf) = vpow2.f32 v5;
	_ =	sdelay $0x2  }
0x130: {  	v5 =	vld [tilespmem:s17+$0x1C480];
	_ =	sdelay $0x4  }
0x131: {  	v48 =	vadd.f32 v5, v4  }
0x132: {  	v5 =	vpop (erf)  }
0x133: {  	v6 =	vmul.f32 v5, v48;
	_ =	sdelay $0x1  }
0x134: {  	[tilespmem:s15+$0xFFFFFFC0] =	vst v6  }
0x135: {  	v6 =	vld [tilespmem:s17+$0x17490];
	_ =	sdelay $0x1  }
0x136: {  	v7 =	vld [tilespmem:s17+$0x19C90];
	_ =	sdelay $0x2  }
0x137: {  	v6 =	vadd.f32 v6, v4;
	_ =	sdelay $0x1  }
0x138: {  	v6 =	vmul.f32 v7, v6;
	_ =	sdelay $0x1  }
0x139: {  	v7 =	vperm.xlane v6, v0;
	_ =	sdelay $0x1  }
0x13a: {  	v6 =	vadd.f32 v7, v6;
	_ =	sdelay $0x1  }
0x13b: {  	v7 =	vperm.xlane v6, v1;
	_ =	sdelay $0x1  }
0x13c: {  	v6 =	vadd.f32 v7, v6;
	_ =	sdelay $0x1  }
0x13d: {  	v7 =	vperm.xlane v6, v2;
	_ =	sdelay $0x1  }
0x13e: {  	v6 =	vadd.f32 v7, v6;
	_ =	sdelay $0x1  }
0x13f: {  	v7 =	vperm.xlane v6, v3;
	_ =	sdelay $0x1  }
0x140: {  	v6 =	vadd.f32 v7, v6;
	_ =	sdelay $0x1  }
0x141: {  	v6 =	vmul.f32 $2.500000000e-01, v6;
	_ =	sdelay $0x1  }
0x142: {  	v6 =	vmax.f32 v6, $-1.000000000e+01  }
0x143: {  	v6 =	vmin.f32 v6, $1.000000000e+01  }
0x144: {  	v6 =	vmul.f32 $1.442695020e+00, v6;
	_ =	sdelay $0x1  }
0x145: {  	(erf) = vpow2.f32 v6;
	_ =	sdelay $0x2  }
0x146: {  	v49 =	vld [tilespmem:s17+$0x1C490];
	_ =	sdelay $0x4  }
0x147: {  	v50 =	vadd.f32 v49, v4  }
0x148: {  	v51 =	vpop (erf)  }
0x149: {  	v7 =	vmul.f32 v51, v50;
	_ =	sdelay $0x1  }
0x14a: {  	[tilespmem:s15+$0xFFFFFFD0] =	vst v7  }
0x14b: {  	v7 =	vld [tilespmem:s17+$0x174A0];
	_ =	sdelay $0x1  }
0x14c: {  	v8 =	vld [tilespmem:s17+$0x19CA0];
	_ =	sdelay $0x2  }
0x14d: {  	v7 =	vadd.f32 v7, v4;
	_ =	sdelay $0x1  }
0x14e: {  	v7 =	vmul.f32 v8, v7;
	_ =	sdelay $0x1  }
0x14f: {  	v8 =	vperm.xlane v7, v0;
	_ =	sdelay $0x1  }
0x150: {  	v7 =	vadd.f32 v8, v7;
	_ =	sdelay $0x1  }
0x151: {  	v8 =	vperm.xlane v7, v1;
	_ =	sdelay $0x1  }
0x152: {  	v7 =	vadd.f32 v8, v7;
	_ =	sdelay $0x1  }
0x153: {  	v8 =	vperm.xlane v7, v2;
	_ =	sdelay $0x1  }
0x154: {  	v7 =	vadd.f32 v8, v7;
	_ =	sdelay $0x1  }
0x155: {  	v8 =	vperm.xlane v7, v3;
	_ =	sdelay $0x1  }
0x156: {  	v7 =	vadd.f32 v8, v7;
	_ =	sdelay $0x1  }
0x157: {  	v7 =	vmul.f32 $2.500000000e-01, v7;
	_ =	sdelay $0x1  }
0x158: {  	v7 =	vmax.f32 v7, $-1.000000000e+01  }
0x159: {  	v7 =	vmin.f32 v7, $1.000000000e+01  }
0x15a: {  	v7 =	vmul.f32 $1.442695020e+00, v7;
	_ =	sdelay $0x1  }
0x15b: {  	(erf) = vpow2.f32 v7;
	_ =	sdelay $0x2  }
0x15c: {  	v52 =	vld [tilespmem:s17+$0x1C4A0];
	_ =	sdelay $0x4  }
0x15d: {  	v7 =	vadd.f32 v52, v4  }
0x15e: {  	v53 =	vpop (erf)  }
0x15f: {  	v7 =	vmul.f32 v53, v7;
	_ =	sdelay $0x1  }
0x160: {  	[tilespmem:s15+$0xFFFFFFE0] =	vst v7  }
0x161: {  	v7 =	vld [tilespmem:s17+$0x174B0];
	_ =	sdelay $0x1  }
0x162: {  	v9 =	vld [tilespmem:s17+$0x19CB0];
	_ =	sdelay $0x2  }
0x163: {  	v7 =	vadd.f32 v7, v4;
	_ =	sdelay $0x1  }
0x164: {  	v7 =	vmul.f32 v9, v7;
	_ =	sdelay $0x1  }
0x165: {  	v9 =	vperm.xlane v7, v0;
	_ =	sdelay $0x1  }
0x166: {  	v7 =	vadd.f32 v9, v7;
	_ =	sdelay $0x1  }
0x167: {  	v9 =	vperm.xlane v7, v1;
	_ =	sdelay $0x1  }
0x168: {  	v7 =	vadd.f32 v9, v7;
	_ =	sdelay $0x1  }
0x169: {  	v9 =	vperm.xlane v7, v2;
	_ =	sdelay $0x1  }
0x16a: {  	v7 =	vadd.f32 v9, v7;
	_ =	sdelay $0x1  }
0x16b: {  	v9 =	vperm.xlane v7, v3;
	_ =	sdelay $0x1  }
0x16c: {  	v7 =	vadd.f32 v9, v7;
	_ =	sdelay $0x1  }
0x16d: {  	v7 =	vmul.f32 $2.500000000e-01, v7;
	_ =	sdelay $0x1  }
0x16e: {  	v7 =	vmax.f32 v7, $-1.000000000e+01  }
0x16f: {  	v7 =	vmin.f32 v7, $1.000000000e+01  }
0x170: {  	v7 =	vmul.f32 $1.442695020e+00, v7;
	_ =	sdelay $0x1  }
0x171: {  	(erf) = vpow2.f32 v7;
	_ =	sdelay $0x2  }
0x172: {  	v54 =	vld [tilespmem:s17+$0x1C4B0];
	_ =	sdelay $0x4  }
0x173: {  	v7 =	vadd.f32 v54, v4  }
0x174: {  	v55 =	vpop (erf)  }
0x175: {  	v7 =	vmul.f32 v55, v7;
	_ =	sdelay $0x1  }
0x176: {  	[tilespmem:s15+$0xFFFFFFF0] =	vst v7  }
0x177: {  	v7 =	vld [tilespmem:s17+$0x174C0];
	_ =	sdelay $0x1  }
0x178: {  	v10 =	vld [tilespmem:s17+$0x19CC0];
	_ =	sdelay $0x2  }
0x179: {  	v7 =	vadd.f32 v7, v4;
	_ =	sdelay $0x1  }
0x17a: {  	v7 =	vmul.f32 v10, v7;
	_ =	sdelay $0x1  }
0x17b: {  	v10 =	vperm.xlane v7, v0;
	_ =	sdelay $0x1  }
0x17c: {  	v7 =	vadd.f32 v10, v7;
	_ =	sdelay $0x1  }
0x17d: {  	v10 =	vperm.xlane v7, v1;
	_ =	sdelay $0x1  }
0x17e: {  	v7 =	vadd.f32 v10, v7;
	_ =	sdelay $0x1  }
0x17f: {  	v10 =	vperm.xlane v7, v2;
	_ =	sdelay $0x1  }
0x180: {  	v7 =	vadd.f32 v10, v7;
	_ =	sdelay $0x1  }
0x181: {  	v10 =	vperm.xlane v7, v3;
	_ =	sdelay $0x1  }
0x182: {  	v7 =	vadd.f32 v10, v7;
	_ =	sdelay $0x1  }
0x183: {  	v7 =	vmul.f32 $2.500000000e-01, v7;
	_ =	sdelay $0x1  }
0x184: {  	v7 =	vmax.f32 v7, $-1.000000000e+01  }
0x185: {  	v7 =	vmin.f32 v7, $1.000000000e+01  }
0x186: {  	v7 =	vmul.f32 $1.442695020e+00, v7;
	_ =	sdelay $0x1  }
0x187: {  	(erf) = vpow2.f32 v7;
	_ =	sdelay $0x2  }
0x188: {  	v56 =	vld [tilespmem:s17+$0x1C4C0];
	_ =	sdelay $0x4  }
0x189: {  	v7 =	vadd.f32 v56, v4  }
0x18a: {  	v57 =	vpop (erf)  }
0x18b: {  	v7 =	vmul.f32 v57, v7;
	_ =	sdelay $0x1  }
0x18c: {  	[tilespmem:s15+$0x0] =	vst v7  }
0x18d: {  	v7 =	vld [tilespmem:s17+$0x174D0];
	_ =	sdelay $0x1  }
0x18e: {  	v11 =	vld [tilespmem:s17+$0x19CD0];
	_ =	sdelay $0x2  }
0x18f: {  	v7 =	vadd.f32 v7, v4;
	_ =	sdelay $0x1  }
0x190: {  	v7 =	vmul.f32 v11, v7;
	_ =	sdelay $0x1  }
0x191: {  	v11 =	vperm.xlane v7, v0;
	_ =	sdelay $0x1  }
0x192: {  	v7 =	vadd.f32 v11, v7;
	_ =	sdelay $0x1  }
0x193: {  	v11 =	vperm.xlane v7, v1;
	_ =	sdelay $0x1  }
0x194: {  	v7 =	vadd.f32 v11, v7;
	_ =	sdelay $0x1  }
0x195: {  	v11 =	vperm.xlane v7, v2;
	_ =	sdelay $0x1  }
0x196: {  	v7 =	vadd.f32 v11, v7;
	_ =	sdelay $0x1  }
0x197: {  	v11 =	vperm.xlane v7, v3;
	_ =	sdelay $0x1  }
0x198: {  	v7 =	vadd.f32 v11, v7;
	_ =	sdelay $0x1  }
0x199: {  	v7 =	vmul.f32 $2.500000000e-01, v7;
	_ =	sdelay $0x1  }
0x19a: {  	v7 =	vmax.f32 v7, $-1.000000000e+01  }
0x19b: {  	v7 =	vmin.f32 v7, $1.000000000e+01  }
0x19c: {  	v7 =	vmul.f32 $1.442695020e+00, v7;
	_ =	sdelay $0x1  }
0x19d: {  	(erf) = vpow2.f32 v7;
	_ =	sdelay $0x2  }
0x19e: {  	v58 =	vld [tilespmem:s17+$0x1C4D0];
	_ =	sdelay $0x4  }
0x19f: {  	v7 =	vadd.f32 v58, v4  }
0x1a0: {  	v59 =	vpop (erf)  }
0x1a1: {  	v7 =	vmul.f32 v59, v7;
	_ =	sdelay $0x1  }
0x1a2: {  	[tilespmem:s15+$0x10] =	vst v7  }
0x1a3: {  	v7 =	vld [tilespmem:s17+$0x174E0];
	_ =	sdelay $0x1  }
0x1a4: {  	v12 =	vld [tilespmem:s17+$0x19CE0];
	_ =	sdelay $0x2  }
0x1a5: {  	v7 =	vadd.f32 v7, v4;
	_ =	sdelay $0x1  }
0x1a6: {  	v7 =	vmul.f32 v12, v7;
	_ =	sdelay $0x1  }
0x1a7: {  	v12 =	vperm.xlane v7, v0;
	_ =	sdelay $0x1  }
0x1a8: {  	v7 =	vadd.f32 v12, v7;
	_ =	sdelay $0x1  }
0x1a9: {  	v12 =	vperm.xlane v7, v1;
	_ =	sdelay $0x1  }
0x1aa: {  	v7 =	vadd.f32 v12, v7;
	_ =	sdelay $0x1  }
0x1ab: {  	v12 =	vperm.xlane v7, v2;
	_ =	sdelay $0x1  }
0x1ac: {  	v7 =	vadd.f32 v12, v7;
	_ =	sdelay $0x1  }
0x1ad: {  	v12 =	vperm.xlane v7, v3;
	_ =	sdelay $0x1  }
0x1ae: {  	v7 =	vadd.f32 v12, v7;
	_ =	sdelay $0x1  }
0x1af: {  	v7 =	vmul.f32 $2.500000000e-01, v7;
	_ =	sdelay $0x1  }
0x1b0: {  	v7 =	vmax.f32 v7, $-1.000000000e+01  }
0x1b1: {  	v7 =	vmin.f32 v7, $1.000000000e+01  }
0x1b2: {  	v7 =	vmul.f32 $1.442695020e+00, v7;
	_ =	sdelay $0x1  }
0x1b3: {  	(erf) = vpow2.f32 v7;
	_ =	sdelay $0x2  }
0x1b4: {  	v60 =	vld [tilespmem:s17+$0x1C4E0];
	_ =	sdelay $0x4  }
0x1b5: {  	v7 =	vadd.f32 v60, v4  }
0x1b6: {  	v61 =	vpop (erf)  }
0x1b7: {  	v7 =	vmul.f32 v61, v7;
	_ =	sdelay $0x1  }
0x1b8: {  	[tilespmem:s15+$0x20] =	vst v7  }
0x1b9: {  	v7 =	vld [tilespmem:s17+$0x174F0];
	_ =	sdelay $0x1  }
0x1ba: {  	v13 =	vld [tilespmem:s17+$0x19CF0];
	_ =	sdelay $0x2  }
0x1bb: {  	v7 =	vadd.f32 v7, v4;
	_ =	sdelay $0x1  }
0x1bc: {  	v7 =	vmul.f32 v13, v7;
	_ =	sdelay $0x1  }
0x1bd: {  	v13 =	vperm.xlane v7, v0;
	_ =	sdelay $0x1  }
0x1be: {  	v7 =	vadd.f32 v13, v7;
	_ =	sdelay $0x1  }
0x1bf: {  	v13 =	vperm.xlane v7, v1;
	_ =	sdelay $0x1  }
0x1c0: {  	v7 =	vadd.f32 v13, v7;
	_ =	sdelay $0x1  }
0x1c1: {  	v13 =	vperm.xlane v7, v2;
	_ =	sdelay $0x1  }
0x1c2: {  	v7 =	vadd.f32 v13, v7;
	_ =	sdelay $0x1  }
0x1c3: {  	v13 =	vperm.xlane v7, v3;
	_ =	sdelay $0x1  }
0x1c4: {  	v7 =	vadd.f32 v13, v7;
	_ =	sdelay $0x1  }
0x1c5: {  	v7 =	vmul.f32 $2.500000000e-01, v7;
	_ =	sdelay $0x1  }
0x1c6: {  	v7 =	vmax.f32 v7, $-1.000000000e+01  }
0x1c7: {  	v7 =	vmin.f32 v7, $1.000000000e+01  }
0x1c8: {  	v7 =	vmul.f32 $1.442695020e+00, v7;
	_ =	sdelay $0x1  }
0x1c9: {  	(erf) = vpow2.f32 v7;
	_ =	sdelay $0x2  }
0x1ca: {  	v62 =	vld [tilespmem:s17+$0x1C4F0];
	_ =	sdelay $0x1  }
0x1cb: {  	v5 =	vnsel vm0, $0x0, v5  }
0x1cc: {  	v5 =	vsel vm1, v5, v51  }
0x1cd: {  	v5 =	vsel vm2, v5, v53  }
0x1ce: {  	p1 =	sne.s32 s13, $0x4E00;
	v5 =	vsel vm3, v5, v55;
	v4 =	vadd.f32 v62, v4  }
.Ltmp1:
0x1cf: {  	v5 =	vsel vm4, v5, v57;
	v63 =	vpop (erf);
	(pc) =	sbr.rel @p1 .LBB2_5-.Ltmp1, $4  }
0x1d0: {  	v5 =	vsel vm5, v5, v59;
	v4 =	vmul.f32 v63, v4  }
0x1d1: {  	v5 =	vsel vm6, v5, v61  }
0x1d2: {  	[tilespmem:s15+$0x30] =	vst v4;
	v4 =	vsel vm7, v5, v63  }
0x1d3: {  	s16 =	sadd.s32 $0x10, s16;
	s13 =	sadd.s32 $0x200, s13;
	[tilespmem:s15+$0x40] =	vst v4;
	s15 =	sadd.s32 $0x90, s15  }
0x1d4: {  	s11 =	sadd.s32 $0x1, s11  }
0x1d5: {  	p1 =	sne.s32 s11, $0x7D  }
.Ltmp2:
0x1d6: {  	_ = 	snop;
	(pc) =	sbr.rel @p1 .LBB2_2-.Ltmp2, $4  }
0x1d7: {  	[spmem:s3] =	stream.indirect.scatter.add.f32 [tilespmem:s28], [sflag:$0x3], $0x90, s0, s22, $0xb8;
	[tilespmem:$0x1F400] =	vst v63  }
0x1d8: {  	_ =	swait.ge [sflag:s19], $0x1680  }
0x1d9: {  	[sflag:s19] =	ssyncset.done $0x0  }
0x1da: {  	[sflag:s19] =	ssyncadd.s32 $0xFFFFE980  }
0x1db: {  	[bflag:$0x0] =	sbarrier.arrive $0xFFFF  }
0x1dc: {  	s11 =	rddreg [dreg:$0x7]  }
0x1dd: {  	[hbm:s11], [sflag:s10] =	dma.local [spmem:s20], $0x2BE0  }
0x1de: {  	_ =	swait.ge [sflag:s19], $0x2BE0  }
0x1df: {  	[sflag:s19] =	ssyncset.done $0x0;
	s11 =	rddreg [dreg:$0x8]  }
0x1e0: {  	s16 =	rddreg [dreg:$0xa];
	[sflag:s19] =	ssyncadd.s32 $0xFFFFD420  }
0x1e1: {  	[hbm:s11], [sflag:s10] =	dma.local @!p0 [spmem:s16], $0x120  }
0x1e2: {  	s11 =	simm.s32 @!p0 $0x3  }
0x1e3: {  	_ =	swait.ge @!p0 [sflag:s11], $0x120  }
0x1e4: {  	s9 =	sadd.s32 $0x1, s9;
	s13 =	rddreg [dreg:$0x9]  }
0x1e5: {  	p1 =	sne.s32 s9, s13  }
.Ltmp3:
0x1e6: {  	_ = 	snop;
	(pc) =	sbr.rel @p1 .LBB2_1-.Ltmp3, $3  }
0x1e7: {  	_ =	sdelay $0x1  }
0x1e8: {  	[sflag:s11] =	ssyncset.done @!p0 $0x0  }
0x1e9: {  	s15 =	smov.u32 s20;
	[sflag:s11] =	ssyncadd.s32 @!p0 $0xFFFFFEE0  }
0x1ea: {  	_ =	sfence.sel $0x180000  }
0x1eb: {  	[bflag:$0x0] =	sbarrier.arrive $0xFFFF  }
0x1ec: {  	_ =	strace $0x9000004A  }
0x1ed: {  	s0 =	stileid.u32;
	[bflag:$0x2] =	sbarrier.arrive $0xFFFF  }
0x1ee: {  	p0 =	sne.s32 s0, $0x0;
	s0 =	rddreg [dreg:$0x3]  }
0x1ef: {  	s0 =	sadd.s32 @!p0 $0x100000, s0  }
0x1f0: {  	[sflag:s0] =	ssyncadd.tile.s32 @!p0 $0x1;
	_ =	shalt  }
.Lfunc_end2:
_tile_overlayer_lowered:
.L_overlay_start_2:
0x1f1: {  	(tag) =	ssettag $0x2  }
0x1f2: {  	s0 =	rddreg [dreg:$0x0];
	s2 =	stileid.u32  }
0x1f3: {  	s1 =	rddreg [dreg:$0x1];
	p0 =	sne.s32 s2, $0x0  }
0x1f4: {  	s3 =	rddreg [dreg:$0x2];
	[bflag:$0x3] =	sbarrier.arrive $0xFFFF;
	s2 =	simm.s32 @!p0 $0x1C03  }
0x1f5: {  	[timem:s3], [sflag:s2] =	dma.local @!p0 [hbm:s0], s1  }
0x1f6: {  	s0 =	simm.s32 @!p0 $0x3  }
0x1f7: {  	_ =	swait.ge @!p0 [sflag:s0], s1  }
0x1f8: {  	s1 =	ssub.s32 @!p0 $0x0, s1;
	[sflag:s0] =	ssyncset.done @!p0 $0x0  }
0x1f9: {  	[sflag:s0] =	ssyncadd.s32 @!p0 s1  }
0x1fa: {  	[bflag:$0x3] =	sbarrier.arrive $0xFFFF  }
0x1fb: {  	_ =	shalt  }

// kernel: kernel.8.cloned.1.call-start
scs
__scs_entry_jumppad:
0x0: {  	(pc) =	sbr.rel $0x88, $3  }
0x1: {  	(tag) =	ssettag $0x0;
	lr =	simm.s32 $0x1  }
0x2: {  	[smem:$0x3F8F] =	sst lr;
	_ =	strace $0xD0000000  }
0x3: {  	_ = 	snop  }
0x4: {  	_ = 	snop  }
0x5: {  	_ = 	snop  }
0x6: {  	_ = 	snop  }
0x7: {  	_ = 	snop  }
__scs_overlays_trampoline_lowered:
0x8: {  	[smem:$0x3F9E] =	sst s0  }
0x9: {  	[smem:$0x3F9F] =	sst s1  }
0xa: {  	[smem:$0x3FA0] =	sst s2  }
0xb: {  	[smem:$0x3FA1] =	sst s3  }
0xc: {  	[smem:$0x3FA2] =	sst s4  }
0xd: {  	[smem:$0x3FA3] =	sst s5  }
0xe: {  	[smem:$0x3FA4] =	sst s6  }
0xf: {  	[smem:$0x3FA5] =	sst s7  }
0x10: {  	[smem:$0x3FA6] =	sst s8  }
0x11: {  	[smem:$0x3FA7] =	sst s9;
	s0 =	simm.s32 @!p0 $0x0  }
0x12: {  	s1 =	sld [smem:$0x3F8D];
	s0 =	simm.s32 @p0 $0x1  }
0x13: {  	[smem:$0x3FA8] =	sst s0;
	s0 =	simm.s32 @!p1 $0x0  }
0x14: {  	s2 =	sld [smem:$0x3F8C];
	s0 =	simm.s32 @p1 $0x1  }
0x15: {  	[smem:$0x3FA9] =	sst s0;
	s0 =	simm.s32 @!p2 $0x0  }
0x16: {  	s3 =	sld [smem:$0x3FDB];
	s0 =	simm.s32 @p2 $0x1  }
0x17: {  	s4 =	simm.s32 $0x1BF5;
	[smem:$0x3FAB] =	sst s0  }
0x18: {  	s0 =	sld [smem:$0x3F8E];
	_ =	swait.ge [sflag:s4], $0x0  }
0x19: {  	s7 =	sld [smem:$0x3F8F]  }
0x1a: {  	s8 =	sadd.s32 $0xFFFFE003, lr  }
0x1b: {  	s9 =	sadd.s32 $0xFFFFFEF7, lr;
	s5 =	simm.s32 $0xFFFFFFFF;
	p2 =	slt.u32 s8, $0xFFFFF086  }
0x1c: {  	p1 =	slt.u32 s9, $0xF7A;
	s5 =	simm.s32 @!p2 $0x0  }
0x1d: {  	s5 =	simm.s32 @p1 $0x1;
	p0 =	seq.s32 s7, s2  }
0x1e: {  	s7 =	smul.u32 @!p0 $0xF7A, s2;
	p2 =	seq.s32 @!p0 s5, $0x0  }
0x1f: {  	s9 =	smul.u32 $0xF7A, s1;
	s8 =	simm.s32 @!p0 $0x1BF5;
	p2 =	por !p2, p0  }
0x20: {  	[sflag:s8] =	ssyncset.s32 @!p0 $0xFFFFF086;
	s6 =	sadd.s32 @!p0 s3, s7;
	s7 =	simm.s32 @!p0 $0x108  }
0x21: {  	s3 =	sadd.s32 s3, s9;
	s6 =	sadd.s32 @!p0 $0x88, s6;
	s7 =	simm.s32 @p2 $0x1082  }
0x22: {  	[simem:s7], [sflag:s8] =	dma.local @!p0 [hbm:s6], $0xF7A  }
0x23: {  	s9 =	sor.u32 $0xD0000000, s2;
	s6 =	simm.s32 $0x108;
	_ =	swait.ge @!p0 [sflag:s8], $0x0  }
0x24: {  	s3 =	sadd.s32 $0x88, s3;
	s6 =	simm.s32 @!p1 $0x1082;
	[sflag:s4] =	ssyncset.s32 $0xFFFFF086  }
0x25: {  	[simem:s6], [sflag:s4] =	dma.local [hbm:s3], $0xF7A  }
0x26: {  	[smem:$0x3F8F] =	sst s1;
	(tag) =	ssettag s2;
	_ =	strace s9  }
0x27: {  	s1 =	sld [smem:$0x3F9F]  }
0x28: {  	s2 =	sld [smem:$0x3FA0]  }
0x29: {  	s4 =	sld [smem:$0x3FA2]  }
0x2a: {  	p0 =	seq.s32 s5, $0x0;
	s5 =	sld [smem:$0x3FA3]  }
0x2b: {  	s6 =	sld [smem:$0x3FA4]  }
0x2c: {  	s7 =	sld [smem:$0x3FA5]  }
0x2d: {  	s3 =	simm.s32 $0x108;
	s8 =	sld [smem:$0x3FA6]  }
0x2e: {  	s3 =	simm.s32 @!p0 $0x1082;
	s9 =	sld [smem:$0x3FA7]  }
0x2f: {  	lr =	sadd.s32 s0, s3;
	s0 =	sld [smem:$0x3F9E]  }
0x30: {  	s3 =	sld [smem:$0x3FA1]  }
0x31: {  	[smem:$0x3FAA] =	sst s10  }
0x32: {  	s10 =	sld [smem:$0x3FA8];
	_ =	sdelay $0x3  }
0x33: {  	p0 =	seq.s32 s10, $0x1;
	s10 =	sld [smem:$0x3FAA];
	_ =	sdelay $0x3  }
0x34: {  	[smem:$0x3FAA] =	sst s10  }
0x35: {  	s10 =	sld [smem:$0x3FA9];
	_ =	sdelay $0x3  }
0x36: {  	p1 =	seq.s32 s10, $0x1;
	s10 =	sld [smem:$0x3FAA];
	_ =	sdelay $0x3  }
0x37: {  	[smem:$0x3FAA] =	sst s10  }
0x38: {  	s10 =	sld [smem:$0x3FAB]  }
0x39: {  	_ = 	snop;
	(pc) =	sbr.ind lr, $3  }
0x3a: {  	_ = 	snop  }
0x3b: {  	_ = 	snop  }
0x3c: {  	p2 =	seq.s32 s10, $0x1;
	s10 =	sld [smem:$0x3FAA]  }
0x3d: {  	_ =	shalt  }
0x3e: {  	_ =	shalt  }
0x3f: {  	_ =	shalt  }
0x40: {  	_ =	shalt  }
0x41: {  	_ =	shalt  }
0x42: {  	_ =	shalt  }
0x43: {  	_ =	shalt  }
0x44: {  	_ =	shalt  }
0x45: {  	_ =	shalt  }
0x46: {  	_ =	shalt  }
0x47: {  	_ =	shalt  }
0x48: {  	_ =	shalt  }
0x49: {  	_ =	shalt  }
0x4a: {  	_ =	shalt  }
0x4b: {  	_ =	shalt  }
0x4c: {  	_ =	shalt  }
0x4d: {  	_ =	shalt  }
0x4e: {  	_ =	shalt  }
0x4f: {  	_ =	shalt  }
0x50: {  	_ =	shalt  }
0x51: {  	_ =	shalt  }
0x52: {  	_ =	shalt  }
0x53: {  	_ =	shalt  }
0x54: {  	_ =	shalt  }
0x55: {  	_ =	shalt  }
0x56: {  	_ =	shalt  }
0x57: {  	_ =	shalt  }
0x58: {  	_ =	shalt  }
0x59: {  	_ =	shalt  }
0x5a: {  	_ =	shalt  }
0x5b: {  	_ =	shalt  }
0x5c: {  	_ =	shalt  }
0x5d: {  	_ =	shalt  }
0x5e: {  	_ =	shalt  }
0x5f: {  	_ =	shalt  }
0x60: {  	_ =	shalt  }
0x61: {  	_ =	shalt  }
0x62: {  	_ =	shalt  }
0x63: {  	_ =	shalt  }
0x64: {  	_ =	shalt  }
0x65: {  	_ =	shalt  }
0x66: {  	_ =	shalt  }
0x67: {  	_ =	shalt  }
0x68: {  	_ =	shalt  }
0x69: {  	_ =	shalt  }
0x6a: {  	_ =	shalt  }
0x6b: {  	_ =	shalt  }
0x6c: {  	_ =	shalt  }
0x6d: {  	_ =	shalt  }
0x6e: {  	_ =	shalt  }
0x6f: {  	_ =	shalt  }
0x70: {  	_ =	shalt  }
0x71: {  	_ =	shalt  }
0x72: {  	_ =	shalt  }
0x73: {  	_ =	shalt  }
0x74: {  	_ =	shalt  }
0x75: {  	_ =	shalt  }
0x76: {  	_ =	shalt  }
0x77: {  	_ =	shalt  }
0x78: {  	_ =	shalt  }
0x79: {  	_ =	shalt  }
0x7a: {  	_ =	shalt  }
0x7b: {  	_ =	shalt  }
0x7c: {  	_ =	shalt  }
0x7d: {  	_ =	shalt  }
0x7e: {  	_ =	shalt  }
0x7f: {  	_ =	shalt  }
0x80: {  	_ =	shalt  }
0x81: {  	_ =	shalt  }
0x82: {  	_ =	shalt  }
0x83: {  	_ =	shalt  }
0x84: {  	_ =	shalt  }
0x85: {  	_ =	shalt  }
0x86: {  	_ =	shalt  }
0x87: {  	_ =	shalt  }
.Lfunc_end0:
.L_simem_size_0:
called_computation_lowered:
.L_overlay_start_0:
0x88: {  	s2 =	sld [smem:$0x3FD9]  }
0x89: {  	s3 =	sld [smem:$0x3FFE];
	_ =	sdelay $0x1  }
0x8a: {  	s1 =	srdreg.scid  }
0x8b: {  	s0 =	sand.u32 $0x1, s1  }
0x8c: {  	s17 =	sshll.u32 s0, $0xA;
	s2 =	sadd.s32 s3, s2  }
0x8d: {  	s2 =	sadd.s32 s2, s17  }
0x8e: {  	[smem:$0x3FB6] =	sst s2  }
0x8f: {  	_ = 	snop  }
0x90: {  	s2 =	sld [smem:$0x3FD0];
	(tm) =	ssettm $0x1  }
0x91: {  	s18 =	sld [smem:$0x3FFB];
	_ =	sdelay $0x3  }
0x92: {  	_ =	strace s18  }
0x93: {  	s3 =	sld [smem:$0x3FFC];
	_ =	sdelay $0x3  }
0x94: {  	_ =	strace s3  }
0x95: {  	s3 =	sld [smem:$0x3FFD];
	_ =	sdelay $0x3  }
0x96: {  	_ =	strace s3  }
0x97: {  	_ =	strace $0x8FFFFFFF  }
0x98: {  	s19 =	sld [smem:$0x3FDB];
	_ =	sdelay $0x1  }
0x99: {  	s4 =	simm.s32 $_scs_section_size  }
0x9a: {  	s5 =	simm.s32 $_size__tile_overlayer_lowered;
	s6 =	simm.s32 $_tile_overlayer_lowered  }
0x9b: {  	s22 =	simm.s32 $0x1BFF;
	s21 =	sshll.u32 s6, $0x1;
	s3 =	sadd.s32 s4, s19  }
0x9c: {  	s7 =	simm.s32 $0x0;
	s20 =	sshll.u32 s5, $0x1;
	s5 =	sadd.s32 s21, s3  }
0x9d: {  	[timem:s7], [sflag:s22] =	dma.local [hbm:s5], s20  }
0x9e: {  	_ =	swait.ge [sflag:s22], s20  }
0x9f: {  	s4 =	ssub.s32 $0x0, s20;
	[sflag:s22] =	ssyncset.done $0x0  }
0xa0: {  	[sflag:s22] =	ssyncadd.s32 s4;
	_ =	sdelay $0x1  }
0xa1: {  	s23 =	simm.s32 $0x1B8B  }
0xa2: {  	_ =	swait.ge [sflag:s23], $0x1  }
0xa3: {  	[sflag:s23] =	ssyncset.done $0x0  }
0xa4: {  	s25 =	simm.s32 $0x1B8E;
	s24 =	sld [smem:$0x3FFE];
	[sflag:s23] =	ssyncadd.s32 $0xFFFFFFFF  }
0xa5: {  	s26 =	simm.s32 $execute0_lowered;
	[smem:$0x3FD2] =	sst s25  }
0xa6: {  	s5 =	sshll.u32 s26, $0x1;
	_ =	strace $0x80000046;
	[dreg:$0x1] =	wrdreg $0xFFFFFFFF  }
0xa7: {  	s28 =	simm.s32 $_size_execute0_lowered;
	s3 =	sadd.s32 s3, s5;
	[dreg:$0x0] =	wrdreg $0x0  }
0xa8: {  	s5 =	sshll.u32 s28, $0x1;
	[dreg:$0x2] =	wrdreg s3  }
0xa9: {  	[dreg:$0x3] =	wrdreg s5  }
0xaa: {  	[dreg:$0x4] =	wrdreg $0xC0  }
0xab: {  	_ =	task [dreg:s7], $0x5FFFF  }
0xac: {  	[dreg:$0x1] =	wrdreg $0xFFFFFFFF  }
0xad: {  	[dreg:$0x0] =	wrdreg $0x60  }
0xae: {  	[dreg:$0x2] =	wrdreg s2  }
0xaf: {  	[dreg:$0x3] =	wrdreg s24  }
0xb0: {  	[dreg:$0x4] =	wrdreg $0x0  }
0xb1: {  	[dreg:$0x5] =	wrdreg $0x9  }
0xb2: {  	_ =	task.clear_ibuf [dreg:s7], $0x6FFFF;
	_ =	strace $0x90000046  }
0xb3: {  	s29 =	simm.s32 $0x9;
	_ =	strace $0x80000048  }
0xb4: {  	_ =	swait.ge [sflag:s29], $0x1  }
0xb5: {  	[sflag:s29] =	ssyncadd.s32 $0xFFFFFFFF  }
0xb6: {  	_ =	strace $0x90000048  }
0xb7: {  	_ =	sfence  }
0xb8: {  	s30 =	sld [smem:$0x0];
	_ =	sdelay $0x2  }
0xb9: {  	s31 =	sshll.u32 s1, $0xD;
	s1 =	sshrl.u32 s1, $0x2  }
0xba: {  	s3 =	sand.u32 $0x4000, s31;
	s1 =	sadd.s32 s1, s30  }
0xbb: {  	s0 =	sor.u32 s3, s0;
	s1 =	sshll.u32 s1, $0x11  }
0xbc: {  	s0 =	sor.u32 s1, s0  }
0xbd: {  	s0 =	sadd.s32 $0x8F2B, s0  }
0xbe: {  	[sflag:s0] =	ssyncadd.remote.s32 $0x1  }
0xbf: {  	_ =	sfence.sel $0xFFFF  }
0xc0: {  	[dreg:$0x0] =	wrdreg $0xFFFFFFFF;
	(pc) =	sbr.abs _section_cstart, $3  }
0xc1: {  	[dreg:$0x1] =	wrdreg $0xFFFFFFFF  }
0xc2: {  	_ =	task.clear_ibuf [dreg:s7], $0x2FFFF;
	_ =	strace $0x9FFFFFFF  }
0xc3: {  	(tm) =	ssettm $0x7FFFFFFF  }
tec
execute0_lowered:
.L_overlay_start_1:
0x0: {  	(tag) =	ssettag $0x1  }
0x1: {  	s1 =	rddreg [dreg:$0x0]  }
0x2: {  	s0 =	rddreg [dreg:$0x1]  }
0x3: {  	s3 =	rddreg [dreg:$0x2];
	s2 =	simm.s32 $0x0  }
0x4: {  	s16 =	stileid.u32;
	s4 =	srdreg.scid;
	s30 =	simm.s32 $0x16008  }
0x5: {  	s31 =	simm.s32 $0x17480;
	s28 =	simm.s32 $0x1DD80;
	s29 =	simm.s32 $0x2  }
0x6: {  	[smem:$0x7FF] =	sst s2;
	s19 =	smul.u32 $0x15F00, s16;
	s5 =	sadd.s32 $0x22000, s0  }
0x7: {  	s6 =	sadd.s32 $0x49200, s0;
	s4 =	sand.u32 $0x1, s4;
	s7 =	sadd.s32 $0x4800, s0  }
0x8: {  	s8 =	sadd.s32 $0x4A00, s0;
	s13 =	sadd.s32 $0x9C400, s0;
	s21 =	sshll.u32 s16, $0x6  }
0x9: {  	v0 =	vimm.s32 $0x76543210;
	p0 =	sne.s32 s16, $0xF;
	_ =	strace $0x80000047;
	s10 =	ssub.s32 $0x2, s4  }
0xa: {  	v1 =	vimm.s32 $0xFEDCBA98;
	v2 =	vimm.s32 $0x3210FEDC;
	s20 =	sshll.u32 s4, $0x4;
	s4 =	smul.u32 $0x15F900, s4;
	s9 =	sshrl.u32 s19, $0x3  }
0xb: {  	v3 =	vimm.s32 $0xBA987654;
	v4 =	vimm.s32 $0x10FEDCBA;
	v5 =	vimm.s32 $0x98765432;
	s11 =	sshrl.u32 s10, $0x1;
	s12 =	sor.u32 s16, s20;
	s15 =	sadd.s32 s19, s3  }
0xc: {  	v6 =	vimm.s32 $0xFEDCBA9;
	v7 =	vimm.s32 $0x87654321;
	s9 =	sadd.s32 s9, s0;
	s11 =	ssub.s32 s10, s11;
	s22 =	smul.u32 $0xEA6, s12  }
0xd: {  	vm0 =	vmmov $0x1;
	vm1 =	vcmask $0x320;
	s10 =	sor.u32 $0x1C03, s21;
	s0 =	sadd.s32 $0x9C200, s0;
	s12 =	smul.u32 $0xFA, s12  }
0xe: {  	vm2 =	vcmask $0x720;
	vm3 =	vcmask $0xB20;
	vm4 =	vcmask $0xF20;
	s2 =	sadd.s32 s19, s4;
	s4 =	sshrl.u32 s4, $0x3;
	s15 =	sshrl.u32 s15, $0x3  }
0xf: {  	v0 =	vunpack.c.l.s4.s8 v0;
	v1 =	vunpack.c.l.s4.s8 v1;
	v2 =	vunpack.c.l.s4.s8 v2;
	s19 =	simm.s32 $0x3;
	s9 =	sadd.s32 $0x70400, s9;
	[dreg:$0x5] =	wrdreg s0  }
0x10: {  	v3 =	vunpack.c.l.s4.s8 v3;
	v4 =	vunpack.c.l.s4.s8 v4;
	v5 =	vunpack.c.l.s4.s8 v5;
	s23 =	sshrl.u32 s2, $0x3;
	s24 =	sadd.s32 s13, s4;
	s26 =	smax.u32 s11, $0x1  }
0x11: {  	v6 =	vunpack.c.l.s4.s8 v6;
	v7 =	vunpack.c.l.s4.s8 v7;
	v2 =	vunpack.c.0.s8.s32 v2;
	s2 =	simm.s32 $0x19C80;
	s4 =	simm.s32 $0x1C480;
	[dreg:$0x4] =	wrdreg s9  }
0x12: {  	v3 =	vunpack.c.0.s8.s32 v3;
	v4 =	vunpack.c.0.s8.s32 v4;
	v5 =	vunpack.c.0.s8.s32 v5;
	s9 =	sadd.s32 $0x15F000, s3;
	s0 =	sadd.s32 s8, s22;
	s14 =	sadd.s32 $0x2, s12  }
0x13: {  	v1 =	vunpack.c.0.s8.s32 v1;
	v6 =	vunpack.c.0.s8.s32 v6;
	v7 =	vunpack.c.0.s8.s32 v7;
	s25 =	sadd.s32 $0x2BE00, s24;
	[dreg:$0x9] =	wrdreg s26;
	s22 =	simm.s32 $0x28  }
0x14: {  	vm5 =	vcmask $0x1320;
	v0 =	vunpack.c.0.s8.s32 v0;
	v2 =	vcombine.low v3, v2;
	s24 =	simm.s32 $0x15FB8;
	s26 =	simm.s32 $0x1;
	[dreg:$0x6] =	wrdreg s0  }
0x15: {  	v3 =	vcombine.low v5, v4;
	v4 =	vcombine.low v7, v6;
	v1 =	vand.u32 $0xF, v1;
	s0 =	sadd.s32 s13, s23;
	[dreg:$0x8] =	wrdreg s25;
	s16 =	sshrl.u32 @!p0 s9, $0x3  }
0x16: {  	vm6 =	vcmask $0x1720;
	vm7 =	vcmask $0x1B20;
	v0 =	vcombine.low v1, v0;
	s23 =	simm.s32 $0x16058;
	s25 =	simm.s32 $0x1DB00;
	[dreg:$0x7] =	wrdreg s0  }
0x17: {  	v1 =	vand.u32 $0xF, v2;
	v2 =	vand.u32 $0xF, v3;
	v3 =	vand.u32 $0xF, v4;
	s9 =	simm.s32 $0x0;
	s0 =	simm.s32 $0x16030;
	[dreg:$0xa] =	wrdreg s16  }
.LBB2_1:
0x18: {  	s11 =	rddreg [dreg:$0x4]  }
0x19: {  	[spmem:s15], [sflag:s10] =	dma.local [hbm:s11], $0x2BE0  }
0x1a: {  	_ =	swait.ge [sflag:s19], $0x2BE0  }
0x1b: {  	[sflag:s19] =	ssyncset.done $0x0  }
0x1c: {  	s11 =	rddreg [dreg:$0x5];
	[sflag:s19] =	ssyncadd.s32 $0xFFFFD420  }
0x1d: {  	[spmem:s16], [sflag:s10] =	dma.local @!p0 [hbm:s11], $0x120  }
0x1e: {  	s11 =	simm.s32 @!p0 $0x3  }
0x1f: {  	_ =	swait.ge @!p0 [sflag:s11], $0x120  }
0x20: {  	[sflag:s11] =	ssyncset.done @!p0 $0x0  }
0x21: {  	[sflag:s11] =	ssyncadd.s32 @!p0 $0xFFFFFEE0  }
0x22: {  	[bflag:$0x0] =	sbarrier.arrive $0xFFFF  }
0x23: {  	s18 =	simm.s32 $0x0;
	s21 =	simm.s32 $0x15F90;
	s13 =	rddreg [dreg:$0x6]  }
0x24: {  	[tilespmem:s21], [sflag:$0x3] =	stream.linear.gather [hbm4b:s13+s18], $0x78, $0x38;
	[tilespmem:$0x1F400] =	vst v63  }
0x25: {  	_ =	swait.ge [sflag:s19], $0x78  }
0x26: {  	[sflag:s19] =	ssyncset.done $0x0  }
0x27: {  	s13 =	simm.s32 $0x16080;
	[sflag:s19] =	ssyncadd.s32 $0xFFFFFF88  }
0x28: {  	[tilespmem:s13], [sflag:$0x1] =	stream.indirect.gather [hbm4b:s5+s22], $0x80, s21, s22, $0xb8;
	[tilespmem:$0x1F400] =	vst v63  }
0x29: {  	s16 =	simm.s32 $0x18880  }
0x2a: {  	[tilespmem:s16], [sflag:$0x1] =	stream.indirect.gather [hbm4b:s1+s22], $0x80, s24, s22, $0xb8;
	[tilespmem:$0x1F400] =	vst v63  }
0x2b: {  	s20 =	smov.u32 s15;
	s17 =	simm.s32 $0x1B080  }
0x2c: {  	[tilespmem:s17], [sflag:$0x1] =	stream.indirect.gather [hbm4b:s6+s22], $0x80, s21, s22, $0xb8;
	[tilespmem:$0x1F400] =	vst v63  }
0x2d: {  	s11 =	simm.s32 $0x0;
	s18 =	simm.s32 $0x15FE0;
	s21 =	simm.s32 $0x1D880  }
0x2e: {  	[tilespmem:s21], [sflag:$0x1] =	stream.indirect.gather [hbm4b:s7+s22], $0x10, s18, s22, $0xb8;
	[tilespmem:$0x1F400] =	vst v63  }
.LBB2_2:
0x2f: {  	s13 =	sshllo.u32 s11, $0x1  }
0x30: {  	s15 =	sadd.s32 s12, s13  }
0x31: {  	s15 =	smul.u32 $0xF, s15;
	_ =	sdelay $0x1  }
0x32: {  	s16 =	sadd.s32 s8, s15;
	s15 =	simm.s32 $0x0  }
0x33: {  	[tilespmem:s30], [sflag:$0x3] =	stream.linear.gather [hbm4b:s16+s15], $0x78, $0x38;
	[tilespmem:$0x1F400] =	vst v63  }
0x34: {  	_ =	swait.ge [sflag:s19], $0x78  }
0x35: {  	[sflag:s19] =	ssyncset.done $0x0  }
0x36: {  	[sflag:s19] =	ssyncadd.s32 $0xFFFFFF88  }
0x37: {  	[tilespmem:s31], [sflag:$0x2] =	stream.indirect.gather [hbm4b:s5+s22], $0x80, s30, s22, $0xb8;
	[tilespmem:$0x1F400] =	vst v63  }
0x38: {  	_ = 	snop  }
0x39: {  	[tilespmem:s2], [sflag:$0x2] =	stream.indirect.gather [hbm4b:s1+s22], $0x80, s0, s22, $0xb8;
	[tilespmem:$0x1F400] =	vst v63  }
0x3a: {  	_ = 	snop  }
0x3b: {  	[tilespmem:s4], [sflag:$0x2] =	stream.indirect.gather [hbm4b:s6+s22], $0x80, s30, s22, $0xb8;
	[tilespmem:$0x1F400] =	vst v63  }
0x3c: {  	_ = 	snop  }
0x3d: {  	[tilespmem:s25], [sflag:$0x2] =	stream.indirect.gather [hbm4b:s7+s22], $0x10, s23, s22, $0xb8;
	[tilespmem:$0x1F400] =	vst v63  }
0x3e: {  	_ =	swait.ge [sflag:s26], $0x1400  }
0x3f: {  	[sflag:s26] =	ssyncset.done $0x0  }
0x40: {  	[sflag:s26] =	ssyncadd.s32 $0xFFFFEC00  }
0x41: {  	_ =	swait.ge [sflag:s26], $0x1400  }
0x42: {  	[sflag:s26] =	ssyncset.done $0x0  }
0x43: {  	[sflag:s26] =	ssyncadd.s32 $0xFFFFEC00  }
0x44: {  	_ =	swait.ge [sflag:s26], $0x1400  }
0x45: {  	[sflag:s26] =	ssyncset.done $0x0  }
0x46: {  	[sflag:s26] =	ssyncadd.s32 $0xFFFFEC00  }
0x47: {  	_ =	swait.ge [sflag:s26], $0x280  }
0x48: {  	s17 =	simm.s32 $0x1DDC0;
	[sflag:s26] =	ssyncset.done $0x0  }
0x49: {  	s21 =	simm.s32 $0x1D880;
	s16 =	sshll.u32 s11, $0x1;
	[sflag:s26] =	ssyncadd.s32 $0xFFFFFD80  }
.LBB2_3:
0x4a: {  	v4 =	vld [tilespmem:s21+$0x0];
	s18 =	sshra.s32 s15, $0x2  }
0x4b: {  	v5 =	vld [tilespmem:s18+$0x16080];
	_ =	sdelay $0x1  }
0x4c: {  	v6 =	vld [tilespmem:s18+$0x18880];
	_ =	sdelay $0x2  }
0x4d: {  	v5 =	vadd.f32 v5, v4;
	_ =	sdelay $0x1  }
0x4e: {  	v5 =	vmul.f32 v6, v5;
	_ =	sdelay $0x1  }
0x4f: {  	v6 =	vperm.xlane v5, v0;
	_ =	sdelay $0x1  }
0x50: {  	v5 =	vadd.f32 v6, v5;
	_ =	sdelay $0x1  }
0x51: {  	v6 =	vperm.xlane v5, v1;
	_ =	sdelay $0x1  }
0x52: {  	v5 =	vadd.f32 v6, v5;
	_ =	sdelay $0x1  }
0x53: {  	v6 =	vperm.xlane v5, v2;
	_ =	sdelay $0x1  }
0x54: {  	v5 =	vadd.f32 v6, v5;
	_ =	sdelay $0x1  }
0x55: {  	v6 =	vperm.xlane v5, v3;
	_ =	sdelay $0x1  }
0x56: {  	v5 =	vadd.f32 v6, v5;
	_ =	sdelay $0x1  }
0x57: {  	v5 =	vmul.f32 $2.500000000e-01, v5;
	_ =	sdelay $0x1  }
0x58: {  	v5 =	vmax.f32 v5, $-1.000000000e+01  }
0x59: {  	v5 =	vmin.f32 v5, $1.000000000e+01  }
0x5a: {  	v5 =	vmul.f32 $1.442695020e+00, v5;
	_ =	sdelay $0x1  }
0x5b: {  	(erf) = vpow2.f32 v5;
	_ =	sdelay $0x2  }
0x5c: {  	v5 =	vld [tilespmem:s18+$0x1B080];
	_ =	sdelay $0x4  }
0x5d: {  	v48 =	vadd.f32 v5, v4  }
0x5e: {  	v5 =	vpop (erf)  }
0x5f: {  	v6 =	vmul.f32 v5, v48;
	_ =	sdelay $0x1  }
0x60: {  	[tilespmem:s17+$0xFFFFFFC0] =	vst v6  }
0x61: {  	v6 =	vld [tilespmem:s18+$0x16090];
	_ =	sdelay $0x1  }
0x62: {  	v7 =	vld [tilespmem:s18+$0x18890];
	_ =	sdelay $0x2  }
0x63: {  	v6 =	vadd.f32 v6, v4;
	_ =	sdelay $0x1  }
0x64: {  	v6 =	vmul.f32 v7, v6;
	_ =	sdelay $0x1  }
0x65: {  	v7 =	vperm.xlane v6, v0;
	_ =	sdelay $0x1  }
0x66: {  	v6 =	vadd.f32 v7, v6;
	_ =	sdelay $0x1  }
0x67: {  	v7 =	vperm.xlane v6, v1;
	_ =	sdelay $0x1  }
0x68: {  	v6 =	vadd.f32 v7, v6;
	_ =	sdelay $0x1  }
0x69: {  	v7 =	vperm.xlane v6, v2;
	_ =	sdelay $0x1  }
0x6a: {  	v6 =	vadd.f32 v7, v6;
	_ =	sdelay $0x1  }
0x6b: {  	v7 =	vperm.xlane v6, v3;
	_ =	sdelay $0x1  }
0x6c: {  	v6 =	vadd.f32 v7, v6;
	_ =	sdelay $0x1  }
0x6d: {  	v6 =	vmul.f32 $2.500000000e-01, v6;
	_ =	sdelay $0x1  }
0x6e: {  	v6 =	vmax.f32 v6, $-1.000000000e+01  }
0x6f: {  	v6 =	vmin.f32 v6, $1.000000000e+01  }
0x70: {  	v6 =	vmul.f32 $1.442695020e+00, v6;
	_ =	sdelay $0x1  }
0x71: {  	(erf) = vpow2.f32 v6;
	_ =	sdelay $0x2  }
0x72: {  	v49 =	vld [tilespmem:s18+$0x1B090];
	_ =	sdelay $0x4  }
0x73: {  	v50 =	vadd.f32 v49, v4  }
0x74: {  	v51 =	vpop (erf)  }
0x75: {  	v7 =	vmul.f32 v51, v50;
	_ =	sdelay $0x1  }
0x76: {  	[tilespmem:s17+$0xFFFFFFD0] =	vst v7  }
0x77: {  	v7 =	vld [tilespmem:s18+$0x160A0];
	_ =	sdelay $0x1  }
0x78: {  	v8 =	vld [tilespmem:s18+$0x188A0];
	_ =	sdelay $0x2  }
0x79: {  	v7 =	vadd.f32 v7, v4;
	_ =	sdelay $0x1  }
0x7a: {  	v7 =	vmul.f32 v8, v7;
	_ =	sdelay $0x1  }
0x7b: {  	v8 =	vperm.xlane v7, v0;
	_ =	sdelay $0x1  }
0x7c: {  	v7 =	vadd.f32 v8, v7;
	_ =	sdelay $0x1  }
0x7d: {  	v8 =	vperm.xlane v7, v1;
	_ =	sdelay $0x1  }
0x7e: {  	v7 =	vadd.f32 v8, v7;
	_ =	sdelay $0x1  }
0x7f: {  	v8 =	vperm.xlane v7, v2;
	_ =	sdelay $0x1  }
0x80: {  	v7 =	vadd.f32 v8, v7;
	_ =	sdelay $0x1  }
0x81: {  	v8 =	vperm.xlane v7, v3;
	_ =	sdelay $0x1  }
0x82: {  	v7 =	vadd.f32 v8, v7;
	_ =	sdelay $0x1  }
0x83: {  	v7 =	vmul.f32 $2.500000000e-01, v7;
	_ =	sdelay $0x1  }
0x84: {  	v7 =	vmax.f32 v7, $-1.000000000e+01  }
0x85: {  	v7 =	vmin.f32 v7, $1.000000000e+01  }
0x86: {  	v7 =	vmul.f32 $1.442695020e+00, v7;
	_ =	sdelay $0x1  }
0x87: {  	(erf) = vpow2.f32 v7;
	_ =	sdelay $0x2  }
0x88: {  	v52 =	vld [tilespmem:s18+$0x1B0A0];
	_ =	sdelay $0x4  }
0x89: {  	v7 =	vadd.f32 v52, v4  }
0x8a: {  	v53 =	vpop (erf)  }
0x8b: {  	v7 =	vmul.f32 v53, v7;
	_ =	sdelay $0x1  }
0x8c: {  	[tilespmem:s17+$0xFFFFFFE0] =	vst v7  }
0x8d: {  	v7 =	vld [tilespmem:s18+$0x160B0];
	_ =	sdelay $0x1  }
0x8e: {  	v9 =	vld [tilespmem:s18+$0x188B0];
	_ =	sdelay $0x2  }
0x8f: {  	v7 =	vadd.f32 v7, v4;
	_ =	sdelay $0x1  }
0x90: {  	v7 =	vmul.f32 v9, v7;
	_ =	sdelay $0x1  }
0x91: {  	v9 =	vperm.xlane v7, v0;
	_ =	sdelay $0x1  }
0x92: {  	v7 =	vadd.f32 v9, v7;
	_ =	sdelay $0x1  }
0x93: {  	v9 =	vperm.xlane v7, v1;
	_ =	sdelay $0x1  }
0x94: {  	v7 =	vadd.f32 v9, v7;
	_ =	sdelay $0x1  }
0x95: {  	v9 =	vperm.xlane v7, v2;
	_ =	sdelay $0x1  }
0x96: {  	v7 =	vadd.f32 v9, v7;
	_ =	sdelay $0x1  }
0x97: {  	v9 =	vperm.xlane v7, v3;
	_ =	sdelay $0x1  }
0x98: {  	v7 =	vadd.f32 v9, v7;
	_ =	sdelay $0x1  }
0x99: {  	v7 =	vmul.f32 $2.500000000e-01, v7;
	_ =	sdelay $0x1  }
0x9a: {  	v7 =	vmax.f32 v7, $-1.000000000e+01  }
0x9b: {  	v7 =	vmin.f32 v7, $1.000000000e+01  }
0x9c: {  	v7 =	vmul.f32 $1.442695020e+00, v7;
	_ =	sdelay $0x1  }
0x9d: {  	(erf) = vpow2.f32 v7;
	_ =	sdelay $0x2  }
0x9e: {  	v54 =	vld [tilespmem:s18+$0x1B0B0];
	_ =	sdelay $0x4  }
0x9f: {  	v7 =	vadd.f32 v54, v4  }
0xa0: {  	v55 =	vpop (erf)  }
0xa1: {  	v7 =	vmul.f32 v55, v7;
	_ =	sdelay $0x1  }
0xa2: {  	[tilespmem:s17+$0xFFFFFFF0] =	vst v7  }
0xa3: {  	v7 =	vld [tilespmem:s18+$0x160C0];
	_ =	sdelay $0x1  }
0xa4: {  	v10 =	vld [tilespmem:s18+$0x188C0];
	_ =	sdelay $0x2  }
0xa5: {  	v7 =	vadd.f32 v7, v4;
	_ =	sdelay $0x1  }
0xa6: {  	v7 =	vmul.f32 v10, v7;
	_ =	sdelay $0x1  }
0xa7: {  	v10 =	vperm.xlane v7, v0;
	_ =	sdelay $0x1  }
0xa8: {  	v7 =	vadd.f32 v10, v7;
	_ =	sdelay $0x1  }
0xa9: {  	v10 =	vperm.xlane v7, v1;
	_ =	sdelay $0x1  }
0xaa: {  	v7 =	vadd.f32 v10, v7;
	_ =	sdelay $0x1  }
0xab: {  	v10 =	vperm.xlane v7, v2;
	_ =	sdelay $0x1  }
0xac: {  	v7 =	vadd.f32 v10, v7;
	_ =	sdelay $0x1  }
0xad: {  	v10 =	vperm.xlane v7, v3;
	_ =	sdelay $0x1  }
0xae: {  	v7 =	vadd.f32 v10, v7;
	_ =	sdelay $0x1  }
0xaf: {  	v7 =	vmul.f32 $2.500000000e-01, v7;
	_ =	sdelay $0x1  }
0xb0: {  	v7 =	vmax.f32 v7, $-1.000000000e+01  }
0xb1: {  	v7 =	vmin.f32 v7, $1.000000000e+01  }
0xb2: {  	v7 =	vmul.f32 $1.442695020e+00, v7;
	_ =	sdelay $0x1  }
0xb3: {  	(erf) = vpow2.f32 v7;
	_ =	sdelay $0x2  }
0xb4: {  	v56 =	vld [tilespmem:s18+$0x1B0C0];
	_ =	sdelay $0x4  }
0xb5: {  	v7 =	vadd.f32 v56, v4  }
0xb6: {  	v57 =	vpop (erf)  }
0xb7: {  	v7 =	vmul.f32 v57, v7;
	_ =	sdelay $0x1  }
0xb8: {  	[tilespmem:s17+$0x0] =	vst v7  }
0xb9: {  	v7 =	vld [tilespmem:s18+$0x160D0];
	_ =	sdelay $0x1  }
0xba: {  	v11 =	vld [tilespmem:s18+$0x188D0];
	_ =	sdelay $0x2  }
0xbb: {  	v7 =	vadd.f32 v7, v4;
	_ =	sdelay $0x1  }
0xbc: {  	v7 =	vmul.f32 v11, v7;
	_ =	sdelay $0x1  }
0xbd: {  	v11 =	vperm.xlane v7, v0;
	_ =	sdelay $0x1  }
0xbe: {  	v7 =	vadd.f32 v11, v7;
	_ =	sdelay $0x1  }
0xbf: {  	v11 =	vperm.xlane v7, v1;
	_ =	sdelay $0x1  }
0xc0: {  	v7 =	vadd.f32 v11, v7;
	_ =	sdelay $0x1  }
0xc1: {  	v11 =	vperm.xlane v7, v2;
	_ =	sdelay $0x1  }
0xc2: {  	v7 =	vadd.f32 v11, v7;
	_ =	sdelay $0x1  }
0xc3: {  	v11 =	vperm.xlane v7, v3;
	_ =	sdelay $0x1  }
0xc4: {  	v7 =	vadd.f32 v11, v7;
	_ =	sdelay $0x1  }
0xc5: {  	v7 =	vmul.f32 $2.500000000e-01, v7;
	_ =	sdelay $0x1  }
0xc6: {  	v7 =	vmax.f32 v7, $-1.000000000e+01  }
0xc7: {  	v7 =	vmin.f32 v7, $1.000000000e+01  }
0xc8: {  	v7 =	vmul.f32 $1.442695020e+00, v7;
	_ =	sdelay $0x1  }
0xc9: {  	(erf) = vpow2.f32 v7;
	_ =	sdelay $0x2  }
0xca: {  	v58 =	vld [tilespmem:s18+$0x1B0D0];
	_ =	sdelay $0x4  }
0xcb: {  	v7 =	vadd.f32 v58, v4  }
0xcc: {  	v59 =	vpop (erf)  }
0xcd: {  	v7 =	vmul.f32 v59, v7;
	_ =	sdelay $0x1  }
0xce: {  	[tilespmem:s17+$0x10] =	vst v7  }
0xcf: {  	v7 =	vld [tilespmem:s18+$0x160E0];
	_ =	sdelay $0x1  }
0xd0: {  	v12 =	vld [tilespmem:s18+$0x188E0];
	_ =	sdelay $0x2  }
0xd1: {  	v7 =	vadd.f32 v7, v4;
	_ =	sdelay $0x1  }
0xd2: {  	v7 =	vmul.f32 v12, v7;
	_ =	sdelay $0x1  }
0xd3: {  	v12 =	vperm.xlane v7, v0;
	_ =	sdelay $0x1  }
0xd4: {  	v7 =	vadd.f32 v12, v7;
	_ =	sdelay $0x1  }
0xd5: {  	v12 =	vperm.xlane v7, v1;
	_ =	sdelay $0x1  }
0xd6: {  	v7 =	vadd.f32 v12, v7;
	_ =	sdelay $0x1  }
0xd7: {  	v12 =	vperm.xlane v7, v2;
	_ =	sdelay $0x1  }
0xd8: {  	v7 =	vadd.f32 v12, v7;
	_ =	sdelay $0x1  }
0xd9: {  	v12 =	vperm.xlane v7, v3;
	_ =	sdelay $0x1  }
0xda: {  	v7 =	vadd.f32 v12, v7;
	_ =	sdelay $0x1  }
0xdb: {  	v7 =	vmul.f32 $2.500000000e-01, v7;
	_ =	sdelay $0x1  }
0xdc: {  	v7 =	vmax.f32 v7, $-1.000000000e+01  }
0xdd: {  	v7 =	vmin.f32 v7, $1.000000000e+01  }
0xde: {  	v7 =	vmul.f32 $1.442695020e+00, v7;
	_ =	sdelay $0x1  }
0xdf: {  	(erf) = vpow2.f32 v7;
	_ =	sdelay $0x2  }
0xe0: {  	v60 =	vld [tilespmem:s18+$0x1B0E0];
	_ =	sdelay $0x4  }
0xe1: {  	v7 =	vadd.f32 v60, v4  }
0xe2: {  	v61 =	vpop (erf)  }
0xe3: {  	v7 =	vmul.f32 v61, v7;
	_ =	sdelay $0x1  }
0xe4: {  	[tilespmem:s17+$0x20] =	vst v7  }
0xe5: {  	v7 =	vld [tilespmem:s18+$0x160F0];
	_ =	sdelay $0x1  }
0xe6: {  	v13 =	vld [tilespmem:s18+$0x188F0];
	_ =	sdelay $0x2  }
0xe7: {  	v7 =	vadd.f32 v7, v4;
	_ =	sdelay $0x1  }
0xe8: {  	v7 =	vmul.f32 v13, v7;
	_ =	sdelay $0x1  }
0xe9: {  	v13 =	vperm.xlane v7, v0;
	_ =	sdelay $0x1  }
0xea: {  	v7 =	vadd.f32 v13, v7;
	_ =	sdelay $0x1  }
0xeb: {  	v13 =	vperm.xlane v7, v1;
	_ =	sdelay $0x1  }
0xec: {  	v7 =	vadd.f32 v13, v7;
	_ =	sdelay $0x1  }
0xed: {  	v13 =	vperm.xlane v7, v2;
	_ =	sdelay $0x1  }
0xee: {  	v7 =	vadd.f32 v13, v7;
	_ =	sdelay $0x1  }
0xef: {  	v13 =	vperm.xlane v7, v3;
	_ =	sdelay $0x1  }
0xf0: {  	v7 =	vadd.f32 v13, v7;
	_ =	sdelay $0x1  }
0xf1: {  	v7 =	vmul.f32 $2.500000000e-01, v7;
	_ =	sdelay $0x1  }
0xf2: {  	v7 =	vmax.f32 v7, $-1.000000000e+01  }
0xf3: {  	v7 =	vmin.f32 v7, $1.000000000e+01  }
0xf4: {  	v7 =	vmul.f32 $1.442695020e+00, v7;
	_ =	sdelay $0x1  }
0xf5: {  	(erf) = vpow2.f32 v7;
	_ =	sdelay $0x2  }
0xf6: {  	v62 =	vld [tilespmem:s18+$0x1B0F0];
	_ =	sdelay $0x1  }
0xf7: {  	v5 =	vnsel vm0, $0x0, v5  }
0xf8: {  	v5 =	vsel vm1, v5, v51  }
0xf9: {  	v5 =	vsel vm2, v5, v53  }
0xfa: {  	p1 =	sne.s32 s15, $0x4E00;
	v5 =	vsel vm3, v5, v55;
	v4 =	vadd.f32 v62, v4  }
.Ltmp0:
0xfb: {  	v5 =	vsel vm4, v5, v57;
	v63 =	vpop (erf);
	(pc) =	sbr.rel @p1 .LBB2_3-.Ltmp0, $4  }
0xfc: {  	v5 =	vsel vm5, v5, v59;
	v4 =	vmul.f32 v63, v4  }
0xfd: {  	v5 =	vsel vm6, v5, v61  }
0xfe: {  	[tilespmem:s17+$0x30] =	vst v4;
	v4 =	vsel vm7, v5, v63  }
0xff: {  	s21 =	sadd.s32 $0x10, s21;
	s15 =	sadd.s32 $0x200, s15;
	[tilespmem:s17+$0x40] =	vst v4;
	s17 =	sadd.s32 $0x90, s17  }
0x100: {  	[spmem:s3] =	stream.indirect.scatter.add.f32 [tilespmem:s28], [sflag:$0x3], $0x90, s24, s22, $0xb8;
	[tilespmem:$0x1F400] =	vst v63  }
0x101: {  	p1 =	sgt.u32 s13, $0xF8  }
0x102: {  	s13 =	sadd.s32 @!p1 s16, s14  }
0x103: {  	_ =	swait.ge [sflag:s19], $0x1680;
	s13 =	smul.u32 @!p1 $0xF, s13  }
0x104: {  	s15 =	simm.s32 @!p1 $0x0;
	[sflag:s19] =	ssyncset.done $0x0  }
0x105: {  	s16 =	simm.s32 @!p1 $0x15F90;
	[sflag:s19] =	ssyncadd.s32 $0xFFFFE980;
	s13 =	sadd.s32 @!p1 s8, s13  }
0x106: {  	[tilespmem:s16], [sflag:$0x3] =	stream.linear.gather @!p1 [hbm4b:s13+s15], $0x78, $0x38;
	[tilespmem:$0x1F400] =	vst v63  }
0x107: {  	s13 =	simm.s32 @!p1 $0x3  }
0x108: {  	_ =	swait.ge @!p1 [sflag:s13], $0x78  }
0x109: {  	[sflag:s13] =	ssyncset.done @!p1 $0x0  }
0x10a: {  	s15 =	simm.s32 @!p1 $0x16080;
	[sflag:s13] =	ssyncadd.s32 @!p1 $0xFFFFFF88;
	s13 =	simm.s32 @!p1 $0x28  }
0x10b: {  	[tilespmem:s15], [sflag:$0x1] =	stream.indirect.gather @!p1 [hbm4b:s5+s13], $0x80, s16, s13, $0xb8;
	[tilespmem:$0x1F400] =	vst v63  }
0x10c: {  	s17 =	simm.s32 @!p1 $0x18880;
	s15 =	simm.s32 @!p1 $0x15FB8  }
0x10d: {  	[tilespmem:s17], [sflag:$0x1] =	stream.indirect.gather @!p1 [hbm4b:s1+s13], $0x80, s15, s13, $0xb8;
	[tilespmem:$0x1F400] =	vst v63  }
0x10e: {  	s15 =	simm.s32 @!p1 $0x1B080  }
0x10f: {  	[tilespmem:s15], [sflag:$0x1] =	stream.indirect.gather @!p1 [hbm4b:s6+s13], $0x80, s16, s13, $0xb8;
	[tilespmem:$0x1F400] =	vst v63  }
0x110: {  	s15 =	simm.s32 @!p1 $0x15FE0;
	s16 =	simm.s32 @!p1 $0x1D880  }
0x111: {  	[tilespmem:s16], [sflag:$0x1] =	stream.indirect.gather @!p1 [hbm4b:s7+s13], $0x10, s15, s13, $0xb8;
	[tilespmem:$0x1F400] =	vst v63  }
0x112: {  	_ =	swait.ge [sflag:s29], $0x1400  }
0x113: {  	[sflag:s29] =	ssyncset.done $0x0  }
0x114: {  	[sflag:s29] =	ssyncadd.s32 $0xFFFFEC00  }
0x115: {  	_ =	swait.ge [sflag:s29], $0x1400  }
0x116: {  	[sflag:s29] =	ssyncset.done $0x0  }
0x117: {  	[sflag:s29] =	ssyncadd.s32 $0xFFFFEC00  }
0x118: {  	_ =	swait.ge [sflag:s29], $0x1400  }
0x119: {  	[sflag:s29] =	ssyncset.done $0x0  }
0x11a: {  	[sflag:s29] =	ssyncadd.s32 $0xFFFFEC00  }
0x11b: {  	_ =	swait.ge [sflag:s29], $0x280  }
0x11c: {  	s13 =	simm.s32 $0x0;
	[sflag:s29] =	ssyncset.done $0x0  }
0x11d: {  	s15 =	simm.s32 $0x1DDC0;
	s16 =	simm.s32 $0x1DB00;
	[sflag:s29] =	ssyncadd.s32 $0xFFFFFD80  }
.LBB2_5:
0x11e: {  	v4 =	vld [tilespmem:s16+$0x0];
	s17 =	sshra.s32 s13, $0x2  }
0x11f: {  	v5 =	vld [tilespmem:s17+$0x17480];
	_ =	sdelay $0x1  }
0x120: {  	v6 =	vld [tilespmem:s17+$0x19C80];
	_ =	sdelay $0x2  }
0x121: {  	v5 =	vadd.f32 v5, v4;
	_ =	sdelay $0x1  }
0x122: {  	v5 =	vmul.f32 v6, v5;
	_ =	sdelay $0x1  }
0x123: {  	v6 =	vperm.xlane v5, v0;
	_ =	sdelay $0x1  }
0x124: {  	v5 =	vadd.f32 v6, v5;
	_ =	sdelay $0x1  }
0x125: {  	v6 =	vperm.xlane v5, v1;
	_ =	sdelay $0x1  }
0x126: {  	v5 =	vadd.f32 v6, v5;
	_ =	sdelay $0x1  }
0x127: {  	v6 =	vperm.xlane v5, v2;
	_ =	sdelay $0x1  }
0x128: {  	v5 =	vadd.f32 v6, v5;
	_ =	sdelay $0x1  }
0x129: {  	v6 =	vperm.xlane v5, v3;
	_ =	sdelay $0x1  }
0x12a: {  	v5 =	vadd.f32 v6, v5;
	_ =	sdelay $0x1  }
0x12b: {  	v5 =	vmul.f32 $2.500000000e-01, v5;
	_ =	sdelay $0x1  }
0x12c: {  	v5 =	vmax.f32 v5, $-1.000000000e+01  }
0x12d: {  	v5 =	vmin.f32 v5, $1.000000000e+01  }
0x12e: {  	v5 =	vmul.f32 $1.442695020e+00, v5;
	_ =	sdelay $0x1  }
0x12f: {  	(erf) = vpow2.f32 v5;
	_ =	sdelay $0x2  }
0x130: {  	v5 =	vld [tilespmem:s17+$0x1C480];
	_ =	sdelay $0x4  }
0x131: {  	v48 =	vadd.f32 v5, v4  }
0x132: {  	v5 =	vpop (erf)  }
0x133: {  	v6 =	vmul.f32 v5, v48;
	_ =	sdelay $0x1  }
0x134: {  	[tilespmem:s15+$0xFFFFFFC0] =	vst v6  }
0x135: {  	v6 =	vld [tilespmem:s17+$0x17490];
	_ =	sdelay $0x1  }
0x136: {  	v7 =	vld [tilespmem:s17+$0x19C90];
	_ =	sdelay $0x2  }
0x137: {  	v6 =	vadd.f32 v6, v4;
	_ =	sdelay $0x1  }
0x138: {  	v6 =	vmul.f32 v7, v6;
	_ =	sdelay $0x1  }
0x139: {  	v7 =	vperm.xlane v6, v0;
	_ =	sdelay $0x1  }
0x13a: {  	v6 =	vadd.f32 v7, v6;
	_ =	sdelay $0x1  }
0x13b: {  	v7 =	vperm.xlane v6, v1;
	_ =	sdelay $0x1  }
0x13c: {  	v6 =	vadd.f32 v7, v6;
	_ =	sdelay $0x1  }
0x13d: {  	v7 =	vperm.xlane v6, v2;
	_ =	sdelay $0x1  }
0x13e: {  	v6 =	vadd.f32 v7, v6;
	_ =	sdelay $0x1  }
0x13f: {  	v7 =	vperm.xlane v6, v3;
	_ =	sdelay $0x1  }
0x140: {  	v6 =	vadd.f32 v7, v6;
	_ =	sdelay $0x1  }
0x141: {  	v6 =	vmul.f32 $2.500000000e-01, v6;
	_ =	sdelay $0x1  }
0x142: {  	v6 =	vmax.f32 v6, $-1.000000000e+01  }
0x143: {  	v6 =	vmin.f32 v6, $1.000000000e+01  }
0x144: {  	v6 =	vmul.f32 $1.442695020e+00, v6;
	_ =	sdelay $0x1  }
0x145: {  	(erf) = vpow2.f32 v6;
	_ =	sdelay $0x2  }
0x146: {  	v49 =	vld [tilespmem:s17+$0x1C490];
	_ =	sdelay $0x4  }
0x147: {  	v50 =	vadd.f32 v49, v4  }
0x148: {  	v51 =	vpop (erf)  }
0x149: {  	v7 =	vmul.f32 v51, v50;
	_ =	sdelay $0x1  }
0x14a: {  	[tilespmem:s15+$0xFFFFFFD0] =	vst v7  }
0x14b: {  	v7 =	vld [tilespmem:s17+$0x174A0];
	_ =	sdelay $0x1  }
0x14c: {  	v8 =	vld [tilespmem:s17+$0x19CA0];
	_ =	sdelay $0x2  }
0x14d: {  	v7 =	vadd.f32 v7, v4;
	_ =	sdelay $0x1  }
0x14e: {  	v7 =	vmul.f32 v8, v7;
	_ =	sdelay $0x1  }
0x14f: {  	v8 =	vperm.xlane v7, v0;
	_ =	sdelay $0x1  }
0x150: {  	v7 =	vadd.f32 v8, v7;
	_ =	sdelay $0x1  }
0x151: {  	v8 =	vperm.xlane v7, v1;
	_ =	sdelay $0x1  }
0x152: {  	v7 =	vadd.f32 v8, v7;
	_ =	sdelay $0x1  }
0x153: {  	v8 =	vperm.xlane v7, v2;
	_ =	sdelay $0x1  }
0x154: {  	v7 =	vadd.f32 v8, v7;
	_ =	sdelay $0x1  }
0x155: {  	v8 =	vperm.xlane v7, v3;
	_ =	sdelay $0x1  }
0x156: {  	v7 =	vadd.f32 v8, v7;
	_ =	sdelay $0x1  }
0x157: {  	v7 =	vmul.f32 $2.500000000e-01, v7;
	_ =	sdelay $0x1  }
0x158: {  	v7 =	vmax.f32 v7, $-1.000000000e+01  }
0x159: {  	v7 =	vmin.f32 v7, $1.000000000e+01  }
0x15a: {  	v7 =	vmul.f32 $1.442695020e+00, v7;
	_ =	sdelay $0x1  }
0x15b: {  	(erf) = vpow2.f32 v7;
	_ =	sdelay $0x2  }
0x15c: {  	v52 =	vld [tilespmem:s17+$0x1C4A0];
	_ =	sdelay $0x4  }
0x15d: {  	v7 =	vadd.f32 v52, v4  }
0x15e: {  	v53 =	vpop (erf)  }
0x15f: {  	v7 =	vmul.f32 v53, v7;
	_ =	sdelay $0x1  }
0x160: {  	[tilespmem:s15+$0xFFFFFFE0] =	vst v7  }
0x161: {  	v7 =	vld [tilespmem:s17+$0x174B0];
	_ =	sdelay $0x1  }
0x162: {  	v9 =	vld [tilespmem:s17+$0x19CB0];
	_ =	sdelay $0x2  }
0x163: {  	v7 =	vadd.f32 v7, v4;
	_ =	sdelay $0x1  }
0x164: {  	v7 =	vmul.f32 v9, v7;
	_ =	sdelay $0x1  }
0x165: {  	v9 =	vperm.xlane v7, v0;
	_ =	sdelay $0x1  }
0x166: {  	v7 =	vadd.f32 v9, v7;
	_ =	sdelay $0x1  }
0x167: {  	v9 =	vperm.xlane v7, v1;
	_ =	sdelay $0x1  }
0x168: {  	v7 =	vadd.f32 v9, v7;
	_ =	sdelay $0x1  }
0x169: {  	v9 =	vperm.xlane v7, v2;
	_ =	sdelay $0x1  }
0x16a: {  	v7 =	vadd.f32 v9, v7;
	_ =	sdelay $0x1  }
0x16b: {  	v9 =	vperm.xlane v7, v3;
	_ =	sdelay $0x1  }
0x16c: {  	v7 =	vadd.f32 v9, v7;
	_ =	sdelay $0x1  }
0x16d: {  	v7 =	vmul.f32 $2.500000000e-01, v7;
	_ =	sdelay $0x1  }
0x16e: {  	v7 =	vmax.f32 v7, $-1.000000000e+01  }
0x16f: {  	v7 =	vmin.f32 v7, $1.000000000e+01  }
0x170: {  	v7 =	vmul.f32 $1.442695020e+00, v7;
	_ =	sdelay $0x1  }
0x171: {  	(erf) = vpow2.f32 v7;
	_ =	sdelay $0x2  }
0x172: {  	v54 =	vld [tilespmem:s17+$0x1C4B0];
	_ =	sdelay $0x4  }
0x173: {  	v7 =	vadd.f32 v54, v4  }
0x174: {  	v55 =	vpop (erf)  }
0x175: {  	v7 =	vmul.f32 v55, v7;
	_ =	sdelay $0x1  }
0x176: {  	[tilespmem:s15+$0xFFFFFFF0] =	vst v7  }
0x177: {  	v7 =	vld [tilespmem:s17+$0x174C0];
	_ =	sdelay $0x1  }
0x178: {  	v10 =	vld [tilespmem:s17+$0x19CC0];
	_ =	sdelay $0x2  }
0x179: {  	v7 =	vadd.f32 v7, v4;
	_ =	sdelay $0x1  }
0x17a: {  	v7 =	vmul.f32 v10, v7;
	_ =	sdelay $0x1  }
0x17b: {  	v10 =	vperm.xlane v7, v0;
	_ =	sdelay $0x1  }
0x17c: {  	v7 =	vadd.f32 v10, v7;
	_ =	sdelay $0x1  }
0x17d: {  	v10 =	vperm.xlane v7, v1;
	_ =	sdelay $0x1  }
0x17e: {  	v7 =	vadd.f32 v10, v7;
	_ =	sdelay $0x1  }
0x17f: {  	v10 =	vperm.xlane v7, v2;
	_ =	sdelay $0x1  }
0x180: {  	v7 =	vadd.f32 v10, v7;
	_ =	sdelay $0x1  }
0x181: {  	v10 =	vperm.xlane v7, v3;
	_ =	sdelay $0x1  }
0x182: {  	v7 =	vadd.f32 v10, v7;
	_ =	sdelay $0x1  }
0x183: {  	v7 =	vmul.f32 $2.500000000e-01, v7;
	_ =	sdelay $0x1  }
0x184: {  	v7 =	vmax.f32 v7, $-1.000000000e+01  }
0x185: {  	v7 =	vmin.f32 v7, $1.000000000e+01  }
0x186: {  	v7 =	vmul.f32 $1.442695020e+00, v7;
	_ =	sdelay $0x1  }
0x187: {  	(erf) = vpow2.f32 v7;
	_ =	sdelay $0x2  }
0x188: {  	v56 =	vld [tilespmem:s17+$0x1C4C0];
	_ =	sdelay $0x4  }
0x189: {  	v7 =	vadd.f32 v56, v4  }
0x18a: {  	v57 =	vpop (erf)  }
0x18b: {  	v7 =	vmul.f32 v57, v7;
	_ =	sdelay $0x1  }
0x18c: {  	[tilespmem:s15+$0x0] =	vst v7  }
0x18d: {  	v7 =	vld [tilespmem:s17+$0x174D0];
	_ =	sdelay $0x1  }
0x18e: {  	v11 =	vld [tilespmem:s17+$0x19CD0];
	_ =	sdelay $0x2  }
0x18f: {  	v7 =	vadd.f32 v7, v4;
	_ =	sdelay $0x1  }
0x190: {  	v7 =	vmul.f32 v11, v7;
	_ =	sdelay $0x1  }
0x191: {  	v11 =	vperm.xlane v7, v0;
	_ =	sdelay $0x1  }
0x192: {  	v7 =	vadd.f32 v11, v7;
	_ =	sdelay $0x1  }
0x193: {  	v11 =	vperm.xlane v7, v1;
	_ =	sdelay $0x1  }
0x194: {  	v7 =	vadd.f32 v11, v7;
	_ =	sdelay $0x1  }
0x195: {  	v11 =	vperm.xlane v7, v2;
	_ =	sdelay $0x1  }
0x196: {  	v7 =	vadd.f32 v11, v7;
	_ =	sdelay $0x1  }
0x197: {  	v11 =	vperm.xlane v7, v3;
	_ =	sdelay $0x1  }
0x198: {  	v7 =	vadd.f32 v11, v7;
	_ =	sdelay $0x1  }
0x199: {  	v7 =	vmul.f32 $2.500000000e-01, v7;
	_ =	sdelay $0x1  }
0x19a: {  	v7 =	vmax.f32 v7, $-1.000000000e+01  }
0x19b: {  	v7 =	vmin.f32 v7, $1.000000000e+01  }
0x19c: {  	v7 =	vmul.f32 $1.442695020e+00, v7;
	_ =	sdelay $0x1  }
0x19d: {  	(erf) = vpow2.f32 v7;
	_ =	sdelay $0x2  }
0x19e: {  	v58 =	vld [tilespmem:s17+$0x1C4D0];
	_ =	sdelay $0x4  }
0x19f: {  	v7 =	vadd.f32 v58, v4  }
0x1a0: {  	v59 =	vpop (erf)  }
0x1a1: {  	v7 =	vmul.f32 v59, v7;
	_ =	sdelay $0x1  }
0x1a2: {  	[tilespmem:s15+$0x10] =	vst v7  }
0x1a3: {  	v7 =	vld [tilespmem:s17+$0x174E0];
	_ =	sdelay $0x1  }
0x1a4: {  	v12 =	vld [tilespmem:s17+$0x19CE0];
	_ =	sdelay $0x2  }
0x1a5: {  	v7 =	vadd.f32 v7, v4;
	_ =	sdelay $0x1  }
0x1a6: {  	v7 =	vmul.f32 v12, v7;
	_ =	sdelay $0x1  }
0x1a7: {  	v12 =	vperm.xlane v7, v0;
	_ =	sdelay $0x1  }
0x1a8: {  	v7 =	vadd.f32 v12, v7;
	_ =	sdelay $0x1  }
0x1a9: {  	v12 =	vperm.xlane v7, v1;
	_ =	sdelay $0x1  }
0x1aa: {  	v7 =	vadd.f32 v12, v7;
	_ =	sdelay $0x1  }
0x1ab: {  	v12 =	vperm.xlane v7, v2;
	_ =	sdelay $0x1  }
0x1ac: {  	v7 =	vadd.f32 v12, v7;
	_ =	sdelay $0x1  }
0x1ad: {  	v12 =	vperm.xlane v7, v3;
	_ =	sdelay $0x1  }
0x1ae: {  	v7 =	vadd.f32 v12, v7;
	_ =	sdelay $0x1  }
0x1af: {  	v7 =	vmul.f32 $2.500000000e-01, v7;
	_ =	sdelay $0x1  }
0x1b0: {  	v7 =	vmax.f32 v7, $-1.000000000e+01  }
0x1b1: {  	v7 =	vmin.f32 v7, $1.000000000e+01  }
0x1b2: {  	v7 =	vmul.f32 $1.442695020e+00, v7;
	_ =	sdelay $0x1  }
0x1b3: {  	(erf) = vpow2.f32 v7;
	_ =	sdelay $0x2  }
0x1b4: {  	v60 =	vld [tilespmem:s17+$0x1C4E0];
	_ =	sdelay $0x4  }
0x1b5: {  	v7 =	vadd.f32 v60, v4  }
0x1b6: {  	v61 =	vpop (erf)  }
0x1b7: {  	v7 =	vmul.f32 v61, v7;
	_ =	sdelay $0x1  }
0x1b8: {  	[tilespmem:s15+$0x20] =	vst v7  }
0x1b9: {  	v7 =	vld [tilespmem:s17+$0x174F0];
	_ =	sdelay $0x1  }
0x1ba: {  	v13 =	vld [tilespmem:s17+$0x19CF0];
	_ =	sdelay $0x2  }
0x1bb: {  	v7 =	vadd.f32 v7, v4;
	_ =	sdelay $0x1  }
0x1bc: {  	v7 =	vmul.f32 v13, v7;
	_ =	sdelay $0x1  }
0x1bd: {  	v13 =	vperm.xlane v7, v0;
	_ =	sdelay $0x1  }
0x1be: {  	v7 =	vadd.f32 v13, v7;
	_ =	sdelay $0x1  }
0x1bf: {  	v13 =	vperm.xlane v7, v1;
	_ =	sdelay $0x1  }
0x1c0: {  	v7 =	vadd.f32 v13, v7;
	_ =	sdelay $0x1  }
0x1c1: {  	v13 =	vperm.xlane v7, v2;
	_ =	sdelay $0x1  }
0x1c2: {  	v7 =	vadd.f32 v13, v7;
	_ =	sdelay $0x1  }
0x1c3: {  	v13 =	vperm.xlane v7, v3;
	_ =	sdelay $0x1  }
0x1c4: {  	v7 =	vadd.f32 v13, v7;
	_ =	sdelay $0x1  }
0x1c5: {  	v7 =	vmul.f32 $2.500000000e-01, v7;
	_ =	sdelay $0x1  }
0x1c6: {  	v7 =	vmax.f32 v7, $-1.000000000e+01  }
0x1c7: {  	v7 =	vmin.f32 v7, $1.000000000e+01  }
0x1c8: {  	v7 =	vmul.f32 $1.442695020e+00, v7;
	_ =	sdelay $0x1  }
0x1c9: {  	(erf) = vpow2.f32 v7;
	_ =	sdelay $0x2  }
0x1ca: {  	v62 =	vld [tilespmem:s17+$0x1C4F0];
	_ =	sdelay $0x1  }
0x1cb: {  	v5 =	vnsel vm0, $0x0, v5  }
0x1cc: {  	v5 =	vsel vm1, v5, v51  }
0x1cd: {  	v5 =	vsel vm2, v5, v53  }
0x1ce: {  	p1 =	sne.s32 s13, $0x4E00;
	v5 =	vsel vm3, v5, v55;
	v4 =	vadd.f32 v62, v4  }
.Ltmp1:
0x1cf: {  	v5 =	vsel vm4, v5, v57;
	v63 =	vpop (erf);
	(pc) =	sbr.rel @p1 .LBB2_5-.Ltmp1, $4  }
0x1d0: {  	v5 =	vsel vm5, v5, v59;
	v4 =	vmul.f32 v63, v4  }
0x1d1: {  	v5 =	vsel vm6, v5, v61  }
0x1d2: {  	[tilespmem:s15+$0x30] =	vst v4;
	v4 =	vsel vm7, v5, v63  }
0x1d3: {  	s16 =	sadd.s32 $0x10, s16;
	s13 =	sadd.s32 $0x200, s13;
	[tilespmem:s15+$0x40] =	vst v4;
	s15 =	sadd.s32 $0x90, s15  }
0x1d4: {  	s11 =	sadd.s32 $0x1, s11  }
0x1d5: {  	p1 =	sne.s32 s11, $0x7D  }
.Ltmp2:
0x1d6: {  	_ = 	snop;
	(pc) =	sbr.rel @p1 .LBB2_2-.Ltmp2, $4  }
0x1d7: {  	[spmem:s3] =	stream.indirect.scatter.add.f32 [tilespmem:s28], [sflag:$0x3], $0x90, s0, s22, $0xb8;
	[tilespmem:$0x1F400] =	vst v63  }
0x1d8: {  	_ =	swait.ge [sflag:s19], $0x1680  }
0x1d9: {  	[sflag:s19] =	ssyncset.done $0x0  }
0x1da: {  	[sflag:s19] =	ssyncadd.s32 $0xFFFFE980  }
0x1db: {  	[bflag:$0x0] =	sbarrier.arrive $0xFFFF  }
0x1dc: {  	s11 =	rddreg [dreg:$0x7]  }
0x1dd: {  	[hbm:s11], [sflag:s10] =	dma.local [spmem:s20], $0x2BE0  }
0x1de: {  	_ =	swait.ge [sflag:s19], $0x2BE0  }
0x1df: {  	[sflag:s19] =	ssyncset.done $0x0;
	s11 =	rddreg [dreg:$0x8]  }
0x1e0: {  	s16 =	rddreg [dreg:$0xa];
	[sflag:s19] =	ssyncadd.s32 $0xFFFFD420  }
0x1e1: {  	[hbm:s11], [sflag:s10] =	dma.local @!p0 [spmem:s16], $0x120  }
0x1e2: {  	s11 =	simm.s32 @!p0 $0x3  }
0x1e3: {  	_ =	swait.ge @!p0 [sflag:s11], $0x120  }
0x1e4: {  	s9 =	sadd.s32 $0x1, s9;
	s13 =	rddreg [dreg:$0x9]  }
0x1e5: {  	p1 =	sne.s32 s9, s13  }
.Ltmp3:
0x1e6: {  	_ = 	snop;
	(pc) =	sbr.rel @p1 .LBB2_1-.Ltmp3, $3  }
0x1e7: {  	_ =	sdelay $0x1  }
0x1e8: {  	[sflag:s11] =	ssyncset.done @!p0 $0x0  }
0x1e9: {  	s15 =	smov.u32 s20;
	[sflag:s11] =	ssyncadd.s32 @!p0 $0xFFFFFEE0  }
0x1ea: {  	_ =	sfence.sel $0x180000  }
0x1eb: {  	[bflag:$0x0] =	sbarrier.arrive $0xFFFF  }
0x1ec: {  	_ =	strace $0x90000047  }
0x1ed: {  	s0 =	stileid.u32;
	[bflag:$0x2] =	sbarrier.arrive $0xFFFF  }
0x1ee: {  	p0 =	sne.s32 s0, $0x0;
	s0 =	rddreg [dreg:$0x3]  }
0x1ef: {  	s0 =	sadd.s32 @!p0 $0x100000, s0  }
0x1f0: {  	[sflag:s0] =	ssyncadd.tile.s32 @!p0 $0x1;
	_ =	shalt  }
.Lfunc_end2:
_tile_overlayer_lowered:
.L_overlay_start_2:
0x1f1: {  	(tag) =	ssettag $0x2  }
0x1f2: {  	s0 =	rddreg [dreg:$0x0];
	s2 =	stileid.u32  }
0x1f3: {  	s1 =	rddreg [dreg:$0x1];
	p0 =	sne.s32 s2, $0x0  }
0x1f4: {  	s3 =	rddreg [dreg:$0x2];
	[bflag:$0x3] =	sbarrier.arrive $0xFFFF;
	s2 =	simm.s32 @!p0 $0x1C03  }
0x1f5: {  	[timem:s3], [sflag:s2] =	dma.local @!p0 [hbm:s0], s1  }
0x1f6: {  	s0 =	simm.s32 @!p0 $0x3  }
0x1f7: {  	_ =	swait.ge @!p0 [sflag:s0], s1  }
0x1f8: {  	s1 =	ssub.s32 @!p0 $0x0, s1;
	[sflag:s0] =	ssyncset.done @!p0 $0x0  }
0x1f9: {  	[sflag:s0] =	ssyncadd.s32 @!p0 s1  }
0x1fa: {  	[bflag:$0x3] =	sbarrier.arrive $0xFFFF  }
0x1fb: {  	_ =	shalt  }

</sc_bundles>
